<compile_context>
chip_gen: v7x
topology: tpu7x:2x2x1
jax: 0.10.2.dev20260603
libtpu: 0.0.44.dev20260713+nightly
codegen_flags: <defaults>
</compile_context>

<pallas_src>
import functools

import jax
import jax.numpy as jnp
from jax import lax
from jax.experimental import pallas as pl
from jax.experimental.pallas import tpu as pltpu
from jax.experimental.pallas import tpu_sc as plsc

N = 10000
D = 128
H = 128
NP = 10240
NC = 2
NS = 16
L = 16
HH = H // NC
CHUNK = 128


def _sc_degrees(comb):
    C2 = comb.shape[1]
    Ch = C2 // NC
    mesh = plsc.VectorSubcoreMesh(core_axis_name="c", subcore_axis_name="s")

    @functools.partial(
        pl.kernel,
        out_type=(jax.ShapeDtypeStruct((NC, NS, NP), jnp.float32),
                  jax.ShapeDtypeStruct((NC, NS, NP), jnp.float32)),
        mesh=mesh,
        compiler_params=pltpu.CompilerParams(needs_layout_passes=False),
        scratch_types=[
            pltpu.VMEM((Ch, 2, CHUNK), jnp.int32),
            pltpu.VMEM((NP,), jnp.float32),
            pltpu.VMEM((NP,), jnp.float32),
        ],
    )
    def k(comb_hbm, outO, outI, idx_v, dO_v, dI_v):
        cid = lax.axis_index("c")
        sid = lax.axis_index("s")
        pltpu.sync_copy(comb_hbm.at[sid, pl.ds(cid * Ch, Ch)], idx_v)

        zeros = jnp.zeros((L,), jnp.float32)

        def zbody(i, _):
            dO_v[pl.ds(i * L, L)] = zeros
            dI_v[pl.ds(i * L, L)] = zeros
            return 0

        lax.fori_loop(0, NP // L, zbody, 0)

        ones = jnp.ones((L,), jnp.float32)

        def body(c, _):
            for g in range(CHUNK // L):
                s16 = idx_v[c, 0, pl.ds(g * L, L)]
                plsc.addupdate_scatter(dO_v, [s16], ones)
                d16 = idx_v[c, 1, pl.ds(g * L, L)]
                plsc.addupdate_scatter(dI_v, [d16], ones)
            return 0

        lax.fori_loop(0, Ch, body, 0)
        pltpu.sync_copy(dO_v, outO.at[cid, sid])
        pltpu.sync_copy(dI_v, outI.at[cid, sid])

    return k(comb)


def _tc_y(x, W1, gamma, beta):

    def body(x_ref, w1_ref, g_ref, b_ref, y_ref):
        xv = x_ref[...]
        mean = jnp.mean(xv, axis=0, keepdims=True)
        var = jnp.mean((xv - mean) ** 2, axis=0, keepdims=True)
        h = (xv - mean) * lax.rsqrt(var + 1e-5) * g_ref[...][None, :] \
            + b_ref[...][None, :]
        y_ref[...] = jnp.dot(h, w1_ref[...], preferred_element_type=jnp.float32)

    return pl.pallas_call(
        body,
        out_shape=jax.ShapeDtypeStruct((N, H), jnp.float32),
    )(x, W1, gamma, beta)


def _tc_norm(y, degOp, degIp):

    def body(y_ref, dO_ref, dI_ref, u_ref, st_ref):
        degO = jnp.sum(dO_ref[...], axis=(0, 1))
        degI = jnp.sum(dI_ref[...], axis=(0, 1))
        ns = lax.rsqrt(jnp.where(degO > 0, degO, 1.0))
        nd = lax.rsqrt(jnp.where(degI > 0, degI, 1.0))
        st_ref[0, :] = ns
        st_ref[1, :] = nd

        u = y_ref[...] * ns[0:N][:, None]
        for c in range(NC):
            u_ref[c, 0:N, :] = u[:, c * HH:(c + 1) * HH]
            u_ref[c, N:NP, :] = jnp.zeros((NP - N, HH), jnp.float32)

    return pl.pallas_call(
        body,
        out_shape=(jax.ShapeDtypeStruct((NC, NP, HH), jnp.float32),
                   jax.ShapeDtypeStruct((2, NP), jnp.float32)),
    )(y, degOp, degIp)


def _sc_aggregate(comb, u2, nd):
    C2 = comb.shape[1]
    assert C2 % 8 == 0 and C2 >= 16
    R = NP // NS
    mesh = plsc.VectorSubcoreMesh(core_axis_name="c", subcore_axis_name="s")

    @functools.partial(
        pl.kernel,
        out_type=(jax.ShapeDtypeStruct((NC, NP, HH), jnp.float32),
                  jax.ShapeDtypeStruct((NC, NP), jnp.float32)),
        mesh=mesh,
        compiler_params=pltpu.CompilerParams(needs_layout_passes=False,
                                             use_tc_tiling_on_sc=False),
        scratch_types=[
            pltpu.VMEM((8, 2, CHUNK), jnp.int32),
            pltpu.VMEM((8, CHUNK), jnp.float32),
            pltpu.VMEM((8, CHUNK, HH), jnp.float32),
            pltpu.VMEM_SHARED((NP, HH), jnp.float32),
            pltpu.VMEM_SHARED((NP,), jnp.float32),
        ] + [pltpu.SemaphoreType.DMA] * 24,
    )
    def k(comb_hbm, uA_hbm, uB_hbm, nd_hbm, z_out, w_out,
          idxr, ndvr, bufr, zacc, wacc, *sems):
        semU = sems[0:8]
        semI = sems[8:16]
        semN = sems[16:24]
        cid = lax.axis_index("c")
        sid = lax.axis_index("s")

        zeros = jnp.zeros((L,), jnp.float32)

        def zb(r, _):
            for g in range(HH // L):
                bufr[0, r, pl.ds(g * L, L)] = zeros
            return 0

        lax.fori_loop(0, CHUNK, zb, 0)

        for b in range(R // CHUNK):
            sl = pl.ds(sid * R + b * CHUNK, CHUNK)
            pltpu.sync_copy(bufr.at[0], zacc.at[sl])
            pltpu.sync_copy(bufr.at[0, 0], wacc.at[pl.ds(sid * R + b * CHUNK,
                                                         HH)])
            pltpu.sync_copy(bufr.at[0, 0],
                            wacc.at[pl.ds(sid * R + b * CHUNK + HH, HH)])

        def uwait(s):
            pltpu.make_async_copy(uA_hbm.at[pl.ds(0, CHUNK)], bufr.at[s],
                                  semU[s]).wait()

        def ugather(q, s):
            @pl.when(cid == 0)
            def _():
                pltpu.async_copy(uA_hbm.at[idxr.at[s, 0]], bufr.at[s], semU[s])

            @pl.when(cid == 1)
            def _():
                pltpu.async_copy(uB_hbm.at[idxr.at[s, 0]], bufr.at[s], semU[s])

        def ndwait(s):
            pltpu.make_async_copy(nd_hbm.at[pl.ds(0, CHUNK)], ndvr.at[s],
                                  semN[s]).wait()

        def ndgather(q, s):
            @pl.when(cid == (q % 2))
            def _():
                pltpu.async_copy(nd_hbm.at[idxr.at[s, 1]], ndvr.at[s], semN[s])

        def idxwait(s):
            pltpu.make_async_copy(comb_hbm.at[0, 0], idxr.at[s], semI[s]).wait()

        pltpu.sync_copy(comb_hbm.at[sid, 0], idxr.at[0])
        for j in range(1, 8):
            pltpu.async_copy(comb_hbm.at[sid, j], idxr.at[j], semI[j])
        for j in range(6):
            if j > 0:
                idxwait(j)
            ugather(j, j)
            ndgather(j, j)
        plsc.subcore_barrier()

        def body(i, _):
            q0 = 8 * i
            for k in range(8):
                q = q0 + k
                s = k
                s6 = (k + 6) % 8
                uwait(s)
                pltpu.sync_copy(bufr.at[s], zacc.at[idxr.at[s, 1]], add=True)

                @pl.when(cid == (k % 2))
                def _():
                    ndwait(s)
                    pltpu.sync_copy(ndvr.at[s], wacc.at[idxr.at[s, 0]],
                                    add=True)

                @pl.when(q + 8 < C2)
                def _():
                    pltpu.async_copy(comb_hbm.at[sid, q + 8], idxr.at[s],
                                     semI[s])

                @pl.when(q + 6 < C2)
                def _():
                    idxwait(s6)
                    ugather(q + 6, s6)
                    ndgather(q + 6, s6)

            return 0

        lax.fori_loop(0, C2 // 8, body, 0)

        plsc.subcore_barrier()
        for b in range(R // CHUNK):
            sl = pl.ds(sid * R + b * CHUNK, CHUNK)
            pltpu.sync_copy(zacc.at[sl], bufr.at[0])
            pltpu.sync_copy(bufr.at[0], z_out.at[cid, sl])
            pltpu.sync_copy(wacc.at[sl], ndvr.at[0])
            pltpu.sync_copy(ndvr.at[0], w_out.at[cid, sl])

    return k(comb, u2[0], u2[1], nd)


def _tc_final(zp, wp, stats, b1, W2, b2, Wl, bl):
    def body(zp_ref, wp_ref, st_ref, b1_ref, W2_ref, b2_ref, Wl_ref, bl_ref,
             out_ref):
        z = jnp.concatenate([zp_ref[0], zp_ref[1]], axis=1)[0:N, :]
        nd = st_ref[1, 0:N]
        h1 = jnp.maximum(z * nd[:, None] + b1_ref[...][None, :], 0.0)
        wsum = wp_ref[0] + wp_ref[1]
        w = (st_ref[0, 0:N] * wsum[0:N])[None, :]
        q = jnp.dot(w, h1, preferred_element_type=jnp.float32)
        v2 = jnp.dot(W2_ref[...], Wl_ref[...],
                     preferred_element_type=jnp.float32)
        head = jnp.dot(b2_ref[...][None, :], Wl_ref[...],
                       preferred_element_type=jnp.float32)
        out_ref[...] = (jnp.dot(q, v2, preferred_element_type=jnp.float32)
                        * (1.0 / N) + head + bl_ref[...][None, :])

    return pl.pallas_call(
        body,
        out_shape=jax.ShapeDtypeStruct((1, 1), jnp.float32),
    )(zp, wp, stats, b1, W2, b2, Wl, bl)


def kernel(x, edge_index, W1, b1, W2, b2, gamma, beta, Wl, bl):
    E = edge_index.shape[1]
    ei = edge_index.astype(jnp.int32)
    ept = -(-E // (NS * CHUNK)) * CHUNK
    while (ept // CHUNK) % 8 or ept // CHUNK < 16:
        ept += CHUNK
    EP = ept * NS
    C2 = ept // CHUNK
    pad = jnp.full((EP - E,), N, jnp.int32)
    srcp = jnp.concatenate([ei[0], pad]).reshape(NS, C2, 1, CHUNK)
    dstp = jnp.concatenate([ei[1], pad]).reshape(NS, C2, 1, CHUNK)
    comb = jnp.concatenate([srcp, dstp], axis=2)

    degOp, degIp = _sc_degrees(comb)
    y = _tc_y(x, W1, gamma, beta)
    u2, stats = _tc_norm(y, degOp, degIp)
    zp, wp = _sc_aggregate(comb, u2, stats[1])
    return _tc_final(zp, wp, stats, b1, W2, b2, Wl, bl)

# --- scband reference (transcript-rebuilt; emitter-appended) ---
"""Pipeline reference for scband-regressor-9723805958558 (READ-ONLY COPY).

The authoritative reference and input builder live on the scoring server;
editing this copy changes nothing except your own understanding.
"""

import jax, jax.numpy as jnp
import numpy as np

N = 10000
E = 320000
D = 128
H = 128
OUT = 1


def setup_inputs(seed: int = 0) -> dict:
    key = jax.random.key(seed)
    ks = jax.random.split(key, 12)
    x = jax.random.normal(ks[0], (N, D), dtype=jnp.float32)
    edge_index = jax.random.randint(ks[1], (2, E), 0, N)
    # GraphConv layer 1 (input_dim -> hidden_layers[0])
    W1 = jax.random.normal(ks[2], (D, H), dtype=jnp.float32) * 0.05
    b1 = jnp.zeros((H,), dtype=jnp.float32)
    # GraphConv layer 2 (hidden_layers[0] -> hidden_layers[1])
    W2 = jax.random.normal(ks[3], (H, H), dtype=jnp.float32) * 0.05
    b2 = jnp.zeros((H,), dtype=jnp.float32)
    # BatchNorm1d affine params
    gamma = jnp.ones((H,), dtype=jnp.float32)
    beta = jnp.zeros((H,), dtype=jnp.float32)
    # Final linear (hidden_layers[-1] -> output_dim)
    Wl = jax.random.normal(ks[4], (H, OUT), dtype=jnp.float32) * 0.05
    bl = jnp.zeros((OUT,), dtype=jnp.float32)
    return {"x": x, "edge_index": edge_index, "W1": W1, "b1": b1,
            "W2": W2, "b2": b2, "gamma": gamma, "beta": beta,
            "Wl": Wl, "bl": bl}


def _graph_conv(h, src, dst, W, b):
    # DGL GraphConv with norm='both': D_out^{-1/2} on src, sum-aggregate, D_in^{-1/2} on dst, then W + bias
    ones = jnp.ones((src.shape[0],), dtype=h.dtype)
    deg_out = jax.ops.segment_sum(ones, src, num_segments=N)
    deg_in = jax.ops.segment_sum(ones, dst, num_segments=N)
    norm_src = jnp.where(deg_out > 0, deg_out, 1.0) ** -0.5
    norm_dst = jnp.where(deg_in > 0, deg_in, 1.0) ** -0.5
    h = h * norm_src[:, None]
    msg = jnp.take(h, src, axis=0)
    agg = jax.ops.segment_sum(msg, dst, num_segments=N)
    agg = agg * norm_dst[:, None]
    return agg @ W + b


def reference(x, edge_index, W1, b1, W2, b2, gamma, beta, Wl, bl):
    src = edge_index[0]
    dst = edge_index[1]
    # layer 0: BatchNorm1d (batch statistics, training-mode semantics) then GraphConv + ReLU
    mean = jnp.mean(x, axis=0)
    var = jnp.var(x, axis=0)
    h = (x - mean) / jnp.sqrt(var + 1e-5) * gamma + beta
    h = _graph_conv(h, src, dst, W1, b1)
    h = jax.nn.relu(h)
    # layer 1: dropout is identity in eval; GraphConv (last layer, no activation)
    h = _graph_conv(h, src, dst, W2, b2)
    # AvgPooling over the (single) graph's nodes
    pooled = jnp.mean(h, axis=0, keepdims=True)
    return pooled @ Wl + bl

if __name__ == "__main__":
    import jax
    _d = setup_inputs()
    print(jax.jit(kernel)(*tuple(_d.values())))

</pallas_src>

<mosaic_0001>
#map = affine_map<(d0, d1) -> (0, 0, 0, 0)>
#map1 = affine_map<(d0, d1) -> (0, 0)>
#map2 = affine_map<(d0, d1) -> (0)>
#map3 = affine_map<(d0, d1) -> (0, 0, 0)>
module attributes {stable_mosaic.version = 14 : i64} {
  func.func @k(%arg0: i32, %arg1: i32, %arg2: memref<16x160x2x128xi32, #tpu.memory_space<hbm>>, %arg3: memref<10240x64xf32, #tpu.memory_space<hbm>>, %arg4: memref<10240x64xf32, #tpu.memory_space<hbm>>, %arg5: memref<10240xf32, #tpu.memory_space<hbm>>, %arg6: memref<2x10240x64xf32, #tpu.memory_space<hbm>>, %arg7: memref<2x10240xf32, #tpu.memory_space<hbm>>, %arg8: memref<8x2x128xi32, #tpu.memory_space<vmem>>, %arg9: memref<8x128xf32, #tpu.memory_space<vmem>>, %arg10: memref<8x128x64xf32, #tpu.memory_space<vmem>>, %arg11: memref<10240x64xf32, #tpu.memory_space<vmem_shared>>, %arg12: memref<10240xf32, #tpu.memory_space<vmem_shared>>, %arg13: memref<!tpu.dma_semaphore, #tpu.memory_space<semaphore_mem>>, %arg14: memref<!tpu.dma_semaphore, #tpu.memory_space<semaphore_mem>>, %arg15: memref<!tpu.dma_semaphore, #tpu.memory_space<semaphore_mem>>, %arg16: memref<!tpu.dma_semaphore, #tpu.memory_space<semaphore_mem>>, %arg17: memref<!tpu.dma_semaphore, #tpu.memory_space<semaphore_mem>>, %arg18: memref<!tpu.dma_semaphore, #tpu.memory_space<semaphore_mem>>, %arg19: memref<!tpu.dma_semaphore, #tpu.memory_space<semaphore_mem>>, %arg20: memref<!tpu.dma_semaphore, #tpu.memory_space<semaphore_mem>>, %arg21: memref<!tpu.dma_semaphore, #tpu.memory_space<semaphore_mem>>, %arg22: memref<!tpu.dma_semaphore, #tpu.memory_space<semaphore_mem>>, %arg23: memref<!tpu.dma_semaphore, #tpu.memory_space<semaphore_mem>>, %arg24: memref<!tpu.dma_semaphore, #tpu.memory_space<semaphore_mem>>, %arg25: memref<!tpu.dma_semaphore, #tpu.memory_space<semaphore_mem>>, %arg26: memref<!tpu.dma_semaphore, #tpu.memory_space<semaphore_mem>>, %arg27: memref<!tpu.dma_semaphore, #tpu.memory_space<semaphore_mem>>, %arg28: memref<!tpu.dma_semaphore, #tpu.memory_space<semaphore_mem>>, %arg29: memref<!tpu.dma_semaphore, #tpu.memory_space<semaphore_mem>>, %arg30: memref<!tpu.dma_semaphore, #tpu.memory_space<semaphore_mem>>, %arg31: memref<!tpu.dma_semaphore, #tpu.memory_space<semaphore_mem>>, %arg32: memref<!tpu.dma_semaphore, #tpu.memory_space<semaphore_mem>>, %arg33: memref<!tpu.dma_semaphore, #tpu.memory_space<semaphore_mem>>, %arg34: memref<!tpu.dma_semaphore, #tpu.memory_space<semaphore_mem>>, %arg35: memref<!tpu.dma_semaphore, #tpu.memory_space<semaphore_mem>>, %arg36: memref<!tpu.dma_semaphore, #tpu.memory_space<semaphore_mem>>) attributes {dimension_semantics = [#tpu.dimension_semantics<core_parallel>, #tpu.dimension_semantics<subcore_parallel>], iteration_bounds = array<i64: 2, 16>, scalar_prefetch = 0 : i64, scratch_operands = 29 : i64, tpu.core_type = #tpu.core_type<sc_vector_subcore>, window_params = [{transform_indices = #map}, {transform_indices = #map1}, {transform_indices = #map1}, {transform_indices = #map2}, {transform_indices = #map3}, {transform_indices = #map1}]} {
    %broadcast_in_dim3A = arith.constant 0.000000e+00 : f32
    %broadcast_in_dim3A_0 = vector.broadcast %broadcast_in_dim3A : f32 to vector<16xf32>
    %scan3A = arith.constant 0 : i32
    %scan3A_1 = arith.constant 0 : i32
    %scan3A_2 = arith.constant 128 : i32
    %scan3A_3 = arith.addi %scan3A_1, %scan3A_2 : i32
    %scan3A_4 = arith.constant 1 : i32
    %scan3A_5 = scf.for %scan3A_455 = %scan3A_1 to %scan3A_3 step %scan3A_4 iter_args(%scan3A_456 = %scan3A) -> (i32)  : i32 {
      %swap3A = arith.constant 0 : i32
      %swap3A_457 = arith.index_cast %swap3A : i32 to index
      %swap3A_458 = arith.index_cast %scan3A_455 : i32 to index
      %swap3A_459 = arith.constant 0 : index
      %swap3A_460 = tpu.vector_load %arg10[%swap3A_457, %swap3A_458, %swap3A_459] {strides = array<i32>} : memref<8x128x64xf32, #tpu.memory_space<vmem>>, vector<16xf32>,
      tpu.vector_store %arg10[%swap3A_457, %swap3A_458, %swap3A_459], %broadcast_in_dim3A_0 {strides = array<i32>} : memref<8x128x64xf32, #tpu.memory_space<vmem>>, vector<16xf32>,
      %swap3A_461 = arith.constant 0 : i32
      %swap3A_462 = arith.index_cast %swap3A_461 : i32 to index
      %swap3A_463 = arith.index_cast %scan3A_455 : i32 to index
      %swap3A_464 = arith.constant 16 : index
      %swap3A_465 = tpu.vector_load %arg10[%swap3A_462, %swap3A_463, %swap3A_464] {strides = array<i32>} : memref<8x128x64xf32, #tpu.memory_space<vmem>>, vector<16xf32>,
      tpu.vector_store %arg10[%swap3A_462, %swap3A_463, %swap3A_464], %broadcast_in_dim3A_0 {strides = array<i32>} : memref<8x128x64xf32, #tpu.memory_space<vmem>>, vector<16xf32>,
      %swap3A_466 = arith.constant 0 : i32
      %swap3A_467 = arith.index_cast %swap3A_466 : i32 to index
      %swap3A_468 = arith.index_cast %scan3A_455 : i32 to index
      %swap3A_469 = arith.constant 32 : index
      %swap3A_470 = tpu.vector_load %arg10[%swap3A_467, %swap3A_468, %swap3A_469] {strides = array<i32>} : memref<8x128x64xf32, #tpu.memory_space<vmem>>, vector<16xf32>,
      tpu.vector_store %arg10[%swap3A_467, %swap3A_468, %swap3A_469], %broadcast_in_dim3A_0 {strides = array<i32>} : memref<8x128x64xf32, #tpu.memory_space<vmem>>, vector<16xf32>,
      %swap3A_471 = arith.constant 0 : i32
      %swap3A_472 = arith.index_cast %swap3A_471 : i32 to index
      %swap3A_473 = arith.index_cast %scan3A_455 : i32 to index
      %swap3A_474 = arith.constant 48 : index
      %swap3A_475 = tpu.vector_load %arg10[%swap3A_472, %swap3A_473, %swap3A_474] {strides = array<i32>} : memref<8x128x64xf32, #tpu.memory_space<vmem>>, vector<16xf32>,
      tpu.vector_store %arg10[%swap3A_472, %swap3A_473, %swap3A_474], %broadcast_in_dim3A_0 {strides = array<i32>} : memref<8x128x64xf32, #tpu.memory_space<vmem>>, vector<16xf32>,
      %scan3A_476 = arith.constant 0 : i32
      scf.yield %scan3A_476 : i32
    }
    %scan3A_6 = arith.constant 128 : i32
    %mul3A = arith.constant 640 : i32
    %mul3A_7 = arith.muli %arg1, %mul3A : i32
    %add3A = arith.constant 0 : i32
    %add3A_8 = arith.addi %mul3A_7, %add3A : i32
    %run_scoped3A = arith.constant 0 : i32
    "tpu.region"() ({
      %run_scoped3A_455 = tpu.sem_alloc : memref<!tpu.dma_semaphore, #tpu.memory_space<semaphore_mem>>
      %dma_start3A_456 = arith.constant 0 : i32
      %dma_start3A_457 = arith.constant 0 : i32
      %dma_start3A_458 = tpu.memref_slice %arg10[%run_scoped3A, %dma_start3A_456, %dma_start3A_457] : memref<8x128x64xf32, #tpu.memory_space<vmem>> -> memref<1x128x64xf32, #tpu.memory_space<vmem>>
      %dma_start3A_459 = tpu.memref_squeeze %dma_start3A_458 : memref<1x128x64xf32, #tpu.memory_space<vmem>> -> memref<128x64xf32, #tpu.memory_space<vmem>>
      %dma_start3A_460 = arith.constant 0 : i32
      %dma_start3A_461 = tpu.memref_slice %arg11[%add3A_8, %dma_start3A_460] : memref<10240x64xf32, #tpu.memory_space<vmem_shared>> -> memref<128x64xf32, #tpu.memory_space<vmem_shared>>
      %dma_start3A_462 = arith.constant 0 : i32
      %dma_start3A_463 = tpu.memref_slice %arg11[%add3A_8, %dma_start3A_462] : memref<10240x64xf32, #tpu.memory_space<vmem_shared>> -> memref<128x64xf32, #tpu.memory_space<vmem_shared>>
      %dma_start3A_464 = arith.constant 0 : i32
      %dma_start3A_465 = arith.constant 0 : i32
      %dma_start3A_466 = tpu.memref_slice %arg10[%run_scoped3A, %dma_start3A_464, %dma_start3A_465] : memref<8x128x64xf32, #tpu.memory_space<vmem>> -> memref<1x128x64xf32, #tpu.memory_space<vmem>>
      %dma_start3A_467 = tpu.memref_squeeze %dma_start3A_466 : memref<1x128x64xf32, #tpu.memory_space<vmem>> -> memref<128x64xf32, #tpu.memory_space<vmem>>
      tpu.enqueue_dma source(%dma_start3A_467 : memref<128x64xf32, #tpu.memory_space<vmem>>) target(%dma_start3A_463 : memref<128x64xf32, #tpu.memory_space<vmem_shared>>) target_semaphore(%run_scoped3A_455 : memref<!tpu.dma_semaphore, #tpu.memory_space<semaphore_mem>>)
      %dma_wait3A_468 = arith.constant 0 : i32
      %dma_wait3A_469 = arith.constant 0 : i32
      %dma_wait3A_470 = tpu.memref_slice %arg10[%run_scoped3A, %dma_wait3A_468, %dma_wait3A_469] : memref<8x128x64xf32, #tpu.memory_space<vmem>> -> memref<1x128x64xf32, #tpu.memory_space<vmem>>
      %dma_wait3A_471 = tpu.memref_squeeze %dma_wait3A_470 : memref<1x128x64xf32, #tpu.memory_space<vmem>> -> memref<128x64xf32, #tpu.memory_space<vmem>>
      %dma_wait3A_472 = arith.constant 0 : i32
      %dma_wait3A_473 = tpu.memref_slice %arg11[%add3A_8, %dma_wait3A_472] : memref<10240x64xf32, #tpu.memory_space<vmem_shared>> -> memref<128x64xf32, #tpu.memory_space<vmem_shared>>
      %dma_wait3A_474 = arith.constant 0 : i32
      %dma_wait3A_475 = tpu.memref_slice %arg11[%add3A_8, %dma_wait3A_474] : memref<10240x64xf32, #tpu.memory_space<vmem_shared>> -> memref<128x64xf32, #tpu.memory_space<vmem_shared>>
      %dma_wait3A_476 = arith.constant 0 : i32
      %dma_wait3A_477 = arith.constant 0 : i32
      %dma_wait3A_478 = tpu.memref_slice %arg10[%run_scoped3A, %dma_wait3A_476, %dma_wait3A_477] : memref<8x128x64xf32, #tpu.memory_space<vmem>> -> memref<1x128x64xf32, #tpu.memory_space<vmem>>
      %dma_wait3A_479 = tpu.memref_squeeze %dma_wait3A_478 : memref<1x128x64xf32, #tpu.memory_space<vmem>> -> memref<128x64xf32, #tpu.memory_space<vmem>>
      tpu.wait_dma2 semaphore(%run_scoped3A_455 : memref<!tpu.dma_semaphore, #tpu.memory_space<semaphore_mem>>) src(%dma_wait3A_479 : memref<128x64xf32, #tpu.memory_space<vmem>>) dst(%dma_wait3A_475 : memref<128x64xf32, #tpu.memory_space<vmem_shared>>)
      tpu.yield
    }) : () -> ()
    %mul3A_9 = arith.constant 640 : i32
    %mul3A_10 = arith.muli %arg1, %mul3A_9 : i32
    %add3A_11 = arith.constant 0 : i32
    %add3A_12 = arith.addi %mul3A_10, %add3A_11 : i32
    %run_scoped3A_13 = arith.constant 0 : i32
    %run_scoped3A_14 = arith.constant 0 : i32
    "tpu.region"() ({
      %run_scoped3A_455 = tpu.sem_alloc : memref<!tpu.dma_semaphore, #tpu.memory_space<semaphore_mem>>
      %dma_start3A_456 = arith.constant 0 : i32
      %dma_start3A_457 = tpu.memref_slice %arg10[%run_scoped3A_13, %run_scoped3A_14, %dma_start3A_456] : memref<8x128x64xf32, #tpu.memory_space<vmem>> -> memref<1x1x64xf32, #tpu.memory_space<vmem>>
      %dma_start3A_458 = tpu.memref_squeeze %dma_start3A_457 : memref<1x1x64xf32, #tpu.memory_space<vmem>> -> memref<64xf32, #tpu.memory_space<vmem>>
      %dma_start3A_459 = tpu.memref_slice %arg12[%add3A_12] : memref<10240xf32, #tpu.memory_space<vmem_shared>> -> memref<64xf32, #tpu.memory_space<vmem_shared>>
      %dma_start3A_460 = tpu.memref_slice %arg12[%add3A_12] : memref<10240xf32, #tpu.memory_space<vmem_shared>> -> memref<64xf32, #tpu.memory_space<vmem_shared>>
      %dma_start3A_461 = arith.constant 0 : i32
      %dma_start3A_462 = tpu.memref_slice %arg10[%run_scoped3A_13, %run_scoped3A_14, %dma_start3A_461] : memref<8x128x64xf32, #tpu.memory_space<vmem>> -> memref<1x1x64xf32, #tpu.memory_space<vmem>>
      %dma_start3A_463 = tpu.memref_squeeze %dma_start3A_462 : memref<1x1x64xf32, #tpu.memory_space<vmem>> -> memref<64xf32, #tpu.memory_space<vmem>>
      tpu.enqueue_dma source(%dma_start3A_463 : memref<64xf32, #tpu.memory_space<vmem>>) target(%dma_start3A_460 : memref<64xf32, #tpu.memory_space<vmem_shared>>) target_semaphore(%run_scoped3A_455 : memref<!tpu.dma_semaphore, #tpu.memory_space<semaphore_mem>>)
      %dma_wait3A_464 = arith.constant 0 : i32
      %dma_wait3A_465 = tpu.memref_slice %arg10[%run_scoped3A_13, %run_scoped3A_14, %dma_wait3A_464] : memref<8x128x64xf32, #tpu.memory_space<vmem>> -> memref<1x1x64xf32, #tpu.memory_space<vmem>>
      %dma_wait3A_466 = tpu.memref_squeeze %dma_wait3A_465 : memref<1x1x64xf32, #tpu.memory_space<vmem>> -> memref<64xf32, #tpu.memory_space<vmem>>
      %dma_wait3A_467 = tpu.memref_slice %arg12[%add3A_12] : memref<10240xf32, #tpu.memory_space<vmem_shared>> -> memref<64xf32, #tpu.memory_space<vmem_shared>>
      %dma_wait3A_468 = tpu.memref_slice %arg12[%add3A_12] : memref<10240xf32, #tpu.memory_space<vmem_shared>> -> memref<64xf32, #tpu.memory_space<vmem_shared>>
      %dma_wait3A_469 = arith.constant 0 : i32
      %dma_wait3A_470 = tpu.memref_slice %arg10[%run_scoped3A_13, %run_scoped3A_14, %dma_wait3A_469] : memref<8x128x64xf32, #tpu.memory_space<vmem>> -> memref<1x1x64xf32, #tpu.memory_space<vmem>>
      %dma_wait3A_471 = tpu.memref_squeeze %dma_wait3A_470 : memref<1x1x64xf32, #tpu.memory_space<vmem>> -> memref<64xf32, #tpu.memory_space<vmem>>
      tpu.wait_dma2 semaphore(%run_scoped3A_455 : memref<!tpu.dma_semaphore, #tpu.memory_space<semaphore_mem>>) src(%dma_wait3A_471 : memref<64xf32, #tpu.memory_space<vmem>>) dst(%dma_wait3A_468 : memref<64xf32, #tpu.memory_space<vmem_shared>>)
      tpu.yield
    }) : () -> ()
    %mul3A_15 = arith.constant 640 : i32
    %mul3A_16 = arith.muli %arg1, %mul3A_15 : i32
    %add3A_17 = arith.constant 0 : i32
    %add3A_18 = arith.addi %mul3A_16, %add3A_17 : i32
    %add3A_19 = arith.constant 64 : i32
    %add3A_20 = arith.addi %add3A_18, %add3A_19 : i32
    %run_scoped3A_21 = arith.constant 0 : i32
    %run_scoped3A_22 = arith.constant 0 : i32
    "tpu.region"() ({
      %run_scoped3A_455 = tpu.sem_alloc : memref<!tpu.dma_semaphore, #tpu.memory_space<semaphore_mem>>
      %dma_start3A_456 = arith.constant 0 : i32
      %dma_start3A_457 = tpu.memref_slice %arg10[%run_scoped3A_21, %run_scoped3A_22, %dma_start3A_456] : memref<8x128x64xf32, #tpu.memory_space<vmem>> -> memref<1x1x64xf32, #tpu.memory_space<vmem>>
      %dma_start3A_458 = tpu.memref_squeeze %dma_start3A_457 : memref<1x1x64xf32, #tpu.memory_space<vmem>> -> memref<64xf32, #tpu.memory_space<vmem>>
      %dma_start3A_459 = tpu.memref_slice %arg12[%add3A_20] : memref<10240xf32, #tpu.memory_space<vmem_shared>> -> memref<64xf32, #tpu.memory_space<vmem_shared>>
      %dma_start3A_460 = tpu.memref_slice %arg12[%add3A_20] : memref<10240xf32, #tpu.memory_space<vmem_shared>> -> memref<64xf32, #tpu.memory_space<vmem_shared>>
      %dma_start3A_461 = arith.constant 0 : i32
      %dma_start3A_462 = tpu.memref_slice %arg10[%run_scoped3A_21, %run_scoped3A_22, %dma_start3A_461] : memref<8x128x64xf32, #tpu.memory_space<vmem>> -> memref<1x1x64xf32, #tpu.memory_space<vmem>>
      %dma_start3A_463 = tpu.memref_squeeze %dma_start3A_462 : memref<1x1x64xf32, #tpu.memory_space<vmem>> -> memref<64xf32, #tpu.memory_space<vmem>>
      tpu.enqueue_dma source(%dma_start3A_463 : memref<64xf32, #tpu.memory_space<vmem>>) target(%dma_start3A_460 : memref<64xf32, #tpu.memory_space<vmem_shared>>) target_semaphore(%run_scoped3A_455 : memref<!tpu.dma_semaphore, #tpu.memory_space<semaphore_mem>>)
      %dma_wait3A_464 = arith.constant 0 : i32
      %dma_wait3A_465 = tpu.memref_slice %arg10[%run_scoped3A_21, %run_scoped3A_22, %dma_wait3A_464] : memref<8x128x64xf32, #tpu.memory_space<vmem>> -> memref<1x1x64xf32, #tpu.memory_space<vmem>>
      %dma_wait3A_466 = tpu.memref_squeeze %dma_wait3A_465 : memref<1x1x64xf32, #tpu.memory_space<vmem>> -> memref<64xf32, #tpu.memory_space<vmem>>
      %dma_wait3A_467 = tpu.memref_slice %arg12[%add3A_20] : memref<10240xf32, #tpu.memory_space<vmem_shared>> -> memref<64xf32, #tpu.memory_space<vmem_shared>>
      %dma_wait3A_468 = tpu.memref_slice %arg12[%add3A_20] : memref<10240xf32, #tpu.memory_space<vmem_shared>> -> memref<64xf32, #tpu.memory_space<vmem_shared>>
      %dma_wait3A_469 = arith.constant 0 : i32
      %dma_wait3A_470 = tpu.memref_slice %arg10[%run_scoped3A_21, %run_scoped3A_22, %dma_wait3A_469] : memref<8x128x64xf32, #tpu.memory_space<vmem>> -> memref<1x1x64xf32, #tpu.memory_space<vmem>>
      %dma_wait3A_471 = tpu.memref_squeeze %dma_wait3A_470 : memref<1x1x64xf32, #tpu.memory_space<vmem>> -> memref<64xf32, #tpu.memory_space<vmem>>
      tpu.wait_dma2 semaphore(%run_scoped3A_455 : memref<!tpu.dma_semaphore, #tpu.memory_space<semaphore_mem>>) src(%dma_wait3A_471 : memref<64xf32, #tpu.memory_space<vmem>>) dst(%dma_wait3A_468 : memref<64xf32, #tpu.memory_space<vmem_shared>>)
      tpu.yield
    }) : () -> ()
    %mul3A_23 = arith.constant 640 : i32
    %mul3A_24 = arith.muli %arg1, %mul3A_23 : i32
    %add3A_25 = arith.constant 128 : i32
    %add3A_26 = arith.addi %mul3A_24, %add3A_25 : i32
    %run_scoped3A_27 = arith.constant 0 : i32
    "tpu.region"() ({
      %run_scoped3A_455 = tpu.sem_alloc : memref<!tpu.dma_semaphore, #tpu.memory_space<semaphore_mem>>
      %dma_start3A_456 = arith.constant 0 : i32
      %dma_start3A_457 = arith.constant 0 : i32
      %dma_start3A_458 = tpu.memref_slice %arg10[%run_scoped3A_27, %dma_start3A_456, %dma_start3A_457] : memref<8x128x64xf32, #tpu.memory_space<vmem>> -> memref<1x128x64xf32, #tpu.memory_space<vmem>>
      %dma_start3A_459 = tpu.memref_squeeze %dma_start3A_458 : memref<1x128x64xf32, #tpu.memory_space<vmem>> -> memref<128x64xf32, #tpu.memory_space<vmem>>
      %dma_start3A_460 = arith.constant 0 : i32
      %dma_start3A_461 = tpu.memref_slice %arg11[%add3A_26, %dma_start3A_460] : memref<10240x64xf32, #tpu.memory_space<vmem_shared>> -> memref<128x64xf32, #tpu.memory_space<vmem_shared>>
      %dma_start3A_462 = arith.constant 0 : i32
      %dma_start3A_463 = tpu.memref_slice %arg11[%add3A_26, %dma_start3A_462] : memref<10240x64xf32, #tpu.memory_space<vmem_shared>> -> memref<128x64xf32, #tpu.memory_space<vmem_shared>>
      %dma_start3A_464 = arith.constant 0 : i32
      %dma_start3A_465 = arith.constant 0 : i32
      %dma_start3A_466 = tpu.memref_slice %arg10[%run_scoped3A_27, %dma_start3A_464, %dma_start3A_465] : memref<8x128x64xf32, #tpu.memory_space<vmem>> -> memref<1x128x64xf32, #tpu.memory_space<vmem>>
      %dma_start3A_467 = tpu.memref_squeeze %dma_start3A_466 : memref<1x128x64xf32, #tpu.memory_space<vmem>> -> memref<128x64xf32, #tpu.memory_space<vmem>>
      tpu.enqueue_dma source(%dma_start3A_467 : memref<128x64xf32, #tpu.memory_space<vmem>>) target(%dma_start3A_463 : memref<128x64xf32, #tpu.memory_space<vmem_shared>>) target_semaphore(%run_scoped3A_455 : memref<!tpu.dma_semaphore, #tpu.memory_space<semaphore_mem>>)
      %dma_wait3A_468 = arith.constant 0 : i32
      %dma_wait3A_469 = arith.constant 0 : i32
      %dma_wait3A_470 = tpu.memref_slice %arg10[%run_scoped3A_27, %dma_wait3A_468, %dma_wait3A_469] : memref<8x128x64xf32, #tpu.memory_space<vmem>> -> memref<1x128x64xf32, #tpu.memory_space<vmem>>
      %dma_wait3A_471 = tpu.memref_squeeze %dma_wait3A_470 : memref<1x128x64xf32, #tpu.memory_space<vmem>> -> memref<128x64xf32, #tpu.memory_space<vmem>>
      %dma_wait3A_472 = arith.constant 0 : i32
      %dma_wait3A_473 = tpu.memref_slice %arg11[%add3A_26, %dma_wait3A_472] : memref<10240x64xf32, #tpu.memory_space<vmem_shared>> -> memref<128x64xf32, #tpu.memory_space<vmem_shared>>
      %dma_wait3A_474 = arith.constant 0 : i32
      %dma_wait3A_475 = tpu.memref_slice %arg11[%add3A_26, %dma_wait3A_474] : memref<10240x64xf32, #tpu.memory_space<vmem_shared>> -> memref<128x64xf32, #tpu.memory_space<vmem_shared>>
      %dma_wait3A_476 = arith.constant 0 : i32
      %dma_wait3A_477 = arith.constant 0 : i32
      %dma_wait3A_478 = tpu.memref_slice %arg10[%run_scoped3A_27, %dma_wait3A_476, %dma_wait3A_477] : memref<8x128x64xf32, #tpu.memory_space<vmem>> -> memref<1x128x64xf32, #tpu.memory_space<vmem>>
      %dma_wait3A_479 = tpu.memref_squeeze %dma_wait3A_478 : memref<1x128x64xf32, #tpu.memory_space<vmem>> -> memref<128x64xf32, #tpu.memory_space<vmem>>
      tpu.wait_dma2 semaphore(%run_scoped3A_455 : memref<!tpu.dma_semaphore, #tpu.memory_space<semaphore_mem>>) src(%dma_wait3A_479 : memref<128x64xf32, #tpu.memory_space<vmem>>) dst(%dma_wait3A_475 : memref<128x64xf32, #tpu.memory_space<vmem_shared>>)
      tpu.yield
    }) : () -> ()
    %mul3A_28 = arith.constant 640 : i32
    %mul3A_29 = arith.muli %arg1, %mul3A_28 : i32
    %add3A_30 = arith.constant 128 : i32
    %add3A_31 = arith.addi %mul3A_29, %add3A_30 : i32
    %run_scoped3A_32 = arith.constant 0 : i32
    %run_scoped3A_33 = arith.constant 0 : i32
    "tpu.region"() ({
      %run_scoped3A_455 = tpu.sem_alloc : memref<!tpu.dma_semaphore, #tpu.memory_space<semaphore_mem>>
      %dma_start3A_456 = arith.constant 0 : i32
      %dma_start3A_457 = tpu.memref_slice %arg10[%run_scoped3A_32, %run_scoped3A_33, %dma_start3A_456] : memref<8x128x64xf32, #tpu.memory_space<vmem>> -> memref<1x1x64xf32, #tpu.memory_space<vmem>>
      %dma_start3A_458 = tpu.memref_squeeze %dma_start3A_457 : memref<1x1x64xf32, #tpu.memory_space<vmem>> -> memref<64xf32, #tpu.memory_space<vmem>>
      %dma_start3A_459 = tpu.memref_slice %arg12[%add3A_31] : memref<10240xf32, #tpu.memory_space<vmem_shared>> -> memref<64xf32, #tpu.memory_space<vmem_shared>>
      %dma_start3A_460 = tpu.memref_slice %arg12[%add3A_31] : memref<10240xf32, #tpu.memory_space<vmem_shared>> -> memref<64xf32, #tpu.memory_space<vmem_shared>>
      %dma_start3A_461 = arith.constant 0 : i32
      %dma_start3A_462 = tpu.memref_slice %arg10[%run_scoped3A_32, %run_scoped3A_33, %dma_start3A_461] : memref<8x128x64xf32, #tpu.memory_space<vmem>> -> memref<1x1x64xf32, #tpu.memory_space<vmem>>
      %dma_start3A_463 = tpu.memref_squeeze %dma_start3A_462 : memref<1x1x64xf32, #tpu.memory_space<vmem>> -> memref<64xf32, #tpu.memory_space<vmem>>
      tpu.enqueue_dma source(%dma_start3A_463 : memref<64xf32, #tpu.memory_space<vmem>>) target(%dma_start3A_460 : memref<64xf32, #tpu.memory_space<vmem_shared>>) target_semaphore(%run_scoped3A_455 : memref<!tpu.dma_semaphore, #tpu.memory_space<semaphore_mem>>)
      %dma_wait3A_464 = arith.constant 0 : i32
      %dma_wait3A_465 = tpu.memref_slice %arg10[%run_scoped3A_32, %run_scoped3A_33, %dma_wait3A_464] : memref<8x128x64xf32, #tpu.memory_space<vmem>> -> memref<1x1x64xf32, #tpu.memory_space<vmem>>
      %dma_wait3A_466 = tpu.memref_squeeze %dma_wait3A_465 : memref<1x1x64xf32, #tpu.memory_space<vmem>> -> memref<64xf32, #tpu.memory_space<vmem>>
      %dma_wait3A_467 = tpu.memref_slice %arg12[%add3A_31] : memref<10240xf32, #tpu.memory_space<vmem_shared>> -> memref<64xf32, #tpu.memory_space<vmem_shared>>
      %dma_wait3A_468 = tpu.memref_slice %arg12[%add3A_31] : memref<10240xf32, #tpu.memory_space<vmem_shared>> -> memref<64xf32, #tpu.memory_space<vmem_shared>>
      %dma_wait3A_469 = arith.constant 0 : i32
      %dma_wait3A_470 = tpu.memref_slice %arg10[%run_scoped3A_32, %run_scoped3A_33, %dma_wait3A_469] : memref<8x128x64xf32, #tpu.memory_space<vmem>> -> memref<1x1x64xf32, #tpu.memory_space<vmem>>
      %dma_wait3A_471 = tpu.memref_squeeze %dma_wait3A_470 : memref<1x1x64xf32, #tpu.memory_space<vmem>> -> memref<64xf32, #tpu.memory_space<vmem>>
      tpu.wait_dma2 semaphore(%run_scoped3A_455 : memref<!tpu.dma_semaphore, #tpu.memory_space<semaphore_mem>>) src(%dma_wait3A_471 : memref<64xf32, #tpu.memory_space<vmem>>) dst(%dma_wait3A_468 : memref<64xf32, #tpu.memory_space<vmem_shared>>)
      tpu.yield
    }) : () -> ()
    %mul3A_34 = arith.constant 640 : i32
    %mul3A_35 = arith.muli %arg1, %mul3A_34 : i32
    %add3A_36 = arith.constant 128 : i32
    %add3A_37 = arith.addi %mul3A_35, %add3A_36 : i32
    %add3A_38 = arith.constant 64 : i32
    %add3A_39 = arith.addi %add3A_37, %add3A_38 : i32
    %run_scoped3A_40 = arith.constant 0 : i32
    %run_scoped3A_41 = arith.constant 0 : i32
    "tpu.region"() ({
      %run_scoped3A_455 = tpu.sem_alloc : memref<!tpu.dma_semaphore, #tpu.memory_space<semaphore_mem>>
      %dma_start3A_456 = arith.constant 0 : i32
      %dma_start3A_457 = tpu.memref_slice %arg10[%run_scoped3A_40, %run_scoped3A_41, %dma_start3A_456] : memref<8x128x64xf32, #tpu.memory_space<vmem>> -> memref<1x1x64xf32, #tpu.memory_space<vmem>>
      %dma_start3A_458 = tpu.memref_squeeze %dma_start3A_457 : memref<1x1x64xf32, #tpu.memory_space<vmem>> -> memref<64xf32, #tpu.memory_space<vmem>>
      %dma_start3A_459 = tpu.memref_slice %arg12[%add3A_39] : memref<10240xf32, #tpu.memory_space<vmem_shared>> -> memref<64xf32, #tpu.memory_space<vmem_shared>>
      %dma_start3A_460 = tpu.memref_slice %arg12[%add3A_39] : memref<10240xf32, #tpu.memory_space<vmem_shared>> -> memref<64xf32, #tpu.memory_space<vmem_shared>>
      %dma_start3A_461 = arith.constant 0 : i32
      %dma_start3A_462 = tpu.memref_slice %arg10[%run_scoped3A_40, %run_scoped3A_41, %dma_start3A_461] : memref<8x128x64xf32, #tpu.memory_space<vmem>> -> memref<1x1x64xf32, #tpu.memory_space<vmem>>
      %dma_start3A_463 = tpu.memref_squeeze %dma_start3A_462 : memref<1x1x64xf32, #tpu.memory_space<vmem>> -> memref<64xf32, #tpu.memory_space<vmem>>
      tpu.enqueue_dma source(%dma_start3A_463 : memref<64xf32, #tpu.memory_space<vmem>>) target(%dma_start3A_460 : memref<64xf32, #tpu.memory_space<vmem_shared>>) target_semaphore(%run_scoped3A_455 : memref<!tpu.dma_semaphore, #tpu.memory_space<semaphore_mem>>)
      %dma_wait3A_464 = arith.constant 0 : i32
      %dma_wait3A_465 = tpu.memref_slice %arg10[%run_scoped3A_40, %run_scoped3A_41, %dma_wait3A_464] : memref<8x128x64xf32, #tpu.memory_space<vmem>> -> memref<1x1x64xf32, #tpu.memory_space<vmem>>
      %dma_wait3A_466 = tpu.memref_squeeze %dma_wait3A_465 : memref<1x1x64xf32, #tpu.memory_space<vmem>> -> memref<64xf32, #tpu.memory_space<vmem>>
      %dma_wait3A_467 = tpu.memref_slice %arg12[%add3A_39] : memref<10240xf32, #tpu.memory_space<vmem_shared>> -> memref<64xf32, #tpu.memory_space<vmem_shared>>
      %dma_wait3A_468 = tpu.memref_slice %arg12[%add3A_39] : memref<10240xf32, #tpu.memory_space<vmem_shared>> -> memref<64xf32, #tpu.memory_space<vmem_shared>>
      %dma_wait3A_469 = arith.constant 0 : i32
      %dma_wait3A_470 = tpu.memref_slice %arg10[%run_scoped3A_40, %run_scoped3A_41, %dma_wait3A_469] : memref<8x128x64xf32, #tpu.memory_space<vmem>> -> memref<1x1x64xf32, #tpu.memory_space<vmem>>
      %dma_wait3A_471 = tpu.memref_squeeze %dma_wait3A_470 : memref<1x1x64xf32, #tpu.memory_space<vmem>> -> memref<64xf32, #tpu.memory_space<vmem>>
      tpu.wait_dma2 semaphore(%run_scoped3A_455 : memref<!tpu.dma_semaphore, #tpu.memory_space<semaphore_mem>>) src(%dma_wait3A_471 : memref<64xf32, #tpu.memory_space<vmem>>) dst(%dma_wait3A_468 : memref<64xf32, #tpu.memory_space<vmem_shared>>)
      tpu.yield
    }) : () -> ()
    %mul3A_42 = arith.constant 640 : i32
    %mul3A_43 = arith.muli %arg1, %mul3A_42 : i32
    %add3A_44 = arith.constant 256 : i32
    %add3A_45 = arith.addi %mul3A_43, %add3A_44 : i32
    %run_scoped3A_46 = arith.constant 0 : i32
    "tpu.region"() ({
      %run_scoped3A_455 = tpu.sem_alloc : memref<!tpu.dma_semaphore, #tpu.memory_space<semaphore_mem>>
      %dma_start3A_456 = arith.constant 0 : i32
      %dma_start3A_457 = arith.constant 0 : i32
      %dma_start3A_458 = tpu.memref_slice %arg10[%run_scoped3A_46, %dma_start3A_456, %dma_start3A_457] : memref<8x128x64xf32, #tpu.memory_space<vmem>> -> memref<1x128x64xf32, #tpu.memory_space<vmem>>
      %dma_start3A_459 = tpu.memref_squeeze %dma_start3A_458 : memref<1x128x64xf32, #tpu.memory_space<vmem>> -> memref<128x64xf32, #tpu.memory_space<vmem>>
      %dma_start3A_460 = arith.constant 0 : i32
      %dma_start3A_461 = tpu.memref_slice %arg11[%add3A_45, %dma_start3A_460] : memref<10240x64xf32, #tpu.memory_space<vmem_shared>> -> memref<128x64xf32, #tpu.memory_space<vmem_shared>>
      %dma_start3A_462 = arith.constant 0 : i32
      %dma_start3A_463 = tpu.memref_slice %arg11[%add3A_45, %dma_start3A_462] : memref<10240x64xf32, #tpu.memory_space<vmem_shared>> -> memref<128x64xf32, #tpu.memory_space<vmem_shared>>
      %dma_start3A_464 = arith.constant 0 : i32
      %dma_start3A_465 = arith.constant 0 : i32
      %dma_start3A_466 = tpu.memref_slice %arg10[%run_scoped3A_46, %dma_start3A_464, %dma_start3A_465] : memref<8x128x64xf32, #tpu.memory_space<vmem>> -> memref<1x128x64xf32, #tpu.memory_space<vmem>>
      %dma_start3A_467 = tpu.memref_squeeze %dma_start3A_466 : memref<1x128x64xf32, #tpu.memory_space<vmem>> -> memref<128x64xf32, #tpu.memory_space<vmem>>
      tpu.enqueue_dma source(%dma_start3A_467 : memref<128x64xf32, #tpu.memory_space<vmem>>) target(%dma_start3A_463 : memref<128x64xf32, #tpu.memory_space<vmem_shared>>) target_semaphore(%run_scoped3A_455 : memref<!tpu.dma_semaphore, #tpu.memory_space<semaphore_mem>>)
      %dma_wait3A_468 = arith.constant 0 : i32
      %dma_wait3A_469 = arith.constant 0 : i32
      %dma_wait3A_470 = tpu.memref_slice %arg10[%run_scoped3A_46, %dma_wait3A_468, %dma_wait3A_469] : memref<8x128x64xf32, #tpu.memory_space<vmem>> -> memref<1x128x64xf32, #tpu.memory_space<vmem>>
      %dma_wait3A_471 = tpu.memref_squeeze %dma_wait3A_470 : memref<1x128x64xf32, #tpu.memory_space<vmem>> -> memref<128x64xf32, #tpu.memory_space<vmem>>
      %dma_wait3A_472 = arith.constant 0 : i32
      %dma_wait3A_473 = tpu.memref_slice %arg11[%add3A_45, %dma_wait3A_472] : memref<10240x64xf32, #tpu.memory_space<vmem_shared>> -> memref<128x64xf32, #tpu.memory_space<vmem_shared>>
      %dma_wait3A_474 = arith.constant 0 : i32
      %dma_wait3A_475 = tpu.memref_slice %arg11[%add3A_45, %dma_wait3A_474] : memref<10240x64xf32, #tpu.memory_space<vmem_shared>> -> memref<128x64xf32, #tpu.memory_space<vmem_shared>>
      %dma_wait3A_476 = arith.constant 0 : i32
      %dma_wait3A_477 = arith.constant 0 : i32
      %dma_wait3A_478 = tpu.memref_slice %arg10[%run_scoped3A_46, %dma_wait3A_476, %dma_wait3A_477] : memref<8x128x64xf32, #tpu.memory_space<vmem>> -> memref<1x128x64xf32, #tpu.memory_space<vmem>>
      %dma_wait3A_479 = tpu.memref_squeeze %dma_wait3A_478 : memref<1x128x64xf32, #tpu.memory_space<vmem>> -> memref<128x64xf32, #tpu.memory_space<vmem>>
      tpu.wait_dma2 semaphore(%run_scoped3A_455 : memref<!tpu.dma_semaphore, #tpu.memory_space<semaphore_mem>>) src(%dma_wait3A_479 : memref<128x64xf32, #tpu.memory_space<vmem>>) dst(%dma_wait3A_475 : memref<128x64xf32, #tpu.memory_space<vmem_shared>>)
      tpu.yield
    }) : () -> ()
    %mul3A_47 = arith.constant 640 : i32
    %mul3A_48 = arith.muli %arg1, %mul3A_47 : i32
    %add3A_49 = arith.constant 256 : i32
    %add3A_50 = arith.addi %mul3A_48, %add3A_49 : i32
    %run_scoped3A_51 = arith.constant 0 : i32
    %run_scoped3A_52 = arith.constant 0 : i32
    "tpu.region"() ({
      %run_scoped3A_455 = tpu.sem_alloc : memref<!tpu.dma_semaphore, #tpu.memory_space<semaphore_mem>>
      %dma_start3A_456 = arith.constant 0 : i32
      %dma_start3A_457 = tpu.memref_slice %arg10[%run_scoped3A_51, %run_scoped3A_52, %dma_start3A_456] : memref<8x128x64xf32, #tpu.memory_space<vmem>> -> memref<1x1x64xf32, #tpu.memory_space<vmem>>
      %dma_start3A_458 = tpu.memref_squeeze %dma_start3A_457 : memref<1x1x64xf32, #tpu.memory_space<vmem>> -> memref<64xf32, #tpu.memory_space<vmem>>
      %dma_start3A_459 = tpu.memref_slice %arg12[%add3A_50] : memref<10240xf32, #tpu.memory_space<vmem_shared>> -> memref<64xf32, #tpu.memory_space<vmem_shared>>
      %dma_start3A_460 = tpu.memref_slice %arg12[%add3A_50] : memref<10240xf32, #tpu.memory_space<vmem_shared>> -> memref<64xf32, #tpu.memory_space<vmem_shared>>
      %dma_start3A_461 = arith.constant 0 : i32
      %dma_start3A_462 = tpu.memref_slice %arg10[%run_scoped3A_51, %run_scoped3A_52, %dma_start3A_461] : memref<8x128x64xf32, #tpu.memory_space<vmem>> -> memref<1x1x64xf32, #tpu.memory_space<vmem>>
      %dma_start3A_463 = tpu.memref_squeeze %dma_start3A_462 : memref<1x1x64xf32, #tpu.memory_space<vmem>> -> memref<64xf32, #tpu.memory_space<vmem>>
      tpu.enqueue_dma source(%dma_start3A_463 : memref<64xf32, #tpu.memory_space<vmem>>) target(%dma_start3A_460 : memref<64xf32, #tpu.memory_space<vmem_shared>>) target_semaphore(%run_scoped3A_455 : memref<!tpu.dma_semaphore, #tpu.memory_space<semaphore_mem>>)
      %dma_wait3A_464 = arith.constant 0 : i32
      %dma_wait3A_465 = tpu.memref_slice %arg10[%run_scoped3A_51, %run_scoped3A_52, %dma_wait3A_464] : memref<8x128x64xf32, #tpu.memory_space<vmem>> -> memref<1x1x64xf32, #tpu.memory_space<vmem>>
      %dma_wait3A_466 = tpu.memref_squeeze %dma_wait3A_465 : memref<1x1x64xf32, #tpu.memory_space<vmem>> -> memref<64xf32, #tpu.memory_space<vmem>>
      %dma_wait3A_467 = tpu.memref_slice %arg12[%add3A_50] : memref<10240xf32, #tpu.memory_space<vmem_shared>> -> memref<64xf32, #tpu.memory_space<vmem_shared>>
      %dma_wait3A_468 = tpu.memref_slice %arg12[%add3A_50] : memref<10240xf32, #tpu.memory_space<vmem_shared>> -> memref<64xf32, #tpu.memory_space<vmem_shared>>
      %dma_wait3A_469 = arith.constant 0 : i32
      %dma_wait3A_470 = tpu.memref_slice %arg10[%run_scoped3A_51, %run_scoped3A_52, %dma_wait3A_469] : memref<8x128x64xf32, #tpu.memory_space<vmem>> -> memref<1x1x64xf32, #tpu.memory_space<vmem>>
      %dma_wait3A_471 = tpu.memref_squeeze %dma_wait3A_470 : memref<1x1x64xf32, #tpu.memory_space<vmem>> -> memref<64xf32, #tpu.memory_space<vmem>>
      tpu.wait_dma2 semaphore(%run_scoped3A_455 : memref<!tpu.dma_semaphore, #tpu.memory_space<semaphore_mem>>) src(%dma_wait3A_471 : memref<64xf32, #tpu.memory_space<vmem>>) dst(%dma_wait3A_468 : memref<64xf32, #tpu.memory_space<vmem_shared>>)
      tpu.yield
    }) : () -> ()
    %mul3A_53 = arith.constant 640 : i32
    %mul3A_54 = arith.muli %arg1, %mul3A_53 : i32
    %add3A_55 = arith.constant 256 : i32
    %add3A_56 = arith.addi %mul3A_54, %add3A_55 : i32
    %add3A_57 = arith.constant 64 : i32
    %add3A_58 = arith.addi %add3A_56, %add3A_57 : i32
    %run_scoped3A_59 = arith.constant 0 : i32
    %run_scoped3A_60 = arith.constant 0 : i32
    "tpu.region"() ({
      %run_scoped3A_455 = tpu.sem_alloc : memref<!tpu.dma_semaphore, #tpu.memory_space<semaphore_mem>>
      %dma_start3A_456 = arith.constant 0 : i32
      %dma_start3A_457 = tpu.memref_slice %arg10[%run_scoped3A_59, %run_scoped3A_60, %dma_start3A_456] : memref<8x128x64xf32, #tpu.memory_space<vmem>> -> memref<1x1x64xf32, #tpu.memory_space<vmem>>
      %dma_start3A_458 = tpu.memref_squeeze %dma_start3A_457 : memref<1x1x64xf32, #tpu.memory_space<vmem>> -> memref<64xf32, #tpu.memory_space<vmem>>
      %dma_start3A_459 = tpu.memref_slice %arg12[%add3A_58] : memref<10240xf32, #tpu.memory_space<vmem_shared>> -> memref<64xf32, #tpu.memory_space<vmem_shared>>
      %dma_start3A_460 = tpu.memref_slice %arg12[%add3A_58] : memref<10240xf32, #tpu.memory_space<vmem_shared>> -> memref<64xf32, #tpu.memory_space<vmem_shared>>
      %dma_start3A_461 = arith.constant 0 : i32
      %dma_start3A_462 = tpu.memref_slice %arg10[%run_scoped3A_59, %run_scoped3A_60, %dma_start3A_461] : memref<8x128x64xf32, #tpu.memory_space<vmem>> -> memref<1x1x64xf32, #tpu.memory_space<vmem>>
      %dma_start3A_463 = tpu.memref_squeeze %dma_start3A_462 : memref<1x1x64xf32, #tpu.memory_space<vmem>> -> memref<64xf32, #tpu.memory_space<vmem>>
      tpu.enqueue_dma source(%dma_start3A_463 : memref<64xf32, #tpu.memory_space<vmem>>) target(%dma_start3A_460 : memref<64xf32, #tpu.memory_space<vmem_shared>>) target_semaphore(%run_scoped3A_455 : memref<!tpu.dma_semaphore, #tpu.memory_space<semaphore_mem>>)
      %dma_wait3A_464 = arith.constant 0 : i32
      %dma_wait3A_465 = tpu.memref_slice %arg10[%run_scoped3A_59, %run_scoped3A_60, %dma_wait3A_464] : memref<8x128x64xf32, #tpu.memory_space<vmem>> -> memref<1x1x64xf32, #tpu.memory_space<vmem>>
      %dma_wait3A_466 = tpu.memref_squeeze %dma_wait3A_465 : memref<1x1x64xf32, #tpu.memory_space<vmem>> -> memref<64xf32, #tpu.memory_space<vmem>>
      %dma_wait3A_467 = tpu.memref_slice %arg12[%add3A_58] : memref<10240xf32, #tpu.memory_space<vmem_shared>> -> memref<64xf32, #tpu.memory_space<vmem_shared>>
      %dma_wait3A_468 = tpu.memref_slice %arg12[%add3A_58] : memref<10240xf32, #tpu.memory_space<vmem_shared>> -> memref<64xf32, #tpu.memory_space<vmem_shared>>
      %dma_wait3A_469 = arith.constant 0 : i32
      %dma_wait3A_470 = tpu.memref_slice %arg10[%run_scoped3A_59, %run_scoped3A_60, %dma_wait3A_469] : memref<8x128x64xf32, #tpu.memory_space<vmem>> -> memref<1x1x64xf32, #tpu.memory_space<vmem>>
      %dma_wait3A_471 = tpu.memref_squeeze %dma_wait3A_470 : memref<1x1x64xf32, #tpu.memory_space<vmem>> -> memref<64xf32, #tpu.memory_space<vmem>>
      tpu.wait_dma2 semaphore(%run_scoped3A_455 : memref<!tpu.dma_semaphore, #tpu.memory_space<semaphore_mem>>) src(%dma_wait3A_471 : memref<64xf32, #tpu.memory_space<vmem>>) dst(%dma_wait3A_468 : memref<64xf32, #tpu.memory_space<vmem_shared>>)
      tpu.yield
    }) : () -> ()
    %mul3A_61 = arith.constant 640 : i32
    %mul3A_62 = arith.muli %arg1, %mul3A_61 : i32
    %add3A_63 = arith.constant 384 : i32
    %add3A_64 = arith.addi %mul3A_62, %add3A_63 : i32
    %run_scoped3A_65 = arith.constant 0 : i32
    "tpu.region"() ({
      %run_scoped3A_455 = tpu.sem_alloc : memref<!tpu.dma_semaphore, #tpu.memory_space<semaphore_mem>>
      %dma_start3A_456 = arith.constant 0 : i32
      %dma_start3A_457 = arith.constant 0 : i32
      %dma_start3A_458 = tpu.memref_slice %arg10[%run_scoped3A_65, %dma_start3A_456, %dma_start3A_457] : memref<8x128x64xf32, #tpu.memory_space<vmem>> -> memref<1x128x64xf32, #tpu.memory_space<vmem>>
      %dma_start3A_459 = tpu.memref_squeeze %dma_start3A_458 : memref<1x128x64xf32, #tpu.memory_space<vmem>> -> memref<128x64xf32, #tpu.memory_space<vmem>>
      %dma_start3A_460 = arith.constant 0 : i32
      %dma_start3A_461 = tpu.memref_slice %arg11[%add3A_64, %dma_start3A_460] : memref<10240x64xf32, #tpu.memory_space<vmem_shared>> -> memref<128x64xf32, #tpu.memory_space<vmem_shared>>
      %dma_start3A_462 = arith.constant 0 : i32
      %dma_start3A_463 = tpu.memref_slice %arg11[%add3A_64, %dma_start3A_462] : memref<10240x64xf32, #tpu.memory_space<vmem_shared>> -> memref<128x64xf32, #tpu.memory_space<vmem_shared>>
      %dma_start3A_464 = arith.constant 0 : i32
      %dma_start3A_465 = arith.constant 0 : i32
      %dma_start3A_466 = tpu.memref_slice %arg10[%run_scoped3A_65, %dma_start3A_464, %dma_start3A_465] : memref<8x128x64xf32, #tpu.memory_space<vmem>> -> memref<1x128x64xf32, #tpu.memory_space<vmem>>
      %dma_start3A_467 = tpu.memref_squeeze %dma_start3A_466 : memref<1x128x64xf32, #tpu.memory_space<vmem>> -> memref<128x64xf32, #tpu.memory_space<vmem>>
      tpu.enqueue_dma source(%dma_start3A_467 : memref<128x64xf32, #tpu.memory_space<vmem>>) target(%dma_start3A_463 : memref<128x64xf32, #tpu.memory_space<vmem_shared>>) target_semaphore(%run_scoped3A_455 : memref<!tpu.dma_semaphore, #tpu.memory_space<semaphore_mem>>)
      %dma_wait3A_468 = arith.constant 0 : i32
      %dma_wait3A_469 = arith.constant 0 : i32
      %dma_wait3A_470 = tpu.memref_slice %arg10[%run_scoped3A_65, %dma_wait3A_468, %dma_wait3A_469] : memref<8x128x64xf32, #tpu.memory_space<vmem>> -> memref<1x128x64xf32, #tpu.memory_space<vmem>>
      %dma_wait3A_471 = tpu.memref_squeeze %dma_wait3A_470 : memref<1x128x64xf32, #tpu.memory_space<vmem>> -> memref<128x64xf32, #tpu.memory_space<vmem>>
      %dma_wait3A_472 = arith.constant 0 : i32
      %dma_wait3A_473 = tpu.memref_slice %arg11[%add3A_64, %dma_wait3A_472] : memref<10240x64xf32, #tpu.memory_space<vmem_shared>> -> memref<128x64xf32, #tpu.memory_space<vmem_shared>>
      %dma_wait3A_474 = arith.constant 0 : i32
      %dma_wait3A_475 = tpu.memref_slice %arg11[%add3A_64, %dma_wait3A_474] : memref<10240x64xf32, #tpu.memory_space<vmem_shared>> -> memref<128x64xf32, #tpu.memory_space<vmem_shared>>
      %dma_wait3A_476 = arith.constant 0 : i32
      %dma_wait3A_477 = arith.constant 0 : i32
      %dma_wait3A_478 = tpu.memref_slice %arg10[%run_scoped3A_65, %dma_wait3A_476, %dma_wait3A_477] : memref<8x128x64xf32, #tpu.memory_space<vmem>> -> memref<1x128x64xf32, #tpu.memory_space<vmem>>
      %dma_wait3A_479 = tpu.memref_squeeze %dma_wait3A_478 : memref<1x128x64xf32, #tpu.memory_space<vmem>> -> memref<128x64xf32, #tpu.memory_space<vmem>>
      tpu.wait_dma2 semaphore(%run_scoped3A_455 : memref<!tpu.dma_semaphore, #tpu.memory_space<semaphore_mem>>) src(%dma_wait3A_479 : memref<128x64xf32, #tpu.memory_space<vmem>>) dst(%dma_wait3A_475 : memref<128x64xf32, #tpu.memory_space<vmem_shared>>)
      tpu.yield
    }) : () -> ()
    %mul3A_66 = arith.constant 640 : i32
    %mul3A_67 = arith.muli %arg1, %mul3A_66 : i32
    %add3A_68 = arith.constant 384 : i32
    %add3A_69 = arith.addi %mul3A_67, %add3A_68 : i32
    %run_scoped3A_70 = arith.constant 0 : i32
    %run_scoped3A_71 = arith.constant 0 : i32
    "tpu.region"() ({
      %run_scoped3A_455 = tpu.sem_alloc : memref<!tpu.dma_semaphore, #tpu.memory_space<semaphore_mem>>
      %dma_start3A_456 = arith.constant 0 : i32
      %dma_start3A_457 = tpu.memref_slice %arg10[%run_scoped3A_70, %run_scoped3A_71, %dma_start3A_456] : memref<8x128x64xf32, #tpu.memory_space<vmem>> -> memref<1x1x64xf32, #tpu.memory_space<vmem>>
      %dma_start3A_458 = tpu.memref_squeeze %dma_start3A_457 : memref<1x1x64xf32, #tpu.memory_space<vmem>> -> memref<64xf32, #tpu.memory_space<vmem>>
      %dma_start3A_459 = tpu.memref_slice %arg12[%add3A_69] : memref<10240xf32, #tpu.memory_space<vmem_shared>> -> memref<64xf32, #tpu.memory_space<vmem_shared>>
      %dma_start3A_460 = tpu.memref_slice %arg12[%add3A_69] : memref<10240xf32, #tpu.memory_space<vmem_shared>> -> memref<64xf32, #tpu.memory_space<vmem_shared>>
      %dma_start3A_461 = arith.constant 0 : i32
      %dma_start3A_462 = tpu.memref_slice %arg10[%run_scoped3A_70, %run_scoped3A_71, %dma_start3A_461] : memref<8x128x64xf32, #tpu.memory_space<vmem>> -> memref<1x1x64xf32, #tpu.memory_space<vmem>>
      %dma_start3A_463 = tpu.memref_squeeze %dma_start3A_462 : memref<1x1x64xf32, #tpu.memory_space<vmem>> -> memref<64xf32, #tpu.memory_space<vmem>>
      tpu.enqueue_dma source(%dma_start3A_463 : memref<64xf32, #tpu.memory_space<vmem>>) target(%dma_start3A_460 : memref<64xf32, #tpu.memory_space<vmem_shared>>) target_semaphore(%run_scoped3A_455 : memref<!tpu.dma_semaphore, #tpu.memory_space<semaphore_mem>>)
      %dma_wait3A_464 = arith.constant 0 : i32
      %dma_wait3A_465 = tpu.memref_slice %arg10[%run_scoped3A_70, %run_scoped3A_71, %dma_wait3A_464] : memref<8x128x64xf32, #tpu.memory_space<vmem>> -> memref<1x1x64xf32, #tpu.memory_space<vmem>>
      %dma_wait3A_466 = tpu.memref_squeeze %dma_wait3A_465 : memref<1x1x64xf32, #tpu.memory_space<vmem>> -> memref<64xf32, #tpu.memory_space<vmem>>
      %dma_wait3A_467 = tpu.memref_slice %arg12[%add3A_69] : memref<10240xf32, #tpu.memory_space<vmem_shared>> -> memref<64xf32, #tpu.memory_space<vmem_shared>>
      %dma_wait3A_468 = tpu.memref_slice %arg12[%add3A_69] : memref<10240xf32, #tpu.memory_space<vmem_shared>> -> memref<64xf32, #tpu.memory_space<vmem_shared>>
      %dma_wait3A_469 = arith.constant 0 : i32
      %dma_wait3A_470 = tpu.memref_slice %arg10[%run_scoped3A_70, %run_scoped3A_71, %dma_wait3A_469] : memref<8x128x64xf32, #tpu.memory_space<vmem>> -> memref<1x1x64xf32, #tpu.memory_space<vmem>>
      %dma_wait3A_471 = tpu.memref_squeeze %dma_wait3A_470 : memref<1x1x64xf32, #tpu.memory_space<vmem>> -> memref<64xf32, #tpu.memory_space<vmem>>
      tpu.wait_dma2 semaphore(%run_scoped3A_455 : memref<!tpu.dma_semaphore, #tpu.memory_space<semaphore_mem>>) src(%dma_wait3A_471 : memref<64xf32, #tpu.memory_space<vmem>>) dst(%dma_wait3A_468 : memref<64xf32, #tpu.memory_space<vmem_shared>>)
      tpu.yield
    }) : () -> ()
    %mul3A_72 = arith.constant 640 : i32
    %mul3A_73 = arith.muli %arg1, %mul3A_72 : i32
    %add3A_74 = arith.constant 384 : i32
    %add3A_75 = arith.addi %mul3A_73, %add3A_74 : i32
    %add3A_76 = arith.constant 64 : i32
    %add3A_77 = arith.addi %add3A_75, %add3A_76 : i32
    %run_scoped3A_78 = arith.constant 0 : i32
    %run_scoped3A_79 = arith.constant 0 : i32
    "tpu.region"() ({
      %run_scoped3A_455 = tpu.sem_alloc : memref<!tpu.dma_semaphore, #tpu.memory_space<semaphore_mem>>
      %dma_start3A_456 = arith.constant 0 : i32
      %dma_start3A_457 = tpu.memref_slice %arg10[%run_scoped3A_78, %run_scoped3A_79, %dma_start3A_456] : memref<8x128x64xf32, #tpu.memory_space<vmem>> -> memref<1x1x64xf32, #tpu.memory_space<vmem>>
      %dma_start3A_458 = tpu.memref_squeeze %dma_start3A_457 : memref<1x1x64xf32, #tpu.memory_space<vmem>> -> memref<64xf32, #tpu.memory_space<vmem>>
      %dma_start3A_459 = tpu.memref_slice %arg12[%add3A_77] : memref<10240xf32, #tpu.memory_space<vmem_shared>> -> memref<64xf32, #tpu.memory_space<vmem_shared>>
      %dma_start3A_460 = tpu.memref_slice %arg12[%add3A_77] : memref<10240xf32, #tpu.memory_space<vmem_shared>> -> memref<64xf32, #tpu.memory_space<vmem_shared>>
      %dma_start3A_461 = arith.constant 0 : i32
      %dma_start3A_462 = tpu.memref_slice %arg10[%run_scoped3A_78, %run_scoped3A_79, %dma_start3A_461] : memref<8x128x64xf32, #tpu.memory_space<vmem>> -> memref<1x1x64xf32, #tpu.memory_space<vmem>>
      %dma_start3A_463 = tpu.memref_squeeze %dma_start3A_462 : memref<1x1x64xf32, #tpu.memory_space<vmem>> -> memref<64xf32, #tpu.memory_space<vmem>>
      tpu.enqueue_dma source(%dma_start3A_463 : memref<64xf32, #tpu.memory_space<vmem>>) target(%dma_start3A_460 : memref<64xf32, #tpu.memory_space<vmem_shared>>) target_semaphore(%run_scoped3A_455 : memref<!tpu.dma_semaphore, #tpu.memory_space<semaphore_mem>>)
      %dma_wait3A_464 = arith.constant 0 : i32
      %dma_wait3A_465 = tpu.memref_slice %arg10[%run_scoped3A_78, %run_scoped3A_79, %dma_wait3A_464] : memref<8x128x64xf32, #tpu.memory_space<vmem>> -> memref<1x1x64xf32, #tpu.memory_space<vmem>>
      %dma_wait3A_466 = tpu.memref_squeeze %dma_wait3A_465 : memref<1x1x64xf32, #tpu.memory_space<vmem>> -> memref<64xf32, #tpu.memory_space<vmem>>
      %dma_wait3A_467 = tpu.memref_slice %arg12[%add3A_77] : memref<10240xf32, #tpu.memory_space<vmem_shared>> -> memref<64xf32, #tpu.memory_space<vmem_shared>>
      %dma_wait3A_468 = tpu.memref_slice %arg12[%add3A_77] : memref<10240xf32, #tpu.memory_space<vmem_shared>> -> memref<64xf32, #tpu.memory_space<vmem_shared>>
      %dma_wait3A_469 = arith.constant 0 : i32
      %dma_wait3A_470 = tpu.memref_slice %arg10[%run_scoped3A_78, %run_scoped3A_79, %dma_wait3A_469] : memref<8x128x64xf32, #tpu.memory_space<vmem>> -> memref<1x1x64xf32, #tpu.memory_space<vmem>>
      %dma_wait3A_471 = tpu.memref_squeeze %dma_wait3A_470 : memref<1x1x64xf32, #tpu.memory_space<vmem>> -> memref<64xf32, #tpu.memory_space<vmem>>
      tpu.wait_dma2 semaphore(%run_scoped3A_455 : memref<!tpu.dma_semaphore, #tpu.memory_space<semaphore_mem>>) src(%dma_wait3A_471 : memref<64xf32, #tpu.memory_space<vmem>>) dst(%dma_wait3A_468 : memref<64xf32, #tpu.memory_space<vmem_shared>>)
      tpu.yield
    }) : () -> ()
    %mul3A_80 = arith.constant 640 : i32
    %mul3A_81 = arith.muli %arg1, %mul3A_80 : i32
    %add3A_82 = arith.constant 512 : i32
    %add3A_83 = arith.addi %mul3A_81, %add3A_82 : i32
    %run_scoped3A_84 = arith.constant 0 : i32
    "tpu.region"() ({
      %run_scoped3A_455 = tpu.sem_alloc : memref<!tpu.dma_semaphore, #tpu.memory_space<semaphore_mem>>
      %dma_start3A_456 = arith.constant 0 : i32
      %dma_start3A_457 = arith.constant 0 : i32
      %dma_start3A_458 = tpu.memref_slice %arg10[%run_scoped3A_84, %dma_start3A_456, %dma_start3A_457] : memref<8x128x64xf32, #tpu.memory_space<vmem>> -> memref<1x128x64xf32, #tpu.memory_space<vmem>>
      %dma_start3A_459 = tpu.memref_squeeze %dma_start3A_458 : memref<1x128x64xf32, #tpu.memory_space<vmem>> -> memref<128x64xf32, #tpu.memory_space<vmem>>
      %dma_start3A_460 = arith.constant 0 : i32
      %dma_start3A_461 = tpu.memref_slice %arg11[%add3A_83, %dma_start3A_460] : memref<10240x64xf32, #tpu.memory_space<vmem_shared>> -> memref<128x64xf32, #tpu.memory_space<vmem_shared>>
      %dma_start3A_462 = arith.constant 0 : i32
      %dma_start3A_463 = tpu.memref_slice %arg11[%add3A_83, %dma_start3A_462] : memref<10240x64xf32, #tpu.memory_space<vmem_shared>> -> memref<128x64xf32, #tpu.memory_space<vmem_shared>>
      %dma_start3A_464 = arith.constant 0 : i32
      %dma_start3A_465 = arith.constant 0 : i32
      %dma_start3A_466 = tpu.memref_slice %arg10[%run_scoped3A_84, %dma_start3A_464, %dma_start3A_465] : memref<8x128x64xf32, #tpu.memory_space<vmem>> -> memref<1x128x64xf32, #tpu.memory_space<vmem>>
      %dma_start3A_467 = tpu.memref_squeeze %dma_start3A_466 : memref<1x128x64xf32, #tpu.memory_space<vmem>> -> memref<128x64xf32, #tpu.memory_space<vmem>>
      tpu.enqueue_dma source(%dma_start3A_467 : memref<128x64xf32, #tpu.memory_space<vmem>>) target(%dma_start3A_463 : memref<128x64xf32, #tpu.memory_space<vmem_shared>>) target_semaphore(%run_scoped3A_455 : memref<!tpu.dma_semaphore, #tpu.memory_space<semaphore_mem>>)
      %dma_wait3A_468 = arith.constant 0 : i32
      %dma_wait3A_469 = arith.constant 0 : i32
      %dma_wait3A_470 = tpu.memref_slice %arg10[%run_scoped3A_84, %dma_wait3A_468, %dma_wait3A_469] : memref<8x128x64xf32, #tpu.memory_space<vmem>> -> memref<1x128x64xf32, #tpu.memory_space<vmem>>
      %dma_wait3A_471 = tpu.memref_squeeze %dma_wait3A_470 : memref<1x128x64xf32, #tpu.memory_space<vmem>> -> memref<128x64xf32, #tpu.memory_space<vmem>>
      %dma_wait3A_472 = arith.constant 0 : i32
      %dma_wait3A_473 = tpu.memref_slice %arg11[%add3A_83, %dma_wait3A_472] : memref<10240x64xf32, #tpu.memory_space<vmem_shared>> -> memref<128x64xf32, #tpu.memory_space<vmem_shared>>
      %dma_wait3A_474 = arith.constant 0 : i32
      %dma_wait3A_475 = tpu.memref_slice %arg11[%add3A_83, %dma_wait3A_474] : memref<10240x64xf32, #tpu.memory_space<vmem_shared>> -> memref<128x64xf32, #tpu.memory_space<vmem_shared>>
      %dma_wait3A_476 = arith.constant 0 : i32
      %dma_wait3A_477 = arith.constant 0 : i32
      %dma_wait3A_478 = tpu.memref_slice %arg10[%run_scoped3A_84, %dma_wait3A_476, %dma_wait3A_477] : memref<8x128x64xf32, #tpu.memory_space<vmem>> -> memref<1x128x64xf32, #tpu.memory_space<vmem>>
      %dma_wait3A_479 = tpu.memref_squeeze %dma_wait3A_478 : memref<1x128x64xf32, #tpu.memory_space<vmem>> -> memref<128x64xf32, #tpu.memory_space<vmem>>
      tpu.wait_dma2 semaphore(%run_scoped3A_455 : memref<!tpu.dma_semaphore, #tpu.memory_space<semaphore_mem>>) src(%dma_wait3A_479 : memref<128x64xf32, #tpu.memory_space<vmem>>) dst(%dma_wait3A_475 : memref<128x64xf32, #tpu.memory_space<vmem_shared>>)
      tpu.yield
    }) : () -> ()
    %mul3A_85 = arith.constant 640 : i32
    %mul3A_86 = arith.muli %arg1, %mul3A_85 : i32
    %add3A_87 = arith.constant 512 : i32
    %add3A_88 = arith.addi %mul3A_86, %add3A_87 : i32
    %run_scoped3A_89 = arith.constant 0 : i32
    %run_scoped3A_90 = arith.constant 0 : i32
    "tpu.region"() ({
      %run_scoped3A_455 = tpu.sem_alloc : memref<!tpu.dma_semaphore, #tpu.memory_space<semaphore_mem>>
      %dma_start3A_456 = arith.constant 0 : i32
      %dma_start3A_457 = tpu.memref_slice %arg10[%run_scoped3A_89, %run_scoped3A_90, %dma_start3A_456] : memref<8x128x64xf32, #tpu.memory_space<vmem>> -> memref<1x1x64xf32, #tpu.memory_space<vmem>>
      %dma_start3A_458 = tpu.memref_squeeze %dma_start3A_457 : memref<1x1x64xf32, #tpu.memory_space<vmem>> -> memref<64xf32, #tpu.memory_space<vmem>>
      %dma_start3A_459 = tpu.memref_slice %arg12[%add3A_88] : memref<10240xf32, #tpu.memory_space<vmem_shared>> -> memref<64xf32, #tpu.memory_space<vmem_shared>>
      %dma_start3A_460 = tpu.memref_slice %arg12[%add3A_88] : memref<10240xf32, #tpu.memory_space<vmem_shared>> -> memref<64xf32, #tpu.memory_space<vmem_shared>>
      %dma_start3A_461 = arith.constant 0 : i32
      %dma_start3A_462 = tpu.memref_slice %arg10[%run_scoped3A_89, %run_scoped3A_90, %dma_start3A_461] : memref<8x128x64xf32, #tpu.memory_space<vmem>> -> memref<1x1x64xf32, #tpu.memory_space<vmem>>
      %dma_start3A_463 = tpu.memref_squeeze %dma_start3A_462 : memref<1x1x64xf32, #tpu.memory_space<vmem>> -> memref<64xf32, #tpu.memory_space<vmem>>
      tpu.enqueue_dma source(%dma_start3A_463 : memref<64xf32, #tpu.memory_space<vmem>>) target(%dma_start3A_460 : memref<64xf32, #tpu.memory_space<vmem_shared>>) target_semaphore(%run_scoped3A_455 : memref<!tpu.dma_semaphore, #tpu.memory_space<semaphore_mem>>)
      %dma_wait3A_464 = arith.constant 0 : i32
      %dma_wait3A_465 = tpu.memref_slice %arg10[%run_scoped3A_89, %run_scoped3A_90, %dma_wait3A_464] : memref<8x128x64xf32, #tpu.memory_space<vmem>> -> memref<1x1x64xf32, #tpu.memory_space<vmem>>
      %dma_wait3A_466 = tpu.memref_squeeze %dma_wait3A_465 : memref<1x1x64xf32, #tpu.memory_space<vmem>> -> memref<64xf32, #tpu.memory_space<vmem>>
      %dma_wait3A_467 = tpu.memref_slice %arg12[%add3A_88] : memref<10240xf32, #tpu.memory_space<vmem_shared>> -> memref<64xf32, #tpu.memory_space<vmem_shared>>
      %dma_wait3A_468 = tpu.memref_slice %arg12[%add3A_88] : memref<10240xf32, #tpu.memory_space<vmem_shared>> -> memref<64xf32, #tpu.memory_space<vmem_shared>>
      %dma_wait3A_469 = arith.constant 0 : i32
      %dma_wait3A_470 = tpu.memref_slice %arg10[%run_scoped3A_89, %run_scoped3A_90, %dma_wait3A_469] : memref<8x128x64xf32, #tpu.memory_space<vmem>> -> memref<1x1x64xf32, #tpu.memory_space<vmem>>
      %dma_wait3A_471 = tpu.memref_squeeze %dma_wait3A_470 : memref<1x1x64xf32, #tpu.memory_space<vmem>> -> memref<64xf32, #tpu.memory_space<vmem>>
      tpu.wait_dma2 semaphore(%run_scoped3A_455 : memref<!tpu.dma_semaphore, #tpu.memory_space<semaphore_mem>>) src(%dma_wait3A_471 : memref<64xf32, #tpu.memory_space<vmem>>) dst(%dma_wait3A_468 : memref<64xf32, #tpu.memory_space<vmem_shared>>)
      tpu.yield
    }) : () -> ()
    %mul3A_91 = arith.constant 640 : i32
    %mul3A_92 = arith.muli %arg1, %mul3A_91 : i32
    %add3A_93 = arith.constant 512 : i32
    %add3A_94 = arith.addi %mul3A_92, %add3A_93 : i32
    %add3A_95 = arith.constant 64 : i32
    %add3A_96 = arith.addi %add3A_94, %add3A_95 : i32
    %run_scoped3A_97 = arith.constant 0 : i32
    %run_scoped3A_98 = arith.constant 0 : i32
    "tpu.region"() ({
      %run_scoped3A_455 = tpu.sem_alloc : memref<!tpu.dma_semaphore, #tpu.memory_space<semaphore_mem>>
      %dma_start3A_456 = arith.constant 0 : i32
      %dma_start3A_457 = tpu.memref_slice %arg10[%run_scoped3A_97, %run_scoped3A_98, %dma_start3A_456] : memref<8x128x64xf32, #tpu.memory_space<vmem>> -> memref<1x1x64xf32, #tpu.memory_space<vmem>>
      %dma_start3A_458 = tpu.memref_squeeze %dma_start3A_457 : memref<1x1x64xf32, #tpu.memory_space<vmem>> -> memref<64xf32, #tpu.memory_space<vmem>>
      %dma_start3A_459 = tpu.memref_slice %arg12[%add3A_96] : memref<10240xf32, #tpu.memory_space<vmem_shared>> -> memref<64xf32, #tpu.memory_space<vmem_shared>>
      %dma_start3A_460 = tpu.memref_slice %arg12[%add3A_96] : memref<10240xf32, #tpu.memory_space<vmem_shared>> -> memref<64xf32, #tpu.memory_space<vmem_shared>>
      %dma_start3A_461 = arith.constant 0 : i32
      %dma_start3A_462 = tpu.memref_slice %arg10[%run_scoped3A_97, %run_scoped3A_98, %dma_start3A_461] : memref<8x128x64xf32, #tpu.memory_space<vmem>> -> memref<1x1x64xf32, #tpu.memory_space<vmem>>
      %dma_start3A_463 = tpu.memref_squeeze %dma_start3A_462 : memref<1x1x64xf32, #tpu.memory_space<vmem>> -> memref<64xf32, #tpu.memory_space<vmem>>
      tpu.enqueue_dma source(%dma_start3A_463 : memref<64xf32, #tpu.memory_space<vmem>>) target(%dma_start3A_460 : memref<64xf32, #tpu.memory_space<vmem_shared>>) target_semaphore(%run_scoped3A_455 : memref<!tpu.dma_semaphore, #tpu.memory_space<semaphore_mem>>)
      %dma_wait3A_464 = arith.constant 0 : i32
      %dma_wait3A_465 = tpu.memref_slice %arg10[%run_scoped3A_97, %run_scoped3A_98, %dma_wait3A_464] : memref<8x128x64xf32, #tpu.memory_space<vmem>> -> memref<1x1x64xf32, #tpu.memory_space<vmem>>
      %dma_wait3A_466 = tpu.memref_squeeze %dma_wait3A_465 : memref<1x1x64xf32, #tpu.memory_space<vmem>> -> memref<64xf32, #tpu.memory_space<vmem>>
      %dma_wait3A_467 = tpu.memref_slice %arg12[%add3A_96] : memref<10240xf32, #tpu.memory_space<vmem_shared>> -> memref<64xf32, #tpu.memory_space<vmem_shared>>
      %dma_wait3A_468 = tpu.memref_slice %arg12[%add3A_96] : memref<10240xf32, #tpu.memory_space<vmem_shared>> -> memref<64xf32, #tpu.memory_space<vmem_shared>>
      %dma_wait3A_469 = arith.constant 0 : i32
      %dma_wait3A_470 = tpu.memref_slice %arg10[%run_scoped3A_97, %run_scoped3A_98, %dma_wait3A_469] : memref<8x128x64xf32, #tpu.memory_space<vmem>> -> memref<1x1x64xf32, #tpu.memory_space<vmem>>
      %dma_wait3A_471 = tpu.memref_squeeze %dma_wait3A_470 : memref<1x1x64xf32, #tpu.memory_space<vmem>> -> memref<64xf32, #tpu.memory_space<vmem>>
      tpu.wait_dma2 semaphore(%run_scoped3A_455 : memref<!tpu.dma_semaphore, #tpu.memory_space<semaphore_mem>>) src(%dma_wait3A_471 : memref<64xf32, #tpu.memory_space<vmem>>) dst(%dma_wait3A_468 : memref<64xf32, #tpu.memory_space<vmem_shared>>)
      tpu.yield
    }) : () -> ()
    %run_scoped3A_99 = arith.constant 0 : i32
    %run_scoped3A_100 = arith.constant 0 : i32
    "tpu.region"() ({
      %run_scoped3A_455 = tpu.sem_alloc : memref<!tpu.dma_semaphore, #tpu.memory_space<semaphore_mem>>
      %dma_start3A_456 = arith.constant 0 : i32
      %dma_start3A_457 = arith.constant 0 : i32
      %dma_start3A_458 = tpu.memref_slice %arg8[%run_scoped3A_100, %dma_start3A_456, %dma_start3A_457] : memref<8x2x128xi32, #tpu.memory_space<vmem>> -> memref<1x2x128xi32, #tpu.memory_space<vmem>>
      %dma_start3A_459 = tpu.memref_squeeze %dma_start3A_458 : memref<1x2x128xi32, #tpu.memory_space<vmem>> -> memref<2x128xi32, #tpu.memory_space<vmem>>
      %dma_start3A_460 = arith.constant 0 : i32
      %dma_start3A_461 = arith.constant 0 : i32
      %dma_start3A_462 = tpu.memref_slice %arg2[%arg1, %run_scoped3A_99, %dma_start3A_460, %dma_start3A_461] : memref<16x160x2x128xi32, #tpu.memory_space<hbm>> -> memref<1x1x2x128xi32, #tpu.memory_space<hbm>>
      %dma_start3A_463 = tpu.memref_squeeze %dma_start3A_462 : memref<1x1x2x128xi32, #tpu.memory_space<hbm>> -> memref<2x128xi32, #tpu.memory_space<hbm>>
      %dma_start3A_464 = arith.constant 0 : i32
      %dma_start3A_465 = arith.constant 0 : i32
      %dma_start3A_466 = tpu.memref_slice %arg8[%run_scoped3A_100, %dma_start3A_464, %dma_start3A_465] : memref<8x2x128xi32, #tpu.memory_space<vmem>> -> memref<1x2x128xi32, #tpu.memory_space<vmem>>
      %dma_start3A_467 = tpu.memref_squeeze %dma_start3A_466 : memref<1x2x128xi32, #tpu.memory_space<vmem>> -> memref<2x128xi32, #tpu.memory_space<vmem>>
      %dma_start3A_468 = arith.constant 0 : i32
      %dma_start3A_469 = arith.constant 0 : i32
      %dma_start3A_470 = tpu.memref_slice %arg2[%arg1, %run_scoped3A_99, %dma_start3A_468, %dma_start3A_469] : memref<16x160x2x128xi32, #tpu.memory_space<hbm>> -> memref<1x1x2x128xi32, #tpu.memory_space<hbm>>
      %dma_start3A_471 = tpu.memref_squeeze %dma_start3A_470 : memref<1x1x2x128xi32, #tpu.memory_space<hbm>> -> memref<2x128xi32, #tpu.memory_space<hbm>>
      tpu.enqueue_dma source(%dma_start3A_471 : memref<2x128xi32, #tpu.memory_space<hbm>>) target(%dma_start3A_467 : memref<2x128xi32, #tpu.memory_space<vmem>>) target_semaphore(%run_scoped3A_455 : memref<!tpu.dma_semaphore, #tpu.memory_space<semaphore_mem>>)
      %dma_wait3A_472 = arith.constant 0 : i32
      %dma_wait3A_473 = arith.constant 0 : i32
      %dma_wait3A_474 = tpu.memref_slice %arg8[%run_scoped3A_100, %dma_wait3A_472, %dma_wait3A_473] : memref<8x2x128xi32, #tpu.memory_space<vmem>> -> memref<1x2x128xi32, #tpu.memory_space<vmem>>
      %dma_wait3A_475 = tpu.memref_squeeze %dma_wait3A_474 : memref<1x2x128xi32, #tpu.memory_space<vmem>> -> memref<2x128xi32, #tpu.memory_space<vmem>>
      %dma_wait3A_476 = arith.constant 0 : i32
      %dma_wait3A_477 = arith.constant 0 : i32
      %dma_wait3A_478 = tpu.memref_slice %arg2[%arg1, %run_scoped3A_99, %dma_wait3A_476, %dma_wait3A_477] : memref<16x160x2x128xi32, #tpu.memory_space<hbm>> -> memref<1x1x2x128xi32, #tpu.memory_space<hbm>>
      %dma_wait3A_479 = tpu.memref_squeeze %dma_wait3A_478 : memref<1x1x2x128xi32, #tpu.memory_space<hbm>> -> memref<2x128xi32, #tpu.memory_space<hbm>>
      %dma_wait3A_480 = arith.constant 0 : i32
      %dma_wait3A_481 = arith.constant 0 : i32
      %dma_wait3A_482 = tpu.memref_slice %arg8[%run_scoped3A_100, %dma_wait3A_480, %dma_wait3A_481] : memref<8x2x128xi32, #tpu.memory_space<vmem>> -> memref<1x2x128xi32, #tpu.memory_space<vmem>>
      %dma_wait3A_483 = tpu.memref_squeeze %dma_wait3A_482 : memref<1x2x128xi32, #tpu.memory_space<vmem>> -> memref<2x128xi32, #tpu.memory_space<vmem>>
      %dma_wait3A_484 = arith.constant 0 : i32
      %dma_wait3A_485 = arith.constant 0 : i32
      %dma_wait3A_486 = tpu.memref_slice %arg2[%arg1, %run_scoped3A_99, %dma_wait3A_484, %dma_wait3A_485] : memref<16x160x2x128xi32, #tpu.memory_space<hbm>> -> memref<1x1x2x128xi32, #tpu.memory_space<hbm>>
      %dma_wait3A_487 = tpu.memref_squeeze %dma_wait3A_486 : memref<1x1x2x128xi32, #tpu.memory_space<hbm>> -> memref<2x128xi32, #tpu.memory_space<hbm>>
      tpu.wait_dma2 semaphore(%run_scoped3A_455 : memref<!tpu.dma_semaphore, #tpu.memory_space<semaphore_mem>>) src(%dma_wait3A_487 : memref<2x128xi32, #tpu.memory_space<hbm>>) dst(%dma_wait3A_483 : memref<2x128xi32, #tpu.memory_space<vmem>>)
      tpu.yield
    }) : () -> ()
    %dma_start3A = arith.constant 1 : i32
    %dma_start3A_101 = arith.constant 1 : i32
    %dma_start3A_102 = arith.constant 0 : i32
    %dma_start3A_103 = arith.constant 0 : i32
    %dma_start3A_104 = tpu.memref_slice %arg8[%dma_start3A_101, %dma_start3A_102, %dma_start3A_103] : memref<8x2x128xi32, #tpu.memory_space<vmem>> -> memref<1x2x128xi32, #tpu.memory_space<vmem>>
    %dma_start3A_105 = tpu.memref_squeeze %dma_start3A_104 : memref<1x2x128xi32, #tpu.memory_space<vmem>> -> memref<2x128xi32, #tpu.memory_space<vmem>>
    %dma_start3A_106 = arith.constant 0 : i32
    %dma_start3A_107 = arith.constant 0 : i32
    %dma_start3A_108 = tpu.memref_slice %arg2[%arg1, %dma_start3A, %dma_start3A_106, %dma_start3A_107] : memref<16x160x2x128xi32, #tpu.memory_space<hbm>> -> memref<1x1x2x128xi32, #tpu.memory_space<hbm>>
    %dma_start3A_109 = tpu.memref_squeeze %dma_start3A_108 : memref<1x1x2x128xi32, #tpu.memory_space<hbm>> -> memref<2x128xi32, #tpu.memory_space<hbm>>
    %dma_start3A_110 = arith.constant 0 : i32
    %dma_start3A_111 = arith.constant 0 : i32
    %dma_start3A_112 = tpu.memref_slice %arg8[%dma_start3A_101, %dma_start3A_110, %dma_start3A_111] : memref<8x2x128xi32, #tpu.memory_space<vmem>> -> memref<1x2x128xi32, #tpu.memory_space<vmem>>
    %dma_start3A_113 = tpu.memref_squeeze %dma_start3A_112 : memref<1x2x128xi32, #tpu.memory_space<vmem>> -> memref<2x128xi32, #tpu.memory_space<vmem>>
    %dma_start3A_114 = arith.constant 0 : i32
    %dma_start3A_115 = arith.constant 0 : i32
    %dma_start3A_116 = tpu.memref_slice %arg2[%arg1, %dma_start3A, %dma_start3A_114, %dma_start3A_115] : memref<16x160x2x128xi32, #tpu.memory_space<hbm>> -> memref<1x1x2x128xi32, #tpu.memory_space<hbm>>
    %dma_start3A_117 = tpu.memref_squeeze %dma_start3A_116 : memref<1x1x2x128xi32, #tpu.memory_space<hbm>> -> memref<2x128xi32, #tpu.memory_space<hbm>>
    tpu.enqueue_dma source(%dma_start3A_117 : memref<2x128xi32, #tpu.memory_space<hbm>>) target(%dma_start3A_113 : memref<2x128xi32, #tpu.memory_space<vmem>>) target_semaphore(%arg22 : memref<!tpu.dma_semaphore, #tpu.memory_space<semaphore_mem>>)
    %dma_start3A_118 = arith.constant 2 : i32
    %dma_start3A_119 = arith.constant 2 : i32
    %dma_start3A_120 = arith.constant 0 : i32
    %dma_start3A_121 = arith.constant 0 : i32
    %dma_start3A_122 = tpu.memref_slice %arg8[%dma_start3A_119, %dma_start3A_120, %dma_start3A_121] : memref<8x2x128xi32, #tpu.memory_space<vmem>> -> memref<1x2x128xi32, #tpu.memory_space<vmem>>
    %dma_start3A_123 = tpu.memref_squeeze %dma_start3A_122 : memref<1x2x128xi32, #tpu.memory_space<vmem>> -> memref<2x128xi32, #tpu.memory_space<vmem>>
    %dma_start3A_124 = arith.constant 0 : i32
    %dma_start3A_125 = arith.constant 0 : i32
    %dma_start3A_126 = tpu.memref_slice %arg2[%arg1, %dma_start3A_118, %dma_start3A_124, %dma_start3A_125] : memref<16x160x2x128xi32, #tpu.memory_space<hbm>> -> memref<1x1x2x128xi32, #tpu.memory_space<hbm>>
    %dma_start3A_127 = tpu.memref_squeeze %dma_start3A_126 : memref<1x1x2x128xi32, #tpu.memory_space<hbm>> -> memref<2x128xi32, #tpu.memory_space<hbm>>
    %dma_start3A_128 = arith.constant 0 : i32
    %dma_start3A_129 = arith.constant 0 : i32
    %dma_start3A_130 = tpu.memref_slice %arg8[%dma_start3A_119, %dma_start3A_128, %dma_start3A_129] : memref<8x2x128xi32, #tpu.memory_space<vmem>> -> memref<1x2x128xi32, #tpu.memory_space<vmem>>
    %dma_start3A_131 = tpu.memref_squeeze %dma_start3A_130 : memref<1x2x128xi32, #tpu.memory_space<vmem>> -> memref<2x128xi32, #tpu.memory_space<vmem>>
    %dma_start3A_132 = arith.constant 0 : i32
    %dma_start3A_133 = arith.constant 0 : i32
    %dma_start3A_134 = tpu.memref_slice %arg2[%arg1, %dma_start3A_118, %dma_start3A_132, %dma_start3A_133] : memref<16x160x2x128xi32, #tpu.memory_space<hbm>> -> memref<1x1x2x128xi32, #tpu.memory_space<hbm>>
    %dma_start3A_135 = tpu.memref_squeeze %dma_start3A_134 : memref<1x1x2x128xi32, #tpu.memory_space<hbm>> -> memref<2x128xi32, #tpu.memory_space<hbm>>
    tpu.enqueue_dma source(%dma_start3A_135 : memref<2x128xi32, #tpu.memory_space<hbm>>) target(%dma_start3A_131 : memref<2x128xi32, #tpu.memory_space<vmem>>) target_semaphore(%arg23 : memref<!tpu.dma_semaphore, #tpu.memory_space<semaphore_mem>>)
    %dma_start3A_136 = arith.constant 3 : i32
    %dma_start3A_137 = arith.constant 3 : i32
    %dma_start3A_138 = arith.constant 0 : i32
    %dma_start3A_139 = arith.constant 0 : i32
    %dma_start3A_140 = tpu.memref_slice %arg8[%dma_start3A_137, %dma_start3A_138, %dma_start3A_139] : memref<8x2x128xi32, #tpu.memory_space<vmem>> -> memref<1x2x128xi32, #tpu.memory_space<vmem>>
    %dma_start3A_141 = tpu.memref_squeeze %dma_start3A_140 : memref<1x2x128xi32, #tpu.memory_space<vmem>> -> memref<2x128xi32, #tpu.memory_space<vmem>>
    %dma_start3A_142 = arith.constant 0 : i32
    %dma_start3A_143 = arith.constant 0 : i32
    %dma_start3A_144 = tpu.memref_slice %arg2[%arg1, %dma_start3A_136, %dma_start3A_142, %dma_start3A_143] : memref<16x160x2x128xi32, #tpu.memory_space<hbm>> -> memref<1x1x2x128xi32, #tpu.memory_space<hbm>>
    %dma_start3A_145 = tpu.memref_squeeze %dma_start3A_144 : memref<1x1x2x128xi32, #tpu.memory_space<hbm>> -> memref<2x128xi32, #tpu.memory_space<hbm>>
    %dma_start3A_146 = arith.constant 0 : i32
    %dma_start3A_147 = arith.constant 0 : i32
    %dma_start3A_148 = tpu.memref_slice %arg8[%dma_start3A_137, %dma_start3A_146, %dma_start3A_147] : memref<8x2x128xi32, #tpu.memory_space<vmem>> -> memref<1x2x128xi32, #tpu.memory_space<vmem>>
    %dma_start3A_149 = tpu.memref_squeeze %dma_start3A_148 : memref<1x2x128xi32, #tpu.memory_space<vmem>> -> memref<2x128xi32, #tpu.memory_space<vmem>>
    %dma_start3A_150 = arith.constant 0 : i32
    %dma_start3A_151 = arith.constant 0 : i32
    %dma_start3A_152 = tpu.memref_slice %arg2[%arg1, %dma_start3A_136, %dma_start3A_150, %dma_start3A_151] : memref<16x160x2x128xi32, #tpu.memory_space<hbm>> -> memref<1x1x2x128xi32, #tpu.memory_space<hbm>>
    %dma_start3A_153 = tpu.memref_squeeze %dma_start3A_152 : memref<1x1x2x128xi32, #tpu.memory_space<hbm>> -> memref<2x128xi32, #tpu.memory_space<hbm>>
    tpu.enqueue_dma source(%dma_start3A_153 : memref<2x128xi32, #tpu.memory_space<hbm>>) target(%dma_start3A_149 : memref<2x128xi32, #tpu.memory_space<vmem>>) target_semaphore(%arg24 : memref<!tpu.dma_semaphore, #tpu.memory_space<semaphore_mem>>)
    %dma_start3A_154 = arith.constant 4 : i32
    %dma_start3A_155 = arith.constant 4 : i32
    %dma_start3A_156 = arith.constant 0 : i32
    %dma_start3A_157 = arith.constant 0 : i32
    %dma_start3A_158 = tpu.memref_slice %arg8[%dma_start3A_155, %dma_start3A_156, %dma_start3A_157] : memref<8x2x128xi32, #tpu.memory_space<vmem>> -> memref<1x2x128xi32, #tpu.memory_space<vmem>>
    %dma_start3A_159 = tpu.memref_squeeze %dma_start3A_158 : memref<1x2x128xi32, #tpu.memory_space<vmem>> -> memref<2x128xi32, #tpu.memory_space<vmem>>
    %dma_start3A_160 = arith.constant 0 : i32
    %dma_start3A_161 = arith.constant 0 : i32
    %dma_start3A_162 = tpu.memref_slice %arg2[%arg1, %dma_start3A_154, %dma_start3A_160, %dma_start3A_161] : memref<16x160x2x128xi32, #tpu.memory_space<hbm>> -> memref<1x1x2x128xi32, #tpu.memory_space<hbm>>
    %dma_start3A_163 = tpu.memref_squeeze %dma_start3A_162 : memref<1x1x2x128xi32, #tpu.memory_space<hbm>> -> memref<2x128xi32, #tpu.memory_space<hbm>>
    %dma_start3A_164 = arith.constant 0 : i32
    %dma_start3A_165 = arith.constant 0 : i32
    %dma_start3A_166 = tpu.memref_slice %arg8[%dma_start3A_155, %dma_start3A_164, %dma_start3A_165] : memref<8x2x128xi32, #tpu.memory_space<vmem>> -> memref<1x2x128xi32, #tpu.memory_space<vmem>>
    %dma_start3A_167 = tpu.memref_squeeze %dma_start3A_166 : memref<1x2x128xi32, #tpu.memory_space<vmem>> -> memref<2x128xi32, #tpu.memory_space<vmem>>
    %dma_start3A_168 = arith.constant 0 : i32
    %dma_start3A_169 = arith.constant 0 : i32
    %dma_start3A_170 = tpu.memref_slice %arg2[%arg1, %dma_start3A_154, %dma_start3A_168, %dma_start3A_169] : memref<16x160x2x128xi32, #tpu.memory_space<hbm>> -> memref<1x1x2x128xi32, #tpu.memory_space<hbm>>
    %dma_start3A_171 = tpu.memref_squeeze %dma_start3A_170 : memref<1x1x2x128xi32, #tpu.memory_space<hbm>> -> memref<2x128xi32, #tpu.memory_space<hbm>>
    tpu.enqueue_dma source(%dma_start3A_171 : memref<2x128xi32, #tpu.memory_space<hbm>>) target(%dma_start3A_167 : memref<2x128xi32, #tpu.memory_space<vmem>>) target_semaphore(%arg25 : memref<!tpu.dma_semaphore, #tpu.memory_space<semaphore_mem>>)
    %dma_start3A_172 = arith.constant 5 : i32
    %dma_start3A_173 = arith.constant 5 : i32
    %dma_start3A_174 = arith.constant 0 : i32
    %dma_start3A_175 = arith.constant 0 : i32
    %dma_start3A_176 = tpu.memref_slice %arg8[%dma_start3A_173, %dma_start3A_174, %dma_start3A_175] : memref<8x2x128xi32, #tpu.memory_space<vmem>> -> memref<1x2x128xi32, #tpu.memory_space<vmem>>
    %dma_start3A_177 = tpu.memref_squeeze %dma_start3A_176 : memref<1x2x128xi32, #tpu.memory_space<vmem>> -> memref<2x128xi32, #tpu.memory_space<vmem>>
    %dma_start3A_178 = arith.constant 0 : i32
    %dma_start3A_179 = arith.constant 0 : i32
    %dma_start3A_180 = tpu.memref_slice %arg2[%arg1, %dma_start3A_172, %dma_start3A_178, %dma_start3A_179] : memref<16x160x2x128xi32, #tpu.memory_space<hbm>> -> memref<1x1x2x128xi32, #tpu.memory_space<hbm>>
    %dma_start3A_181 = tpu.memref_squeeze %dma_start3A_180 : memref<1x1x2x128xi32, #tpu.memory_space<hbm>> -> memref<2x128xi32, #tpu.memory_space<hbm>>
    %dma_start3A_182 = arith.constant 0 : i32
    %dma_start3A_183 = arith.constant 0 : i32
    %dma_start3A_184 = tpu.memref_slice %arg8[%dma_start3A_173, %dma_start3A_182, %dma_start3A_183] : memref<8x2x128xi32, #tpu.memory_space<vmem>> -> memref<1x2x128xi32, #tpu.memory_space<vmem>>
    %dma_start3A_185 = tpu.memref_squeeze %dma_start3A_184 : memref<1x2x128xi32, #tpu.memory_space<vmem>> -> memref<2x128xi32, #tpu.memory_space<vmem>>
    %dma_start3A_186 = arith.constant 0 : i32
    %dma_start3A_187 = arith.constant 0 : i32
    %dma_start3A_188 = tpu.memref_slice %arg2[%arg1, %dma_start3A_172, %dma_start3A_186, %dma_start3A_187] : memref<16x160x2x128xi32, #tpu.memory_space<hbm>> -> memref<1x1x2x128xi32, #tpu.memory_space<hbm>>
    %dma_start3A_189 = tpu.memref_squeeze %dma_start3A_188 : memref<1x1x2x128xi32, #tpu.memory_space<hbm>> -> memref<2x128xi32, #tpu.memory_space<hbm>>
    tpu.enqueue_dma source(%dma_start3A_189 : memref<2x128xi32, #tpu.memory_space<hbm>>) target(%dma_start3A_185 : memref<2x128xi32, #tpu.memory_space<vmem>>) target_semaphore(%arg26 : memref<!tpu.dma_semaphore, #tpu.memory_space<semaphore_mem>>)
    %dma_start3A_190 = arith.constant 6 : i32
    %dma_start3A_191 = arith.constant 6 : i32
    %dma_start3A_192 = arith.constant 0 : i32
    %dma_start3A_193 = arith.constant 0 : i32
    %dma_start3A_194 = tpu.memref_slice %arg8[%dma_start3A_191, %dma_start3A_192, %dma_start3A_193] : memref<8x2x128xi32, #tpu.memory_space<vmem>> -> memref<1x2x128xi32, #tpu.memory_space<vmem>>
    %dma_start3A_195 = tpu.memref_squeeze %dma_start3A_194 : memref<1x2x128xi32, #tpu.memory_space<vmem>> -> memref<2x128xi32, #tpu.memory_space<vmem>>
    %dma_start3A_196 = arith.constant 0 : i32
    %dma_start3A_197 = arith.constant 0 : i32
    %dma_start3A_198 = tpu.memref_slice %arg2[%arg1, %dma_start3A_190, %dma_start3A_196, %dma_start3A_197] : memref<16x160x2x128xi32, #tpu.memory_space<hbm>> -> memref<1x1x2x128xi32, #tpu.memory_space<hbm>>
    %dma_start3A_199 = tpu.memref_squeeze %dma_start3A_198 : memref<1x1x2x128xi32, #tpu.memory_space<hbm>> -> memref<2x128xi32, #tpu.memory_space<hbm>>
    %dma_start3A_200 = arith.constant 0 : i32
    %dma_start3A_201 = arith.constant 0 : i32
    %dma_start3A_202 = tpu.memref_slice %arg8[%dma_start3A_191, %dma_start3A_200, %dma_start3A_201] : memref<8x2x128xi32, #tpu.memory_space<vmem>> -> memref<1x2x128xi32, #tpu.memory_space<vmem>>
    %dma_start3A_203 = tpu.memref_squeeze %dma_start3A_202 : memref<1x2x128xi32, #tpu.memory_space<vmem>> -> memref<2x128xi32, #tpu.memory_space<vmem>>
    %dma_start3A_204 = arith.constant 0 : i32
    %dma_start3A_205 = arith.constant 0 : i32
    %dma_start3A_206 = tpu.memref_slice %arg2[%arg1, %dma_start3A_190, %dma_start3A_204, %dma_start3A_205] : memref<16x160x2x128xi32, #tpu.memory_space<hbm>> -> memref<1x1x2x128xi32, #tpu.memory_space<hbm>>
    %dma_start3A_207 = tpu.memref_squeeze %dma_start3A_206 : memref<1x1x2x128xi32, #tpu.memory_space<hbm>> -> memref<2x128xi32, #tpu.memory_space<hbm>>
    tpu.enqueue_dma source(%dma_start3A_207 : memref<2x128xi32, #tpu.memory_space<hbm>>) target(%dma_start3A_203 : memref<2x128xi32, #tpu.memory_space<vmem>>) target_semaphore(%arg27 : memref<!tpu.dma_semaphore, #tpu.memory_space<semaphore_mem>>)
    %dma_start3A_208 = arith.constant 7 : i32
    %dma_start3A_209 = arith.constant 7 : i32
    %dma_start3A_210 = arith.constant 0 : i32
    %dma_start3A_211 = arith.constant 0 : i32
    %dma_start3A_212 = tpu.memref_slice %arg8[%dma_start3A_209, %dma_start3A_210, %dma_start3A_211] : memref<8x2x128xi32, #tpu.memory_space<vmem>> -> memref<1x2x128xi32, #tpu.memory_space<vmem>>
    %dma_start3A_213 = tpu.memref_squeeze %dma_start3A_212 : memref<1x2x128xi32, #tpu.memory_space<vmem>> -> memref<2x128xi32, #tpu.memory_space<vmem>>
    %dma_start3A_214 = arith.constant 0 : i32
    %dma_start3A_215 = arith.constant 0 : i32
    %dma_start3A_216 = tpu.memref_slice %arg2[%arg1, %dma_start3A_208, %dma_start3A_214, %dma_start3A_215] : memref<16x160x2x128xi32, #tpu.memory_space<hbm>> -> memref<1x1x2x128xi32, #tpu.memory_space<hbm>>
    %dma_start3A_217 = tpu.memref_squeeze %dma_start3A_216 : memref<1x1x2x128xi32, #tpu.memory_space<hbm>> -> memref<2x128xi32, #tpu.memory_space<hbm>>
    %dma_start3A_218 = arith.constant 0 : i32
    %dma_start3A_219 = arith.constant 0 : i32
    %dma_start3A_220 = tpu.memref_slice %arg8[%dma_start3A_209, %dma_start3A_218, %dma_start3A_219] : memref<8x2x128xi32, #tpu.memory_space<vmem>> -> memref<1x2x128xi32, #tpu.memory_space<vmem>>
    %dma_start3A_221 = tpu.memref_squeeze %dma_start3A_220 : memref<1x2x128xi32, #tpu.memory_space<vmem>> -> memref<2x128xi32, #tpu.memory_space<vmem>>
    %dma_start3A_222 = arith.constant 0 : i32
    %dma_start3A_223 = arith.constant 0 : i32
    %dma_start3A_224 = tpu.memref_slice %arg2[%arg1, %dma_start3A_208, %dma_start3A_222, %dma_start3A_223] : memref<16x160x2x128xi32, #tpu.memory_space<hbm>> -> memref<1x1x2x128xi32, #tpu.memory_space<hbm>>
    %dma_start3A_225 = tpu.memref_squeeze %dma_start3A_224 : memref<1x1x2x128xi32, #tpu.memory_space<hbm>> -> memref<2x128xi32, #tpu.memory_space<hbm>>
    tpu.enqueue_dma source(%dma_start3A_225 : memref<2x128xi32, #tpu.memory_space<hbm>>) target(%dma_start3A_221 : memref<2x128xi32, #tpu.memory_space<vmem>>) target_semaphore(%arg28 : memref<!tpu.dma_semaphore, #tpu.memory_space<semaphore_mem>>)
    %eq3A = arith.constant 0 : i32
    %eq3A_226 = arith.cmpi eq, %arg0, %eq3A : i32
    %convert_element_type3A = arith.extui %eq3A_226 : i1 to i32
    %cond3A = arith.constant 0 : i32
    %cond3A_227 = arith.cmpi ne, %convert_element_type3A, %cond3A : i32
    scf.if %cond3A_227 {
      %dma_start3A_455 = arith.constant 0 : i32
      %dma_start3A_456 = arith.constant 0 : i32
      %dma_start3A_457 = arith.constant 0 : i32
      %dma_start3A_458 = arith.constant 0 : i32
      %dma_start3A_459 = arith.constant 0 : i32
      %dma_start3A_460 = tpu.memref_slice %arg10[%dma_start3A_457, %dma_start3A_458, %dma_start3A_459] : memref<8x128x64xf32, #tpu.memory_space<vmem>> -> memref<1x128x64xf32, #tpu.memory_space<vmem>>
      %dma_start3A_461 = tpu.memref_squeeze %dma_start3A_460 : memref<1x128x64xf32, #tpu.memory_space<vmem>> -> memref<128x64xf32, #tpu.memory_space<vmem>>
      %dma_start3A_462 = arith.constant 0 : i32
      %dma_start3A_463 = tpu.memref_slice %arg8[%dma_start3A_455, %dma_start3A_456, %dma_start3A_462] : memref<8x2x128xi32, #tpu.memory_space<vmem>> -> memref<1x1x128xi32, #tpu.memory_space<vmem>>
      %dma_start3A_464 = tpu.memref_squeeze %dma_start3A_463 : memref<1x1x128xi32, #tpu.memory_space<vmem>> -> memref<128xi32, #tpu.memory_space<vmem>>
      %dma_start3A_465 = arith.constant 0 : i32
      %dma_start3A_466 = arith.constant 0 : i32
      %dma_start3A_467 = tpu.memref_slice %arg3[%dma_start3A_465, %dma_start3A_466] : memref<10240x64xf32, #tpu.memory_space<hbm>> -> memref<10240x64xf32, #tpu.memory_space<hbm>>
      tpu.enqueue_indirect_dma source(%dma_start3A_467 : memref<10240x64xf32, #tpu.memory_space<hbm>>) target(%dma_start3A_461 : memref<128x64xf32, #tpu.memory_space<vmem>>) offsets(%dma_start3A_464 : memref<128xi32, #tpu.memory_space<vmem>>) semaphore(%arg13 : memref<!tpu.dma_semaphore, #tpu.memory_space<semaphore_mem>>)
    } else {
    }
    %eq3A_228 = arith.constant 1 : i32
    %eq3A_229 = arith.cmpi eq, %arg0, %eq3A_228 : i32
    %convert_element_type3A_230 = arith.extui %eq3A_229 : i1 to i32
    %cond3A_231 = arith.constant 0 : i32
    %cond3A_232 = arith.cmpi ne, %convert_element_type3A_230, %cond3A_231 : i32
    scf.if %cond3A_232 {
      %dma_start3A_455 = arith.constant 0 : i32
      %dma_start3A_456 = arith.constant 0 : i32
      %dma_start3A_457 = arith.constant 0 : i32
      %dma_start3A_458 = arith.constant 0 : i32
      %dma_start3A_459 = arith.constant 0 : i32
      %dma_start3A_460 = tpu.memref_slice %arg10[%dma_start3A_457, %dma_start3A_458, %dma_start3A_459] : memref<8x128x64xf32, #tpu.memory_space<vmem>> -> memref<1x128x64xf32, #tpu.memory_space<vmem>>
      %dma_start3A_461 = tpu.memref_squeeze %dma_start3A_460 : memref<1x128x64xf32, #tpu.memory_space<vmem>> -> memref<128x64xf32, #tpu.memory_space<vmem>>
      %dma_start3A_462 = arith.constant 0 : i32
      %dma_start3A_463 = tpu.memref_slice %arg8[%dma_start3A_455, %dma_start3A_456, %dma_start3A_462] : memref<8x2x128xi32, #tpu.memory_space<vmem>> -> memref<1x1x128xi32, #tpu.memory_space<vmem>>
      %dma_start3A_464 = tpu.memref_squeeze %dma_start3A_463 : memref<1x1x128xi32, #tpu.memory_space<vmem>> -> memref<128xi32, #tpu.memory_space<vmem>>
      %dma_start3A_465 = arith.constant 0 : i32
      %dma_start3A_466 = arith.constant 0 : i32
      %dma_start3A_467 = tpu.memref_slice %arg4[%dma_start3A_465, %dma_start3A_466] : memref<10240x64xf32, #tpu.memory_space<hbm>> -> memref<10240x64xf32, #tpu.memory_space<hbm>>
      tpu.enqueue_indirect_dma source(%dma_start3A_467 : memref<10240x64xf32, #tpu.memory_space<hbm>>) target(%dma_start3A_461 : memref<128x64xf32, #tpu.memory_space<vmem>>) offsets(%dma_start3A_464 : memref<128xi32, #tpu.memory_space<vmem>>) semaphore(%arg13 : memref<!tpu.dma_semaphore, #tpu.memory_space<semaphore_mem>>)
    } else {
    }
    %eq3A_233 = arith.constant 0 : i32
    %eq3A_234 = arith.cmpi eq, %arg0, %eq3A_233 : i32
    %convert_element_type3A_235 = arith.extui %eq3A_234 : i1 to i32
    %cond3A_236 = arith.constant 0 : i32
    %cond3A_237 = arith.cmpi ne, %convert_element_type3A_235, %cond3A_236 : i32
    scf.if %cond3A_237 {
      %dma_start3A_455 = arith.constant 0 : i32
      %dma_start3A_456 = arith.constant 1 : i32
      %dma_start3A_457 = arith.constant 0 : i32
      %dma_start3A_458 = arith.constant 0 : i32
      %dma_start3A_459 = tpu.memref_slice %arg9[%dma_start3A_457, %dma_start3A_458] : memref<8x128xf32, #tpu.memory_space<vmem>> -> memref<1x128xf32, #tpu.memory_space<vmem>>
      %dma_start3A_460 = tpu.memref_squeeze %dma_start3A_459 : memref<1x128xf32, #tpu.memory_space<vmem>> -> memref<128xf32, #tpu.memory_space<vmem>>
      %dma_start3A_461 = arith.constant 0 : i32
      %dma_start3A_462 = tpu.memref_slice %arg8[%dma_start3A_455, %dma_start3A_456, %dma_start3A_461] : memref<8x2x128xi32, #tpu.memory_space<vmem>> -> memref<1x1x128xi32, #tpu.memory_space<vmem>>
      %dma_start3A_463 = tpu.memref_squeeze %dma_start3A_462 : memref<1x1x128xi32, #tpu.memory_space<vmem>> -> memref<128xi32, #tpu.memory_space<vmem>>
      %dma_start3A_464 = arith.constant 0 : i32
      %dma_start3A_465 = tpu.memref_slice %arg5[%dma_start3A_464] : memref<10240xf32, #tpu.memory_space<hbm>> -> memref<10240xf32, #tpu.memory_space<hbm>>
      tpu.enqueue_indirect_dma source(%dma_start3A_465 : memref<10240xf32, #tpu.memory_space<hbm>>) target(%dma_start3A_460 : memref<128xf32, #tpu.memory_space<vmem>>) offsets(%dma_start3A_463 : memref<128xi32, #tpu.memory_space<vmem>>) semaphore(%arg29 : memref<!tpu.dma_semaphore, #tpu.memory_space<semaphore_mem>>)
    } else {
    }
    %dma_wait3A = arith.constant 0 : i32
    %dma_wait3A_238 = arith.constant 0 : i32
    %dma_wait3A_239 = arith.constant 1 : i32
    %dma_wait3A_240 = arith.constant 0 : i32
    %dma_wait3A_241 = arith.constant 0 : i32
    %dma_wait3A_242 = tpu.memref_slice %arg8[%dma_wait3A_239, %dma_wait3A_240, %dma_wait3A_241] : memref<8x2x128xi32, #tpu.memory_space<vmem>> -> memref<1x2x128xi32, #tpu.memory_space<vmem>>
    %dma_wait3A_243 = tpu.memref_squeeze %dma_wait3A_242 : memref<1x2x128xi32, #tpu.memory_space<vmem>> -> memref<2x128xi32, #tpu.memory_space<vmem>>
    %dma_wait3A_244 = arith.constant 0 : i32
    %dma_wait3A_245 = arith.constant 0 : i32
    %dma_wait3A_246 = tpu.memref_slice %arg2[%dma_wait3A, %dma_wait3A_238, %dma_wait3A_244, %dma_wait3A_245] : memref<16x160x2x128xi32, #tpu.memory_space<hbm>> -> memref<1x1x2x128xi32, #tpu.memory_space<hbm>>
    %dma_wait3A_247 = tpu.memref_squeeze %dma_wait3A_246 : memref<1x1x2x128xi32, #tpu.memory_space<hbm>> -> memref<2x128xi32, #tpu.memory_space<hbm>>
    %dma_wait3A_248 = arith.constant 0 : i32
    %dma_wait3A_249 = arith.constant 0 : i32
    %dma_wait3A_250 = tpu.memref_slice %arg8[%dma_wait3A_239, %dma_wait3A_248, %dma_wait3A_249] : memref<8x2x128xi32, #tpu.memory_space<vmem>> -> memref<1x2x128xi32, #tpu.memory_space<vmem>>
    %dma_wait3A_251 = tpu.memref_squeeze %dma_wait3A_250 : memref<1x2x128xi32, #tpu.memory_space<vmem>> -> memref<2x128xi32, #tpu.memory_space<vmem>>
    %dma_wait3A_252 = arith.constant 0 : i32
    %dma_wait3A_253 = arith.constant 0 : i32
    %dma_wait3A_254 = tpu.memref_slice %arg2[%dma_wait3A, %dma_wait3A_238, %dma_wait3A_252, %dma_wait3A_253] : memref<16x160x2x128xi32, #tpu.memory_space<hbm>> -> memref<1x1x2x128xi32, #tpu.memory_space<hbm>>
    %dma_wait3A_255 = tpu.memref_squeeze %dma_wait3A_254 : memref<1x1x2x128xi32, #tpu.memory_space<hbm>> -> memref<2x128xi32, #tpu.memory_space<hbm>>
    tpu.wait_dma2 semaphore(%arg22 : memref<!tpu.dma_semaphore, #tpu.memory_space<semaphore_mem>>) src(%dma_wait3A_255 : memref<2x128xi32, #tpu.memory_space<hbm>>) dst(%dma_wait3A_251 : memref<2x128xi32, #tpu.memory_space<vmem>>)
    %eq3A_256 = arith.constant 0 : i32
    %eq3A_257 = arith.cmpi eq, %arg0, %eq3A_256 : i32
    %convert_element_type3A_258 = arith.extui %eq3A_257 : i1 to i32
    %cond3A_259 = arith.constant 0 : i32
    %cond3A_260 = arith.cmpi ne, %convert_element_type3A_258, %cond3A_259 : i32
    scf.if %cond3A_260 {
      %dma_start3A_455 = arith.constant 1 : i32
      %dma_start3A_456 = arith.constant 0 : i32
      %dma_start3A_457 = arith.constant 1 : i32
      %dma_start3A_458 = arith.constant 0 : i32
      %dma_start3A_459 = arith.constant 0 : i32
      %dma_start3A_460 = tpu.memref_slice %arg10[%dma_start3A_457, %dma_start3A_458, %dma_start3A_459] : memref<8x128x64xf32, #tpu.memory_space<vmem>> -> memref<1x128x64xf32, #tpu.memory_space<vmem>>
      %dma_start3A_461 = tpu.memref_squeeze %dma_start3A_460 : memref<1x128x64xf32, #tpu.memory_space<vmem>> -> memref<128x64xf32, #tpu.memory_space<vmem>>
      %dma_start3A_462 = arith.constant 0 : i32
      %dma_start3A_463 = tpu.memref_slice %arg8[%dma_start3A_455, %dma_start3A_456, %dma_start3A_462] : memref<8x2x128xi32, #tpu.memory_space<vmem>> -> memref<1x1x128xi32, #tpu.memory_space<vmem>>
      %dma_start3A_464 = tpu.memref_squeeze %dma_start3A_463 : memref<1x1x128xi32, #tpu.memory_space<vmem>> -> memref<128xi32, #tpu.memory_space<vmem>>
      %dma_start3A_465 = arith.constant 0 : i32
      %dma_start3A_466 = arith.constant 0 : i32
      %dma_start3A_467 = tpu.memref_slice %arg3[%dma_start3A_465, %dma_start3A_466] : memref<10240x64xf32, #tpu.memory_space<hbm>> -> memref<10240x64xf32, #tpu.memory_space<hbm>>
      tpu.enqueue_indirect_dma source(%dma_start3A_467 : memref<10240x64xf32, #tpu.memory_space<hbm>>) target(%dma_start3A_461 : memref<128x64xf32, #tpu.memory_space<vmem>>) offsets(%dma_start3A_464 : memref<128xi32, #tpu.memory_space<vmem>>) semaphore(%arg14 : memref<!tpu.dma_semaphore, #tpu.memory_space<semaphore_mem>>)
    } else {
    }
    %eq3A_261 = arith.constant 1 : i32
    %eq3A_262 = arith.cmpi eq, %arg0, %eq3A_261 : i32
    %convert_element_type3A_263 = arith.extui %eq3A_262 : i1 to i32
    %cond3A_264 = arith.constant 0 : i32
    %cond3A_265 = arith.cmpi ne, %convert_element_type3A_263, %cond3A_264 : i32
    scf.if %cond3A_265 {
      %dma_start3A_455 = arith.constant 1 : i32
      %dma_start3A_456 = arith.constant 0 : i32
      %dma_start3A_457 = arith.constant 1 : i32
      %dma_start3A_458 = arith.constant 0 : i32
      %dma_start3A_459 = arith.constant 0 : i32
      %dma_start3A_460 = tpu.memref_slice %arg10[%dma_start3A_457, %dma_start3A_458, %dma_start3A_459] : memref<8x128x64xf32, #tpu.memory_space<vmem>> -> memref<1x128x64xf32, #tpu.memory_space<vmem>>
      %dma_start3A_461 = tpu.memref_squeeze %dma_start3A_460 : memref<1x128x64xf32, #tpu.memory_space<vmem>> -> memref<128x64xf32, #tpu.memory_space<vmem>>
      %dma_start3A_462 = arith.constant 0 : i32
      %dma_start3A_463 = tpu.memref_slice %arg8[%dma_start3A_455, %dma_start3A_456, %dma_start3A_462] : memref<8x2x128xi32, #tpu.memory_space<vmem>> -> memref<1x1x128xi32, #tpu.memory_space<vmem>>
      %dma_start3A_464 = tpu.memref_squeeze %dma_start3A_463 : memref<1x1x128xi32, #tpu.memory_space<vmem>> -> memref<128xi32, #tpu.memory_space<vmem>>
      %dma_start3A_465 = arith.constant 0 : i32
      %dma_start3A_466 = arith.constant 0 : i32
      %dma_start3A_467 = tpu.memref_slice %arg4[%dma_start3A_465, %dma_start3A_466] : memref<10240x64xf32, #tpu.memory_space<hbm>> -> memref<10240x64xf32, #tpu.memory_space<hbm>>
      tpu.enqueue_indirect_dma source(%dma_start3A_467 : memref<10240x64xf32, #tpu.memory_space<hbm>>) target(%dma_start3A_461 : memref<128x64xf32, #tpu.memory_space<vmem>>) offsets(%dma_start3A_464 : memref<128xi32, #tpu.memory_space<vmem>>) semaphore(%arg14 : memref<!tpu.dma_semaphore, #tpu.memory_space<semaphore_mem>>)
    } else {
    }
    %eq3A_266 = arith.constant 1 : i32
    %eq3A_267 = arith.cmpi eq, %arg0, %eq3A_266 : i32
    %convert_element_type3A_268 = arith.extui %eq3A_267 : i1 to i32
    %cond3A_269 = arith.constant 0 : i32
    %cond3A_270 = arith.cmpi ne, %convert_element_type3A_268, %cond3A_269 : i32
    scf.if %cond3A_270 {
      %dma_start3A_455 = arith.constant 1 : i32
      %dma_start3A_456 = arith.constant 1 : i32
      %dma_start3A_457 = arith.constant 1 : i32
      %dma_start3A_458 = arith.constant 0 : i32
      %dma_start3A_459 = tpu.memref_slice %arg9[%dma_start3A_457, %dma_start3A_458] : memref<8x128xf32, #tpu.memory_space<vmem>> -> memref<1x128xf32, #tpu.memory_space<vmem>>
      %dma_start3A_460 = tpu.memref_squeeze %dma_start3A_459 : memref<1x128xf32, #tpu.memory_space<vmem>> -> memref<128xf32, #tpu.memory_space<vmem>>
      %dma_start3A_461 = arith.constant 0 : i32
      %dma_start3A_462 = tpu.memref_slice %arg8[%dma_start3A_455, %dma_start3A_456, %dma_start3A_461] : memref<8x2x128xi32, #tpu.memory_space<vmem>> -> memref<1x1x128xi32, #tpu.memory_space<vmem>>
      %dma_start3A_463 = tpu.memref_squeeze %dma_start3A_462 : memref<1x1x128xi32, #tpu.memory_space<vmem>> -> memref<128xi32, #tpu.memory_space<vmem>>
      %dma_start3A_464 = arith.constant 0 : i32
      %dma_start3A_465 = tpu.memref_slice %arg5[%dma_start3A_464] : memref<10240xf32, #tpu.memory_space<hbm>> -> memref<10240xf32, #tpu.memory_space<hbm>>
      tpu.enqueue_indirect_dma source(%dma_start3A_465 : memref<10240xf32, #tpu.memory_space<hbm>>) target(%dma_start3A_460 : memref<128xf32, #tpu.memory_space<vmem>>) offsets(%dma_start3A_463 : memref<128xi32, #tpu.memory_space<vmem>>) semaphore(%arg30 : memref<!tpu.dma_semaphore, #tpu.memory_space<semaphore_mem>>)
    } else {
    }
    %dma_wait3A_271 = arith.constant 0 : i32
    %dma_wait3A_272 = arith.constant 0 : i32
    %dma_wait3A_273 = arith.constant 2 : i32
    %dma_wait3A_274 = arith.constant 0 : i32
    %dma_wait3A_275 = arith.constant 0 : i32
    %dma_wait3A_276 = tpu.memref_slice %arg8[%dma_wait3A_273, %dma_wait3A_274, %dma_wait3A_275] : memref<8x2x128xi32, #tpu.memory_space<vmem>> -> memref<1x2x128xi32, #tpu.memory_space<vmem>>
    %dma_wait3A_277 = tpu.memref_squeeze %dma_wait3A_276 : memref<1x2x128xi32, #tpu.memory_space<vmem>> -> memref<2x128xi32, #tpu.memory_space<vmem>>
    %dma_wait3A_278 = arith.constant 0 : i32
    %dma_wait3A_279 = arith.constant 0 : i32
    %dma_wait3A_280 = tpu.memref_slice %arg2[%dma_wait3A_271, %dma_wait3A_272, %dma_wait3A_278, %dma_wait3A_279] : memref<16x160x2x128xi32, #tpu.memory_space<hbm>> -> memref<1x1x2x128xi32, #tpu.memory_space<hbm>>
    %dma_wait3A_281 = tpu.memref_squeeze %dma_wait3A_280 : memref<1x1x2x128xi32, #tpu.memory_space<hbm>> -> memref<2x128xi32, #tpu.memory_space<hbm>>
    %dma_wait3A_282 = arith.constant 0 : i32
    %dma_wait3A_283 = arith.constant 0 : i32
    %dma_wait3A_284 = tpu.memref_slice %arg8[%dma_wait3A_273, %dma_wait3A_282, %dma_wait3A_283] : memref<8x2x128xi32, #tpu.memory_space<vmem>> -> memref<1x2x128xi32, #tpu.memory_space<vmem>>
    %dma_wait3A_285 = tpu.memref_squeeze %dma_wait3A_284 : memref<1x2x128xi32, #tpu.memory_space<vmem>> -> memref<2x128xi32, #tpu.memory_space<vmem>>
    %dma_wait3A_286 = arith.constant 0 : i32
    %dma_wait3A_287 = arith.constant 0 : i32
    %dma_wait3A_288 = tpu.memref_slice %arg2[%dma_wait3A_271, %dma_wait3A_272, %dma_wait3A_286, %dma_wait3A_287] : memref<16x160x2x128xi32, #tpu.memory_space<hbm>> -> memref<1x1x2x128xi32, #tpu.memory_space<hbm>>
    %dma_wait3A_289 = tpu.memref_squeeze %dma_wait3A_288 : memref<1x1x2x128xi32, #tpu.memory_space<hbm>> -> memref<2x128xi32, #tpu.memory_space<hbm>>
    tpu.wait_dma2 semaphore(%arg23 : memref<!tpu.dma_semaphore, #tpu.memory_space<semaphore_mem>>) src(%dma_wait3A_289 : memref<2x128xi32, #tpu.memory_space<hbm>>) dst(%dma_wait3A_285 : memref<2x128xi32, #tpu.memory_space<vmem>>)
    %eq3A_290 = arith.constant 0 : i32
    %eq3A_291 = arith.cmpi eq, %arg0, %eq3A_290 : i32
    %convert_element_type3A_292 = arith.extui %eq3A_291 : i1 to i32
    %cond3A_293 = arith.constant 0 : i32
    %cond3A_294 = arith.cmpi ne, %convert_element_type3A_292, %cond3A_293 : i32
    scf.if %cond3A_294 {
      %dma_start3A_455 = arith.constant 2 : i32
      %dma_start3A_456 = arith.constant 0 : i32
      %dma_start3A_457 = arith.constant 2 : i32
      %dma_start3A_458 = arith.constant 0 : i32
      %dma_start3A_459 = arith.constant 0 : i32
      %dma_start3A_460 = tpu.memref_slice %arg10[%dma_start3A_457, %dma_start3A_458, %dma_start3A_459] : memref<8x128x64xf32, #tpu.memory_space<vmem>> -> memref<1x128x64xf32, #tpu.memory_space<vmem>>
      %dma_start3A_461 = tpu.memref_squeeze %dma_start3A_460 : memref<1x128x64xf32, #tpu.memory_space<vmem>> -> memref<128x64xf32, #tpu.memory_space<vmem>>
      %dma_start3A_462 = arith.constant 0 : i32
      %dma_start3A_463 = tpu.memref_slice %arg8[%dma_start3A_455, %dma_start3A_456, %dma_start3A_462] : memref<8x2x128xi32, #tpu.memory_space<vmem>> -> memref<1x1x128xi32, #tpu.memory_space<vmem>>
      %dma_start3A_464 = tpu.memref_squeeze %dma_start3A_463 : memref<1x1x128xi32, #tpu.memory_space<vmem>> -> memref<128xi32, #tpu.memory_space<vmem>>
      %dma_start3A_465 = arith.constant 0 : i32
      %dma_start3A_466 = arith.constant 0 : i32
      %dma_start3A_467 = tpu.memref_slice %arg3[%dma_start3A_465, %dma_start3A_466] : memref<10240x64xf32, #tpu.memory_space<hbm>> -> memref<10240x64xf32, #tpu.memory_space<hbm>>
      tpu.enqueue_indirect_dma source(%dma_start3A_467 : memref<10240x64xf32, #tpu.memory_space<hbm>>) target(%dma_start3A_461 : memref<128x64xf32, #tpu.memory_space<vmem>>) offsets(%dma_start3A_464 : memref<128xi32, #tpu.memory_space<vmem>>) semaphore(%arg15 : memref<!tpu.dma_semaphore, #tpu.memory_space<semaphore_mem>>)
    } else {
    }
    %eq3A_295 = arith.constant 1 : i32
    %eq3A_296 = arith.cmpi eq, %arg0, %eq3A_295 : i32
    %convert_element_type3A_297 = arith.extui %eq3A_296 : i1 to i32
    %cond3A_298 = arith.constant 0 : i32
    %cond3A_299 = arith.cmpi ne, %convert_element_type3A_297, %cond3A_298 : i32
    scf.if %cond3A_299 {
      %dma_start3A_455 = arith.constant 2 : i32
      %dma_start3A_456 = arith.constant 0 : i32
      %dma_start3A_457 = arith.constant 2 : i32
      %dma_start3A_458 = arith.constant 0 : i32
      %dma_start3A_459 = arith.constant 0 : i32
      %dma_start3A_460 = tpu.memref_slice %arg10[%dma_start3A_457, %dma_start3A_458, %dma_start3A_459] : memref<8x128x64xf32, #tpu.memory_space<vmem>> -> memref<1x128x64xf32, #tpu.memory_space<vmem>>
      %dma_start3A_461 = tpu.memref_squeeze %dma_start3A_460 : memref<1x128x64xf32, #tpu.memory_space<vmem>> -> memref<128x64xf32, #tpu.memory_space<vmem>>
      %dma_start3A_462 = arith.constant 0 : i32
      %dma_start3A_463 = tpu.memref_slice %arg8[%dma_start3A_455, %dma_start3A_456, %dma_start3A_462] : memref<8x2x128xi32, #tpu.memory_space<vmem>> -> memref<1x1x128xi32, #tpu.memory_space<vmem>>
      %dma_start3A_464 = tpu.memref_squeeze %dma_start3A_463 : memref<1x1x128xi32, #tpu.memory_space<vmem>> -> memref<128xi32, #tpu.memory_space<vmem>>
      %dma_start3A_465 = arith.constant 0 : i32
      %dma_start3A_466 = arith.constant 0 : i32
      %dma_start3A_467 = tpu.memref_slice %arg4[%dma_start3A_465, %dma_start3A_466] : memref<10240x64xf32, #tpu.memory_space<hbm>> -> memref<10240x64xf32, #tpu.memory_space<hbm>>
      tpu.enqueue_indirect_dma source(%dma_start3A_467 : memref<10240x64xf32, #tpu.memory_space<hbm>>) target(%dma_start3A_461 : memref<128x64xf32, #tpu.memory_space<vmem>>) offsets(%dma_start3A_464 : memref<128xi32, #tpu.memory_space<vmem>>) semaphore(%arg15 : memref<!tpu.dma_semaphore, #tpu.memory_space<semaphore_mem>>)
    } else {
    }
    %eq3A_300 = arith.constant 0 : i32
    %eq3A_301 = arith.cmpi eq, %arg0, %eq3A_300 : i32
    %convert_element_type3A_302 = arith.extui %eq3A_301 : i1 to i32
    %cond3A_303 = arith.constant 0 : i32
    %cond3A_304 = arith.cmpi ne, %convert_element_type3A_302, %cond3A_303 : i32
    scf.if %cond3A_304 {
      %dma_start3A_455 = arith.constant 2 : i32
      %dma_start3A_456 = arith.constant 1 : i32
      %dma_start3A_457 = arith.constant 2 : i32
      %dma_start3A_458 = arith.constant 0 : i32
      %dma_start3A_459 = tpu.memref_slice %arg9[%dma_start3A_457, %dma_start3A_458] : memref<8x128xf32, #tpu.memory_space<vmem>> -> memref<1x128xf32, #tpu.memory_space<vmem>>
      %dma_start3A_460 = tpu.memref_squeeze %dma_start3A_459 : memref<1x128xf32, #tpu.memory_space<vmem>> -> memref<128xf32, #tpu.memory_space<vmem>>
      %dma_start3A_461 = arith.constant 0 : i32
      %dma_start3A_462 = tpu.memref_slice %arg8[%dma_start3A_455, %dma_start3A_456, %dma_start3A_461] : memref<8x2x128xi32, #tpu.memory_space<vmem>> -> memref<1x1x128xi32, #tpu.memory_space<vmem>>
      %dma_start3A_463 = tpu.memref_squeeze %dma_start3A_462 : memref<1x1x128xi32, #tpu.memory_space<vmem>> -> memref<128xi32, #tpu.memory_space<vmem>>
      %dma_start3A_464 = arith.constant 0 : i32
      %dma_start3A_465 = tpu.memref_slice %arg5[%dma_start3A_464] : memref<10240xf32, #tpu.memory_space<hbm>> -> memref<10240xf32, #tpu.memory_space<hbm>>
      tpu.enqueue_indirect_dma source(%dma_start3A_465 : memref<10240xf32, #tpu.memory_space<hbm>>) target(%dma_start3A_460 : memref<128xf32, #tpu.memory_space<vmem>>) offsets(%dma_start3A_463 : memref<128xi32, #tpu.memory_space<vmem>>) semaphore(%arg31 : memref<!tpu.dma_semaphore, #tpu.memory_space<semaphore_mem>>)
    } else {
    }
    %dma_wait3A_305 = arith.constant 0 : i32
    %dma_wait3A_306 = arith.constant 0 : i32
    %dma_wait3A_307 = arith.constant 3 : i32
    %dma_wait3A_308 = arith.constant 0 : i32
    %dma_wait3A_309 = arith.constant 0 : i32
    %dma_wait3A_310 = tpu.memref_slice %arg8[%dma_wait3A_307, %dma_wait3A_308, %dma_wait3A_309] : memref<8x2x128xi32, #tpu.memory_space<vmem>> -> memref<1x2x128xi32, #tpu.memory_space<vmem>>
    %dma_wait3A_311 = tpu.memref_squeeze %dma_wait3A_310 : memref<1x2x128xi32, #tpu.memory_space<vmem>> -> memref<2x128xi32, #tpu.memory_space<vmem>>
    %dma_wait3A_312 = arith.constant 0 : i32
    %dma_wait3A_313 = arith.constant 0 : i32
    %dma_wait3A_314 = tpu.memref_slice %arg2[%dma_wait3A_305, %dma_wait3A_306, %dma_wait3A_312, %dma_wait3A_313] : memref<16x160x2x128xi32, #tpu.memory_space<hbm>> -> memref<1x1x2x128xi32, #tpu.memory_space<hbm>>
    %dma_wait3A_315 = tpu.memref_squeeze %dma_wait3A_314 : memref<1x1x2x128xi32, #tpu.memory_space<hbm>> -> memref<2x128xi32, #tpu.memory_space<hbm>>
    %dma_wait3A_316 = arith.constant 0 : i32
    %dma_wait3A_317 = arith.constant 0 : i32
    %dma_wait3A_318 = tpu.memref_slice %arg8[%dma_wait3A_307, %dma_wait3A_316, %dma_wait3A_317] : memref<8x2x128xi32, #tpu.memory_space<vmem>> -> memref<1x2x128xi32, #tpu.memory_space<vmem>>
    %dma_wait3A_319 = tpu.memref_squeeze %dma_wait3A_318 : memref<1x2x128xi32, #tpu.memory_space<vmem>> -> memref<2x128xi32, #tpu.memory_space<vmem>>
    %dma_wait3A_320 = arith.constant 0 : i32
    %dma_wait3A_321 = arith.constant 0 : i32
    %dma_wait3A_322 = tpu.memref_slice %arg2[%dma_wait3A_305, %dma_wait3A_306, %dma_wait3A_320, %dma_wait3A_321] : memref<16x160x2x128xi32, #tpu.memory_space<hbm>> -> memref<1x1x2x128xi32, #tpu.memory_space<hbm>>
    %dma_wait3A_323 = tpu.memref_squeeze %dma_wait3A_322 : memref<1x1x2x128xi32, #tpu.memory_space<hbm>> -> memref<2x128xi32, #tpu.memory_space<hbm>>
    tpu.wait_dma2 semaphore(%arg24 : memref<!tpu.dma_semaphore, #tpu.memory_space<semaphore_mem>>) src(%dma_wait3A_323 : memref<2x128xi32, #tpu.memory_space<hbm>>) dst(%dma_wait3A_319 : memref<2x128xi32, #tpu.memory_space<vmem>>)
    %eq3A_324 = arith.constant 0 : i32
    %eq3A_325 = arith.cmpi eq, %arg0, %eq3A_324 : i32
    %convert_element_type3A_326 = arith.extui %eq3A_325 : i1 to i32
    %cond3A_327 = arith.constant 0 : i32
    %cond3A_328 = arith.cmpi ne, %convert_element_type3A_326, %cond3A_327 : i32
    scf.if %cond3A_328 {
      %dma_start3A_455 = arith.constant 3 : i32
      %dma_start3A_456 = arith.constant 0 : i32
      %dma_start3A_457 = arith.constant 3 : i32
      %dma_start3A_458 = arith.constant 0 : i32
      %dma_start3A_459 = arith.constant 0 : i32
      %dma_start3A_460 = tpu.memref_slice %arg10[%dma_start3A_457, %dma_start3A_458, %dma_start3A_459] : memref<8x128x64xf32, #tpu.memory_space<vmem>> -> memref<1x128x64xf32, #tpu.memory_space<vmem>>
      %dma_start3A_461 = tpu.memref_squeeze %dma_start3A_460 : memref<1x128x64xf32, #tpu.memory_space<vmem>> -> memref<128x64xf32, #tpu.memory_space<vmem>>
      %dma_start3A_462 = arith.constant 0 : i32
      %dma_start3A_463 = tpu.memref_slice %arg8[%dma_start3A_455, %dma_start3A_456, %dma_start3A_462] : memref<8x2x128xi32, #tpu.memory_space<vmem>> -> memref<1x1x128xi32, #tpu.memory_space<vmem>>
      %dma_start3A_464 = tpu.memref_squeeze %dma_start3A_463 : memref<1x1x128xi32, #tpu.memory_space<vmem>> -> memref<128xi32, #tpu.memory_space<vmem>>
      %dma_start3A_465 = arith.constant 0 : i32
      %dma_start3A_466 = arith.constant 0 : i32
      %dma_start3A_467 = tpu.memref_slice %arg3[%dma_start3A_465, %dma_start3A_466] : memref<10240x64xf32, #tpu.memory_space<hbm>> -> memref<10240x64xf32, #tpu.memory_space<hbm>>
      tpu.enqueue_indirect_dma source(%dma_start3A_467 : memref<10240x64xf32, #tpu.memory_space<hbm>>) target(%dma_start3A_461 : memref<128x64xf32, #tpu.memory_space<vmem>>) offsets(%dma_start3A_464 : memref<128xi32, #tpu.memory_space<vmem>>) semaphore(%arg16 : memref<!tpu.dma_semaphore, #tpu.memory_space<semaphore_mem>>)
    } else {
    }
    %eq3A_329 = arith.constant 1 : i32
    %eq3A_330 = arith.cmpi eq, %arg0, %eq3A_329 : i32
    %convert_element_type3A_331 = arith.extui %eq3A_330 : i1 to i32
    %cond3A_332 = arith.constant 0 : i32
    %cond3A_333 = arith.cmpi ne, %convert_element_type3A_331, %cond3A_332 : i32
    scf.if %cond3A_333 {
      %dma_start3A_455 = arith.constant 3 : i32
      %dma_start3A_456 = arith.constant 0 : i32
      %dma_start3A_457 = arith.constant 3 : i32
      %dma_start3A_458 = arith.constant 0 : i32
      %dma_start3A_459 = arith.constant 0 : i32
      %dma_start3A_460 = tpu.memref_slice %arg10[%dma_start3A_457, %dma_start3A_458, %dma_start3A_459] : memref<8x128x64xf32, #tpu.memory_space<vmem>> -> memref<1x128x64xf32, #tpu.memory_space<vmem>>
      %dma_start3A_461 = tpu.memref_squeeze %dma_start3A_460 : memref<1x128x64xf32, #tpu.memory_space<vmem>> -> memref<128x64xf32, #tpu.memory_space<vmem>>
      %dma_start3A_462 = arith.constant 0 : i32
      %dma_start3A_463 = tpu.memref_slice %arg8[%dma_start3A_455, %dma_start3A_456, %dma_start3A_462] : memref<8x2x128xi32, #tpu.memory_space<vmem>> -> memref<1x1x128xi32, #tpu.memory_space<vmem>>
      %dma_start3A_464 = tpu.memref_squeeze %dma_start3A_463 : memref<1x1x128xi32, #tpu.memory_space<vmem>> -> memref<128xi32, #tpu.memory_space<vmem>>
      %dma_start3A_465 = arith.constant 0 : i32
      %dma_start3A_466 = arith.constant 0 : i32
      %dma_start3A_467 = tpu.memref_slice %arg4[%dma_start3A_465, %dma_start3A_466] : memref<10240x64xf32, #tpu.memory_space<hbm>> -> memref<10240x64xf32, #tpu.memory_space<hbm>>
      tpu.enqueue_indirect_dma source(%dma_start3A_467 : memref<10240x64xf32, #tpu.memory_space<hbm>>) target(%dma_start3A_461 : memref<128x64xf32, #tpu.memory_space<vmem>>) offsets(%dma_start3A_464 : memref<128xi32, #tpu.memory_space<vmem>>) semaphore(%arg16 : memref<!tpu.dma_semaphore, #tpu.memory_space<semaphore_mem>>)
    } else {
    }
    %eq3A_334 = arith.constant 1 : i32
    %eq3A_335 = arith.cmpi eq, %arg0, %eq3A_334 : i32
    %convert_element_type3A_336 = arith.extui %eq3A_335 : i1 to i32
    %cond3A_337 = arith.constant 0 : i32
    %cond3A_338 = arith.cmpi ne, %convert_element_type3A_336, %cond3A_337 : i32
    scf.if %cond3A_338 {
      %dma_start3A_455 = arith.constant 3 : i32
      %dma_start3A_456 = arith.constant 1 : i32
      %dma_start3A_457 = arith.constant 3 : i32
      %dma_start3A_458 = arith.constant 0 : i32
      %dma_start3A_459 = tpu.memref_slice %arg9[%dma_start3A_457, %dma_start3A_458] : memref<8x128xf32, #tpu.memory_space<vmem>> -> memref<1x128xf32, #tpu.memory_space<vmem>>
      %dma_start3A_460 = tpu.memref_squeeze %dma_start3A_459 : memref<1x128xf32, #tpu.memory_space<vmem>> -> memref<128xf32, #tpu.memory_space<vmem>>
      %dma_start3A_461 = arith.constant 0 : i32
      %dma_start3A_462 = tpu.memref_slice %arg8[%dma_start3A_455, %dma_start3A_456, %dma_start3A_461] : memref<8x2x128xi32, #tpu.memory_space<vmem>> -> memref<1x1x128xi32, #tpu.memory_space<vmem>>
      %dma_start3A_463 = tpu.memref_squeeze %dma_start3A_462 : memref<1x1x128xi32, #tpu.memory_space<vmem>> -> memref<128xi32, #tpu.memory_space<vmem>>
      %dma_start3A_464 = arith.constant 0 : i32
      %dma_start3A_465 = tpu.memref_slice %arg5[%dma_start3A_464] : memref<10240xf32, #tpu.memory_space<hbm>> -> memref<10240xf32, #tpu.memory_space<hbm>>
      tpu.enqueue_indirect_dma source(%dma_start3A_465 : memref<10240xf32, #tpu.memory_space<hbm>>) target(%dma_start3A_460 : memref<128xf32, #tpu.memory_space<vmem>>) offsets(%dma_start3A_463 : memref<128xi32, #tpu.memory_space<vmem>>) semaphore(%arg32 : memref<!tpu.dma_semaphore, #tpu.memory_space<semaphore_mem>>)
    } else {
    }
    %dma_wait3A_339 = arith.constant 0 : i32
    %dma_wait3A_340 = arith.constant 0 : i32
    %dma_wait3A_341 = arith.constant 4 : i32
    %dma_wait3A_342 = arith.constant 0 : i32
    %dma_wait3A_343 = arith.constant 0 : i32
    %dma_wait3A_344 = tpu.memref_slice %arg8[%dma_wait3A_341, %dma_wait3A_342, %dma_wait3A_343] : memref<8x2x128xi32, #tpu.memory_space<vmem>> -> memref<1x2x128xi32, #tpu.memory_space<vmem>>
    %dma_wait3A_345 = tpu.memref_squeeze %dma_wait3A_344 : memref<1x2x128xi32, #tpu.memory_space<vmem>> -> memref<2x128xi32, #tpu.memory_space<vmem>>
    %dma_wait3A_346 = arith.constant 0 : i32
    %dma_wait3A_347 = arith.constant 0 : i32
    %dma_wait3A_348 = tpu.memref_slice %arg2[%dma_wait3A_339, %dma_wait3A_340, %dma_wait3A_346, %dma_wait3A_347] : memref<16x160x2x128xi32, #tpu.memory_space<hbm>> -> memref<1x1x2x128xi32, #tpu.memory_space<hbm>>
    %dma_wait3A_349 = tpu.memref_squeeze %dma_wait3A_348 : memref<1x1x2x128xi32, #tpu.memory_space<hbm>> -> memref<2x128xi32, #tpu.memory_space<hbm>>
    %dma_wait3A_350 = arith.constant 0 : i32
    %dma_wait3A_351 = arith.constant 0 : i32
    %dma_wait3A_352 = tpu.memref_slice %arg8[%dma_wait3A_341, %dma_wait3A_350, %dma_wait3A_351] : memref<8x2x128xi32, #tpu.memory_space<vmem>> -> memref<1x2x128xi32, #tpu.memory_space<vmem>>
    %dma_wait3A_353 = tpu.memref_squeeze %dma_wait3A_352 : memref<1x2x128xi32, #tpu.memory_space<vmem>> -> memref<2x128xi32, #tpu.memory_space<vmem>>
    %dma_wait3A_354 = arith.constant 0 : i32
    %dma_wait3A_355 = arith.constant 0 : i32
    %dma_wait3A_356 = tpu.memref_slice %arg2[%dma_wait3A_339, %dma_wait3A_340, %dma_wait3A_354, %dma_wait3A_355] : memref<16x160x2x128xi32, #tpu.memory_space<hbm>> -> memref<1x1x2x128xi32, #tpu.memory_space<hbm>>
    %dma_wait3A_357 = tpu.memref_squeeze %dma_wait3A_356 : memref<1x1x2x128xi32, #tpu.memory_space<hbm>> -> memref<2x128xi32, #tpu.memory_space<hbm>>
    tpu.wait_dma2 semaphore(%arg25 : memref<!tpu.dma_semaphore, #tpu.memory_space<semaphore_mem>>) src(%dma_wait3A_357 : memref<2x128xi32, #tpu.memory_space<hbm>>) dst(%dma_wait3A_353 : memref<2x128xi32, #tpu.memory_space<vmem>>)
    %eq3A_358 = arith.constant 0 : i32
    %eq3A_359 = arith.cmpi eq, %arg0, %eq3A_358 : i32
    %convert_element_type3A_360 = arith.extui %eq3A_359 : i1 to i32
    %cond3A_361 = arith.constant 0 : i32
    %cond3A_362 = arith.cmpi ne, %convert_element_type3A_360, %cond3A_361 : i32
    scf.if %cond3A_362 {
      %dma_start3A_455 = arith.constant 4 : i32
      %dma_start3A_456 = arith.constant 0 : i32
      %dma_start3A_457 = arith.constant 4 : i32
      %dma_start3A_458 = arith.constant 0 : i32
      %dma_start3A_459 = arith.constant 0 : i32
      %dma_start3A_460 = tpu.memref_slice %arg10[%dma_start3A_457, %dma_start3A_458, %dma_start3A_459] : memref<8x128x64xf32, #tpu.memory_space<vmem>> -> memref<1x128x64xf32, #tpu.memory_space<vmem>>
      %dma_start3A_461 = tpu.memref_squeeze %dma_start3A_460 : memref<1x128x64xf32, #tpu.memory_space<vmem>> -> memref<128x64xf32, #tpu.memory_space<vmem>>
      %dma_start3A_462 = arith.constant 0 : i32
      %dma_start3A_463 = tpu.memref_slice %arg8[%dma_start3A_455, %dma_start3A_456, %dma_start3A_462] : memref<8x2x128xi32, #tpu.memory_space<vmem>> -> memref<1x1x128xi32, #tpu.memory_space<vmem>>
      %dma_start3A_464 = tpu.memref_squeeze %dma_start3A_463 : memref<1x1x128xi32, #tpu.memory_space<vmem>> -> memref<128xi32, #tpu.memory_space<vmem>>
      %dma_start3A_465 = arith.constant 0 : i32
      %dma_start3A_466 = arith.constant 0 : i32
      %dma_start3A_467 = tpu.memref_slice %arg3[%dma_start3A_465, %dma_start3A_466] : memref<10240x64xf32, #tpu.memory_space<hbm>> -> memref<10240x64xf32, #tpu.memory_space<hbm>>
      tpu.enqueue_indirect_dma source(%dma_start3A_467 : memref<10240x64xf32, #tpu.memory_space<hbm>>) target(%dma_start3A_461 : memref<128x64xf32, #tpu.memory_space<vmem>>) offsets(%dma_start3A_464 : memref<128xi32, #tpu.memory_space<vmem>>) semaphore(%arg17 : memref<!tpu.dma_semaphore, #tpu.memory_space<semaphore_mem>>)
    } else {
    }
    %eq3A_363 = arith.constant 1 : i32
    %eq3A_364 = arith.cmpi eq, %arg0, %eq3A_363 : i32
    %convert_element_type3A_365 = arith.extui %eq3A_364 : i1 to i32
    %cond3A_366 = arith.constant 0 : i32
    %cond3A_367 = arith.cmpi ne, %convert_element_type3A_365, %cond3A_366 : i32
    scf.if %cond3A_367 {
      %dma_start3A_455 = arith.constant 4 : i32
      %dma_start3A_456 = arith.constant 0 : i32
      %dma_start3A_457 = arith.constant 4 : i32
      %dma_start3A_458 = arith.constant 0 : i32
      %dma_start3A_459 = arith.constant 0 : i32
      %dma_start3A_460 = tpu.memref_slice %arg10[%dma_start3A_457, %dma_start3A_458, %dma_start3A_459] : memref<8x128x64xf32, #tpu.memory_space<vmem>> -> memref<1x128x64xf32, #tpu.memory_space<vmem>>
      %dma_start3A_461 = tpu.memref_squeeze %dma_start3A_460 : memref<1x128x64xf32, #tpu.memory_space<vmem>> -> memref<128x64xf32, #tpu.memory_space<vmem>>
      %dma_start3A_462 = arith.constant 0 : i32
      %dma_start3A_463 = tpu.memref_slice %arg8[%dma_start3A_455, %dma_start3A_456, %dma_start3A_462] : memref<8x2x128xi32, #tpu.memory_space<vmem>> -> memref<1x1x128xi32, #tpu.memory_space<vmem>>
      %dma_start3A_464 = tpu.memref_squeeze %dma_start3A_463 : memref<1x1x128xi32, #tpu.memory_space<vmem>> -> memref<128xi32, #tpu.memory_space<vmem>>
      %dma_start3A_465 = arith.constant 0 : i32
      %dma_start3A_466 = arith.constant 0 : i32
      %dma_start3A_467 = tpu.memref_slice %arg4[%dma_start3A_465, %dma_start3A_466] : memref<10240x64xf32, #tpu.memory_space<hbm>> -> memref<10240x64xf32, #tpu.memory_space<hbm>>
      tpu.enqueue_indirect_dma source(%dma_start3A_467 : memref<10240x64xf32, #tpu.memory_space<hbm>>) target(%dma_start3A_461 : memref<128x64xf32, #tpu.memory_space<vmem>>) offsets(%dma_start3A_464 : memref<128xi32, #tpu.memory_space<vmem>>) semaphore(%arg17 : memref<!tpu.dma_semaphore, #tpu.memory_space<semaphore_mem>>)
    } else {
    }
    %eq3A_368 = arith.constant 0 : i32
    %eq3A_369 = arith.cmpi eq, %arg0, %eq3A_368 : i32
    %convert_element_type3A_370 = arith.extui %eq3A_369 : i1 to i32
    %cond3A_371 = arith.constant 0 : i32
    %cond3A_372 = arith.cmpi ne, %convert_element_type3A_370, %cond3A_371 : i32
    scf.if %cond3A_372 {
      %dma_start3A_455 = arith.constant 4 : i32
      %dma_start3A_456 = arith.constant 1 : i32
      %dma_start3A_457 = arith.constant 4 : i32
      %dma_start3A_458 = arith.constant 0 : i32
      %dma_start3A_459 = tpu.memref_slice %arg9[%dma_start3A_457, %dma_start3A_458] : memref<8x128xf32, #tpu.memory_space<vmem>> -> memref<1x128xf32, #tpu.memory_space<vmem>>
      %dma_start3A_460 = tpu.memref_squeeze %dma_start3A_459 : memref<1x128xf32, #tpu.memory_space<vmem>> -> memref<128xf32, #tpu.memory_space<vmem>>
      %dma_start3A_461 = arith.constant 0 : i32
      %dma_start3A_462 = tpu.memref_slice %arg8[%dma_start3A_455, %dma_start3A_456, %dma_start3A_461] : memref<8x2x128xi32, #tpu.memory_space<vmem>> -> memref<1x1x128xi32, #tpu.memory_space<vmem>>
      %dma_start3A_463 = tpu.memref_squeeze %dma_start3A_462 : memref<1x1x128xi32, #tpu.memory_space<vmem>> -> memref<128xi32, #tpu.memory_space<vmem>>
      %dma_start3A_464 = arith.constant 0 : i32
      %dma_start3A_465 = tpu.memref_slice %arg5[%dma_start3A_464] : memref<10240xf32, #tpu.memory_space<hbm>> -> memref<10240xf32, #tpu.memory_space<hbm>>
      tpu.enqueue_indirect_dma source(%dma_start3A_465 : memref<10240xf32, #tpu.memory_space<hbm>>) target(%dma_start3A_460 : memref<128xf32, #tpu.memory_space<vmem>>) offsets(%dma_start3A_463 : memref<128xi32, #tpu.memory_space<vmem>>) semaphore(%arg33 : memref<!tpu.dma_semaphore, #tpu.memory_space<semaphore_mem>>)
    } else {
    }
    %dma_wait3A_373 = arith.constant 0 : i32
    %dma_wait3A_374 = arith.constant 0 : i32
    %dma_wait3A_375 = arith.constant 5 : i32
    %dma_wait3A_376 = arith.constant 0 : i32
    %dma_wait3A_377 = arith.constant 0 : i32
    %dma_wait3A_378 = tpu.memref_slice %arg8[%dma_wait3A_375, %dma_wait3A_376, %dma_wait3A_377] : memref<8x2x128xi32, #tpu.memory_space<vmem>> -> memref<1x2x128xi32, #tpu.memory_space<vmem>>
    %dma_wait3A_379 = tpu.memref_squeeze %dma_wait3A_378 : memref<1x2x128xi32, #tpu.memory_space<vmem>> -> memref<2x128xi32, #tpu.memory_space<vmem>>
    %dma_wait3A_380 = arith.constant 0 : i32
    %dma_wait3A_381 = arith.constant 0 : i32
    %dma_wait3A_382 = tpu.memref_slice %arg2[%dma_wait3A_373, %dma_wait3A_374, %dma_wait3A_380, %dma_wait3A_381] : memref<16x160x2x128xi32, #tpu.memory_space<hbm>> -> memref<1x1x2x128xi32, #tpu.memory_space<hbm>>
    %dma_wait3A_383 = tpu.memref_squeeze %dma_wait3A_382 : memref<1x1x2x128xi32, #tpu.memory_space<hbm>> -> memref<2x128xi32, #tpu.memory_space<hbm>>
    %dma_wait3A_384 = arith.constant 0 : i32
    %dma_wait3A_385 = arith.constant 0 : i32
    %dma_wait3A_386 = tpu.memref_slice %arg8[%dma_wait3A_375, %dma_wait3A_384, %dma_wait3A_385] : memref<8x2x128xi32, #tpu.memory_space<vmem>> -> memref<1x2x128xi32, #tpu.memory_space<vmem>>
    %dma_wait3A_387 = tpu.memref_squeeze %dma_wait3A_386 : memref<1x2x128xi32, #tpu.memory_space<vmem>> -> memref<2x128xi32, #tpu.memory_space<vmem>>
    %dma_wait3A_388 = arith.constant 0 : i32
    %dma_wait3A_389 = arith.constant 0 : i32
    %dma_wait3A_390 = tpu.memref_slice %arg2[%dma_wait3A_373, %dma_wait3A_374, %dma_wait3A_388, %dma_wait3A_389] : memref<16x160x2x128xi32, #tpu.memory_space<hbm>> -> memref<1x1x2x128xi32, #tpu.memory_space<hbm>>
    %dma_wait3A_391 = tpu.memref_squeeze %dma_wait3A_390 : memref<1x1x2x128xi32, #tpu.memory_space<hbm>> -> memref<2x128xi32, #tpu.memory_space<hbm>>
    tpu.wait_dma2 semaphore(%arg26 : memref<!tpu.dma_semaphore, #tpu.memory_space<semaphore_mem>>) src(%dma_wait3A_391 : memref<2x128xi32, #tpu.memory_space<hbm>>) dst(%dma_wait3A_387 : memref<2x128xi32, #tpu.memory_space<vmem>>)
    %eq3A_392 = arith.constant 0 : i32
    %eq3A_393 = arith.cmpi eq, %arg0, %eq3A_392 : i32
    %convert_element_type3A_394 = arith.extui %eq3A_393 : i1 to i32
    %cond3A_395 = arith.constant 0 : i32
    %cond3A_396 = arith.cmpi ne, %convert_element_type3A_394, %cond3A_395 : i32
    scf.if %cond3A_396 {
      %dma_start3A_455 = arith.constant 5 : i32
      %dma_start3A_456 = arith.constant 0 : i32
      %dma_start3A_457 = arith.constant 5 : i32
      %dma_start3A_458 = arith.constant 0 : i32
      %dma_start3A_459 = arith.constant 0 : i32
      %dma_start3A_460 = tpu.memref_slice %arg10[%dma_start3A_457, %dma_start3A_458, %dma_start3A_459] : memref<8x128x64xf32, #tpu.memory_space<vmem>> -> memref<1x128x64xf32, #tpu.memory_space<vmem>>
      %dma_start3A_461 = tpu.memref_squeeze %dma_start3A_460 : memref<1x128x64xf32, #tpu.memory_space<vmem>> -> memref<128x64xf32, #tpu.memory_space<vmem>>
      %dma_start3A_462 = arith.constant 0 : i32
      %dma_start3A_463 = tpu.memref_slice %arg8[%dma_start3A_455, %dma_start3A_456, %dma_start3A_462] : memref<8x2x128xi32, #tpu.memory_space<vmem>> -> memref<1x1x128xi32, #tpu.memory_space<vmem>>
      %dma_start3A_464 = tpu.memref_squeeze %dma_start3A_463 : memref<1x1x128xi32, #tpu.memory_space<vmem>> -> memref<128xi32, #tpu.memory_space<vmem>>
      %dma_start3A_465 = arith.constant 0 : i32
      %dma_start3A_466 = arith.constant 0 : i32
      %dma_start3A_467 = tpu.memref_slice %arg3[%dma_start3A_465, %dma_start3A_466] : memref<10240x64xf32, #tpu.memory_space<hbm>> -> memref<10240x64xf32, #tpu.memory_space<hbm>>
      tpu.enqueue_indirect_dma source(%dma_start3A_467 : memref<10240x64xf32, #tpu.memory_space<hbm>>) target(%dma_start3A_461 : memref<128x64xf32, #tpu.memory_space<vmem>>) offsets(%dma_start3A_464 : memref<128xi32, #tpu.memory_space<vmem>>) semaphore(%arg18 : memref<!tpu.dma_semaphore, #tpu.memory_space<semaphore_mem>>)
    } else {
    }
    %eq3A_397 = arith.constant 1 : i32
    %eq3A_398 = arith.cmpi eq, %arg0, %eq3A_397 : i32
    %convert_element_type3A_399 = arith.extui %eq3A_398 : i1 to i32
    %cond3A_400 = arith.constant 0 : i32
    %cond3A_401 = arith.cmpi ne, %convert_element_type3A_399, %cond3A_400 : i32
    scf.if %cond3A_401 {
      %dma_start3A_455 = arith.constant 5 : i32
      %dma_start3A_456 = arith.constant 0 : i32
      %dma_start3A_457 = arith.constant 5 : i32
      %dma_start3A_458 = arith.constant 0 : i32
      %dma_start3A_459 = arith.constant 0 : i32
      %dma_start3A_460 = tpu.memref_slice %arg10[%dma_start3A_457, %dma_start3A_458, %dma_start3A_459] : memref<8x128x64xf32, #tpu.memory_space<vmem>> -> memref<1x128x64xf32, #tpu.memory_space<vmem>>
      %dma_start3A_461 = tpu.memref_squeeze %dma_start3A_460 : memref<1x128x64xf32, #tpu.memory_space<vmem>> -> memref<128x64xf32, #tpu.memory_space<vmem>>
      %dma_start3A_462 = arith.constant 0 : i32
      %dma_start3A_463 = tpu.memref_slice %arg8[%dma_start3A_455, %dma_start3A_456, %dma_start3A_462] : memref<8x2x128xi32, #tpu.memory_space<vmem>> -> memref<1x1x128xi32, #tpu.memory_space<vmem>>
      %dma_start3A_464 = tpu.memref_squeeze %dma_start3A_463 : memref<1x1x128xi32, #tpu.memory_space<vmem>> -> memref<128xi32, #tpu.memory_space<vmem>>
      %dma_start3A_465 = arith.constant 0 : i32
      %dma_start3A_466 = arith.constant 0 : i32
      %dma_start3A_467 = tpu.memref_slice %arg4[%dma_start3A_465, %dma_start3A_466] : memref<10240x64xf32, #tpu.memory_space<hbm>> -> memref<10240x64xf32, #tpu.memory_space<hbm>>
      tpu.enqueue_indirect_dma source(%dma_start3A_467 : memref<10240x64xf32, #tpu.memory_space<hbm>>) target(%dma_start3A_461 : memref<128x64xf32, #tpu.memory_space<vmem>>) offsets(%dma_start3A_464 : memref<128xi32, #tpu.memory_space<vmem>>) semaphore(%arg18 : memref<!tpu.dma_semaphore, #tpu.memory_space<semaphore_mem>>)
    } else {
    }
    %eq3A_402 = arith.constant 1 : i32
    %eq3A_403 = arith.cmpi eq, %arg0, %eq3A_402 : i32
    %convert_element_type3A_404 = arith.extui %eq3A_403 : i1 to i32
    %cond3A_405 = arith.constant 0 : i32
    %cond3A_406 = arith.cmpi ne, %convert_element_type3A_404, %cond3A_405 : i32
    scf.if %cond3A_406 {
      %dma_start3A_455 = arith.constant 5 : i32
      %dma_start3A_456 = arith.constant 1 : i32
      %dma_start3A_457 = arith.constant 5 : i32
      %dma_start3A_458 = arith.constant 0 : i32
      %dma_start3A_459 = tpu.memref_slice %arg9[%dma_start3A_457, %dma_start3A_458] : memref<8x128xf32, #tpu.memory_space<vmem>> -> memref<1x128xf32, #tpu.memory_space<vmem>>
      %dma_start3A_460 = tpu.memref_squeeze %dma_start3A_459 : memref<1x128xf32, #tpu.memory_space<vmem>> -> memref<128xf32, #tpu.memory_space<vmem>>
      %dma_start3A_461 = arith.constant 0 : i32
      %dma_start3A_462 = tpu.memref_slice %arg8[%dma_start3A_455, %dma_start3A_456, %dma_start3A_461] : memref<8x2x128xi32, #tpu.memory_space<vmem>> -> memref<1x1x128xi32, #tpu.memory_space<vmem>>
      %dma_start3A_463 = tpu.memref_squeeze %dma_start3A_462 : memref<1x1x128xi32, #tpu.memory_space<vmem>> -> memref<128xi32, #tpu.memory_space<vmem>>
      %dma_start3A_464 = arith.constant 0 : i32
      %dma_start3A_465 = tpu.memref_slice %arg5[%dma_start3A_464] : memref<10240xf32, #tpu.memory_space<hbm>> -> memref<10240xf32, #tpu.memory_space<hbm>>
      tpu.enqueue_indirect_dma source(%dma_start3A_465 : memref<10240xf32, #tpu.memory_space<hbm>>) target(%dma_start3A_460 : memref<128xf32, #tpu.memory_space<vmem>>) offsets(%dma_start3A_463 : memref<128xi32, #tpu.memory_space<vmem>>) semaphore(%arg34 : memref<!tpu.dma_semaphore, #tpu.memory_space<semaphore_mem>>)
    } else {
    }
    %barrier3A = arith.constant 0 : index
    tpu.barrier barrier_id(%barrier3A)
    %scan3A_407 = arith.constant 0 : i32
    %scan3A_408 = arith.constant 0 : i32
    %scan3A_409 = arith.constant 20 : i32
    %scan3A_410 = arith.addi %scan3A_408, %scan3A_409 : i32
    %scan3A_411 = arith.constant 1 : i32
    %scan3A_412 = scf.for %scan3A_455 = %scan3A_408 to %scan3A_410 step %scan3A_411 iter_args(%scan3A_456 = %scan3A_407) -> (i32)  : i32 {
      %mul3A_457 = arith.constant 8 : i32
      %mul3A_458 = arith.muli %mul3A_457, %scan3A_455 : i32
      %add3A_459 = arith.constant 0 : i32
      %add3A_460 = arith.addi %mul3A_458, %add3A_459 : i32
      %dma_wait3A_461 = arith.constant 0 : i32
      %dma_wait3A_462 = arith.constant 0 : i32
      %dma_wait3A_463 = arith.constant 0 : i32
      %dma_wait3A_464 = tpu.memref_slice %arg10[%dma_wait3A_461, %dma_wait3A_462, %dma_wait3A_463] : memref<8x128x64xf32, #tpu.memory_space<vmem>> -> memref<1x128x64xf32, #tpu.memory_space<vmem>>
      %dma_wait3A_465 = tpu.memref_squeeze %dma_wait3A_464 : memref<1x128x64xf32, #tpu.memory_space<vmem>> -> memref<128x64xf32, #tpu.memory_space<vmem>>
      %dma_wait3A_466 = arith.constant 0 : i32
      %dma_wait3A_467 = arith.constant 0 : i32
      %dma_wait3A_468 = tpu.memref_slice %arg3[%dma_wait3A_466, %dma_wait3A_467] : memref<10240x64xf32, #tpu.memory_space<hbm>> -> memref<128x64xf32, #tpu.memory_space<hbm>>
      %dma_wait3A_469 = arith.constant 0 : i32
      %dma_wait3A_470 = arith.constant 0 : i32
      %dma_wait3A_471 = tpu.memref_slice %arg10[%dma_wait3A_461, %dma_wait3A_469, %dma_wait3A_470] : memref<8x128x64xf32, #tpu.memory_space<vmem>> -> memref<1x128x64xf32, #tpu.memory_space<vmem>>
      %dma_wait3A_472 = tpu.memref_squeeze %dma_wait3A_471 : memref<1x128x64xf32, #tpu.memory_space<vmem>> -> memref<128x64xf32, #tpu.memory_space<vmem>>
      %dma_wait3A_473 = arith.constant 0 : i32
      %dma_wait3A_474 = arith.constant 0 : i32
      %dma_wait3A_475 = tpu.memref_slice %arg3[%dma_wait3A_473, %dma_wait3A_474] : memref<10240x64xf32, #tpu.memory_space<hbm>> -> memref<128x64xf32, #tpu.memory_space<hbm>>
      tpu.wait_dma2 semaphore(%arg13 : memref<!tpu.dma_semaphore, #tpu.memory_space<semaphore_mem>>) src(%dma_wait3A_475 : memref<128x64xf32, #tpu.memory_space<hbm>>) dst(%dma_wait3A_472 : memref<128x64xf32, #tpu.memory_space<vmem>>)
      %run_scoped3A_476 = arith.constant 0 : i32
      %run_scoped3A_477 = arith.constant 0 : i32
      %run_scoped3A_478 = arith.constant 1 : i32
      "tpu.region"() ({
        %run_scoped3A_771 = tpu.sem_alloc : memref<!tpu.dma_semaphore, #tpu.memory_space<semaphore_mem>>
        %dma_start3A_772 = arith.constant 0 : i32
        %dma_start3A_773 = arith.constant 0 : i32
        %dma_start3A_774 = tpu.memref_slice %arg10[%run_scoped3A_476, %dma_start3A_772, %dma_start3A_773] : memref<8x128x64xf32, #tpu.memory_space<vmem>> -> memref<1x128x64xf32, #tpu.memory_space<vmem>>
        %dma_start3A_775 = tpu.memref_squeeze %dma_start3A_774 : memref<1x128x64xf32, #tpu.memory_space<vmem>> -> memref<128x64xf32, #tpu.memory_space<vmem>>
        %dma_start3A_776 = arith.constant 0 : i32
        %dma_start3A_777 = tpu.memref_slice %arg8[%run_scoped3A_477, %run_scoped3A_478, %dma_start3A_776] : memref<8x2x128xi32, #tpu.memory_space<vmem>> -> memref<1x1x128xi32, #tpu.memory_space<vmem>>
        %dma_start3A_778 = tpu.memref_squeeze %dma_start3A_777 : memref<1x1x128xi32, #tpu.memory_space<vmem>> -> memref<128xi32, #tpu.memory_space<vmem>>
        %dma_start3A_779 = arith.constant 0 : i32
        %dma_start3A_780 = arith.constant 0 : i32
        %dma_start3A_781 = tpu.memref_slice %arg11[%dma_start3A_779, %dma_start3A_780] : memref<10240x64xf32, #tpu.memory_space<vmem_shared>> -> memref<10240x64xf32, #tpu.memory_space<vmem_shared>>
        tpu.enqueue_indirect_dma source(%dma_start3A_775 : memref<128x64xf32, #tpu.memory_space<vmem>>) target(%dma_start3A_781 : memref<10240x64xf32, #tpu.memory_space<vmem_shared>>) offsets(%dma_start3A_778 : memref<128xi32, #tpu.memory_space<vmem>>) semaphore(%run_scoped3A_771 : memref<!tpu.dma_semaphore, #tpu.memory_space<semaphore_mem>>) {add = true}
        %dma_wait3A_782 = arith.constant 0 : i32
        %dma_wait3A_783 = arith.constant 0 : i32
        %dma_wait3A_784 = tpu.memref_slice %arg10[%run_scoped3A_476, %dma_wait3A_782, %dma_wait3A_783] : memref<8x128x64xf32, #tpu.memory_space<vmem>> -> memref<1x128x64xf32, #tpu.memory_space<vmem>>
        %dma_wait3A_785 = tpu.memref_squeeze %dma_wait3A_784 : memref<1x128x64xf32, #tpu.memory_space<vmem>> -> memref<128x64xf32, #tpu.memory_space<vmem>>
        %dma_wait3A_786 = arith.constant 0 : i32
        %dma_wait3A_787 = tpu.memref_slice %arg8[%run_scoped3A_477, %run_scoped3A_478, %dma_wait3A_786] : memref<8x2x128xi32, #tpu.memory_space<vmem>> -> memref<1x1x128xi32, #tpu.memory_space<vmem>>
        %dma_wait3A_788 = tpu.memref_squeeze %dma_wait3A_787 : memref<1x1x128xi32, #tpu.memory_space<vmem>> -> memref<128xi32, #tpu.memory_space<vmem>>
        %dma_wait3A_789 = arith.constant 0 : i32
        %dma_wait3A_790 = arith.constant 0 : i32
        %dma_wait3A_791 = tpu.memref_slice %arg11[%dma_wait3A_789, %dma_wait3A_790] : memref<10240x64xf32, #tpu.memory_space<vmem_shared>> -> memref<10240x64xf32, #tpu.memory_space<vmem_shared>>
        tpu.wait_indirect_dma semaphore(%run_scoped3A_771 : memref<!tpu.dma_semaphore, #tpu.memory_space<semaphore_mem>>) src(%dma_wait3A_785 : memref<128x64xf32, #tpu.memory_space<vmem>>) dst(%dma_wait3A_791 : memref<10240x64xf32, #tpu.memory_space<vmem_shared>>)
        tpu.yield
      }) : () -> ()
      %eq3A_479 = arith.constant 0 : i32
      %eq3A_480 = arith.cmpi eq, %arg0, %eq3A_479 : i32
      %convert_element_type3A_481 = arith.extui %eq3A_480 : i1 to i32
      %cond3A_482 = arith.constant 0 : i32
      %cond3A_483 = arith.cmpi ne, %convert_element_type3A_481, %cond3A_482 : i32
      scf.if %cond3A_483 {
        %dma_wait3A_771 = arith.constant 0 : i32
        %dma_wait3A_772 = arith.constant 0 : i32
        %dma_wait3A_773 = tpu.memref_slice %arg9[%dma_wait3A_771, %dma_wait3A_772] : memref<8x128xf32, #tpu.memory_space<vmem>> -> memref<1x128xf32, #tpu.memory_space<vmem>>
        %dma_wait3A_774 = tpu.memref_squeeze %dma_wait3A_773 : memref<1x128xf32, #tpu.memory_space<vmem>> -> memref<128xf32, #tpu.memory_space<vmem>>
        %dma_wait3A_775 = arith.constant 0 : i32
        %dma_wait3A_776 = tpu.memref_slice %arg5[%dma_wait3A_775] : memref<10240xf32, #tpu.memory_space<hbm>> -> memref<128xf32, #tpu.memory_space<hbm>>
        %dma_wait3A_777 = arith.constant 0 : i32
        %dma_wait3A_778 = tpu.memref_slice %arg9[%dma_wait3A_771, %dma_wait3A_777] : memref<8x128xf32, #tpu.memory_space<vmem>> -> memref<1x128xf32, #tpu.memory_space<vmem>>
        %dma_wait3A_779 = tpu.memref_squeeze %dma_wait3A_778 : memref<1x128xf32, #tpu.memory_space<vmem>> -> memref<128xf32, #tpu.memory_space<vmem>>
        %dma_wait3A_780 = arith.constant 0 : i32
        %dma_wait3A_781 = tpu.memref_slice %arg5[%dma_wait3A_780] : memref<10240xf32, #tpu.memory_space<hbm>> -> memref<128xf32, #tpu.memory_space<hbm>>
        tpu.wait_dma2 semaphore(%arg29 : memref<!tpu.dma_semaphore, #tpu.memory_space<semaphore_mem>>) src(%dma_wait3A_781 : memref<128xf32, #tpu.memory_space<hbm>>) dst(%dma_wait3A_779 : memref<128xf32, #tpu.memory_space<vmem>>)
        %run_scoped3A_782 = arith.constant 0 : i32
        %run_scoped3A_783 = arith.constant 0 : i32
        %run_scoped3A_784 = arith.constant 0 : i32
        "tpu.region"() ({
          %run_scoped3A_785 = tpu.sem_alloc : memref<!tpu.dma_semaphore, #tpu.memory_space<semaphore_mem>>
          %dma_start3A_786 = arith.constant 0 : i32
          %dma_start3A_787 = tpu.memref_slice %arg9[%run_scoped3A_782, %dma_start3A_786] : memref<8x128xf32, #tpu.memory_space<vmem>> -> memref<1x128xf32, #tpu.memory_space<vmem>>
          %dma_start3A_788 = tpu.memref_squeeze %dma_start3A_787 : memref<1x128xf32, #tpu.memory_space<vmem>> -> memref<128xf32, #tpu.memory_space<vmem>>
          %dma_start3A_789 = arith.constant 0 : i32
          %dma_start3A_790 = tpu.memref_slice %arg8[%run_scoped3A_783, %run_scoped3A_784, %dma_start3A_789] : memref<8x2x128xi32, #tpu.memory_space<vmem>> -> memref<1x1x128xi32, #tpu.memory_space<vmem>>
          %dma_start3A_791 = tpu.memref_squeeze %dma_start3A_790 : memref<1x1x128xi32, #tpu.memory_space<vmem>> -> memref<128xi32, #tpu.memory_space<vmem>>
          %dma_start3A_792 = arith.constant 0 : i32
          %dma_start3A_793 = tpu.memref_slice %arg12[%dma_start3A_792] : memref<10240xf32, #tpu.memory_space<vmem_shared>> -> memref<10240xf32, #tpu.memory_space<vmem_shared>>
          tpu.enqueue_indirect_dma source(%dma_start3A_788 : memref<128xf32, #tpu.memory_space<vmem>>) target(%dma_start3A_793 : memref<10240xf32, #tpu.memory_space<vmem_shared>>) offsets(%dma_start3A_791 : memref<128xi32, #tpu.memory_space<vmem>>) semaphore(%run_scoped3A_785 : memref<!tpu.dma_semaphore, #tpu.memory_space<semaphore_mem>>) {add = true}
          %dma_wait3A_794 = arith.constant 0 : i32
          %dma_wait3A_795 = tpu.memref_slice %arg9[%run_scoped3A_782, %dma_wait3A_794] : memref<8x128xf32, #tpu.memory_space<vmem>> -> memref<1x128xf32, #tpu.memory_space<vmem>>
          %dma_wait3A_796 = tpu.memref_squeeze %dma_wait3A_795 : memref<1x128xf32, #tpu.memory_space<vmem>> -> memref<128xf32, #tpu.memory_space<vmem>>
          %dma_wait3A_797 = arith.constant 0 : i32
          %dma_wait3A_798 = tpu.memref_slice %arg8[%run_scoped3A_783, %run_scoped3A_784, %dma_wait3A_797] : memref<8x2x128xi32, #tpu.memory_space<vmem>> -> memref<1x1x128xi32, #tpu.memory_space<vmem>>
          %dma_wait3A_799 = tpu.memref_squeeze %dma_wait3A_798 : memref<1x1x128xi32, #tpu.memory_space<vmem>> -> memref<128xi32, #tpu.memory_space<vmem>>
          %dma_wait3A_800 = arith.constant 0 : i32
          %dma_wait3A_801 = tpu.memref_slice %arg12[%dma_wait3A_800] : memref<10240xf32, #tpu.memory_space<vmem_shared>> -> memref<10240xf32, #tpu.memory_space<vmem_shared>>
          tpu.wait_indirect_dma semaphore(%run_scoped3A_785 : memref<!tpu.dma_semaphore, #tpu.memory_space<semaphore_mem>>) src(%dma_wait3A_796 : memref<128xf32, #tpu.memory_space<vmem>>) dst(%dma_wait3A_801 : memref<10240xf32, #tpu.memory_space<vmem_shared>>)
          tpu.yield
        }) : () -> ()
      } else {
      }
      %add3A_484 = arith.constant 8 : i32
      %add3A_485 = arith.addi %add3A_460, %add3A_484 : i32
      %lt3A = arith.constant 160 : i32
      %lt3A_486 = arith.cmpi slt, %add3A_485, %lt3A : i32
      %convert_element_type3A_487 = arith.extui %lt3A_486 : i1 to i32
      %cond3A_488 = arith.constant 0 : i32
      %cond3A_489 = arith.cmpi ne, %convert_element_type3A_487, %cond3A_488 : i32
      scf.if %cond3A_489 {
        %add3A_771 = arith.constant 8 : i32
        %add3A_772 = arith.addi %add3A_460, %add3A_771 : i32
        %dma_start3A_773 = arith.constant 0 : i32
        %dma_start3A_774 = arith.constant 0 : i32
        %dma_start3A_775 = arith.constant 0 : i32
        %dma_start3A_776 = tpu.memref_slice %arg8[%dma_start3A_773, %dma_start3A_774, %dma_start3A_775] : memref<8x2x128xi32, #tpu.memory_space<vmem>> -> memref<1x2x128xi32, #tpu.memory_space<vmem>>
        %dma_start3A_777 = tpu.memref_squeeze %dma_start3A_776 : memref<1x2x128xi32, #tpu.memory_space<vmem>> -> memref<2x128xi32, #tpu.memory_space<vmem>>
        %dma_start3A_778 = arith.constant 0 : i32
        %dma_start3A_779 = arith.constant 0 : i32
        %dma_start3A_780 = tpu.memref_slice %arg2[%arg1, %add3A_772, %dma_start3A_778, %dma_start3A_779] : memref<16x160x2x128xi32, #tpu.memory_space<hbm>> -> memref<1x1x2x128xi32, #tpu.memory_space<hbm>>
        %dma_start3A_781 = tpu.memref_squeeze %dma_start3A_780 : memref<1x1x2x128xi32, #tpu.memory_space<hbm>> -> memref<2x128xi32, #tpu.memory_space<hbm>>
        %dma_start3A_782 = arith.constant 0 : i32
        %dma_start3A_783 = arith.constant 0 : i32
        %dma_start3A_784 = tpu.memref_slice %arg8[%dma_start3A_773, %dma_start3A_782, %dma_start3A_783] : memref<8x2x128xi32, #tpu.memory_space<vmem>> -> memref<1x2x128xi32, #tpu.memory_space<vmem>>
        %dma_start3A_785 = tpu.memref_squeeze %dma_start3A_784 : memref<1x2x128xi32, #tpu.memory_space<vmem>> -> memref<2x128xi32, #tpu.memory_space<vmem>>
        %dma_start3A_786 = arith.constant 0 : i32
        %dma_start3A_787 = arith.constant 0 : i32
        %dma_start3A_788 = tpu.memref_slice %arg2[%arg1, %add3A_772, %dma_start3A_786, %dma_start3A_787] : memref<16x160x2x128xi32, #tpu.memory_space<hbm>> -> memref<1x1x2x128xi32, #tpu.memory_space<hbm>>
        %dma_start3A_789 = tpu.memref_squeeze %dma_start3A_788 : memref<1x1x2x128xi32, #tpu.memory_space<hbm>> -> memref<2x128xi32, #tpu.memory_space<hbm>>
        tpu.enqueue_dma source(%dma_start3A_789 : memref<2x128xi32, #tpu.memory_space<hbm>>) target(%dma_start3A_785 : memref<2x128xi32, #tpu.memory_space<vmem>>) target_semaphore(%arg21 : memref<!tpu.dma_semaphore, #tpu.memory_space<semaphore_mem>>)
      } else {
      }
      %add3A_490 = arith.constant 6 : i32
      %add3A_491 = arith.addi %add3A_460, %add3A_490 : i32
      %lt3A_492 = arith.constant 160 : i32
      %lt3A_493 = arith.cmpi slt, %add3A_491, %lt3A_492 : i32
      %convert_element_type3A_494 = arith.extui %lt3A_493 : i1 to i32
      %cond3A_495 = arith.constant 0 : i32
      %cond3A_496 = arith.cmpi ne, %convert_element_type3A_494, %cond3A_495 : i32
      scf.if %cond3A_496 {
        %dma_wait3A_771 = arith.constant 0 : i32
        %dma_wait3A_772 = arith.constant 0 : i32
        %dma_wait3A_773 = arith.constant 6 : i32
        %dma_wait3A_774 = arith.constant 0 : i32
        %dma_wait3A_775 = arith.constant 0 : i32
        %dma_wait3A_776 = tpu.memref_slice %arg8[%dma_wait3A_773, %dma_wait3A_774, %dma_wait3A_775] : memref<8x2x128xi32, #tpu.memory_space<vmem>> -> memref<1x2x128xi32, #tpu.memory_space<vmem>>
        %dma_wait3A_777 = tpu.memref_squeeze %dma_wait3A_776 : memref<1x2x128xi32, #tpu.memory_space<vmem>> -> memref<2x128xi32, #tpu.memory_space<vmem>>
        %dma_wait3A_778 = arith.constant 0 : i32
        %dma_wait3A_779 = arith.constant 0 : i32
        %dma_wait3A_780 = tpu.memref_slice %arg2[%dma_wait3A_771, %dma_wait3A_772, %dma_wait3A_778, %dma_wait3A_779] : memref<16x160x2x128xi32, #tpu.memory_space<hbm>> -> memref<1x1x2x128xi32, #tpu.memory_space<hbm>>
        %dma_wait3A_781 = tpu.memref_squeeze %dma_wait3A_780 : memref<1x1x2x128xi32, #tpu.memory_space<hbm>> -> memref<2x128xi32, #tpu.memory_space<hbm>>
        %dma_wait3A_782 = arith.constant 0 : i32
        %dma_wait3A_783 = arith.constant 0 : i32
        %dma_wait3A_784 = tpu.memref_slice %arg8[%dma_wait3A_773, %dma_wait3A_782, %dma_wait3A_783] : memref<8x2x128xi32, #tpu.memory_space<vmem>> -> memref<1x2x128xi32, #tpu.memory_space<vmem>>
        %dma_wait3A_785 = tpu.memref_squeeze %dma_wait3A_784 : memref<1x2x128xi32, #tpu.memory_space<vmem>> -> memref<2x128xi32, #tpu.memory_space<vmem>>
        %dma_wait3A_786 = arith.constant 0 : i32
        %dma_wait3A_787 = arith.constant 0 : i32
        %dma_wait3A_788 = tpu.memref_slice %arg2[%dma_wait3A_771, %dma_wait3A_772, %dma_wait3A_786, %dma_wait3A_787] : memref<16x160x2x128xi32, #tpu.memory_space<hbm>> -> memref<1x1x2x128xi32, #tpu.memory_space<hbm>>
        %dma_wait3A_789 = tpu.memref_squeeze %dma_wait3A_788 : memref<1x1x2x128xi32, #tpu.memory_space<hbm>> -> memref<2x128xi32, #tpu.memory_space<hbm>>
        tpu.wait_dma2 semaphore(%arg27 : memref<!tpu.dma_semaphore, #tpu.memory_space<semaphore_mem>>) src(%dma_wait3A_789 : memref<2x128xi32, #tpu.memory_space<hbm>>) dst(%dma_wait3A_785 : memref<2x128xi32, #tpu.memory_space<vmem>>)
        %add3A_790 = arith.constant 6 : i32
        %add3A_791 = arith.addi %add3A_460, %add3A_790 : i32
        %eq3A_792 = arith.constant 0 : i32
        %eq3A_793 = arith.cmpi eq, %arg0, %eq3A_792 : i32
        %convert_element_type3A_794 = arith.extui %eq3A_793 : i1 to i32
        %cond3A_795 = arith.constant 0 : i32
        %cond3A_796 = arith.cmpi ne, %convert_element_type3A_794, %cond3A_795 : i32
        scf.if %cond3A_796 {
          %dma_start3A_819 = arith.constant 6 : i32
          %dma_start3A_820 = arith.constant 0 : i32
          %dma_start3A_821 = arith.constant 6 : i32
          %dma_start3A_822 = arith.constant 0 : i32
          %dma_start3A_823 = arith.constant 0 : i32
          %dma_start3A_824 = tpu.memref_slice %arg10[%dma_start3A_821, %dma_start3A_822, %dma_start3A_823] : memref<8x128x64xf32, #tpu.memory_space<vmem>> -> memref<1x128x64xf32, #tpu.memory_space<vmem>>
          %dma_start3A_825 = tpu.memref_squeeze %dma_start3A_824 : memref<1x128x64xf32, #tpu.memory_space<vmem>> -> memref<128x64xf32, #tpu.memory_space<vmem>>
          %dma_start3A_826 = arith.constant 0 : i32
          %dma_start3A_827 = tpu.memref_slice %arg8[%dma_start3A_819, %dma_start3A_820, %dma_start3A_826] : memref<8x2x128xi32, #tpu.memory_space<vmem>> -> memref<1x1x128xi32, #tpu.memory_space<vmem>>
          %dma_start3A_828 = tpu.memref_squeeze %dma_start3A_827 : memref<1x1x128xi32, #tpu.memory_space<vmem>> -> memref<128xi32, #tpu.memory_space<vmem>>
          %dma_start3A_829 = arith.constant 0 : i32
          %dma_start3A_830 = arith.constant 0 : i32
          %dma_start3A_831 = tpu.memref_slice %arg3[%dma_start3A_829, %dma_start3A_830] : memref<10240x64xf32, #tpu.memory_space<hbm>> -> memref<10240x64xf32, #tpu.memory_space<hbm>>
          tpu.enqueue_indirect_dma source(%dma_start3A_831 : memref<10240x64xf32, #tpu.memory_space<hbm>>) target(%dma_start3A_825 : memref<128x64xf32, #tpu.memory_space<vmem>>) offsets(%dma_start3A_828 : memref<128xi32, #tpu.memory_space<vmem>>) semaphore(%arg19 : memref<!tpu.dma_semaphore, #tpu.memory_space<semaphore_mem>>)
        } else {
        }
        %eq3A_797 = arith.constant 1 : i32
        %eq3A_798 = arith.cmpi eq, %arg0, %eq3A_797 : i32
        %convert_element_type3A_799 = arith.extui %eq3A_798 : i1 to i32
        %cond3A_800 = arith.constant 0 : i32
        %cond3A_801 = arith.cmpi ne, %convert_element_type3A_799, %cond3A_800 : i32
        scf.if %cond3A_801 {
          %dma_start3A_819 = arith.constant 6 : i32
          %dma_start3A_820 = arith.constant 0 : i32
          %dma_start3A_821 = arith.constant 6 : i32
          %dma_start3A_822 = arith.constant 0 : i32
          %dma_start3A_823 = arith.constant 0 : i32
          %dma_start3A_824 = tpu.memref_slice %arg10[%dma_start3A_821, %dma_start3A_822, %dma_start3A_823] : memref<8x128x64xf32, #tpu.memory_space<vmem>> -> memref<1x128x64xf32, #tpu.memory_space<vmem>>
          %dma_start3A_825 = tpu.memref_squeeze %dma_start3A_824 : memref<1x128x64xf32, #tpu.memory_space<vmem>> -> memref<128x64xf32, #tpu.memory_space<vmem>>
          %dma_start3A_826 = arith.constant 0 : i32
          %dma_start3A_827 = tpu.memref_slice %arg8[%dma_start3A_819, %dma_start3A_820, %dma_start3A_826] : memref<8x2x128xi32, #tpu.memory_space<vmem>> -> memref<1x1x128xi32, #tpu.memory_space<vmem>>
          %dma_start3A_828 = tpu.memref_squeeze %dma_start3A_827 : memref<1x1x128xi32, #tpu.memory_space<vmem>> -> memref<128xi32, #tpu.memory_space<vmem>>
          %dma_start3A_829 = arith.constant 0 : i32
          %dma_start3A_830 = arith.constant 0 : i32
          %dma_start3A_831 = tpu.memref_slice %arg4[%dma_start3A_829, %dma_start3A_830] : memref<10240x64xf32, #tpu.memory_space<hbm>> -> memref<10240x64xf32, #tpu.memory_space<hbm>>
          tpu.enqueue_indirect_dma source(%dma_start3A_831 : memref<10240x64xf32, #tpu.memory_space<hbm>>) target(%dma_start3A_825 : memref<128x64xf32, #tpu.memory_space<vmem>>) offsets(%dma_start3A_828 : memref<128xi32, #tpu.memory_space<vmem>>) semaphore(%arg19 : memref<!tpu.dma_semaphore, #tpu.memory_space<semaphore_mem>>)
        } else {
        }
        %add3A_802 = arith.constant 6 : i32
        %add3A_803 = arith.addi %add3A_460, %add3A_802 : i32
        %jit3A = arith.constant 2 : i32
        %eq3A_804 = arith.constant 0 : i32
        %eq3A_805 = arith.cmpi eq, %jit3A, %eq3A_804 : i32
        %jit3A_806 = arith.constant 1 : i32
        %select_n3A = arith.select %eq3A_805, %jit3A_806, %jit3A : i32
        %rem3A = arith.remsi %add3A_803, %select_n3A : i32
        %ne3A = arith.constant 0 : i32
        %ne3A_807 = arith.cmpi ne, %rem3A, %ne3A : i32
        %lt3A_808 = arith.constant 0 : i32
        %lt3A_809 = arith.cmpi slt, %rem3A, %lt3A_808 : i32
        %lt3A_810 = arith.constant 0 : i32
        %lt3A_811 = arith.cmpi slt, %select_n3A, %lt3A_810 : i32
        %ne3A_812 = arith.xori %lt3A_809, %lt3A_811 : i1
        %and3A = arith.andi %ne3A_812, %ne3A_807 : i1
        %add3A_813 = arith.addi %rem3A, %select_n3A : i32
        %select_n3A_814 = arith.select %and3A, %add3A_813, %rem3A : i32
        %eq3A_815 = arith.cmpi eq, %arg0, %select_n3A_814 : i32
        %convert_element_type3A_816 = arith.extui %eq3A_815 : i1 to i32
        %cond3A_817 = arith.constant 0 : i32
        %cond3A_818 = arith.cmpi ne, %convert_element_type3A_816, %cond3A_817 : i32
        scf.if %cond3A_818 {
          %dma_start3A_819 = arith.constant 6 : i32
          %dma_start3A_820 = arith.constant 1 : i32
          %dma_start3A_821 = arith.constant 6 : i32
          %dma_start3A_822 = arith.constant 0 : i32
          %dma_start3A_823 = tpu.memref_slice %arg9[%dma_start3A_821, %dma_start3A_822] : memref<8x128xf32, #tpu.memory_space<vmem>> -> memref<1x128xf32, #tpu.memory_space<vmem>>
          %dma_start3A_824 = tpu.memref_squeeze %dma_start3A_823 : memref<1x128xf32, #tpu.memory_space<vmem>> -> memref<128xf32, #tpu.memory_space<vmem>>
          %dma_start3A_825 = arith.constant 0 : i32
          %dma_start3A_826 = tpu.memref_slice %arg8[%dma_start3A_819, %dma_start3A_820, %dma_start3A_825] : memref<8x2x128xi32, #tpu.memory_space<vmem>> -> memref<1x1x128xi32, #tpu.memory_space<vmem>>
          %dma_start3A_827 = tpu.memref_squeeze %dma_start3A_826 : memref<1x1x128xi32, #tpu.memory_space<vmem>> -> memref<128xi32, #tpu.memory_space<vmem>>
          %dma_start3A_828 = arith.constant 0 : i32
          %dma_start3A_829 = tpu.memref_slice %arg5[%dma_start3A_828] : memref<10240xf32, #tpu.memory_space<hbm>> -> memref<10240xf32, #tpu.memory_space<hbm>>
          tpu.enqueue_indirect_dma source(%dma_start3A_829 : memref<10240xf32, #tpu.memory_space<hbm>>) target(%dma_start3A_824 : memref<128xf32, #tpu.memory_space<vmem>>) offsets(%dma_start3A_827 : memref<128xi32, #tpu.memory_space<vmem>>) semaphore(%arg35 : memref<!tpu.dma_semaphore, #tpu.memory_space<semaphore_mem>>)
        } else {
        }
      } else {
      }
      %add3A_497 = arith.constant 1 : i32
      %add3A_498 = arith.addi %mul3A_458, %add3A_497 : i32
      %dma_wait3A_499 = arith.constant 1 : i32
      %dma_wait3A_500 = arith.constant 0 : i32
      %dma_wait3A_501 = arith.constant 0 : i32
      %dma_wait3A_502 = tpu.memref_slice %arg10[%dma_wait3A_499, %dma_wait3A_500, %dma_wait3A_501] : memref<8x128x64xf32, #tpu.memory_space<vmem>> -> memref<1x128x64xf32, #tpu.memory_space<vmem>>
      %dma_wait3A_503 = tpu.memref_squeeze %dma_wait3A_502 : memref<1x128x64xf32, #tpu.memory_space<vmem>> -> memref<128x64xf32, #tpu.memory_space<vmem>>
      %dma_wait3A_504 = arith.constant 0 : i32
      %dma_wait3A_505 = arith.constant 0 : i32
      %dma_wait3A_506 = tpu.memref_slice %arg3[%dma_wait3A_504, %dma_wait3A_505] : memref<10240x64xf32, #tpu.memory_space<hbm>> -> memref<128x64xf32, #tpu.memory_space<hbm>>
      %dma_wait3A_507 = arith.constant 0 : i32
      %dma_wait3A_508 = arith.constant 0 : i32
      %dma_wait3A_509 = tpu.memref_slice %arg10[%dma_wait3A_499, %dma_wait3A_507, %dma_wait3A_508] : memref<8x128x64xf32, #tpu.memory_space<vmem>> -> memref<1x128x64xf32, #tpu.memory_space<vmem>>
      %dma_wait3A_510 = tpu.memref_squeeze %dma_wait3A_509 : memref<1x128x64xf32, #tpu.memory_space<vmem>> -> memref<128x64xf32, #tpu.memory_space<vmem>>
      %dma_wait3A_511 = arith.constant 0 : i32
      %dma_wait3A_512 = arith.constant 0 : i32
      %dma_wait3A_513 = tpu.memref_slice %arg3[%dma_wait3A_511, %dma_wait3A_512] : memref<10240x64xf32, #tpu.memory_space<hbm>> -> memref<128x64xf32, #tpu.memory_space<hbm>>
      tpu.wait_dma2 semaphore(%arg14 : memref<!tpu.dma_semaphore, #tpu.memory_space<semaphore_mem>>) src(%dma_wait3A_513 : memref<128x64xf32, #tpu.memory_space<hbm>>) dst(%dma_wait3A_510 : memref<128x64xf32, #tpu.memory_space<vmem>>)
      %run_scoped3A_514 = arith.constant 1 : i32
      %run_scoped3A_515 = arith.constant 1 : i32
      %run_scoped3A_516 = arith.constant 1 : i32
      "tpu.region"() ({
        %run_scoped3A_771 = tpu.sem_alloc : memref<!tpu.dma_semaphore, #tpu.memory_space<semaphore_mem>>
        %dma_start3A_772 = arith.constant 0 : i32
        %dma_start3A_773 = arith.constant 0 : i32
        %dma_start3A_774 = tpu.memref_slice %arg10[%run_scoped3A_514, %dma_start3A_772, %dma_start3A_773] : memref<8x128x64xf32, #tpu.memory_space<vmem>> -> memref<1x128x64xf32, #tpu.memory_space<vmem>>
        %dma_start3A_775 = tpu.memref_squeeze %dma_start3A_774 : memref<1x128x64xf32, #tpu.memory_space<vmem>> -> memref<128x64xf32, #tpu.memory_space<vmem>>
        %dma_start3A_776 = arith.constant 0 : i32
        %dma_start3A_777 = tpu.memref_slice %arg8[%run_scoped3A_515, %run_scoped3A_516, %dma_start3A_776] : memref<8x2x128xi32, #tpu.memory_space<vmem>> -> memref<1x1x128xi32, #tpu.memory_space<vmem>>
        %dma_start3A_778 = tpu.memref_squeeze %dma_start3A_777 : memref<1x1x128xi32, #tpu.memory_space<vmem>> -> memref<128xi32, #tpu.memory_space<vmem>>
        %dma_start3A_779 = arith.constant 0 : i32
        %dma_start3A_780 = arith.constant 0 : i32
        %dma_start3A_781 = tpu.memref_slice %arg11[%dma_start3A_779, %dma_start3A_780] : memref<10240x64xf32, #tpu.memory_space<vmem_shared>> -> memref<10240x64xf32, #tpu.memory_space<vmem_shared>>
        tpu.enqueue_indirect_dma source(%dma_start3A_775 : memref<128x64xf32, #tpu.memory_space<vmem>>) target(%dma_start3A_781 : memref<10240x64xf32, #tpu.memory_space<vmem_shared>>) offsets(%dma_start3A_778 : memref<128xi32, #tpu.memory_space<vmem>>) semaphore(%run_scoped3A_771 : memref<!tpu.dma_semaphore, #tpu.memory_space<semaphore_mem>>) {add = true}
        %dma_wait3A_782 = arith.constant 0 : i32
        %dma_wait3A_783 = arith.constant 0 : i32
        %dma_wait3A_784 = tpu.memref_slice %arg10[%run_scoped3A_514, %dma_wait3A_782, %dma_wait3A_783] : memref<8x128x64xf32, #tpu.memory_space<vmem>> -> memref<1x128x64xf32, #tpu.memory_space<vmem>>
        %dma_wait3A_785 = tpu.memref_squeeze %dma_wait3A_784 : memref<1x128x64xf32, #tpu.memory_space<vmem>> -> memref<128x64xf32, #tpu.memory_space<vmem>>
        %dma_wait3A_786 = arith.constant 0 : i32
        %dma_wait3A_787 = tpu.memref_slice %arg8[%run_scoped3A_515, %run_scoped3A_516, %dma_wait3A_786] : memref<8x2x128xi32, #tpu.memory_space<vmem>> -> memref<1x1x128xi32, #tpu.memory_space<vmem>>
        %dma_wait3A_788 = tpu.memref_squeeze %dma_wait3A_787 : memref<1x1x128xi32, #tpu.memory_space<vmem>> -> memref<128xi32, #tpu.memory_space<vmem>>
        %dma_wait3A_789 = arith.constant 0 : i32
        %dma_wait3A_790 = arith.constant 0 : i32
        %dma_wait3A_791 = tpu.memref_slice %arg11[%dma_wait3A_789, %dma_wait3A_790] : memref<10240x64xf32, #tpu.memory_space<vmem_shared>> -> memref<10240x64xf32, #tpu.memory_space<vmem_shared>>
        tpu.wait_indirect_dma semaphore(%run_scoped3A_771 : memref<!tpu.dma_semaphore, #tpu.memory_space<semaphore_mem>>) src(%dma_wait3A_785 : memref<128x64xf32, #tpu.memory_space<vmem>>) dst(%dma_wait3A_791 : memref<10240x64xf32, #tpu.memory_space<vmem_shared>>)
        tpu.yield
      }) : () -> ()
      %eq3A_517 = arith.constant 1 : i32
      %eq3A_518 = arith.cmpi eq, %arg0, %eq3A_517 : i32
      %convert_element_type3A_519 = arith.extui %eq3A_518 : i1 to i32
      %cond3A_520 = arith.constant 0 : i32
      %cond3A_521 = arith.cmpi ne, %convert_element_type3A_519, %cond3A_520 : i32
      scf.if %cond3A_521 {
        %dma_wait3A_771 = arith.constant 1 : i32
        %dma_wait3A_772 = arith.constant 0 : i32
        %dma_wait3A_773 = tpu.memref_slice %arg9[%dma_wait3A_771, %dma_wait3A_772] : memref<8x128xf32, #tpu.memory_space<vmem>> -> memref<1x128xf32, #tpu.memory_space<vmem>>
        %dma_wait3A_774 = tpu.memref_squeeze %dma_wait3A_773 : memref<1x128xf32, #tpu.memory_space<vmem>> -> memref<128xf32, #tpu.memory_space<vmem>>
        %dma_wait3A_775 = arith.constant 0 : i32
        %dma_wait3A_776 = tpu.memref_slice %arg5[%dma_wait3A_775] : memref<10240xf32, #tpu.memory_space<hbm>> -> memref<128xf32, #tpu.memory_space<hbm>>
        %dma_wait3A_777 = arith.constant 0 : i32
        %dma_wait3A_778 = tpu.memref_slice %arg9[%dma_wait3A_771, %dma_wait3A_777] : memref<8x128xf32, #tpu.memory_space<vmem>> -> memref<1x128xf32, #tpu.memory_space<vmem>>
        %dma_wait3A_779 = tpu.memref_squeeze %dma_wait3A_778 : memref<1x128xf32, #tpu.memory_space<vmem>> -> memref<128xf32, #tpu.memory_space<vmem>>
        %dma_wait3A_780 = arith.constant 0 : i32
        %dma_wait3A_781 = tpu.memref_slice %arg5[%dma_wait3A_780] : memref<10240xf32, #tpu.memory_space<hbm>> -> memref<128xf32, #tpu.memory_space<hbm>>
        tpu.wait_dma2 semaphore(%arg30 : memref<!tpu.dma_semaphore, #tpu.memory_space<semaphore_mem>>) src(%dma_wait3A_781 : memref<128xf32, #tpu.memory_space<hbm>>) dst(%dma_wait3A_779 : memref<128xf32, #tpu.memory_space<vmem>>)
        %run_scoped3A_782 = arith.constant 1 : i32
        %run_scoped3A_783 = arith.constant 1 : i32
        %run_scoped3A_784 = arith.constant 0 : i32
        "tpu.region"() ({
          %run_scoped3A_785 = tpu.sem_alloc : memref<!tpu.dma_semaphore, #tpu.memory_space<semaphore_mem>>
          %dma_start3A_786 = arith.constant 0 : i32
          %dma_start3A_787 = tpu.memref_slice %arg9[%run_scoped3A_782, %dma_start3A_786] : memref<8x128xf32, #tpu.memory_space<vmem>> -> memref<1x128xf32, #tpu.memory_space<vmem>>
          %dma_start3A_788 = tpu.memref_squeeze %dma_start3A_787 : memref<1x128xf32, #tpu.memory_space<vmem>> -> memref<128xf32, #tpu.memory_space<vmem>>
          %dma_start3A_789 = arith.constant 0 : i32
          %dma_start3A_790 = tpu.memref_slice %arg8[%run_scoped3A_783, %run_scoped3A_784, %dma_start3A_789] : memref<8x2x128xi32, #tpu.memory_space<vmem>> -> memref<1x1x128xi32, #tpu.memory_space<vmem>>
          %dma_start3A_791 = tpu.memref_squeeze %dma_start3A_790 : memref<1x1x128xi32, #tpu.memory_space<vmem>> -> memref<128xi32, #tpu.memory_space<vmem>>
          %dma_start3A_792 = arith.constant 0 : i32
          %dma_start3A_793 = tpu.memref_slice %arg12[%dma_start3A_792] : memref<10240xf32, #tpu.memory_space<vmem_shared>> -> memref<10240xf32, #tpu.memory_space<vmem_shared>>
          tpu.enqueue_indirect_dma source(%dma_start3A_788 : memref<128xf32, #tpu.memory_space<vmem>>) target(%dma_start3A_793 : memref<10240xf32, #tpu.memory_space<vmem_shared>>) offsets(%dma_start3A_791 : memref<128xi32, #tpu.memory_space<vmem>>) semaphore(%run_scoped3A_785 : memref<!tpu.dma_semaphore, #tpu.memory_space<semaphore_mem>>) {add = true}
          %dma_wait3A_794 = arith.constant 0 : i32
          %dma_wait3A_795 = tpu.memref_slice %arg9[%run_scoped3A_782, %dma_wait3A_794] : memref<8x128xf32, #tpu.memory_space<vmem>> -> memref<1x128xf32, #tpu.memory_space<vmem>>
          %dma_wait3A_796 = tpu.memref_squeeze %dma_wait3A_795 : memref<1x128xf32, #tpu.memory_space<vmem>> -> memref<128xf32, #tpu.memory_space<vmem>>
          %dma_wait3A_797 = arith.constant 0 : i32
          %dma_wait3A_798 = tpu.memref_slice %arg8[%run_scoped3A_783, %run_scoped3A_784, %dma_wait3A_797] : memref<8x2x128xi32, #tpu.memory_space<vmem>> -> memref<1x1x128xi32, #tpu.memory_space<vmem>>
          %dma_wait3A_799 = tpu.memref_squeeze %dma_wait3A_798 : memref<1x1x128xi32, #tpu.memory_space<vmem>> -> memref<128xi32, #tpu.memory_space<vmem>>
          %dma_wait3A_800 = arith.constant 0 : i32
          %dma_wait3A_801 = tpu.memref_slice %arg12[%dma_wait3A_800] : memref<10240xf32, #tpu.memory_space<vmem_shared>> -> memref<10240xf32, #tpu.memory_space<vmem_shared>>
          tpu.wait_indirect_dma semaphore(%run_scoped3A_785 : memref<!tpu.dma_semaphore, #tpu.memory_space<semaphore_mem>>) src(%dma_wait3A_796 : memref<128xf32, #tpu.memory_space<vmem>>) dst(%dma_wait3A_801 : memref<10240xf32, #tpu.memory_space<vmem_shared>>)
          tpu.yield
        }) : () -> ()
      } else {
      }
      %add3A_522 = arith.constant 8 : i32
      %add3A_523 = arith.addi %add3A_498, %add3A_522 : i32
      %lt3A_524 = arith.constant 160 : i32
      %lt3A_525 = arith.cmpi slt, %add3A_523, %lt3A_524 : i32
      %convert_element_type3A_526 = arith.extui %lt3A_525 : i1 to i32
      %cond3A_527 = arith.constant 0 : i32
      %cond3A_528 = arith.cmpi ne, %convert_element_type3A_526, %cond3A_527 : i32
      scf.if %cond3A_528 {
        %add3A_771 = arith.constant 8 : i32
        %add3A_772 = arith.addi %add3A_498, %add3A_771 : i32
        %dma_start3A_773 = arith.constant 1 : i32
        %dma_start3A_774 = arith.constant 0 : i32
        %dma_start3A_775 = arith.constant 0 : i32
        %dma_start3A_776 = tpu.memref_slice %arg8[%dma_start3A_773, %dma_start3A_774, %dma_start3A_775] : memref<8x2x128xi32, #tpu.memory_space<vmem>> -> memref<1x2x128xi32, #tpu.memory_space<vmem>>
        %dma_start3A_777 = tpu.memref_squeeze %dma_start3A_776 : memref<1x2x128xi32, #tpu.memory_space<vmem>> -> memref<2x128xi32, #tpu.memory_space<vmem>>
        %dma_start3A_778 = arith.constant 0 : i32
        %dma_start3A_779 = arith.constant 0 : i32
        %dma_start3A_780 = tpu.memref_slice %arg2[%arg1, %add3A_772, %dma_start3A_778, %dma_start3A_779] : memref<16x160x2x128xi32, #tpu.memory_space<hbm>> -> memref<1x1x2x128xi32, #tpu.memory_space<hbm>>
        %dma_start3A_781 = tpu.memref_squeeze %dma_start3A_780 : memref<1x1x2x128xi32, #tpu.memory_space<hbm>> -> memref<2x128xi32, #tpu.memory_space<hbm>>
        %dma_start3A_782 = arith.constant 0 : i32
        %dma_start3A_783 = arith.constant 0 : i32
        %dma_start3A_784 = tpu.memref_slice %arg8[%dma_start3A_773, %dma_start3A_782, %dma_start3A_783] : memref<8x2x128xi32, #tpu.memory_space<vmem>> -> memref<1x2x128xi32, #tpu.memory_space<vmem>>
        %dma_start3A_785 = tpu.memref_squeeze %dma_start3A_784 : memref<1x2x128xi32, #tpu.memory_space<vmem>> -> memref<2x128xi32, #tpu.memory_space<vmem>>
        %dma_start3A_786 = arith.constant 0 : i32
        %dma_start3A_787 = arith.constant 0 : i32
        %dma_start3A_788 = tpu.memref_slice %arg2[%arg1, %add3A_772, %dma_start3A_786, %dma_start3A_787] : memref<16x160x2x128xi32, #tpu.memory_space<hbm>> -> memref<1x1x2x128xi32, #tpu.memory_space<hbm>>
        %dma_start3A_789 = tpu.memref_squeeze %dma_start3A_788 : memref<1x1x2x128xi32, #tpu.memory_space<hbm>> -> memref<2x128xi32, #tpu.memory_space<hbm>>
        tpu.enqueue_dma source(%dma_start3A_789 : memref<2x128xi32, #tpu.memory_space<hbm>>) target(%dma_start3A_785 : memref<2x128xi32, #tpu.memory_space<vmem>>) target_semaphore(%arg22 : memref<!tpu.dma_semaphore, #tpu.memory_space<semaphore_mem>>)
      } else {
      }
      %add3A_529 = arith.constant 6 : i32
      %add3A_530 = arith.addi %add3A_498, %add3A_529 : i32
      %lt3A_531 = arith.constant 160 : i32
      %lt3A_532 = arith.cmpi slt, %add3A_530, %lt3A_531 : i32
      %convert_element_type3A_533 = arith.extui %lt3A_532 : i1 to i32
      %cond3A_534 = arith.constant 0 : i32
      %cond3A_535 = arith.cmpi ne, %convert_element_type3A_533, %cond3A_534 : i32
      scf.if %cond3A_535 {
        %dma_wait3A_771 = arith.constant 0 : i32
        %dma_wait3A_772 = arith.constant 0 : i32
        %dma_wait3A_773 = arith.constant 7 : i32
        %dma_wait3A_774 = arith.constant 0 : i32
        %dma_wait3A_775 = arith.constant 0 : i32
        %dma_wait3A_776 = tpu.memref_slice %arg8[%dma_wait3A_773, %dma_wait3A_774, %dma_wait3A_775] : memref<8x2x128xi32, #tpu.memory_space<vmem>> -> memref<1x2x128xi32, #tpu.memory_space<vmem>>
        %dma_wait3A_777 = tpu.memref_squeeze %dma_wait3A_776 : memref<1x2x128xi32, #tpu.memory_space<vmem>> -> memref<2x128xi32, #tpu.memory_space<vmem>>
        %dma_wait3A_778 = arith.constant 0 : i32
        %dma_wait3A_779 = arith.constant 0 : i32
        %dma_wait3A_780 = tpu.memref_slice %arg2[%dma_wait3A_771, %dma_wait3A_772, %dma_wait3A_778, %dma_wait3A_779] : memref<16x160x2x128xi32, #tpu.memory_space<hbm>> -> memref<1x1x2x128xi32, #tpu.memory_space<hbm>>
        %dma_wait3A_781 = tpu.memref_squeeze %dma_wait3A_780 : memref<1x1x2x128xi32, #tpu.memory_space<hbm>> -> memref<2x128xi32, #tpu.memory_space<hbm>>
        %dma_wait3A_782 = arith.constant 0 : i32
        %dma_wait3A_783 = arith.constant 0 : i32
        %dma_wait3A_784 = tpu.memref_slice %arg8[%dma_wait3A_773, %dma_wait3A_782, %dma_wait3A_783] : memref<8x2x128xi32, #tpu.memory_space<vmem>> -> memref<1x2x128xi32, #tpu.memory_space<vmem>>
        %dma_wait3A_785 = tpu.memref_squeeze %dma_wait3A_784 : memref<1x2x128xi32, #tpu.memory_space<vmem>> -> memref<2x128xi32, #tpu.memory_space<vmem>>
        %dma_wait3A_786 = arith.constant 0 : i32
        %dma_wait3A_787 = arith.constant 0 : i32
        %dma_wait3A_788 = tpu.memref_slice %arg2[%dma_wait3A_771, %dma_wait3A_772, %dma_wait3A_786, %dma_wait3A_787] : memref<16x160x2x128xi32, #tpu.memory_space<hbm>> -> memref<1x1x2x128xi32, #tpu.memory_space<hbm>>
        %dma_wait3A_789 = tpu.memref_squeeze %dma_wait3A_788 : memref<1x1x2x128xi32, #tpu.memory_space<hbm>> -> memref<2x128xi32, #tpu.memory_space<hbm>>
        tpu.wait_dma2 semaphore(%arg28 : memref<!tpu.dma_semaphore, #tpu.memory_space<semaphore_mem>>) src(%dma_wait3A_789 : memref<2x128xi32, #tpu.memory_space<hbm>>) dst(%dma_wait3A_785 : memref<2x128xi32, #tpu.memory_space<vmem>>)
        %add3A_790 = arith.constant 6 : i32
        %add3A_791 = arith.addi %add3A_498, %add3A_790 : i32
        %eq3A_792 = arith.constant 0 : i32
        %eq3A_793 = arith.cmpi eq, %arg0, %eq3A_792 : i32
        %convert_element_type3A_794 = arith.extui %eq3A_793 : i1 to i32
        %cond3A_795 = arith.constant 0 : i32
        %cond3A_796 = arith.cmpi ne, %convert_element_type3A_794, %cond3A_795 : i32
        scf.if %cond3A_796 {
          %dma_start3A_819 = arith.constant 7 : i32
          %dma_start3A_820 = arith.constant 0 : i32
          %dma_start3A_821 = arith.constant 7 : i32
          %dma_start3A_822 = arith.constant 0 : i32
          %dma_start3A_823 = arith.constant 0 : i32
          %dma_start3A_824 = tpu.memref_slice %arg10[%dma_start3A_821, %dma_start3A_822, %dma_start3A_823] : memref<8x128x64xf32, #tpu.memory_space<vmem>> -> memref<1x128x64xf32, #tpu.memory_space<vmem>>
          %dma_start3A_825 = tpu.memref_squeeze %dma_start3A_824 : memref<1x128x64xf32, #tpu.memory_space<vmem>> -> memref<128x64xf32, #tpu.memory_space<vmem>>
          %dma_start3A_826 = arith.constant 0 : i32
          %dma_start3A_827 = tpu.memref_slice %arg8[%dma_start3A_819, %dma_start3A_820, %dma_start3A_826] : memref<8x2x128xi32, #tpu.memory_space<vmem>> -> memref<1x1x128xi32, #tpu.memory_space<vmem>>
          %dma_start3A_828 = tpu.memref_squeeze %dma_start3A_827 : memref<1x1x128xi32, #tpu.memory_space<vmem>> -> memref<128xi32, #tpu.memory_space<vmem>>
          %dma_start3A_829 = arith.constant 0 : i32
          %dma_start3A_830 = arith.constant 0 : i32
          %dma_start3A_831 = tpu.memref_slice %arg3[%dma_start3A_829, %dma_start3A_830] : memref<10240x64xf32, #tpu.memory_space<hbm>> -> memref<10240x64xf32, #tpu.memory_space<hbm>>
          tpu.enqueue_indirect_dma source(%dma_start3A_831 : memref<10240x64xf32, #tpu.memory_space<hbm>>) target(%dma_start3A_825 : memref<128x64xf32, #tpu.memory_space<vmem>>) offsets(%dma_start3A_828 : memref<128xi32, #tpu.memory_space<vmem>>) semaphore(%arg20 : memref<!tpu.dma_semaphore, #tpu.memory_space<semaphore_mem>>)
        } else {
        }
        %eq3A_797 = arith.constant 1 : i32
        %eq3A_798 = arith.cmpi eq, %arg0, %eq3A_797 : i32
        %convert_element_type3A_799 = arith.extui %eq3A_798 : i1 to i32
        %cond3A_800 = arith.constant 0 : i32
        %cond3A_801 = arith.cmpi ne, %convert_element_type3A_799, %cond3A_800 : i32
        scf.if %cond3A_801 {
          %dma_start3A_819 = arith.constant 7 : i32
          %dma_start3A_820 = arith.constant 0 : i32
          %dma_start3A_821 = arith.constant 7 : i32
          %dma_start3A_822 = arith.constant 0 : i32
          %dma_start3A_823 = arith.constant 0 : i32
          %dma_start3A_824 = tpu.memref_slice %arg10[%dma_start3A_821, %dma_start3A_822, %dma_start3A_823] : memref<8x128x64xf32, #tpu.memory_space<vmem>> -> memref<1x128x64xf32, #tpu.memory_space<vmem>>
          %dma_start3A_825 = tpu.memref_squeeze %dma_start3A_824 : memref<1x128x64xf32, #tpu.memory_space<vmem>> -> memref<128x64xf32, #tpu.memory_space<vmem>>
          %dma_start3A_826 = arith.constant 0 : i32
          %dma_start3A_827 = tpu.memref_slice %arg8[%dma_start3A_819, %dma_start3A_820, %dma_start3A_826] : memref<8x2x128xi32, #tpu.memory_space<vmem>> -> memref<1x1x128xi32, #tpu.memory_space<vmem>>
          %dma_start3A_828 = tpu.memref_squeeze %dma_start3A_827 : memref<1x1x128xi32, #tpu.memory_space<vmem>> -> memref<128xi32, #tpu.memory_space<vmem>>
          %dma_start3A_829 = arith.constant 0 : i32
          %dma_start3A_830 = arith.constant 0 : i32
          %dma_start3A_831 = tpu.memref_slice %arg4[%dma_start3A_829, %dma_start3A_830] : memref<10240x64xf32, #tpu.memory_space<hbm>> -> memref<10240x64xf32, #tpu.memory_space<hbm>>
          tpu.enqueue_indirect_dma source(%dma_start3A_831 : memref<10240x64xf32, #tpu.memory_space<hbm>>) target(%dma_start3A_825 : memref<128x64xf32, #tpu.memory_space<vmem>>) offsets(%dma_start3A_828 : memref<128xi32, #tpu.memory_space<vmem>>) semaphore(%arg20 : memref<!tpu.dma_semaphore, #tpu.memory_space<semaphore_mem>>)
        } else {
        }
        %add3A_802 = arith.constant 6 : i32
        %add3A_803 = arith.addi %add3A_498, %add3A_802 : i32
        %jit3A = arith.constant 2 : i32
        %eq3A_804 = arith.constant 0 : i32
        %eq3A_805 = arith.cmpi eq, %jit3A, %eq3A_804 : i32
        %jit3A_806 = arith.constant 1 : i32
        %select_n3A = arith.select %eq3A_805, %jit3A_806, %jit3A : i32
        %rem3A = arith.remsi %add3A_803, %select_n3A : i32
        %ne3A = arith.constant 0 : i32
        %ne3A_807 = arith.cmpi ne, %rem3A, %ne3A : i32
        %lt3A_808 = arith.constant 0 : i32
        %lt3A_809 = arith.cmpi slt, %rem3A, %lt3A_808 : i32
        %lt3A_810 = arith.constant 0 : i32
        %lt3A_811 = arith.cmpi slt, %select_n3A, %lt3A_810 : i32
        %ne3A_812 = arith.xori %lt3A_809, %lt3A_811 : i1
        %and3A = arith.andi %ne3A_812, %ne3A_807 : i1
        %add3A_813 = arith.addi %rem3A, %select_n3A : i32
        %select_n3A_814 = arith.select %and3A, %add3A_813, %rem3A : i32
        %eq3A_815 = arith.cmpi eq, %arg0, %select_n3A_814 : i32
        %convert_element_type3A_816 = arith.extui %eq3A_815 : i1 to i32
        %cond3A_817 = arith.constant 0 : i32
        %cond3A_818 = arith.cmpi ne, %convert_element_type3A_816, %cond3A_817 : i32
        scf.if %cond3A_818 {
          %dma_start3A_819 = arith.constant 7 : i32
          %dma_start3A_820 = arith.constant 1 : i32
          %dma_start3A_821 = arith.constant 7 : i32
          %dma_start3A_822 = arith.constant 0 : i32
          %dma_start3A_823 = tpu.memref_slice %arg9[%dma_start3A_821, %dma_start3A_822] : memref<8x128xf32, #tpu.memory_space<vmem>> -> memref<1x128xf32, #tpu.memory_space<vmem>>
          %dma_start3A_824 = tpu.memref_squeeze %dma_start3A_823 : memref<1x128xf32, #tpu.memory_space<vmem>> -> memref<128xf32, #tpu.memory_space<vmem>>
          %dma_start3A_825 = arith.constant 0 : i32
          %dma_start3A_826 = tpu.memref_slice %arg8[%dma_start3A_819, %dma_start3A_820, %dma_start3A_825] : memref<8x2x128xi32, #tpu.memory_space<vmem>> -> memref<1x1x128xi32, #tpu.memory_space<vmem>>
          %dma_start3A_827 = tpu.memref_squeeze %dma_start3A_826 : memref<1x1x128xi32, #tpu.memory_space<vmem>> -> memref<128xi32, #tpu.memory_space<vmem>>
          %dma_start3A_828 = arith.constant 0 : i32
          %dma_start3A_829 = tpu.memref_slice %arg5[%dma_start3A_828] : memref<10240xf32, #tpu.memory_space<hbm>> -> memref<10240xf32, #tpu.memory_space<hbm>>
          tpu.enqueue_indirect_dma source(%dma_start3A_829 : memref<10240xf32, #tpu.memory_space<hbm>>) target(%dma_start3A_824 : memref<128xf32, #tpu.memory_space<vmem>>) offsets(%dma_start3A_827 : memref<128xi32, #tpu.memory_space<vmem>>) semaphore(%arg36 : memref<!tpu.dma_semaphore, #tpu.memory_space<semaphore_mem>>)
        } else {
        }
      } else {
      }
      %add3A_536 = arith.constant 2 : i32
      %add3A_537 = arith.addi %mul3A_458, %add3A_536 : i32
      %dma_wait3A_538 = arith.constant 2 : i32
      %dma_wait3A_539 = arith.constant 0 : i32
      %dma_wait3A_540 = arith.constant 0 : i32
      %dma_wait3A_541 = tpu.memref_slice %arg10[%dma_wait3A_538, %dma_wait3A_539, %dma_wait3A_540] : memref<8x128x64xf32, #tpu.memory_space<vmem>> -> memref<1x128x64xf32, #tpu.memory_space<vmem>>
      %dma_wait3A_542 = tpu.memref_squeeze %dma_wait3A_541 : memref<1x128x64xf32, #tpu.memory_space<vmem>> -> memref<128x64xf32, #tpu.memory_space<vmem>>
      %dma_wait3A_543 = arith.constant 0 : i32
      %dma_wait3A_544 = arith.constant 0 : i32
      %dma_wait3A_545 = tpu.memref_slice %arg3[%dma_wait3A_543, %dma_wait3A_544] : memref<10240x64xf32, #tpu.memory_space<hbm>> -> memref<128x64xf32, #tpu.memory_space<hbm>>
      %dma_wait3A_546 = arith.constant 0 : i32
      %dma_wait3A_547 = arith.constant 0 : i32
      %dma_wait3A_548 = tpu.memref_slice %arg10[%dma_wait3A_538, %dma_wait3A_546, %dma_wait3A_547] : memref<8x128x64xf32, #tpu.memory_space<vmem>> -> memref<1x128x64xf32, #tpu.memory_space<vmem>>
      %dma_wait3A_549 = tpu.memref_squeeze %dma_wait3A_548 : memref<1x128x64xf32, #tpu.memory_space<vmem>> -> memref<128x64xf32, #tpu.memory_space<vmem>>
      %dma_wait3A_550 = arith.constant 0 : i32
      %dma_wait3A_551 = arith.constant 0 : i32
      %dma_wait3A_552 = tpu.memref_slice %arg3[%dma_wait3A_550, %dma_wait3A_551] : memref<10240x64xf32, #tpu.memory_space<hbm>> -> memref<128x64xf32, #tpu.memory_space<hbm>>
      tpu.wait_dma2 semaphore(%arg15 : memref<!tpu.dma_semaphore, #tpu.memory_space<semaphore_mem>>) src(%dma_wait3A_552 : memref<128x64xf32, #tpu.memory_space<hbm>>) dst(%dma_wait3A_549 : memref<128x64xf32, #tpu.memory_space<vmem>>)
      %run_scoped3A_553 = arith.constant 2 : i32
      %run_scoped3A_554 = arith.constant 2 : i32
      %run_scoped3A_555 = arith.constant 1 : i32
      "tpu.region"() ({
        %run_scoped3A_771 = tpu.sem_alloc : memref<!tpu.dma_semaphore, #tpu.memory_space<semaphore_mem>>
        %dma_start3A_772 = arith.constant 0 : i32
        %dma_start3A_773 = arith.constant 0 : i32
        %dma_start3A_774 = tpu.memref_slice %arg10[%run_scoped3A_553, %dma_start3A_772, %dma_start3A_773] : memref<8x128x64xf32, #tpu.memory_space<vmem>> -> memref<1x128x64xf32, #tpu.memory_space<vmem>>
        %dma_start3A_775 = tpu.memref_squeeze %dma_start3A_774 : memref<1x128x64xf32, #tpu.memory_space<vmem>> -> memref<128x64xf32, #tpu.memory_space<vmem>>
        %dma_start3A_776 = arith.constant 0 : i32
        %dma_start3A_777 = tpu.memref_slice %arg8[%run_scoped3A_554, %run_scoped3A_555, %dma_start3A_776] : memref<8x2x128xi32, #tpu.memory_space<vmem>> -> memref<1x1x128xi32, #tpu.memory_space<vmem>>
        %dma_start3A_778 = tpu.memref_squeeze %dma_start3A_777 : memref<1x1x128xi32, #tpu.memory_space<vmem>> -> memref<128xi32, #tpu.memory_space<vmem>>
        %dma_start3A_779 = arith.constant 0 : i32
        %dma_start3A_780 = arith.constant 0 : i32
        %dma_start3A_781 = tpu.memref_slice %arg11[%dma_start3A_779, %dma_start3A_780] : memref<10240x64xf32, #tpu.memory_space<vmem_shared>> -> memref<10240x64xf32, #tpu.memory_space<vmem_shared>>
        tpu.enqueue_indirect_dma source(%dma_start3A_775 : memref<128x64xf32, #tpu.memory_space<vmem>>) target(%dma_start3A_781 : memref<10240x64xf32, #tpu.memory_space<vmem_shared>>) offsets(%dma_start3A_778 : memref<128xi32, #tpu.memory_space<vmem>>) semaphore(%run_scoped3A_771 : memref<!tpu.dma_semaphore, #tpu.memory_space<semaphore_mem>>) {add = true}
        %dma_wait3A_782 = arith.constant 0 : i32
        %dma_wait3A_783 = arith.constant 0 : i32
        %dma_wait3A_784 = tpu.memref_slice %arg10[%run_scoped3A_553, %dma_wait3A_782, %dma_wait3A_783] : memref<8x128x64xf32, #tpu.memory_space<vmem>> -> memref<1x128x64xf32, #tpu.memory_space<vmem>>
        %dma_wait3A_785 = tpu.memref_squeeze %dma_wait3A_784 : memref<1x128x64xf32, #tpu.memory_space<vmem>> -> memref<128x64xf32, #tpu.memory_space<vmem>>
        %dma_wait3A_786 = arith.constant 0 : i32
        %dma_wait3A_787 = tpu.memref_slice %arg8[%run_scoped3A_554, %run_scoped3A_555, %dma_wait3A_786] : memref<8x2x128xi32, #tpu.memory_space<vmem>> -> memref<1x1x128xi32, #tpu.memory_space<vmem>>
        %dma_wait3A_788 = tpu.memref_squeeze %dma_wait3A_787 : memref<1x1x128xi32, #tpu.memory_space<vmem>> -> memref<128xi32, #tpu.memory_space<vmem>>
        %dma_wait3A_789 = arith.constant 0 : i32
        %dma_wait3A_790 = arith.constant 0 : i32
        %dma_wait3A_791 = tpu.memref_slice %arg11[%dma_wait3A_789, %dma_wait3A_790] : memref<10240x64xf32, #tpu.memory_space<vmem_shared>> -> memref<10240x64xf32, #tpu.memory_space<vmem_shared>>
        tpu.wait_indirect_dma semaphore(%run_scoped3A_771 : memref<!tpu.dma_semaphore, #tpu.memory_space<semaphore_mem>>) src(%dma_wait3A_785 : memref<128x64xf32, #tpu.memory_space<vmem>>) dst(%dma_wait3A_791 : memref<10240x64xf32, #tpu.memory_space<vmem_shared>>)
        tpu.yield
      }) : () -> ()
      %eq3A_556 = arith.constant 0 : i32
      %eq3A_557 = arith.cmpi eq, %arg0, %eq3A_556 : i32
      %convert_element_type3A_558 = arith.extui %eq3A_557 : i1 to i32
      %cond3A_559 = arith.constant 0 : i32
      %cond3A_560 = arith.cmpi ne, %convert_element_type3A_558, %cond3A_559 : i32
      scf.if %cond3A_560 {
        %dma_wait3A_771 = arith.constant 2 : i32
        %dma_wait3A_772 = arith.constant 0 : i32
        %dma_wait3A_773 = tpu.memref_slice %arg9[%dma_wait3A_771, %dma_wait3A_772] : memref<8x128xf32, #tpu.memory_space<vmem>> -> memref<1x128xf32, #tpu.memory_space<vmem>>
        %dma_wait3A_774 = tpu.memref_squeeze %dma_wait3A_773 : memref<1x128xf32, #tpu.memory_space<vmem>> -> memref<128xf32, #tpu.memory_space<vmem>>
        %dma_wait3A_775 = arith.constant 0 : i32
        %dma_wait3A_776 = tpu.memref_slice %arg5[%dma_wait3A_775] : memref<10240xf32, #tpu.memory_space<hbm>> -> memref<128xf32, #tpu.memory_space<hbm>>
        %dma_wait3A_777 = arith.constant 0 : i32
        %dma_wait3A_778 = tpu.memref_slice %arg9[%dma_wait3A_771, %dma_wait3A_777] : memref<8x128xf32, #tpu.memory_space<vmem>> -> memref<1x128xf32, #tpu.memory_space<vmem>>
        %dma_wait3A_779 = tpu.memref_squeeze %dma_wait3A_778 : memref<1x128xf32, #tpu.memory_space<vmem>> -> memref<128xf32, #tpu.memory_space<vmem>>
        %dma_wait3A_780 = arith.constant 0 : i32
        %dma_wait3A_781 = tpu.memref_slice %arg5[%dma_wait3A_780] : memref<10240xf32, #tpu.memory_space<hbm>> -> memref<128xf32, #tpu.memory_space<hbm>>
        tpu.wait_dma2 semaphore(%arg31 : memref<!tpu.dma_semaphore, #tpu.memory_space<semaphore_mem>>) src(%dma_wait3A_781 : memref<128xf32, #tpu.memory_space<hbm>>) dst(%dma_wait3A_779 : memref<128xf32, #tpu.memory_space<vmem>>)
        %run_scoped3A_782 = arith.constant 2 : i32
        %run_scoped3A_783 = arith.constant 2 : i32
        %run_scoped3A_784 = arith.constant 0 : i32
        "tpu.region"() ({
          %run_scoped3A_785 = tpu.sem_alloc : memref<!tpu.dma_semaphore, #tpu.memory_space<semaphore_mem>>
          %dma_start3A_786 = arith.constant 0 : i32
          %dma_start3A_787 = tpu.memref_slice %arg9[%run_scoped3A_782, %dma_start3A_786] : memref<8x128xf32, #tpu.memory_space<vmem>> -> memref<1x128xf32, #tpu.memory_space<vmem>>
          %dma_start3A_788 = tpu.memref_squeeze %dma_start3A_787 : memref<1x128xf32, #tpu.memory_space<vmem>> -> memref<128xf32, #tpu.memory_space<vmem>>
          %dma_start3A_789 = arith.constant 0 : i32
          %dma_start3A_790 = tpu.memref_slice %arg8[%run_scoped3A_783, %run_scoped3A_784, %dma_start3A_789] : memref<8x2x128xi32, #tpu.memory_space<vmem>> -> memref<1x1x128xi32, #tpu.memory_space<vmem>>
          %dma_start3A_791 = tpu.memref_squeeze %dma_start3A_790 : memref<1x1x128xi32, #tpu.memory_space<vmem>> -> memref<128xi32, #tpu.memory_space<vmem>>
          %dma_start3A_792 = arith.constant 0 : i32
          %dma_start3A_793 = tpu.memref_slice %arg12[%dma_start3A_792] : memref<10240xf32, #tpu.memory_space<vmem_shared>> -> memref<10240xf32, #tpu.memory_space<vmem_shared>>
          tpu.enqueue_indirect_dma source(%dma_start3A_788 : memref<128xf32, #tpu.memory_space<vmem>>) target(%dma_start3A_793 : memref<10240xf32, #tpu.memory_space<vmem_shared>>) offsets(%dma_start3A_791 : memref<128xi32, #tpu.memory_space<vmem>>) semaphore(%run_scoped3A_785 : memref<!tpu.dma_semaphore, #tpu.memory_space<semaphore_mem>>) {add = true}
          %dma_wait3A_794 = arith.constant 0 : i32
          %dma_wait3A_795 = tpu.memref_slice %arg9[%run_scoped3A_782, %dma_wait3A_794] : memref<8x128xf32, #tpu.memory_space<vmem>> -> memref<1x128xf32, #tpu.memory_space<vmem>>
          %dma_wait3A_796 = tpu.memref_squeeze %dma_wait3A_795 : memref<1x128xf32, #tpu.memory_space<vmem>> -> memref<128xf32, #tpu.memory_space<vmem>>
          %dma_wait3A_797 = arith.constant 0 : i32
          %dma_wait3A_798 = tpu.memref_slice %arg8[%run_scoped3A_783, %run_scoped3A_784, %dma_wait3A_797] : memref<8x2x128xi32, #tpu.memory_space<vmem>> -> memref<1x1x128xi32, #tpu.memory_space<vmem>>
          %dma_wait3A_799 = tpu.memref_squeeze %dma_wait3A_798 : memref<1x1x128xi32, #tpu.memory_space<vmem>> -> memref<128xi32, #tpu.memory_space<vmem>>
          %dma_wait3A_800 = arith.constant 0 : i32
          %dma_wait3A_801 = tpu.memref_slice %arg12[%dma_wait3A_800] : memref<10240xf32, #tpu.memory_space<vmem_shared>> -> memref<10240xf32, #tpu.memory_space<vmem_shared>>
          tpu.wait_indirect_dma semaphore(%run_scoped3A_785 : memref<!tpu.dma_semaphore, #tpu.memory_space<semaphore_mem>>) src(%dma_wait3A_796 : memref<128xf32, #tpu.memory_space<vmem>>) dst(%dma_wait3A_801 : memref<10240xf32, #tpu.memory_space<vmem_shared>>)
          tpu.yield
        }) : () -> ()
      } else {
      }
      %add3A_561 = arith.constant 8 : i32
      %add3A_562 = arith.addi %add3A_537, %add3A_561 : i32
      %lt3A_563 = arith.constant 160 : i32
      %lt3A_564 = arith.cmpi slt, %add3A_562, %lt3A_563 : i32
      %convert_element_type3A_565 = arith.extui %lt3A_564 : i1 to i32
      %cond3A_566 = arith.constant 0 : i32
      %cond3A_567 = arith.cmpi ne, %convert_element_type3A_565, %cond3A_566 : i32
      scf.if %cond3A_567 {
        %add3A_771 = arith.constant 8 : i32
        %add3A_772 = arith.addi %add3A_537, %add3A_771 : i32
        %dma_start3A_773 = arith.constant 2 : i32
        %dma_start3A_774 = arith.constant 0 : i32
        %dma_start3A_775 = arith.constant 0 : i32
        %dma_start3A_776 = tpu.memref_slice %arg8[%dma_start3A_773, %dma_start3A_774, %dma_start3A_775] : memref<8x2x128xi32, #tpu.memory_space<vmem>> -> memref<1x2x128xi32, #tpu.memory_space<vmem>>
        %dma_start3A_777 = tpu.memref_squeeze %dma_start3A_776 : memref<1x2x128xi32, #tpu.memory_space<vmem>> -> memref<2x128xi32, #tpu.memory_space<vmem>>
        %dma_start3A_778 = arith.constant 0 : i32
        %dma_start3A_779 = arith.constant 0 : i32
        %dma_start3A_780 = tpu.memref_slice %arg2[%arg1, %add3A_772, %dma_start3A_778, %dma_start3A_779] : memref<16x160x2x128xi32, #tpu.memory_space<hbm>> -> memref<1x1x2x128xi32, #tpu.memory_space<hbm>>
        %dma_start3A_781 = tpu.memref_squeeze %dma_start3A_780 : memref<1x1x2x128xi32, #tpu.memory_space<hbm>> -> memref<2x128xi32, #tpu.memory_space<hbm>>
        %dma_start3A_782 = arith.constant 0 : i32
        %dma_start3A_783 = arith.constant 0 : i32
        %dma_start3A_784 = tpu.memref_slice %arg8[%dma_start3A_773, %dma_start3A_782, %dma_start3A_783] : memref<8x2x128xi32, #tpu.memory_space<vmem>> -> memref<1x2x128xi32, #tpu.memory_space<vmem>>
        %dma_start3A_785 = tpu.memref_squeeze %dma_start3A_784 : memref<1x2x128xi32, #tpu.memory_space<vmem>> -> memref<2x128xi32, #tpu.memory_space<vmem>>
        %dma_start3A_786 = arith.constant 0 : i32
        %dma_start3A_787 = arith.constant 0 : i32
        %dma_start3A_788 = tpu.memref_slice %arg2[%arg1, %add3A_772, %dma_start3A_786, %dma_start3A_787] : memref<16x160x2x128xi32, #tpu.memory_space<hbm>> -> memref<1x1x2x128xi32, #tpu.memory_space<hbm>>
        %dma_start3A_789 = tpu.memref_squeeze %dma_start3A_788 : memref<1x1x2x128xi32, #tpu.memory_space<hbm>> -> memref<2x128xi32, #tpu.memory_space<hbm>>
        tpu.enqueue_dma source(%dma_start3A_789 : memref<2x128xi32, #tpu.memory_space<hbm>>) target(%dma_start3A_785 : memref<2x128xi32, #tpu.memory_space<vmem>>) target_semaphore(%arg23 : memref<!tpu.dma_semaphore, #tpu.memory_space<semaphore_mem>>)
      } else {
      }
      %add3A_568 = arith.constant 6 : i32
      %add3A_569 = arith.addi %add3A_537, %add3A_568 : i32
      %lt3A_570 = arith.constant 160 : i32
      %lt3A_571 = arith.cmpi slt, %add3A_569, %lt3A_570 : i32
      %convert_element_type3A_572 = arith.extui %lt3A_571 : i1 to i32
      %cond3A_573 = arith.constant 0 : i32
      %cond3A_574 = arith.cmpi ne, %convert_element_type3A_572, %cond3A_573 : i32
      scf.if %cond3A_574 {
        %dma_wait3A_771 = arith.constant 0 : i32
        %dma_wait3A_772 = arith.constant 0 : i32
        %dma_wait3A_773 = arith.constant 0 : i32
        %dma_wait3A_774 = arith.constant 0 : i32
        %dma_wait3A_775 = arith.constant 0 : i32
        %dma_wait3A_776 = tpu.memref_slice %arg8[%dma_wait3A_773, %dma_wait3A_774, %dma_wait3A_775] : memref<8x2x128xi32, #tpu.memory_space<vmem>> -> memref<1x2x128xi32, #tpu.memory_space<vmem>>
        %dma_wait3A_777 = tpu.memref_squeeze %dma_wait3A_776 : memref<1x2x128xi32, #tpu.memory_space<vmem>> -> memref<2x128xi32, #tpu.memory_space<vmem>>
        %dma_wait3A_778 = arith.constant 0 : i32
        %dma_wait3A_779 = arith.constant 0 : i32
        %dma_wait3A_780 = tpu.memref_slice %arg2[%dma_wait3A_771, %dma_wait3A_772, %dma_wait3A_778, %dma_wait3A_779] : memref<16x160x2x128xi32, #tpu.memory_space<hbm>> -> memref<1x1x2x128xi32, #tpu.memory_space<hbm>>
        %dma_wait3A_781 = tpu.memref_squeeze %dma_wait3A_780 : memref<1x1x2x128xi32, #tpu.memory_space<hbm>> -> memref<2x128xi32, #tpu.memory_space<hbm>>
        %dma_wait3A_782 = arith.constant 0 : i32
        %dma_wait3A_783 = arith.constant 0 : i32
        %dma_wait3A_784 = tpu.memref_slice %arg8[%dma_wait3A_773, %dma_wait3A_782, %dma_wait3A_783] : memref<8x2x128xi32, #tpu.memory_space<vmem>> -> memref<1x2x128xi32, #tpu.memory_space<vmem>>
        %dma_wait3A_785 = tpu.memref_squeeze %dma_wait3A_784 : memref<1x2x128xi32, #tpu.memory_space<vmem>> -> memref<2x128xi32, #tpu.memory_space<vmem>>
        %dma_wait3A_786 = arith.constant 0 : i32
        %dma_wait3A_787 = arith.constant 0 : i32
        %dma_wait3A_788 = tpu.memref_slice %arg2[%dma_wait3A_771, %dma_wait3A_772, %dma_wait3A_786, %dma_wait3A_787] : memref<16x160x2x128xi32, #tpu.memory_space<hbm>> -> memref<1x1x2x128xi32, #tpu.memory_space<hbm>>
        %dma_wait3A_789 = tpu.memref_squeeze %dma_wait3A_788 : memref<1x1x2x128xi32, #tpu.memory_space<hbm>> -> memref<2x128xi32, #tpu.memory_space<hbm>>
        tpu.wait_dma2 semaphore(%arg21 : memref<!tpu.dma_semaphore, #tpu.memory_space<semaphore_mem>>) src(%dma_wait3A_789 : memref<2x128xi32, #tpu.memory_space<hbm>>) dst(%dma_wait3A_785 : memref<2x128xi32, #tpu.memory_space<vmem>>)
        %add3A_790 = arith.constant 6 : i32
        %add3A_791 = arith.addi %add3A_537, %add3A_790 : i32
        %eq3A_792 = arith.constant 0 : i32
        %eq3A_793 = arith.cmpi eq, %arg0, %eq3A_792 : i32
        %convert_element_type3A_794 = arith.extui %eq3A_793 : i1 to i32
        %cond3A_795 = arith.constant 0 : i32
        %cond3A_796 = arith.cmpi ne, %convert_element_type3A_794, %cond3A_795 : i32
        scf.if %cond3A_796 {
          %dma_start3A_819 = arith.constant 0 : i32
          %dma_start3A_820 = arith.constant 0 : i32
          %dma_start3A_821 = arith.constant 0 : i32
          %dma_start3A_822 = arith.constant 0 : i32
          %dma_start3A_823 = arith.constant 0 : i32
          %dma_start3A_824 = tpu.memref_slice %arg10[%dma_start3A_821, %dma_start3A_822, %dma_start3A_823] : memref<8x128x64xf32, #tpu.memory_space<vmem>> -> memref<1x128x64xf32, #tpu.memory_space<vmem>>
          %dma_start3A_825 = tpu.memref_squeeze %dma_start3A_824 : memref<1x128x64xf32, #tpu.memory_space<vmem>> -> memref<128x64xf32, #tpu.memory_space<vmem>>
          %dma_start3A_826 = arith.constant 0 : i32
          %dma_start3A_827 = tpu.memref_slice %arg8[%dma_start3A_819, %dma_start3A_820, %dma_start3A_826] : memref<8x2x128xi32, #tpu.memory_space<vmem>> -> memref<1x1x128xi32, #tpu.memory_space<vmem>>
          %dma_start3A_828 = tpu.memref_squeeze %dma_start3A_827 : memref<1x1x128xi32, #tpu.memory_space<vmem>> -> memref<128xi32, #tpu.memory_space<vmem>>
          %dma_start3A_829 = arith.constant 0 : i32
          %dma_start3A_830 = arith.constant 0 : i32
          %dma_start3A_831 = tpu.memref_slice %arg3[%dma_start3A_829, %dma_start3A_830] : memref<10240x64xf32, #tpu.memory_space<hbm>> -> memref<10240x64xf32, #tpu.memory_space<hbm>>
          tpu.enqueue_indirect_dma source(%dma_start3A_831 : memref<10240x64xf32, #tpu.memory_space<hbm>>) target(%dma_start3A_825 : memref<128x64xf32, #tpu.memory_space<vmem>>) offsets(%dma_start3A_828 : memref<128xi32, #tpu.memory_space<vmem>>) semaphore(%arg13 : memref<!tpu.dma_semaphore, #tpu.memory_space<semaphore_mem>>)
        } else {
        }
        %eq3A_797 = arith.constant 1 : i32
        %eq3A_798 = arith.cmpi eq, %arg0, %eq3A_797 : i32
        %convert_element_type3A_799 = arith.extui %eq3A_798 : i1 to i32
        %cond3A_800 = arith.constant 0 : i32
        %cond3A_801 = arith.cmpi ne, %convert_element_type3A_799, %cond3A_800 : i32
        scf.if %cond3A_801 {
          %dma_start3A_819 = arith.constant 0 : i32
          %dma_start3A_820 = arith.constant 0 : i32
          %dma_start3A_821 = arith.constant 0 : i32
          %dma_start3A_822 = arith.constant 0 : i32
          %dma_start3A_823 = arith.constant 0 : i32
          %dma_start3A_824 = tpu.memref_slice %arg10[%dma_start3A_821, %dma_start3A_822, %dma_start3A_823] : memref<8x128x64xf32, #tpu.memory_space<vmem>> -> memref<1x128x64xf32, #tpu.memory_space<vmem>>
          %dma_start3A_825 = tpu.memref_squeeze %dma_start3A_824 : memref<1x128x64xf32, #tpu.memory_space<vmem>> -> memref<128x64xf32, #tpu.memory_space<vmem>>
          %dma_start3A_826 = arith.constant 0 : i32
          %dma_start3A_827 = tpu.memref_slice %arg8[%dma_start3A_819, %dma_start3A_820, %dma_start3A_826] : memref<8x2x128xi32, #tpu.memory_space<vmem>> -> memref<1x1x128xi32, #tpu.memory_space<vmem>>
          %dma_start3A_828 = tpu.memref_squeeze %dma_start3A_827 : memref<1x1x128xi32, #tpu.memory_space<vmem>> -> memref<128xi32, #tpu.memory_space<vmem>>
          %dma_start3A_829 = arith.constant 0 : i32
          %dma_start3A_830 = arith.constant 0 : i32
          %dma_start3A_831 = tpu.memref_slice %arg4[%dma_start3A_829, %dma_start3A_830] : memref<10240x64xf32, #tpu.memory_space<hbm>> -> memref<10240x64xf32, #tpu.memory_space<hbm>>
          tpu.enqueue_indirect_dma source(%dma_start3A_831 : memref<10240x64xf32, #tpu.memory_space<hbm>>) target(%dma_start3A_825 : memref<128x64xf32, #tpu.memory_space<vmem>>) offsets(%dma_start3A_828 : memref<128xi32, #tpu.memory_space<vmem>>) semaphore(%arg13 : memref<!tpu.dma_semaphore, #tpu.memory_space<semaphore_mem>>)
        } else {
        }
        %add3A_802 = arith.constant 6 : i32
        %add3A_803 = arith.addi %add3A_537, %add3A_802 : i32
        %jit3A = arith.constant 2 : i32
        %eq3A_804 = arith.constant 0 : i32
        %eq3A_805 = arith.cmpi eq, %jit3A, %eq3A_804 : i32
        %jit3A_806 = arith.constant 1 : i32
        %select_n3A = arith.select %eq3A_805, %jit3A_806, %jit3A : i32
        %rem3A = arith.remsi %add3A_803, %select_n3A : i32
        %ne3A = arith.constant 0 : i32
        %ne3A_807 = arith.cmpi ne, %rem3A, %ne3A : i32
        %lt3A_808 = arith.constant 0 : i32
        %lt3A_809 = arith.cmpi slt, %rem3A, %lt3A_808 : i32
        %lt3A_810 = arith.constant 0 : i32
        %lt3A_811 = arith.cmpi slt, %select_n3A, %lt3A_810 : i32
        %ne3A_812 = arith.xori %lt3A_809, %lt3A_811 : i1
        %and3A = arith.andi %ne3A_812, %ne3A_807 : i1
        %add3A_813 = arith.addi %rem3A, %select_n3A : i32
        %select_n3A_814 = arith.select %and3A, %add3A_813, %rem3A : i32
        %eq3A_815 = arith.cmpi eq, %arg0, %select_n3A_814 : i32
        %convert_element_type3A_816 = arith.extui %eq3A_815 : i1 to i32
        %cond3A_817 = arith.constant 0 : i32
        %cond3A_818 = arith.cmpi ne, %convert_element_type3A_816, %cond3A_817 : i32
        scf.if %cond3A_818 {
          %dma_start3A_819 = arith.constant 0 : i32
          %dma_start3A_820 = arith.constant 1 : i32
          %dma_start3A_821 = arith.constant 0 : i32
          %dma_start3A_822 = arith.constant 0 : i32
          %dma_start3A_823 = tpu.memref_slice %arg9[%dma_start3A_821, %dma_start3A_822] : memref<8x128xf32, #tpu.memory_space<vmem>> -> memref<1x128xf32, #tpu.memory_space<vmem>>
          %dma_start3A_824 = tpu.memref_squeeze %dma_start3A_823 : memref<1x128xf32, #tpu.memory_space<vmem>> -> memref<128xf32, #tpu.memory_space<vmem>>
          %dma_start3A_825 = arith.constant 0 : i32
          %dma_start3A_826 = tpu.memref_slice %arg8[%dma_start3A_819, %dma_start3A_820, %dma_start3A_825] : memref<8x2x128xi32, #tpu.memory_space<vmem>> -> memref<1x1x128xi32, #tpu.memory_space<vmem>>
          %dma_start3A_827 = tpu.memref_squeeze %dma_start3A_826 : memref<1x1x128xi32, #tpu.memory_space<vmem>> -> memref<128xi32, #tpu.memory_space<vmem>>
          %dma_start3A_828 = arith.constant 0 : i32
          %dma_start3A_829 = tpu.memref_slice %arg5[%dma_start3A_828] : memref<10240xf32, #tpu.memory_space<hbm>> -> memref<10240xf32, #tpu.memory_space<hbm>>
          tpu.enqueue_indirect_dma source(%dma_start3A_829 : memref<10240xf32, #tpu.memory_space<hbm>>) target(%dma_start3A_824 : memref<128xf32, #tpu.memory_space<vmem>>) offsets(%dma_start3A_827 : memref<128xi32, #tpu.memory_space<vmem>>) semaphore(%arg29 : memref<!tpu.dma_semaphore, #tpu.memory_space<semaphore_mem>>)
        } else {
        }
      } else {
      }
      %add3A_575 = arith.constant 3 : i32
      %add3A_576 = arith.addi %mul3A_458, %add3A_575 : i32
      %dma_wait3A_577 = arith.constant 3 : i32
      %dma_wait3A_578 = arith.constant 0 : i32
      %dma_wait3A_579 = arith.constant 0 : i32
      %dma_wait3A_580 = tpu.memref_slice %arg10[%dma_wait3A_577, %dma_wait3A_578, %dma_wait3A_579] : memref<8x128x64xf32, #tpu.memory_space<vmem>> -> memref<1x128x64xf32, #tpu.memory_space<vmem>>
      %dma_wait3A_581 = tpu.memref_squeeze %dma_wait3A_580 : memref<1x128x64xf32, #tpu.memory_space<vmem>> -> memref<128x64xf32, #tpu.memory_space<vmem>>
      %dma_wait3A_582 = arith.constant 0 : i32
      %dma_wait3A_583 = arith.constant 0 : i32
      %dma_wait3A_584 = tpu.memref_slice %arg3[%dma_wait3A_582, %dma_wait3A_583] : memref<10240x64xf32, #tpu.memory_space<hbm>> -> memref<128x64xf32, #tpu.memory_space<hbm>>
      %dma_wait3A_585 = arith.constant 0 : i32
      %dma_wait3A_586 = arith.constant 0 : i32
      %dma_wait3A_587 = tpu.memref_slice %arg10[%dma_wait3A_577, %dma_wait3A_585, %dma_wait3A_586] : memref<8x128x64xf32, #tpu.memory_space<vmem>> -> memref<1x128x64xf32, #tpu.memory_space<vmem>>
      %dma_wait3A_588 = tpu.memref_squeeze %dma_wait3A_587 : memref<1x128x64xf32, #tpu.memory_space<vmem>> -> memref<128x64xf32, #tpu.memory_space<vmem>>
      %dma_wait3A_589 = arith.constant 0 : i32
      %dma_wait3A_590 = arith.constant 0 : i32
      %dma_wait3A_591 = tpu.memref_slice %arg3[%dma_wait3A_589, %dma_wait3A_590] : memref<10240x64xf32, #tpu.memory_space<hbm>> -> memref<128x64xf32, #tpu.memory_space<hbm>>
      tpu.wait_dma2 semaphore(%arg16 : memref<!tpu.dma_semaphore, #tpu.memory_space<semaphore_mem>>) src(%dma_wait3A_591 : memref<128x64xf32, #tpu.memory_space<hbm>>) dst(%dma_wait3A_588 : memref<128x64xf32, #tpu.memory_space<vmem>>)
      %run_scoped3A_592 = arith.constant 3 : i32
      %run_scoped3A_593 = arith.constant 3 : i32
      %run_scoped3A_594 = arith.constant 1 : i32
      "tpu.region"() ({
        %run_scoped3A_771 = tpu.sem_alloc : memref<!tpu.dma_semaphore, #tpu.memory_space<semaphore_mem>>
        %dma_start3A_772 = arith.constant 0 : i32
        %dma_start3A_773 = arith.constant 0 : i32
        %dma_start3A_774 = tpu.memref_slice %arg10[%run_scoped3A_592, %dma_start3A_772, %dma_start3A_773] : memref<8x128x64xf32, #tpu.memory_space<vmem>> -> memref<1x128x64xf32, #tpu.memory_space<vmem>>
        %dma_start3A_775 = tpu.memref_squeeze %dma_start3A_774 : memref<1x128x64xf32, #tpu.memory_space<vmem>> -> memref<128x64xf32, #tpu.memory_space<vmem>>
        %dma_start3A_776 = arith.constant 0 : i32
        %dma_start3A_777 = tpu.memref_slice %arg8[%run_scoped3A_593, %run_scoped3A_594, %dma_start3A_776] : memref<8x2x128xi32, #tpu.memory_space<vmem>> -> memref<1x1x128xi32, #tpu.memory_space<vmem>>
        %dma_start3A_778 = tpu.memref_squeeze %dma_start3A_777 : memref<1x1x128xi32, #tpu.memory_space<vmem>> -> memref<128xi32, #tpu.memory_space<vmem>>
        %dma_start3A_779 = arith.constant 0 : i32
        %dma_start3A_780 = arith.constant 0 : i32
        %dma_start3A_781 = tpu.memref_slice %arg11[%dma_start3A_779, %dma_start3A_780] : memref<10240x64xf32, #tpu.memory_space<vmem_shared>> -> memref<10240x64xf32, #tpu.memory_space<vmem_shared>>
        tpu.enqueue_indirect_dma source(%dma_start3A_775 : memref<128x64xf32, #tpu.memory_space<vmem>>) target(%dma_start3A_781 : memref<10240x64xf32, #tpu.memory_space<vmem_shared>>) offsets(%dma_start3A_778 : memref<128xi32, #tpu.memory_space<vmem>>) semaphore(%run_scoped3A_771 : memref<!tpu.dma_semaphore, #tpu.memory_space<semaphore_mem>>) {add = true}
        %dma_wait3A_782 = arith.constant 0 : i32
        %dma_wait3A_783 = arith.constant 0 : i32
        %dma_wait3A_784 = tpu.memref_slice %arg10[%run_scoped3A_592, %dma_wait3A_782, %dma_wait3A_783] : memref<8x128x64xf32, #tpu.memory_space<vmem>> -> memref<1x128x64xf32, #tpu.memory_space<vmem>>
        %dma_wait3A_785 = tpu.memref_squeeze %dma_wait3A_784 : memref<1x128x64xf32, #tpu.memory_space<vmem>> -> memref<128x64xf32, #tpu.memory_space<vmem>>
        %dma_wait3A_786 = arith.constant 0 : i32
        %dma_wait3A_787 = tpu.memref_slice %arg8[%run_scoped3A_593, %run_scoped3A_594, %dma_wait3A_786] : memref<8x2x128xi32, #tpu.memory_space<vmem>> -> memref<1x1x128xi32, #tpu.memory_space<vmem>>
        %dma_wait3A_788 = tpu.memref_squeeze %dma_wait3A_787 : memref<1x1x128xi32, #tpu.memory_space<vmem>> -> memref<128xi32, #tpu.memory_space<vmem>>
        %dma_wait3A_789 = arith.constant 0 : i32
        %dma_wait3A_790 = arith.constant 0 : i32
        %dma_wait3A_791 = tpu.memref_slice %arg11[%dma_wait3A_789, %dma_wait3A_790] : memref<10240x64xf32, #tpu.memory_space<vmem_shared>> -> memref<10240x64xf32, #tpu.memory_space<vmem_shared>>
        tpu.wait_indirect_dma semaphore(%run_scoped3A_771 : memref<!tpu.dma_semaphore, #tpu.memory_space<semaphore_mem>>) src(%dma_wait3A_785 : memref<128x64xf32, #tpu.memory_space<vmem>>) dst(%dma_wait3A_791 : memref<10240x64xf32, #tpu.memory_space<vmem_shared>>)
        tpu.yield
      }) : () -> ()
      %eq3A_595 = arith.constant 1 : i32
      %eq3A_596 = arith.cmpi eq, %arg0, %eq3A_595 : i32
      %convert_element_type3A_597 = arith.extui %eq3A_596 : i1 to i32
      %cond3A_598 = arith.constant 0 : i32
      %cond3A_599 = arith.cmpi ne, %convert_element_type3A_597, %cond3A_598 : i32
      scf.if %cond3A_599 {
        %dma_wait3A_771 = arith.constant 3 : i32
        %dma_wait3A_772 = arith.constant 0 : i32
        %dma_wait3A_773 = tpu.memref_slice %arg9[%dma_wait3A_771, %dma_wait3A_772] : memref<8x128xf32, #tpu.memory_space<vmem>> -> memref<1x128xf32, #tpu.memory_space<vmem>>
        %dma_wait3A_774 = tpu.memref_squeeze %dma_wait3A_773 : memref<1x128xf32, #tpu.memory_space<vmem>> -> memref<128xf32, #tpu.memory_space<vmem>>
        %dma_wait3A_775 = arith.constant 0 : i32
        %dma_wait3A_776 = tpu.memref_slice %arg5[%dma_wait3A_775] : memref<10240xf32, #tpu.memory_space<hbm>> -> memref<128xf32, #tpu.memory_space<hbm>>
        %dma_wait3A_777 = arith.constant 0 : i32
        %dma_wait3A_778 = tpu.memref_slice %arg9[%dma_wait3A_771, %dma_wait3A_777] : memref<8x128xf32, #tpu.memory_space<vmem>> -> memref<1x128xf32, #tpu.memory_space<vmem>>
        %dma_wait3A_779 = tpu.memref_squeeze %dma_wait3A_778 : memref<1x128xf32, #tpu.memory_space<vmem>> -> memref<128xf32, #tpu.memory_space<vmem>>
        %dma_wait3A_780 = arith.constant 0 : i32
        %dma_wait3A_781 = tpu.memref_slice %arg5[%dma_wait3A_780] : memref<10240xf32, #tpu.memory_space<hbm>> -> memref<128xf32, #tpu.memory_space<hbm>>
        tpu.wait_dma2 semaphore(%arg32 : memref<!tpu.dma_semaphore, #tpu.memory_space<semaphore_mem>>) src(%dma_wait3A_781 : memref<128xf32, #tpu.memory_space<hbm>>) dst(%dma_wait3A_779 : memref<128xf32, #tpu.memory_space<vmem>>)
        %run_scoped3A_782 = arith.constant 3 : i32
        %run_scoped3A_783 = arith.constant 3 : i32
        %run_scoped3A_784 = arith.constant 0 : i32
        "tpu.region"() ({
          %run_scoped3A_785 = tpu.sem_alloc : memref<!tpu.dma_semaphore, #tpu.memory_space<semaphore_mem>>
          %dma_start3A_786 = arith.constant 0 : i32
          %dma_start3A_787 = tpu.memref_slice %arg9[%run_scoped3A_782, %dma_start3A_786] : memref<8x128xf32, #tpu.memory_space<vmem>> -> memref<1x128xf32, #tpu.memory_space<vmem>>
          %dma_start3A_788 = tpu.memref_squeeze %dma_start3A_787 : memref<1x128xf32, #tpu.memory_space<vmem>> -> memref<128xf32, #tpu.memory_space<vmem>>
          %dma_start3A_789 = arith.constant 0 : i32
          %dma_start3A_790 = tpu.memref_slice %arg8[%run_scoped3A_783, %run_scoped3A_784, %dma_start3A_789] : memref<8x2x128xi32, #tpu.memory_space<vmem>> -> memref<1x1x128xi32, #tpu.memory_space<vmem>>
          %dma_start3A_791 = tpu.memref_squeeze %dma_start3A_790 : memref<1x1x128xi32, #tpu.memory_space<vmem>> -> memref<128xi32, #tpu.memory_space<vmem>>
          %dma_start3A_792 = arith.constant 0 : i32
          %dma_start3A_793 = tpu.memref_slice %arg12[%dma_start3A_792] : memref<10240xf32, #tpu.memory_space<vmem_shared>> -> memref<10240xf32, #tpu.memory_space<vmem_shared>>
          tpu.enqueue_indirect_dma source(%dma_start3A_788 : memref<128xf32, #tpu.memory_space<vmem>>) target(%dma_start3A_793 : memref<10240xf32, #tpu.memory_space<vmem_shared>>) offsets(%dma_start3A_791 : memref<128xi32, #tpu.memory_space<vmem>>) semaphore(%run_scoped3A_785 : memref<!tpu.dma_semaphore, #tpu.memory_space<semaphore_mem>>) {add = true}
          %dma_wait3A_794 = arith.constant 0 : i32
          %dma_wait3A_795 = tpu.memref_slice %arg9[%run_scoped3A_782, %dma_wait3A_794] : memref<8x128xf32, #tpu.memory_space<vmem>> -> memref<1x128xf32, #tpu.memory_space<vmem>>
          %dma_wait3A_796 = tpu.memref_squeeze %dma_wait3A_795 : memref<1x128xf32, #tpu.memory_space<vmem>> -> memref<128xf32, #tpu.memory_space<vmem>>
          %dma_wait3A_797 = arith.constant 0 : i32
          %dma_wait3A_798 = tpu.memref_slice %arg8[%run_scoped3A_783, %run_scoped3A_784, %dma_wait3A_797] : memref<8x2x128xi32, #tpu.memory_space<vmem>> -> memref<1x1x128xi32, #tpu.memory_space<vmem>>
          %dma_wait3A_799 = tpu.memref_squeeze %dma_wait3A_798 : memref<1x1x128xi32, #tpu.memory_space<vmem>> -> memref<128xi32, #tpu.memory_space<vmem>>
          %dma_wait3A_800 = arith.constant 0 : i32
          %dma_wait3A_801 = tpu.memref_slice %arg12[%dma_wait3A_800] : memref<10240xf32, #tpu.memory_space<vmem_shared>> -> memref<10240xf32, #tpu.memory_space<vmem_shared>>
          tpu.wait_indirect_dma semaphore(%run_scoped3A_785 : memref<!tpu.dma_semaphore, #tpu.memory_space<semaphore_mem>>) src(%dma_wait3A_796 : memref<128xf32, #tpu.memory_space<vmem>>) dst(%dma_wait3A_801 : memref<10240xf32, #tpu.memory_space<vmem_shared>>)
          tpu.yield
        }) : () -> ()
      } else {
      }
      %add3A_600 = arith.constant 8 : i32
      %add3A_601 = arith.addi %add3A_576, %add3A_600 : i32
      %lt3A_602 = arith.constant 160 : i32
      %lt3A_603 = arith.cmpi slt, %add3A_601, %lt3A_602 : i32
      %convert_element_type3A_604 = arith.extui %lt3A_603 : i1 to i32
      %cond3A_605 = arith.constant 0 : i32
      %cond3A_606 = arith.cmpi ne, %convert_element_type3A_604, %cond3A_605 : i32
      scf.if %cond3A_606 {
        %add3A_771 = arith.constant 8 : i32
        %add3A_772 = arith.addi %add3A_576, %add3A_771 : i32
        %dma_start3A_773 = arith.constant 3 : i32
        %dma_start3A_774 = arith.constant 0 : i32
        %dma_start3A_775 = arith.constant 0 : i32
        %dma_start3A_776 = tpu.memref_slice %arg8[%dma_start3A_773, %dma_start3A_774, %dma_start3A_775] : memref<8x2x128xi32, #tpu.memory_space<vmem>> -> memref<1x2x128xi32, #tpu.memory_space<vmem>>
        %dma_start3A_777 = tpu.memref_squeeze %dma_start3A_776 : memref<1x2x128xi32, #tpu.memory_space<vmem>> -> memref<2x128xi32, #tpu.memory_space<vmem>>
        %dma_start3A_778 = arith.constant 0 : i32
        %dma_start3A_779 = arith.constant 0 : i32
        %dma_start3A_780 = tpu.memref_slice %arg2[%arg1, %add3A_772, %dma_start3A_778, %dma_start3A_779] : memref<16x160x2x128xi32, #tpu.memory_space<hbm>> -> memref<1x1x2x128xi32, #tpu.memory_space<hbm>>
        %dma_start3A_781 = tpu.memref_squeeze %dma_start3A_780 : memref<1x1x2x128xi32, #tpu.memory_space<hbm>> -> memref<2x128xi32, #tpu.memory_space<hbm>>
        %dma_start3A_782 = arith.constant 0 : i32
        %dma_start3A_783 = arith.constant 0 : i32
        %dma_start3A_784 = tpu.memref_slice %arg8[%dma_start3A_773, %dma_start3A_782, %dma_start3A_783] : memref<8x2x128xi32, #tpu.memory_space<vmem>> -> memref<1x2x128xi32, #tpu.memory_space<vmem>>
        %dma_start3A_785 = tpu.memref_squeeze %dma_start3A_784 : memref<1x2x128xi32, #tpu.memory_space<vmem>> -> memref<2x128xi32, #tpu.memory_space<vmem>>
        %dma_start3A_786 = arith.constant 0 : i32
        %dma_start3A_787 = arith.constant 0 : i32
        %dma_start3A_788 = tpu.memref_slice %arg2[%arg1, %add3A_772, %dma_start3A_786, %dma_start3A_787] : memref<16x160x2x128xi32, #tpu.memory_space<hbm>> -> memref<1x1x2x128xi32, #tpu.memory_space<hbm>>
        %dma_start3A_789 = tpu.memref_squeeze %dma_start3A_788 : memref<1x1x2x128xi32, #tpu.memory_space<hbm>> -> memref<2x128xi32, #tpu.memory_space<hbm>>
        tpu.enqueue_dma source(%dma_start3A_789 : memref<2x128xi32, #tpu.memory_space<hbm>>) target(%dma_start3A_785 : memref<2x128xi32, #tpu.memory_space<vmem>>) target_semaphore(%arg24 : memref<!tpu.dma_semaphore, #tpu.memory_space<semaphore_mem>>)
      } else {
      }
      %add3A_607 = arith.constant 6 : i32
      %add3A_608 = arith.addi %add3A_576, %add3A_607 : i32
      %lt3A_609 = arith.constant 160 : i32
      %lt3A_610 = arith.cmpi slt, %add3A_608, %lt3A_609 : i32
      %convert_element_type3A_611 = arith.extui %lt3A_610 : i1 to i32
      %cond3A_612 = arith.constant 0 : i32
      %cond3A_613 = arith.cmpi ne, %convert_element_type3A_611, %cond3A_612 : i32
      scf.if %cond3A_613 {
        %dma_wait3A_771 = arith.constant 0 : i32
        %dma_wait3A_772 = arith.constant 0 : i32
        %dma_wait3A_773 = arith.constant 1 : i32
        %dma_wait3A_774 = arith.constant 0 : i32
        %dma_wait3A_775 = arith.constant 0 : i32
        %dma_wait3A_776 = tpu.memref_slice %arg8[%dma_wait3A_773, %dma_wait3A_774, %dma_wait3A_775] : memref<8x2x128xi32, #tpu.memory_space<vmem>> -> memref<1x2x128xi32, #tpu.memory_space<vmem>>
        %dma_wait3A_777 = tpu.memref_squeeze %dma_wait3A_776 : memref<1x2x128xi32, #tpu.memory_space<vmem>> -> memref<2x128xi32, #tpu.memory_space<vmem>>
        %dma_wait3A_778 = arith.constant 0 : i32
        %dma_wait3A_779 = arith.constant 0 : i32
        %dma_wait3A_780 = tpu.memref_slice %arg2[%dma_wait3A_771, %dma_wait3A_772, %dma_wait3A_778, %dma_wait3A_779] : memref<16x160x2x128xi32, #tpu.memory_space<hbm>> -> memref<1x1x2x128xi32, #tpu.memory_space<hbm>>
        %dma_wait3A_781 = tpu.memref_squeeze %dma_wait3A_780 : memref<1x1x2x128xi32, #tpu.memory_space<hbm>> -> memref<2x128xi32, #tpu.memory_space<hbm>>
        %dma_wait3A_782 = arith.constant 0 : i32
        %dma_wait3A_783 = arith.constant 0 : i32
        %dma_wait3A_784 = tpu.memref_slice %arg8[%dma_wait3A_773, %dma_wait3A_782, %dma_wait3A_783] : memref<8x2x128xi32, #tpu.memory_space<vmem>> -> memref<1x2x128xi32, #tpu.memory_space<vmem>>
        %dma_wait3A_785 = tpu.memref_squeeze %dma_wait3A_784 : memref<1x2x128xi32, #tpu.memory_space<vmem>> -> memref<2x128xi32, #tpu.memory_space<vmem>>
        %dma_wait3A_786 = arith.constant 0 : i32
        %dma_wait3A_787 = arith.constant 0 : i32
        %dma_wait3A_788 = tpu.memref_slice %arg2[%dma_wait3A_771, %dma_wait3A_772, %dma_wait3A_786, %dma_wait3A_787] : memref<16x160x2x128xi32, #tpu.memory_space<hbm>> -> memref<1x1x2x128xi32, #tpu.memory_space<hbm>>
        %dma_wait3A_789 = tpu.memref_squeeze %dma_wait3A_788 : memref<1x1x2x128xi32, #tpu.memory_space<hbm>> -> memref<2x128xi32, #tpu.memory_space<hbm>>
        tpu.wait_dma2 semaphore(%arg22 : memref<!tpu.dma_semaphore, #tpu.memory_space<semaphore_mem>>) src(%dma_wait3A_789 : memref<2x128xi32, #tpu.memory_space<hbm>>) dst(%dma_wait3A_785 : memref<2x128xi32, #tpu.memory_space<vmem>>)
        %add3A_790 = arith.constant 6 : i32
        %add3A_791 = arith.addi %add3A_576, %add3A_790 : i32
        %eq3A_792 = arith.constant 0 : i32
        %eq3A_793 = arith.cmpi eq, %arg0, %eq3A_792 : i32
        %convert_element_type3A_794 = arith.extui %eq3A_793 : i1 to i32
        %cond3A_795 = arith.constant 0 : i32
        %cond3A_796 = arith.cmpi ne, %convert_element_type3A_794, %cond3A_795 : i32
        scf.if %cond3A_796 {
          %dma_start3A_819 = arith.constant 1 : i32
          %dma_start3A_820 = arith.constant 0 : i32
          %dma_start3A_821 = arith.constant 1 : i32
          %dma_start3A_822 = arith.constant 0 : i32
          %dma_start3A_823 = arith.constant 0 : i32
          %dma_start3A_824 = tpu.memref_slice %arg10[%dma_start3A_821, %dma_start3A_822, %dma_start3A_823] : memref<8x128x64xf32, #tpu.memory_space<vmem>> -> memref<1x128x64xf32, #tpu.memory_space<vmem>>
          %dma_start3A_825 = tpu.memref_squeeze %dma_start3A_824 : memref<1x128x64xf32, #tpu.memory_space<vmem>> -> memref<128x64xf32, #tpu.memory_space<vmem>>
          %dma_start3A_826 = arith.constant 0 : i32
          %dma_start3A_827 = tpu.memref_slice %arg8[%dma_start3A_819, %dma_start3A_820, %dma_start3A_826] : memref<8x2x128xi32, #tpu.memory_space<vmem>> -> memref<1x1x128xi32, #tpu.memory_space<vmem>>
          %dma_start3A_828 = tpu.memref_squeeze %dma_start3A_827 : memref<1x1x128xi32, #tpu.memory_space<vmem>> -> memref<128xi32, #tpu.memory_space<vmem>>
          %dma_start3A_829 = arith.constant 0 : i32
          %dma_start3A_830 = arith.constant 0 : i32
          %dma_start3A_831 = tpu.memref_slice %arg3[%dma_start3A_829, %dma_start3A_830] : memref<10240x64xf32, #tpu.memory_space<hbm>> -> memref<10240x64xf32, #tpu.memory_space<hbm>>
          tpu.enqueue_indirect_dma source(%dma_start3A_831 : memref<10240x64xf32, #tpu.memory_space<hbm>>) target(%dma_start3A_825 : memref<128x64xf32, #tpu.memory_space<vmem>>) offsets(%dma_start3A_828 : memref<128xi32, #tpu.memory_space<vmem>>) semaphore(%arg14 : memref<!tpu.dma_semaphore, #tpu.memory_space<semaphore_mem>>)
        } else {
        }
        %eq3A_797 = arith.constant 1 : i32
        %eq3A_798 = arith.cmpi eq, %arg0, %eq3A_797 : i32
        %convert_element_type3A_799 = arith.extui %eq3A_798 : i1 to i32
        %cond3A_800 = arith.constant 0 : i32
        %cond3A_801 = arith.cmpi ne, %convert_element_type3A_799, %cond3A_800 : i32
        scf.if %cond3A_801 {
          %dma_start3A_819 = arith.constant 1 : i32
          %dma_start3A_820 = arith.constant 0 : i32
          %dma_start3A_821 = arith.constant 1 : i32
          %dma_start3A_822 = arith.constant 0 : i32
          %dma_start3A_823 = arith.constant 0 : i32
          %dma_start3A_824 = tpu.memref_slice %arg10[%dma_start3A_821, %dma_start3A_822, %dma_start3A_823] : memref<8x128x64xf32, #tpu.memory_space<vmem>> -> memref<1x128x64xf32, #tpu.memory_space<vmem>>
          %dma_start3A_825 = tpu.memref_squeeze %dma_start3A_824 : memref<1x128x64xf32, #tpu.memory_space<vmem>> -> memref<128x64xf32, #tpu.memory_space<vmem>>
          %dma_start3A_826 = arith.constant 0 : i32
          %dma_start3A_827 = tpu.memref_slice %arg8[%dma_start3A_819, %dma_start3A_820, %dma_start3A_826] : memref<8x2x128xi32, #tpu.memory_space<vmem>> -> memref<1x1x128xi32, #tpu.memory_space<vmem>>
          %dma_start3A_828 = tpu.memref_squeeze %dma_start3A_827 : memref<1x1x128xi32, #tpu.memory_space<vmem>> -> memref<128xi32, #tpu.memory_space<vmem>>
          %dma_start3A_829 = arith.constant 0 : i32
          %dma_start3A_830 = arith.constant 0 : i32
          %dma_start3A_831 = tpu.memref_slice %arg4[%dma_start3A_829, %dma_start3A_830] : memref<10240x64xf32, #tpu.memory_space<hbm>> -> memref<10240x64xf32, #tpu.memory_space<hbm>>
          tpu.enqueue_indirect_dma source(%dma_start3A_831 : memref<10240x64xf32, #tpu.memory_space<hbm>>) target(%dma_start3A_825 : memref<128x64xf32, #tpu.memory_space<vmem>>) offsets(%dma_start3A_828 : memref<128xi32, #tpu.memory_space<vmem>>) semaphore(%arg14 : memref<!tpu.dma_semaphore, #tpu.memory_space<semaphore_mem>>)
        } else {
        }
        %add3A_802 = arith.constant 6 : i32
        %add3A_803 = arith.addi %add3A_576, %add3A_802 : i32
        %jit3A = arith.constant 2 : i32
        %eq3A_804 = arith.constant 0 : i32
        %eq3A_805 = arith.cmpi eq, %jit3A, %eq3A_804 : i32
        %jit3A_806 = arith.constant 1 : i32
        %select_n3A = arith.select %eq3A_805, %jit3A_806, %jit3A : i32
        %rem3A = arith.remsi %add3A_803, %select_n3A : i32
        %ne3A = arith.constant 0 : i32
        %ne3A_807 = arith.cmpi ne, %rem3A, %ne3A : i32
        %lt3A_808 = arith.constant 0 : i32
        %lt3A_809 = arith.cmpi slt, %rem3A, %lt3A_808 : i32
        %lt3A_810 = arith.constant 0 : i32
        %lt3A_811 = arith.cmpi slt, %select_n3A, %lt3A_810 : i32
        %ne3A_812 = arith.xori %lt3A_809, %lt3A_811 : i1
        %and3A = arith.andi %ne3A_812, %ne3A_807 : i1
        %add3A_813 = arith.addi %rem3A, %select_n3A : i32
        %select_n3A_814 = arith.select %and3A, %add3A_813, %rem3A : i32
        %eq3A_815 = arith.cmpi eq, %arg0, %select_n3A_814 : i32
        %convert_element_type3A_816 = arith.extui %eq3A_815 : i1 to i32
        %cond3A_817 = arith.constant 0 : i32
        %cond3A_818 = arith.cmpi ne, %convert_element_type3A_816, %cond3A_817 : i32
        scf.if %cond3A_818 {
          %dma_start3A_819 = arith.constant 1 : i32
          %dma_start3A_820 = arith.constant 1 : i32
          %dma_start3A_821 = arith.constant 1 : i32
          %dma_start3A_822 = arith.constant 0 : i32
          %dma_start3A_823 = tpu.memref_slice %arg9[%dma_start3A_821, %dma_start3A_822] : memref<8x128xf32, #tpu.memory_space<vmem>> -> memref<1x128xf32, #tpu.memory_space<vmem>>
          %dma_start3A_824 = tpu.memref_squeeze %dma_start3A_823 : memref<1x128xf32, #tpu.memory_space<vmem>> -> memref<128xf32, #tpu.memory_space<vmem>>
          %dma_start3A_825 = arith.constant 0 : i32
          %dma_start3A_826 = tpu.memref_slice %arg8[%dma_start3A_819, %dma_start3A_820, %dma_start3A_825] : memref<8x2x128xi32, #tpu.memory_space<vmem>> -> memref<1x1x128xi32, #tpu.memory_space<vmem>>
          %dma_start3A_827 = tpu.memref_squeeze %dma_start3A_826 : memref<1x1x128xi32, #tpu.memory_space<vmem>> -> memref<128xi32, #tpu.memory_space<vmem>>
          %dma_start3A_828 = arith.constant 0 : i32
          %dma_start3A_829 = tpu.memref_slice %arg5[%dma_start3A_828] : memref<10240xf32, #tpu.memory_space<hbm>> -> memref<10240xf32, #tpu.memory_space<hbm>>
          tpu.enqueue_indirect_dma source(%dma_start3A_829 : memref<10240xf32, #tpu.memory_space<hbm>>) target(%dma_start3A_824 : memref<128xf32, #tpu.memory_space<vmem>>) offsets(%dma_start3A_827 : memref<128xi32, #tpu.memory_space<vmem>>) semaphore(%arg30 : memref<!tpu.dma_semaphore, #tpu.memory_space<semaphore_mem>>)
        } else {
        }
      } else {
      }
      %add3A_614 = arith.constant 4 : i32
      %add3A_615 = arith.addi %mul3A_458, %add3A_614 : i32
      %dma_wait3A_616 = arith.constant 4 : i32
      %dma_wait3A_617 = arith.constant 0 : i32
      %dma_wait3A_618 = arith.constant 0 : i32
      %dma_wait3A_619 = tpu.memref_slice %arg10[%dma_wait3A_616, %dma_wait3A_617, %dma_wait3A_618] : memref<8x128x64xf32, #tpu.memory_space<vmem>> -> memref<1x128x64xf32, #tpu.memory_space<vmem>>
      %dma_wait3A_620 = tpu.memref_squeeze %dma_wait3A_619 : memref<1x128x64xf32, #tpu.memory_space<vmem>> -> memref<128x64xf32, #tpu.memory_space<vmem>>
      %dma_wait3A_621 = arith.constant 0 : i32
      %dma_wait3A_622 = arith.constant 0 : i32
      %dma_wait3A_623 = tpu.memref_slice %arg3[%dma_wait3A_621, %dma_wait3A_622] : memref<10240x64xf32, #tpu.memory_space<hbm>> -> memref<128x64xf32, #tpu.memory_space<hbm>>
      %dma_wait3A_624 = arith.constant 0 : i32
      %dma_wait3A_625 = arith.constant 0 : i32
      %dma_wait3A_626 = tpu.memref_slice %arg10[%dma_wait3A_616, %dma_wait3A_624, %dma_wait3A_625] : memref<8x128x64xf32, #tpu.memory_space<vmem>> -> memref<1x128x64xf32, #tpu.memory_space<vmem>>
      %dma_wait3A_627 = tpu.memref_squeeze %dma_wait3A_626 : memref<1x128x64xf32, #tpu.memory_space<vmem>> -> memref<128x64xf32, #tpu.memory_space<vmem>>
      %dma_wait3A_628 = arith.constant 0 : i32
      %dma_wait3A_629 = arith.constant 0 : i32
      %dma_wait3A_630 = tpu.memref_slice %arg3[%dma_wait3A_628, %dma_wait3A_629] : memref<10240x64xf32, #tpu.memory_space<hbm>> -> memref<128x64xf32, #tpu.memory_space<hbm>>
      tpu.wait_dma2 semaphore(%arg17 : memref<!tpu.dma_semaphore, #tpu.memory_space<semaphore_mem>>) src(%dma_wait3A_630 : memref<128x64xf32, #tpu.memory_space<hbm>>) dst(%dma_wait3A_627 : memref<128x64xf32, #tpu.memory_space<vmem>>)
      %run_scoped3A_631 = arith.constant 4 : i32
      %run_scoped3A_632 = arith.constant 4 : i32
      %run_scoped3A_633 = arith.constant 1 : i32
      "tpu.region"() ({
        %run_scoped3A_771 = tpu.sem_alloc : memref<!tpu.dma_semaphore, #tpu.memory_space<semaphore_mem>>
        %dma_start3A_772 = arith.constant 0 : i32
        %dma_start3A_773 = arith.constant 0 : i32
        %dma_start3A_774 = tpu.memref_slice %arg10[%run_scoped3A_631, %dma_start3A_772, %dma_start3A_773] : memref<8x128x64xf32, #tpu.memory_space<vmem>> -> memref<1x128x64xf32, #tpu.memory_space<vmem>>
        %dma_start3A_775 = tpu.memref_squeeze %dma_start3A_774 : memref<1x128x64xf32, #tpu.memory_space<vmem>> -> memref<128x64xf32, #tpu.memory_space<vmem>>
        %dma_start3A_776 = arith.constant 0 : i32
        %dma_start3A_777 = tpu.memref_slice %arg8[%run_scoped3A_632, %run_scoped3A_633, %dma_start3A_776] : memref<8x2x128xi32, #tpu.memory_space<vmem>> -> memref<1x1x128xi32, #tpu.memory_space<vmem>>
        %dma_start3A_778 = tpu.memref_squeeze %dma_start3A_777 : memref<1x1x128xi32, #tpu.memory_space<vmem>> -> memref<128xi32, #tpu.memory_space<vmem>>
        %dma_start3A_779 = arith.constant 0 : i32
        %dma_start3A_780 = arith.constant 0 : i32
        %dma_start3A_781 = tpu.memref_slice %arg11[%dma_start3A_779, %dma_start3A_780] : memref<10240x64xf32, #tpu.memory_space<vmem_shared>> -> memref<10240x64xf32, #tpu.memory_space<vmem_shared>>
        tpu.enqueue_indirect_dma source(%dma_start3A_775 : memref<128x64xf32, #tpu.memory_space<vmem>>) target(%dma_start3A_781 : memref<10240x64xf32, #tpu.memory_space<vmem_shared>>) offsets(%dma_start3A_778 : memref<128xi32, #tpu.memory_space<vmem>>) semaphore(%run_scoped3A_771 : memref<!tpu.dma_semaphore, #tpu.memory_space<semaphore_mem>>) {add = true}
        %dma_wait3A_782 = arith.constant 0 : i32
        %dma_wait3A_783 = arith.constant 0 : i32
        %dma_wait3A_784 = tpu.memref_slice %arg10[%run_scoped3A_631, %dma_wait3A_782, %dma_wait3A_783] : memref<8x128x64xf32, #tpu.memory_space<vmem>> -> memref<1x128x64xf32, #tpu.memory_space<vmem>>
        %dma_wait3A_785 = tpu.memref_squeeze %dma_wait3A_784 : memref<1x128x64xf32, #tpu.memory_space<vmem>> -> memref<128x64xf32, #tpu.memory_space<vmem>>
        %dma_wait3A_786 = arith.constant 0 : i32
        %dma_wait3A_787 = tpu.memref_slice %arg8[%run_scoped3A_632, %run_scoped3A_633, %dma_wait3A_786] : memref<8x2x128xi32, #tpu.memory_space<vmem>> -> memref<1x1x128xi32, #tpu.memory_space<vmem>>
        %dma_wait3A_788 = tpu.memref_squeeze %dma_wait3A_787 : memref<1x1x128xi32, #tpu.memory_space<vmem>> -> memref<128xi32, #tpu.memory_space<vmem>>
        %dma_wait3A_789 = arith.constant 0 : i32
        %dma_wait3A_790 = arith.constant 0 : i32
        %dma_wait3A_791 = tpu.memref_slice %arg11[%dma_wait3A_789, %dma_wait3A_790] : memref<10240x64xf32, #tpu.memory_space<vmem_shared>> -> memref<10240x64xf32, #tpu.memory_space<vmem_shared>>
        tpu.wait_indirect_dma semaphore(%run_scoped3A_771 : memref<!tpu.dma_semaphore, #tpu.memory_space<semaphore_mem>>) src(%dma_wait3A_785 : memref<128x64xf32, #tpu.memory_space<vmem>>) dst(%dma_wait3A_791 : memref<10240x64xf32, #tpu.memory_space<vmem_shared>>)
        tpu.yield
      }) : () -> ()
      %eq3A_634 = arith.constant 0 : i32
      %eq3A_635 = arith.cmpi eq, %arg0, %eq3A_634 : i32
      %convert_element_type3A_636 = arith.extui %eq3A_635 : i1 to i32
      %cond3A_637 = arith.constant 0 : i32
      %cond3A_638 = arith.cmpi ne, %convert_element_type3A_636, %cond3A_637 : i32
      scf.if %cond3A_638 {
        %dma_wait3A_771 = arith.constant 4 : i32
        %dma_wait3A_772 = arith.constant 0 : i32
        %dma_wait3A_773 = tpu.memref_slice %arg9[%dma_wait3A_771, %dma_wait3A_772] : memref<8x128xf32, #tpu.memory_space<vmem>> -> memref<1x128xf32, #tpu.memory_space<vmem>>
        %dma_wait3A_774 = tpu.memref_squeeze %dma_wait3A_773 : memref<1x128xf32, #tpu.memory_space<vmem>> -> memref<128xf32, #tpu.memory_space<vmem>>
        %dma_wait3A_775 = arith.constant 0 : i32
        %dma_wait3A_776 = tpu.memref_slice %arg5[%dma_wait3A_775] : memref<10240xf32, #tpu.memory_space<hbm>> -> memref<128xf32, #tpu.memory_space<hbm>>
        %dma_wait3A_777 = arith.constant 0 : i32
        %dma_wait3A_778 = tpu.memref_slice %arg9[%dma_wait3A_771, %dma_wait3A_777] : memref<8x128xf32, #tpu.memory_space<vmem>> -> memref<1x128xf32, #tpu.memory_space<vmem>>
        %dma_wait3A_779 = tpu.memref_squeeze %dma_wait3A_778 : memref<1x128xf32, #tpu.memory_space<vmem>> -> memref<128xf32, #tpu.memory_space<vmem>>
        %dma_wait3A_780 = arith.constant 0 : i32
        %dma_wait3A_781 = tpu.memref_slice %arg5[%dma_wait3A_780] : memref<10240xf32, #tpu.memory_space<hbm>> -> memref<128xf32, #tpu.memory_space<hbm>>
        tpu.wait_dma2 semaphore(%arg33 : memref<!tpu.dma_semaphore, #tpu.memory_space<semaphore_mem>>) src(%dma_wait3A_781 : memref<128xf32, #tpu.memory_space<hbm>>) dst(%dma_wait3A_779 : memref<128xf32, #tpu.memory_space<vmem>>)
        %run_scoped3A_782 = arith.constant 4 : i32
        %run_scoped3A_783 = arith.constant 4 : i32
        %run_scoped3A_784 = arith.constant 0 : i32
        "tpu.region"() ({
          %run_scoped3A_785 = tpu.sem_alloc : memref<!tpu.dma_semaphore, #tpu.memory_space<semaphore_mem>>
          %dma_start3A_786 = arith.constant 0 : i32
          %dma_start3A_787 = tpu.memref_slice %arg9[%run_scoped3A_782, %dma_start3A_786] : memref<8x128xf32, #tpu.memory_space<vmem>> -> memref<1x128xf32, #tpu.memory_space<vmem>>
          %dma_start3A_788 = tpu.memref_squeeze %dma_start3A_787 : memref<1x128xf32, #tpu.memory_space<vmem>> -> memref<128xf32, #tpu.memory_space<vmem>>
          %dma_start3A_789 = arith.constant 0 : i32
          %dma_start3A_790 = tpu.memref_slice %arg8[%run_scoped3A_783, %run_scoped3A_784, %dma_start3A_789] : memref<8x2x128xi32, #tpu.memory_space<vmem>> -> memref<1x1x128xi32, #tpu.memory_space<vmem>>
          %dma_start3A_791 = tpu.memref_squeeze %dma_start3A_790 : memref<1x1x128xi32, #tpu.memory_space<vmem>> -> memref<128xi32, #tpu.memory_space<vmem>>
          %dma_start3A_792 = arith.constant 0 : i32
          %dma_start3A_793 = tpu.memref_slice %arg12[%dma_start3A_792] : memref<10240xf32, #tpu.memory_space<vmem_shared>> -> memref<10240xf32, #tpu.memory_space<vmem_shared>>
          tpu.enqueue_indirect_dma source(%dma_start3A_788 : memref<128xf32, #tpu.memory_space<vmem>>) target(%dma_start3A_793 : memref<10240xf32, #tpu.memory_space<vmem_shared>>) offsets(%dma_start3A_791 : memref<128xi32, #tpu.memory_space<vmem>>) semaphore(%run_scoped3A_785 : memref<!tpu.dma_semaphore, #tpu.memory_space<semaphore_mem>>) {add = true}
          %dma_wait3A_794 = arith.constant 0 : i32
          %dma_wait3A_795 = tpu.memref_slice %arg9[%run_scoped3A_782, %dma_wait3A_794] : memref<8x128xf32, #tpu.memory_space<vmem>> -> memref<1x128xf32, #tpu.memory_space<vmem>>
          %dma_wait3A_796 = tpu.memref_squeeze %dma_wait3A_795 : memref<1x128xf32, #tpu.memory_space<vmem>> -> memref<128xf32, #tpu.memory_space<vmem>>
          %dma_wait3A_797 = arith.constant 0 : i32
          %dma_wait3A_798 = tpu.memref_slice %arg8[%run_scoped3A_783, %run_scoped3A_784, %dma_wait3A_797] : memref<8x2x128xi32, #tpu.memory_space<vmem>> -> memref<1x1x128xi32, #tpu.memory_space<vmem>>
          %dma_wait3A_799 = tpu.memref_squeeze %dma_wait3A_798 : memref<1x1x128xi32, #tpu.memory_space<vmem>> -> memref<128xi32, #tpu.memory_space<vmem>>
          %dma_wait3A_800 = arith.constant 0 : i32
          %dma_wait3A_801 = tpu.memref_slice %arg12[%dma_wait3A_800] : memref<10240xf32, #tpu.memory_space<vmem_shared>> -> memref<10240xf32, #tpu.memory_space<vmem_shared>>
          tpu.wait_indirect_dma semaphore(%run_scoped3A_785 : memref<!tpu.dma_semaphore, #tpu.memory_space<semaphore_mem>>) src(%dma_wait3A_796 : memref<128xf32, #tpu.memory_space<vmem>>) dst(%dma_wait3A_801 : memref<10240xf32, #tpu.memory_space<vmem_shared>>)
          tpu.yield
        }) : () -> ()
      } else {
      }
      %add3A_639 = arith.constant 8 : i32
      %add3A_640 = arith.addi %add3A_615, %add3A_639 : i32
      %lt3A_641 = arith.constant 160 : i32
      %lt3A_642 = arith.cmpi slt, %add3A_640, %lt3A_641 : i32
      %convert_element_type3A_643 = arith.extui %lt3A_642 : i1 to i32
      %cond3A_644 = arith.constant 0 : i32
      %cond3A_645 = arith.cmpi ne, %convert_element_type3A_643, %cond3A_644 : i32
      scf.if %cond3A_645 {
        %add3A_771 = arith.constant 8 : i32
        %add3A_772 = arith.addi %add3A_615, %add3A_771 : i32
        %dma_start3A_773 = arith.constant 4 : i32
        %dma_start3A_774 = arith.constant 0 : i32
        %dma_start3A_775 = arith.constant 0 : i32
        %dma_start3A_776 = tpu.memref_slice %arg8[%dma_start3A_773, %dma_start3A_774, %dma_start3A_775] : memref<8x2x128xi32, #tpu.memory_space<vmem>> -> memref<1x2x128xi32, #tpu.memory_space<vmem>>
        %dma_start3A_777 = tpu.memref_squeeze %dma_start3A_776 : memref<1x2x128xi32, #tpu.memory_space<vmem>> -> memref<2x128xi32, #tpu.memory_space<vmem>>
        %dma_start3A_778 = arith.constant 0 : i32
        %dma_start3A_779 = arith.constant 0 : i32
        %dma_start3A_780 = tpu.memref_slice %arg2[%arg1, %add3A_772, %dma_start3A_778, %dma_start3A_779] : memref<16x160x2x128xi32, #tpu.memory_space<hbm>> -> memref<1x1x2x128xi32, #tpu.memory_space<hbm>>
        %dma_start3A_781 = tpu.memref_squeeze %dma_start3A_780 : memref<1x1x2x128xi32, #tpu.memory_space<hbm>> -> memref<2x128xi32, #tpu.memory_space<hbm>>
        %dma_start3A_782 = arith.constant 0 : i32
        %dma_start3A_783 = arith.constant 0 : i32
        %dma_start3A_784 = tpu.memref_slice %arg8[%dma_start3A_773, %dma_start3A_782, %dma_start3A_783] : memref<8x2x128xi32, #tpu.memory_space<vmem>> -> memref<1x2x128xi32, #tpu.memory_space<vmem>>
        %dma_start3A_785 = tpu.memref_squeeze %dma_start3A_784 : memref<1x2x128xi32, #tpu.memory_space<vmem>> -> memref<2x128xi32, #tpu.memory_space<vmem>>
        %dma_start3A_786 = arith.constant 0 : i32
        %dma_start3A_787 = arith.constant 0 : i32
        %dma_start3A_788 = tpu.memref_slice %arg2[%arg1, %add3A_772, %dma_start3A_786, %dma_start3A_787] : memref<16x160x2x128xi32, #tpu.memory_space<hbm>> -> memref<1x1x2x128xi32, #tpu.memory_space<hbm>>
        %dma_start3A_789 = tpu.memref_squeeze %dma_start3A_788 : memref<1x1x2x128xi32, #tpu.memory_space<hbm>> -> memref<2x128xi32, #tpu.memory_space<hbm>>
        tpu.enqueue_dma source(%dma_start3A_789 : memref<2x128xi32, #tpu.memory_space<hbm>>) target(%dma_start3A_785 : memref<2x128xi32, #tpu.memory_space<vmem>>) target_semaphore(%arg25 : memref<!tpu.dma_semaphore, #tpu.memory_space<semaphore_mem>>)
      } else {
      }
      %add3A_646 = arith.constant 6 : i32
      %add3A_647 = arith.addi %add3A_615, %add3A_646 : i32
      %lt3A_648 = arith.constant 160 : i32
      %lt3A_649 = arith.cmpi slt, %add3A_647, %lt3A_648 : i32
      %convert_element_type3A_650 = arith.extui %lt3A_649 : i1 to i32
      %cond3A_651 = arith.constant 0 : i32
      %cond3A_652 = arith.cmpi ne, %convert_element_type3A_650, %cond3A_651 : i32
      scf.if %cond3A_652 {
        %dma_wait3A_771 = arith.constant 0 : i32
        %dma_wait3A_772 = arith.constant 0 : i32
        %dma_wait3A_773 = arith.constant 2 : i32
        %dma_wait3A_774 = arith.constant 0 : i32
        %dma_wait3A_775 = arith.constant 0 : i32
        %dma_wait3A_776 = tpu.memref_slice %arg8[%dma_wait3A_773, %dma_wait3A_774, %dma_wait3A_775] : memref<8x2x128xi32, #tpu.memory_space<vmem>> -> memref<1x2x128xi32, #tpu.memory_space<vmem>>
        %dma_wait3A_777 = tpu.memref_squeeze %dma_wait3A_776 : memref<1x2x128xi32, #tpu.memory_space<vmem>> -> memref<2x128xi32, #tpu.memory_space<vmem>>
        %dma_wait3A_778 = arith.constant 0 : i32
        %dma_wait3A_779 = arith.constant 0 : i32
        %dma_wait3A_780 = tpu.memref_slice %arg2[%dma_wait3A_771, %dma_wait3A_772, %dma_wait3A_778, %dma_wait3A_779] : memref<16x160x2x128xi32, #tpu.memory_space<hbm>> -> memref<1x1x2x128xi32, #tpu.memory_space<hbm>>
        %dma_wait3A_781 = tpu.memref_squeeze %dma_wait3A_780 : memref<1x1x2x128xi32, #tpu.memory_space<hbm>> -> memref<2x128xi32, #tpu.memory_space<hbm>>
        %dma_wait3A_782 = arith.constant 0 : i32
        %dma_wait3A_783 = arith.constant 0 : i32
        %dma_wait3A_784 = tpu.memref_slice %arg8[%dma_wait3A_773, %dma_wait3A_782, %dma_wait3A_783] : memref<8x2x128xi32, #tpu.memory_space<vmem>> -> memref<1x2x128xi32, #tpu.memory_space<vmem>>
        %dma_wait3A_785 = tpu.memref_squeeze %dma_wait3A_784 : memref<1x2x128xi32, #tpu.memory_space<vmem>> -> memref<2x128xi32, #tpu.memory_space<vmem>>
        %dma_wait3A_786 = arith.constant 0 : i32
        %dma_wait3A_787 = arith.constant 0 : i32
        %dma_wait3A_788 = tpu.memref_slice %arg2[%dma_wait3A_771, %dma_wait3A_772, %dma_wait3A_786, %dma_wait3A_787] : memref<16x160x2x128xi32, #tpu.memory_space<hbm>> -> memref<1x1x2x128xi32, #tpu.memory_space<hbm>>
        %dma_wait3A_789 = tpu.memref_squeeze %dma_wait3A_788 : memref<1x1x2x128xi32, #tpu.memory_space<hbm>> -> memref<2x128xi32, #tpu.memory_space<hbm>>
        tpu.wait_dma2 semaphore(%arg23 : memref<!tpu.dma_semaphore, #tpu.memory_space<semaphore_mem>>) src(%dma_wait3A_789 : memref<2x128xi32, #tpu.memory_space<hbm>>) dst(%dma_wait3A_785 : memref<2x128xi32, #tpu.memory_space<vmem>>)
        %add3A_790 = arith.constant 6 : i32
        %add3A_791 = arith.addi %add3A_615, %add3A_790 : i32
        %eq3A_792 = arith.constant 0 : i32
        %eq3A_793 = arith.cmpi eq, %arg0, %eq3A_792 : i32
        %convert_element_type3A_794 = arith.extui %eq3A_793 : i1 to i32
        %cond3A_795 = arith.constant 0 : i32
        %cond3A_796 = arith.cmpi ne, %convert_element_type3A_794, %cond3A_795 : i32
        scf.if %cond3A_796 {
          %dma_start3A_819 = arith.constant 2 : i32
          %dma_start3A_820 = arith.constant 0 : i32
          %dma_start3A_821 = arith.constant 2 : i32
          %dma_start3A_822 = arith.constant 0 : i32
          %dma_start3A_823 = arith.constant 0 : i32
          %dma_start3A_824 = tpu.memref_slice %arg10[%dma_start3A_821, %dma_start3A_822, %dma_start3A_823] : memref<8x128x64xf32, #tpu.memory_space<vmem>> -> memref<1x128x64xf32, #tpu.memory_space<vmem>>
          %dma_start3A_825 = tpu.memref_squeeze %dma_start3A_824 : memref<1x128x64xf32, #tpu.memory_space<vmem>> -> memref<128x64xf32, #tpu.memory_space<vmem>>
          %dma_start3A_826 = arith.constant 0 : i32
          %dma_start3A_827 = tpu.memref_slice %arg8[%dma_start3A_819, %dma_start3A_820, %dma_start3A_826] : memref<8x2x128xi32, #tpu.memory_space<vmem>> -> memref<1x1x128xi32, #tpu.memory_space<vmem>>
          %dma_start3A_828 = tpu.memref_squeeze %dma_start3A_827 : memref<1x1x128xi32, #tpu.memory_space<vmem>> -> memref<128xi32, #tpu.memory_space<vmem>>
          %dma_start3A_829 = arith.constant 0 : i32
          %dma_start3A_830 = arith.constant 0 : i32
          %dma_start3A_831 = tpu.memref_slice %arg3[%dma_start3A_829, %dma_start3A_830] : memref<10240x64xf32, #tpu.memory_space<hbm>> -> memref<10240x64xf32, #tpu.memory_space<hbm>>
          tpu.enqueue_indirect_dma source(%dma_start3A_831 : memref<10240x64xf32, #tpu.memory_space<hbm>>) target(%dma_start3A_825 : memref<128x64xf32, #tpu.memory_space<vmem>>) offsets(%dma_start3A_828 : memref<128xi32, #tpu.memory_space<vmem>>) semaphore(%arg15 : memref<!tpu.dma_semaphore, #tpu.memory_space<semaphore_mem>>)
        } else {
        }
        %eq3A_797 = arith.constant 1 : i32
        %eq3A_798 = arith.cmpi eq, %arg0, %eq3A_797 : i32
        %convert_element_type3A_799 = arith.extui %eq3A_798 : i1 to i32
        %cond3A_800 = arith.constant 0 : i32
        %cond3A_801 = arith.cmpi ne, %convert_element_type3A_799, %cond3A_800 : i32
        scf.if %cond3A_801 {
          %dma_start3A_819 = arith.constant 2 : i32
          %dma_start3A_820 = arith.constant 0 : i32
          %dma_start3A_821 = arith.constant 2 : i32
          %dma_start3A_822 = arith.constant 0 : i32
          %dma_start3A_823 = arith.constant 0 : i32
          %dma_start3A_824 = tpu.memref_slice %arg10[%dma_start3A_821, %dma_start3A_822, %dma_start3A_823] : memref<8x128x64xf32, #tpu.memory_space<vmem>> -> memref<1x128x64xf32, #tpu.memory_space<vmem>>
          %dma_start3A_825 = tpu.memref_squeeze %dma_start3A_824 : memref<1x128x64xf32, #tpu.memory_space<vmem>> -> memref<128x64xf32, #tpu.memory_space<vmem>>
          %dma_start3A_826 = arith.constant 0 : i32
          %dma_start3A_827 = tpu.memref_slice %arg8[%dma_start3A_819, %dma_start3A_820, %dma_start3A_826] : memref<8x2x128xi32, #tpu.memory_space<vmem>> -> memref<1x1x128xi32, #tpu.memory_space<vmem>>
          %dma_start3A_828 = tpu.memref_squeeze %dma_start3A_827 : memref<1x1x128xi32, #tpu.memory_space<vmem>> -> memref<128xi32, #tpu.memory_space<vmem>>
          %dma_start3A_829 = arith.constant 0 : i32
          %dma_start3A_830 = arith.constant 0 : i32
          %dma_start3A_831 = tpu.memref_slice %arg4[%dma_start3A_829, %dma_start3A_830] : memref<10240x64xf32, #tpu.memory_space<hbm>> -> memref<10240x64xf32, #tpu.memory_space<hbm>>
          tpu.enqueue_indirect_dma source(%dma_start3A_831 : memref<10240x64xf32, #tpu.memory_space<hbm>>) target(%dma_start3A_825 : memref<128x64xf32, #tpu.memory_space<vmem>>) offsets(%dma_start3A_828 : memref<128xi32, #tpu.memory_space<vmem>>) semaphore(%arg15 : memref<!tpu.dma_semaphore, #tpu.memory_space<semaphore_mem>>)
        } else {
        }
        %add3A_802 = arith.constant 6 : i32
        %add3A_803 = arith.addi %add3A_615, %add3A_802 : i32
        %jit3A = arith.constant 2 : i32
        %eq3A_804 = arith.constant 0 : i32
        %eq3A_805 = arith.cmpi eq, %jit3A, %eq3A_804 : i32
        %jit3A_806 = arith.constant 1 : i32
        %select_n3A = arith.select %eq3A_805, %jit3A_806, %jit3A : i32
        %rem3A = arith.remsi %add3A_803, %select_n3A : i32
        %ne3A = arith.constant 0 : i32
        %ne3A_807 = arith.cmpi ne, %rem3A, %ne3A : i32
        %lt3A_808 = arith.constant 0 : i32
        %lt3A_809 = arith.cmpi slt, %rem3A, %lt3A_808 : i32
        %lt3A_810 = arith.constant 0 : i32
        %lt3A_811 = arith.cmpi slt, %select_n3A, %lt3A_810 : i32
        %ne3A_812 = arith.xori %lt3A_809, %lt3A_811 : i1
        %and3A = arith.andi %ne3A_812, %ne3A_807 : i1
        %add3A_813 = arith.addi %rem3A, %select_n3A : i32
        %select_n3A_814 = arith.select %and3A, %add3A_813, %rem3A : i32
        %eq3A_815 = arith.cmpi eq, %arg0, %select_n3A_814 : i32
        %convert_element_type3A_816 = arith.extui %eq3A_815 : i1 to i32
        %cond3A_817 = arith.constant 0 : i32
        %cond3A_818 = arith.cmpi ne, %convert_element_type3A_816, %cond3A_817 : i32
        scf.if %cond3A_818 {
          %dma_start3A_819 = arith.constant 2 : i32
          %dma_start3A_820 = arith.constant 1 : i32
          %dma_start3A_821 = arith.constant 2 : i32
          %dma_start3A_822 = arith.constant 0 : i32
          %dma_start3A_823 = tpu.memref_slice %arg9[%dma_start3A_821, %dma_start3A_822] : memref<8x128xf32, #tpu.memory_space<vmem>> -> memref<1x128xf32, #tpu.memory_space<vmem>>
          %dma_start3A_824 = tpu.memref_squeeze %dma_start3A_823 : memref<1x128xf32, #tpu.memory_space<vmem>> -> memref<128xf32, #tpu.memory_space<vmem>>
          %dma_start3A_825 = arith.constant 0 : i32
          %dma_start3A_826 = tpu.memref_slice %arg8[%dma_start3A_819, %dma_start3A_820, %dma_start3A_825] : memref<8x2x128xi32, #tpu.memory_space<vmem>> -> memref<1x1x128xi32, #tpu.memory_space<vmem>>
          %dma_start3A_827 = tpu.memref_squeeze %dma_start3A_826 : memref<1x1x128xi32, #tpu.memory_space<vmem>> -> memref<128xi32, #tpu.memory_space<vmem>>
          %dma_start3A_828 = arith.constant 0 : i32
          %dma_start3A_829 = tpu.memref_slice %arg5[%dma_start3A_828] : memref<10240xf32, #tpu.memory_space<hbm>> -> memref<10240xf32, #tpu.memory_space<hbm>>
          tpu.enqueue_indirect_dma source(%dma_start3A_829 : memref<10240xf32, #tpu.memory_space<hbm>>) target(%dma_start3A_824 : memref<128xf32, #tpu.memory_space<vmem>>) offsets(%dma_start3A_827 : memref<128xi32, #tpu.memory_space<vmem>>) semaphore(%arg31 : memref<!tpu.dma_semaphore, #tpu.memory_space<semaphore_mem>>)
        } else {
        }
      } else {
      }
      %add3A_653 = arith.constant 5 : i32
      %add3A_654 = arith.addi %mul3A_458, %add3A_653 : i32
      %dma_wait3A_655 = arith.constant 5 : i32
      %dma_wait3A_656 = arith.constant 0 : i32
      %dma_wait3A_657 = arith.constant 0 : i32
      %dma_wait3A_658 = tpu.memref_slice %arg10[%dma_wait3A_655, %dma_wait3A_656, %dma_wait3A_657] : memref<8x128x64xf32, #tpu.memory_space<vmem>> -> memref<1x128x64xf32, #tpu.memory_space<vmem>>
      %dma_wait3A_659 = tpu.memref_squeeze %dma_wait3A_658 : memref<1x128x64xf32, #tpu.memory_space<vmem>> -> memref<128x64xf32, #tpu.memory_space<vmem>>
      %dma_wait3A_660 = arith.constant 0 : i32
      %dma_wait3A_661 = arith.constant 0 : i32
      %dma_wait3A_662 = tpu.memref_slice %arg3[%dma_wait3A_660, %dma_wait3A_661] : memref<10240x64xf32, #tpu.memory_space<hbm>> -> memref<128x64xf32, #tpu.memory_space<hbm>>
      %dma_wait3A_663 = arith.constant 0 : i32
      %dma_wait3A_664 = arith.constant 0 : i32
      %dma_wait3A_665 = tpu.memref_slice %arg10[%dma_wait3A_655, %dma_wait3A_663, %dma_wait3A_664] : memref<8x128x64xf32, #tpu.memory_space<vmem>> -> memref<1x128x64xf32, #tpu.memory_space<vmem>>
      %dma_wait3A_666 = tpu.memref_squeeze %dma_wait3A_665 : memref<1x128x64xf32, #tpu.memory_space<vmem>> -> memref<128x64xf32, #tpu.memory_space<vmem>>
      %dma_wait3A_667 = arith.constant 0 : i32
      %dma_wait3A_668 = arith.constant 0 : i32
      %dma_wait3A_669 = tpu.memref_slice %arg3[%dma_wait3A_667, %dma_wait3A_668] : memref<10240x64xf32, #tpu.memory_space<hbm>> -> memref<128x64xf32, #tpu.memory_space<hbm>>
      tpu.wait_dma2 semaphore(%arg18 : memref<!tpu.dma_semaphore, #tpu.memory_space<semaphore_mem>>) src(%dma_wait3A_669 : memref<128x64xf32, #tpu.memory_space<hbm>>) dst(%dma_wait3A_666 : memref<128x64xf32, #tpu.memory_space<vmem>>)
      %run_scoped3A_670 = arith.constant 5 : i32
      %run_scoped3A_671 = arith.constant 5 : i32
      %run_scoped3A_672 = arith.constant 1 : i32
      "tpu.region"() ({
        %run_scoped3A_771 = tpu.sem_alloc : memref<!tpu.dma_semaphore, #tpu.memory_space<semaphore_mem>>
        %dma_start3A_772 = arith.constant 0 : i32
        %dma_start3A_773 = arith.constant 0 : i32
        %dma_start3A_774 = tpu.memref_slice %arg10[%run_scoped3A_670, %dma_start3A_772, %dma_start3A_773] : memref<8x128x64xf32, #tpu.memory_space<vmem>> -> memref<1x128x64xf32, #tpu.memory_space<vmem>>
        %dma_start3A_775 = tpu.memref_squeeze %dma_start3A_774 : memref<1x128x64xf32, #tpu.memory_space<vmem>> -> memref<128x64xf32, #tpu.memory_space<vmem>>
        %dma_start3A_776 = arith.constant 0 : i32
        %dma_start3A_777 = tpu.memref_slice %arg8[%run_scoped3A_671, %run_scoped3A_672, %dma_start3A_776] : memref<8x2x128xi32, #tpu.memory_space<vmem>> -> memref<1x1x128xi32, #tpu.memory_space<vmem>>
        %dma_start3A_778 = tpu.memref_squeeze %dma_start3A_777 : memref<1x1x128xi32, #tpu.memory_space<vmem>> -> memref<128xi32, #tpu.memory_space<vmem>>
        %dma_start3A_779 = arith.constant 0 : i32
        %dma_start3A_780 = arith.constant 0 : i32
        %dma_start3A_781 = tpu.memref_slice %arg11[%dma_start3A_779, %dma_start3A_780] : memref<10240x64xf32, #tpu.memory_space<vmem_shared>> -> memref<10240x64xf32, #tpu.memory_space<vmem_shared>>
        tpu.enqueue_indirect_dma source(%dma_start3A_775 : memref<128x64xf32, #tpu.memory_space<vmem>>) target(%dma_start3A_781 : memref<10240x64xf32, #tpu.memory_space<vmem_shared>>) offsets(%dma_start3A_778 : memref<128xi32, #tpu.memory_space<vmem>>) semaphore(%run_scoped3A_771 : memref<!tpu.dma_semaphore, #tpu.memory_space<semaphore_mem>>) {add = true}
        %dma_wait3A_782 = arith.constant 0 : i32
        %dma_wait3A_783 = arith.constant 0 : i32
        %dma_wait3A_784 = tpu.memref_slice %arg10[%run_scoped3A_670, %dma_wait3A_782, %dma_wait3A_783] : memref<8x128x64xf32, #tpu.memory_space<vmem>> -> memref<1x128x64xf32, #tpu.memory_space<vmem>>
        %dma_wait3A_785 = tpu.memref_squeeze %dma_wait3A_784 : memref<1x128x64xf32, #tpu.memory_space<vmem>> -> memref<128x64xf32, #tpu.memory_space<vmem>>
        %dma_wait3A_786 = arith.constant 0 : i32
        %dma_wait3A_787 = tpu.memref_slice %arg8[%run_scoped3A_671, %run_scoped3A_672, %dma_wait3A_786] : memref<8x2x128xi32, #tpu.memory_space<vmem>> -> memref<1x1x128xi32, #tpu.memory_space<vmem>>
        %dma_wait3A_788 = tpu.memref_squeeze %dma_wait3A_787 : memref<1x1x128xi32, #tpu.memory_space<vmem>> -> memref<128xi32, #tpu.memory_space<vmem>>
        %dma_wait3A_789 = arith.constant 0 : i32
        %dma_wait3A_790 = arith.constant 0 : i32
        %dma_wait3A_791 = tpu.memref_slice %arg11[%dma_wait3A_789, %dma_wait3A_790] : memref<10240x64xf32, #tpu.memory_space<vmem_shared>> -> memref<10240x64xf32, #tpu.memory_space<vmem_shared>>
        tpu.wait_indirect_dma semaphore(%run_scoped3A_771 : memref<!tpu.dma_semaphore, #tpu.memory_space<semaphore_mem>>) src(%dma_wait3A_785 : memref<128x64xf32, #tpu.memory_space<vmem>>) dst(%dma_wait3A_791 : memref<10240x64xf32, #tpu.memory_space<vmem_shared>>)
        tpu.yield
      }) : () -> ()
      %eq3A_673 = arith.constant 1 : i32
      %eq3A_674 = arith.cmpi eq, %arg0, %eq3A_673 : i32
      %convert_element_type3A_675 = arith.extui %eq3A_674 : i1 to i32
      %cond3A_676 = arith.constant 0 : i32
      %cond3A_677 = arith.cmpi ne, %convert_element_type3A_675, %cond3A_676 : i32
      scf.if %cond3A_677 {
        %dma_wait3A_771 = arith.constant 5 : i32
        %dma_wait3A_772 = arith.constant 0 : i32
        %dma_wait3A_773 = tpu.memref_slice %arg9[%dma_wait3A_771, %dma_wait3A_772] : memref<8x128xf32, #tpu.memory_space<vmem>> -> memref<1x128xf32, #tpu.memory_space<vmem>>
        %dma_wait3A_774 = tpu.memref_squeeze %dma_wait3A_773 : memref<1x128xf32, #tpu.memory_space<vmem>> -> memref<128xf32, #tpu.memory_space<vmem>>
        %dma_wait3A_775 = arith.constant 0 : i32
        %dma_wait3A_776 = tpu.memref_slice %arg5[%dma_wait3A_775] : memref<10240xf32, #tpu.memory_space<hbm>> -> memref<128xf32, #tpu.memory_space<hbm>>
        %dma_wait3A_777 = arith.constant 0 : i32
        %dma_wait3A_778 = tpu.memref_slice %arg9[%dma_wait3A_771, %dma_wait3A_777] : memref<8x128xf32, #tpu.memory_space<vmem>> -> memref<1x128xf32, #tpu.memory_space<vmem>>
        %dma_wait3A_779 = tpu.memref_squeeze %dma_wait3A_778 : memref<1x128xf32, #tpu.memory_space<vmem>> -> memref<128xf32, #tpu.memory_space<vmem>>
        %dma_wait3A_780 = arith.constant 0 : i32
        %dma_wait3A_781 = tpu.memref_slice %arg5[%dma_wait3A_780] : memref<10240xf32, #tpu.memory_space<hbm>> -> memref<128xf32, #tpu.memory_space<hbm>>
        tpu.wait_dma2 semaphore(%arg34 : memref<!tpu.dma_semaphore, #tpu.memory_space<semaphore_mem>>) src(%dma_wait3A_781 : memref<128xf32, #tpu.memory_space<hbm>>) dst(%dma_wait3A_779 : memref<128xf32, #tpu.memory_space<vmem>>)
        %run_scoped3A_782 = arith.constant 5 : i32
        %run_scoped3A_783 = arith.constant 5 : i32
        %run_scoped3A_784 = arith.constant 0 : i32
        "tpu.region"() ({
          %run_scoped3A_785 = tpu.sem_alloc : memref<!tpu.dma_semaphore, #tpu.memory_space<semaphore_mem>>
          %dma_start3A_786 = arith.constant 0 : i32
          %dma_start3A_787 = tpu.memref_slice %arg9[%run_scoped3A_782, %dma_start3A_786] : memref<8x128xf32, #tpu.memory_space<vmem>> -> memref<1x128xf32, #tpu.memory_space<vmem>>
          %dma_start3A_788 = tpu.memref_squeeze %dma_start3A_787 : memref<1x128xf32, #tpu.memory_space<vmem>> -> memref<128xf32, #tpu.memory_space<vmem>>
          %dma_start3A_789 = arith.constant 0 : i32
          %dma_start3A_790 = tpu.memref_slice %arg8[%run_scoped3A_783, %run_scoped3A_784, %dma_start3A_789] : memref<8x2x128xi32, #tpu.memory_space<vmem>> -> memref<1x1x128xi32, #tpu.memory_space<vmem>>
          %dma_start3A_791 = tpu.memref_squeeze %dma_start3A_790 : memref<1x1x128xi32, #tpu.memory_space<vmem>> -> memref<128xi32, #tpu.memory_space<vmem>>
          %dma_start3A_792 = arith.constant 0 : i32
          %dma_start3A_793 = tpu.memref_slice %arg12[%dma_start3A_792] : memref<10240xf32, #tpu.memory_space<vmem_shared>> -> memref<10240xf32, #tpu.memory_space<vmem_shared>>
          tpu.enqueue_indirect_dma source(%dma_start3A_788 : memref<128xf32, #tpu.memory_space<vmem>>) target(%dma_start3A_793 : memref<10240xf32, #tpu.memory_space<vmem_shared>>) offsets(%dma_start3A_791 : memref<128xi32, #tpu.memory_space<vmem>>) semaphore(%run_scoped3A_785 : memref<!tpu.dma_semaphore, #tpu.memory_space<semaphore_mem>>) {add = true}
          %dma_wait3A_794 = arith.constant 0 : i32
          %dma_wait3A_795 = tpu.memref_slice %arg9[%run_scoped3A_782, %dma_wait3A_794] : memref<8x128xf32, #tpu.memory_space<vmem>> -> memref<1x128xf32, #tpu.memory_space<vmem>>
          %dma_wait3A_796 = tpu.memref_squeeze %dma_wait3A_795 : memref<1x128xf32, #tpu.memory_space<vmem>> -> memref<128xf32, #tpu.memory_space<vmem>>
          %dma_wait3A_797 = arith.constant 0 : i32
          %dma_wait3A_798 = tpu.memref_slice %arg8[%run_scoped3A_783, %run_scoped3A_784, %dma_wait3A_797] : memref<8x2x128xi32, #tpu.memory_space<vmem>> -> memref<1x1x128xi32, #tpu.memory_space<vmem>>
          %dma_wait3A_799 = tpu.memref_squeeze %dma_wait3A_798 : memref<1x1x128xi32, #tpu.memory_space<vmem>> -> memref<128xi32, #tpu.memory_space<vmem>>
          %dma_wait3A_800 = arith.constant 0 : i32
          %dma_wait3A_801 = tpu.memref_slice %arg12[%dma_wait3A_800] : memref<10240xf32, #tpu.memory_space<vmem_shared>> -> memref<10240xf32, #tpu.memory_space<vmem_shared>>
          tpu.wait_indirect_dma semaphore(%run_scoped3A_785 : memref<!tpu.dma_semaphore, #tpu.memory_space<semaphore_mem>>) src(%dma_wait3A_796 : memref<128xf32, #tpu.memory_space<vmem>>) dst(%dma_wait3A_801 : memref<10240xf32, #tpu.memory_space<vmem_shared>>)
          tpu.yield
        }) : () -> ()
      } else {
      }
      %add3A_678 = arith.constant 8 : i32
      %add3A_679 = arith.addi %add3A_654, %add3A_678 : i32
      %lt3A_680 = arith.constant 160 : i32
      %lt3A_681 = arith.cmpi slt, %add3A_679, %lt3A_680 : i32
      %convert_element_type3A_682 = arith.extui %lt3A_681 : i1 to i32
      %cond3A_683 = arith.constant 0 : i32
      %cond3A_684 = arith.cmpi ne, %convert_element_type3A_682, %cond3A_683 : i32
      scf.if %cond3A_684 {
        %add3A_771 = arith.constant 8 : i32
        %add3A_772 = arith.addi %add3A_654, %add3A_771 : i32
        %dma_start3A_773 = arith.constant 5 : i32
        %dma_start3A_774 = arith.constant 0 : i32
        %dma_start3A_775 = arith.constant 0 : i32
        %dma_start3A_776 = tpu.memref_slice %arg8[%dma_start3A_773, %dma_start3A_774, %dma_start3A_775] : memref<8x2x128xi32, #tpu.memory_space<vmem>> -> memref<1x2x128xi32, #tpu.memory_space<vmem>>
        %dma_start3A_777 = tpu.memref_squeeze %dma_start3A_776 : memref<1x2x128xi32, #tpu.memory_space<vmem>> -> memref<2x128xi32, #tpu.memory_space<vmem>>
        %dma_start3A_778 = arith.constant 0 : i32
        %dma_start3A_779 = arith.constant 0 : i32
        %dma_start3A_780 = tpu.memref_slice %arg2[%arg1, %add3A_772, %dma_start3A_778, %dma_start3A_779] : memref<16x160x2x128xi32, #tpu.memory_space<hbm>> -> memref<1x1x2x128xi32, #tpu.memory_space<hbm>>
        %dma_start3A_781 = tpu.memref_squeeze %dma_start3A_780 : memref<1x1x2x128xi32, #tpu.memory_space<hbm>> -> memref<2x128xi32, #tpu.memory_space<hbm>>
        %dma_start3A_782 = arith.constant 0 : i32
        %dma_start3A_783 = arith.constant 0 : i32
        %dma_start3A_784 = tpu.memref_slice %arg8[%dma_start3A_773, %dma_start3A_782, %dma_start3A_783] : memref<8x2x128xi32, #tpu.memory_space<vmem>> -> memref<1x2x128xi32, #tpu.memory_space<vmem>>
        %dma_start3A_785 = tpu.memref_squeeze %dma_start3A_784 : memref<1x2x128xi32, #tpu.memory_space<vmem>> -> memref<2x128xi32, #tpu.memory_space<vmem>>
        %dma_start3A_786 = arith.constant 0 : i32
        %dma_start3A_787 = arith.constant 0 : i32
        %dma_start3A_788 = tpu.memref_slice %arg2[%arg1, %add3A_772, %dma_start3A_786, %dma_start3A_787] : memref<16x160x2x128xi32, #tpu.memory_space<hbm>> -> memref<1x1x2x128xi32, #tpu.memory_space<hbm>>
        %dma_start3A_789 = tpu.memref_squeeze %dma_start3A_788 : memref<1x1x2x128xi32, #tpu.memory_space<hbm>> -> memref<2x128xi32, #tpu.memory_space<hbm>>
        tpu.enqueue_dma source(%dma_start3A_789 : memref<2x128xi32, #tpu.memory_space<hbm>>) target(%dma_start3A_785 : memref<2x128xi32, #tpu.memory_space<vmem>>) target_semaphore(%arg26 : memref<!tpu.dma_semaphore, #tpu.memory_space<semaphore_mem>>)
      } else {
      }
      %add3A_685 = arith.constant 6 : i32
      %add3A_686 = arith.addi %add3A_654, %add3A_685 : i32
      %lt3A_687 = arith.constant 160 : i32
      %lt3A_688 = arith.cmpi slt, %add3A_686, %lt3A_687 : i32
      %convert_element_type3A_689 = arith.extui %lt3A_688 : i1 to i32
      %cond3A_690 = arith.constant 0 : i32
      %cond3A_691 = arith.cmpi ne, %convert_element_type3A_689, %cond3A_690 : i32
      scf.if %cond3A_691 {
        %dma_wait3A_771 = arith.constant 0 : i32
        %dma_wait3A_772 = arith.constant 0 : i32
        %dma_wait3A_773 = arith.constant 3 : i32
        %dma_wait3A_774 = arith.constant 0 : i32
        %dma_wait3A_775 = arith.constant 0 : i32
        %dma_wait3A_776 = tpu.memref_slice %arg8[%dma_wait3A_773, %dma_wait3A_774, %dma_wait3A_775] : memref<8x2x128xi32, #tpu.memory_space<vmem>> -> memref<1x2x128xi32, #tpu.memory_space<vmem>>
        %dma_wait3A_777 = tpu.memref_squeeze %dma_wait3A_776 : memref<1x2x128xi32, #tpu.memory_space<vmem>> -> memref<2x128xi32, #tpu.memory_space<vmem>>
        %dma_wait3A_778 = arith.constant 0 : i32
        %dma_wait3A_779 = arith.constant 0 : i32
        %dma_wait3A_780 = tpu.memref_slice %arg2[%dma_wait3A_771, %dma_wait3A_772, %dma_wait3A_778, %dma_wait3A_779] : memref<16x160x2x128xi32, #tpu.memory_space<hbm>> -> memref<1x1x2x128xi32, #tpu.memory_space<hbm>>
        %dma_wait3A_781 = tpu.memref_squeeze %dma_wait3A_780 : memref<1x1x2x128xi32, #tpu.memory_space<hbm>> -> memref<2x128xi32, #tpu.memory_space<hbm>>
        %dma_wait3A_782 = arith.constant 0 : i32
        %dma_wait3A_783 = arith.constant 0 : i32
        %dma_wait3A_784 = tpu.memref_slice %arg8[%dma_wait3A_773, %dma_wait3A_782, %dma_wait3A_783] : memref<8x2x128xi32, #tpu.memory_space<vmem>> -> memref<1x2x128xi32, #tpu.memory_space<vmem>>
        %dma_wait3A_785 = tpu.memref_squeeze %dma_wait3A_784 : memref<1x2x128xi32, #tpu.memory_space<vmem>> -> memref<2x128xi32, #tpu.memory_space<vmem>>
        %dma_wait3A_786 = arith.constant 0 : i32
        %dma_wait3A_787 = arith.constant 0 : i32
        %dma_wait3A_788 = tpu.memref_slice %arg2[%dma_wait3A_771, %dma_wait3A_772, %dma_wait3A_786, %dma_wait3A_787] : memref<16x160x2x128xi32, #tpu.memory_space<hbm>> -> memref<1x1x2x128xi32, #tpu.memory_space<hbm>>
        %dma_wait3A_789 = tpu.memref_squeeze %dma_wait3A_788 : memref<1x1x2x128xi32, #tpu.memory_space<hbm>> -> memref<2x128xi32, #tpu.memory_space<hbm>>
        tpu.wait_dma2 semaphore(%arg24 : memref<!tpu.dma_semaphore, #tpu.memory_space<semaphore_mem>>) src(%dma_wait3A_789 : memref<2x128xi32, #tpu.memory_space<hbm>>) dst(%dma_wait3A_785 : memref<2x128xi32, #tpu.memory_space<vmem>>)
        %add3A_790 = arith.constant 6 : i32
        %add3A_791 = arith.addi %add3A_654, %add3A_790 : i32
        %eq3A_792 = arith.constant 0 : i32
        %eq3A_793 = arith.cmpi eq, %arg0, %eq3A_792 : i32
        %convert_element_type3A_794 = arith.extui %eq3A_793 : i1 to i32
        %cond3A_795 = arith.constant 0 : i32
        %cond3A_796 = arith.cmpi ne, %convert_element_type3A_794, %cond3A_795 : i32
        scf.if %cond3A_796 {
          %dma_start3A_819 = arith.constant 3 : i32
          %dma_start3A_820 = arith.constant 0 : i32
          %dma_start3A_821 = arith.constant 3 : i32
          %dma_start3A_822 = arith.constant 0 : i32
          %dma_start3A_823 = arith.constant 0 : i32
          %dma_start3A_824 = tpu.memref_slice %arg10[%dma_start3A_821, %dma_start3A_822, %dma_start3A_823] : memref<8x128x64xf32, #tpu.memory_space<vmem>> -> memref<1x128x64xf32, #tpu.memory_space<vmem>>
          %dma_start3A_825 = tpu.memref_squeeze %dma_start3A_824 : memref<1x128x64xf32, #tpu.memory_space<vmem>> -> memref<128x64xf32, #tpu.memory_space<vmem>>
          %dma_start3A_826 = arith.constant 0 : i32
          %dma_start3A_827 = tpu.memref_slice %arg8[%dma_start3A_819, %dma_start3A_820, %dma_start3A_826] : memref<8x2x128xi32, #tpu.memory_space<vmem>> -> memref<1x1x128xi32, #tpu.memory_space<vmem>>
          %dma_start3A_828 = tpu.memref_squeeze %dma_start3A_827 : memref<1x1x128xi32, #tpu.memory_space<vmem>> -> memref<128xi32, #tpu.memory_space<vmem>>
          %dma_start3A_829 = arith.constant 0 : i32
          %dma_start3A_830 = arith.constant 0 : i32
          %dma_start3A_831 = tpu.memref_slice %arg3[%dma_start3A_829, %dma_start3A_830] : memref<10240x64xf32, #tpu.memory_space<hbm>> -> memref<10240x64xf32, #tpu.memory_space<hbm>>
          tpu.enqueue_indirect_dma source(%dma_start3A_831 : memref<10240x64xf32, #tpu.memory_space<hbm>>) target(%dma_start3A_825 : memref<128x64xf32, #tpu.memory_space<vmem>>) offsets(%dma_start3A_828 : memref<128xi32, #tpu.memory_space<vmem>>) semaphore(%arg16 : memref<!tpu.dma_semaphore, #tpu.memory_space<semaphore_mem>>)
        } else {
        }
        %eq3A_797 = arith.constant 1 : i32
        %eq3A_798 = arith.cmpi eq, %arg0, %eq3A_797 : i32
        %convert_element_type3A_799 = arith.extui %eq3A_798 : i1 to i32
        %cond3A_800 = arith.constant 0 : i32
        %cond3A_801 = arith.cmpi ne, %convert_element_type3A_799, %cond3A_800 : i32
        scf.if %cond3A_801 {
          %dma_start3A_819 = arith.constant 3 : i32
          %dma_start3A_820 = arith.constant 0 : i32
          %dma_start3A_821 = arith.constant 3 : i32
          %dma_start3A_822 = arith.constant 0 : i32
          %dma_start3A_823 = arith.constant 0 : i32
          %dma_start3A_824 = tpu.memref_slice %arg10[%dma_start3A_821, %dma_start3A_822, %dma_start3A_823] : memref<8x128x64xf32, #tpu.memory_space<vmem>> -> memref<1x128x64xf32, #tpu.memory_space<vmem>>
          %dma_start3A_825 = tpu.memref_squeeze %dma_start3A_824 : memref<1x128x64xf32, #tpu.memory_space<vmem>> -> memref<128x64xf32, #tpu.memory_space<vmem>>
          %dma_start3A_826 = arith.constant 0 : i32
          %dma_start3A_827 = tpu.memref_slice %arg8[%dma_start3A_819, %dma_start3A_820, %dma_start3A_826] : memref<8x2x128xi32, #tpu.memory_space<vmem>> -> memref<1x1x128xi32, #tpu.memory_space<vmem>>
          %dma_start3A_828 = tpu.memref_squeeze %dma_start3A_827 : memref<1x1x128xi32, #tpu.memory_space<vmem>> -> memref<128xi32, #tpu.memory_space<vmem>>
          %dma_start3A_829 = arith.constant 0 : i32
          %dma_start3A_830 = arith.constant 0 : i32
          %dma_start3A_831 = tpu.memref_slice %arg4[%dma_start3A_829, %dma_start3A_830] : memref<10240x64xf32, #tpu.memory_space<hbm>> -> memref<10240x64xf32, #tpu.memory_space<hbm>>
          tpu.enqueue_indirect_dma source(%dma_start3A_831 : memref<10240x64xf32, #tpu.memory_space<hbm>>) target(%dma_start3A_825 : memref<128x64xf32, #tpu.memory_space<vmem>>) offsets(%dma_start3A_828 : memref<128xi32, #tpu.memory_space<vmem>>) semaphore(%arg16 : memref<!tpu.dma_semaphore, #tpu.memory_space<semaphore_mem>>)
        } else {
        }
        %add3A_802 = arith.constant 6 : i32
        %add3A_803 = arith.addi %add3A_654, %add3A_802 : i32
        %jit3A = arith.constant 2 : i32
        %eq3A_804 = arith.constant 0 : i32
        %eq3A_805 = arith.cmpi eq, %jit3A, %eq3A_804 : i32
        %jit3A_806 = arith.constant 1 : i32
        %select_n3A = arith.select %eq3A_805, %jit3A_806, %jit3A : i32
        %rem3A = arith.remsi %add3A_803, %select_n3A : i32
        %ne3A = arith.constant 0 : i32
        %ne3A_807 = arith.cmpi ne, %rem3A, %ne3A : i32
        %lt3A_808 = arith.constant 0 : i32
        %lt3A_809 = arith.cmpi slt, %rem3A, %lt3A_808 : i32
        %lt3A_810 = arith.constant 0 : i32
        %lt3A_811 = arith.cmpi slt, %select_n3A, %lt3A_810 : i32
        %ne3A_812 = arith.xori %lt3A_809, %lt3A_811 : i1
        %and3A = arith.andi %ne3A_812, %ne3A_807 : i1
        %add3A_813 = arith.addi %rem3A, %select_n3A : i32
        %select_n3A_814 = arith.select %and3A, %add3A_813, %rem3A : i32
        %eq3A_815 = arith.cmpi eq, %arg0, %select_n3A_814 : i32
        %convert_element_type3A_816 = arith.extui %eq3A_815 : i1 to i32
        %cond3A_817 = arith.constant 0 : i32
        %cond3A_818 = arith.cmpi ne, %convert_element_type3A_816, %cond3A_817 : i32
        scf.if %cond3A_818 {
          %dma_start3A_819 = arith.constant 3 : i32
          %dma_start3A_820 = arith.constant 1 : i32
          %dma_start3A_821 = arith.constant 3 : i32
          %dma_start3A_822 = arith.constant 0 : i32
          %dma_start3A_823 = tpu.memref_slice %arg9[%dma_start3A_821, %dma_start3A_822] : memref<8x128xf32, #tpu.memory_space<vmem>> -> memref<1x128xf32, #tpu.memory_space<vmem>>
          %dma_start3A_824 = tpu.memref_squeeze %dma_start3A_823 : memref<1x128xf32, #tpu.memory_space<vmem>> -> memref<128xf32, #tpu.memory_space<vmem>>
          %dma_start3A_825 = arith.constant 0 : i32
          %dma_start3A_826 = tpu.memref_slice %arg8[%dma_start3A_819, %dma_start3A_820, %dma_start3A_825] : memref<8x2x128xi32, #tpu.memory_space<vmem>> -> memref<1x1x128xi32, #tpu.memory_space<vmem>>
          %dma_start3A_827 = tpu.memref_squeeze %dma_start3A_826 : memref<1x1x128xi32, #tpu.memory_space<vmem>> -> memref<128xi32, #tpu.memory_space<vmem>>
          %dma_start3A_828 = arith.constant 0 : i32
          %dma_start3A_829 = tpu.memref_slice %arg5[%dma_start3A_828] : memref<10240xf32, #tpu.memory_space<hbm>> -> memref<10240xf32, #tpu.memory_space<hbm>>
          tpu.enqueue_indirect_dma source(%dma_start3A_829 : memref<10240xf32, #tpu.memory_space<hbm>>) target(%dma_start3A_824 : memref<128xf32, #tpu.memory_space<vmem>>) offsets(%dma_start3A_827 : memref<128xi32, #tpu.memory_space<vmem>>) semaphore(%arg32 : memref<!tpu.dma_semaphore, #tpu.memory_space<semaphore_mem>>)
        } else {
        }
      } else {
      }
      %add3A_692 = arith.constant 6 : i32
      %add3A_693 = arith.addi %mul3A_458, %add3A_692 : i32
      %dma_wait3A_694 = arith.constant 6 : i32
      %dma_wait3A_695 = arith.constant 0 : i32
      %dma_wait3A_696 = arith.constant 0 : i32
      %dma_wait3A_697 = tpu.memref_slice %arg10[%dma_wait3A_694, %dma_wait3A_695, %dma_wait3A_696] : memref<8x128x64xf32, #tpu.memory_space<vmem>> -> memref<1x128x64xf32, #tpu.memory_space<vmem>>
      %dma_wait3A_698 = tpu.memref_squeeze %dma_wait3A_697 : memref<1x128x64xf32, #tpu.memory_space<vmem>> -> memref<128x64xf32, #tpu.memory_space<vmem>>
      %dma_wait3A_699 = arith.constant 0 : i32
      %dma_wait3A_700 = arith.constant 0 : i32
      %dma_wait3A_701 = tpu.memref_slice %arg3[%dma_wait3A_699, %dma_wait3A_700] : memref<10240x64xf32, #tpu.memory_space<hbm>> -> memref<128x64xf32, #tpu.memory_space<hbm>>
      %dma_wait3A_702 = arith.constant 0 : i32
      %dma_wait3A_703 = arith.constant 0 : i32
      %dma_wait3A_704 = tpu.memref_slice %arg10[%dma_wait3A_694, %dma_wait3A_702, %dma_wait3A_703] : memref<8x128x64xf32, #tpu.memory_space<vmem>> -> memref<1x128x64xf32, #tpu.memory_space<vmem>>
      %dma_wait3A_705 = tpu.memref_squeeze %dma_wait3A_704 : memref<1x128x64xf32, #tpu.memory_space<vmem>> -> memref<128x64xf32, #tpu.memory_space<vmem>>
      %dma_wait3A_706 = arith.constant 0 : i32
      %dma_wait3A_707 = arith.constant 0 : i32
      %dma_wait3A_708 = tpu.memref_slice %arg3[%dma_wait3A_706, %dma_wait3A_707] : memref<10240x64xf32, #tpu.memory_space<hbm>> -> memref<128x64xf32, #tpu.memory_space<hbm>>
      tpu.wait_dma2 semaphore(%arg19 : memref<!tpu.dma_semaphore, #tpu.memory_space<semaphore_mem>>) src(%dma_wait3A_708 : memref<128x64xf32, #tpu.memory_space<hbm>>) dst(%dma_wait3A_705 : memref<128x64xf32, #tpu.memory_space<vmem>>)
      %run_scoped3A_709 = arith.constant 6 : i32
      %run_scoped3A_710 = arith.constant 6 : i32
      %run_scoped3A_711 = arith.constant 1 : i32
      "tpu.region"() ({
        %run_scoped3A_771 = tpu.sem_alloc : memref<!tpu.dma_semaphore, #tpu.memory_space<semaphore_mem>>
        %dma_start3A_772 = arith.constant 0 : i32
        %dma_start3A_773 = arith.constant 0 : i32
        %dma_start3A_774 = tpu.memref_slice %arg10[%run_scoped3A_709, %dma_start3A_772, %dma_start3A_773] : memref<8x128x64xf32, #tpu.memory_space<vmem>> -> memref<1x128x64xf32, #tpu.memory_space<vmem>>
        %dma_start3A_775 = tpu.memref_squeeze %dma_start3A_774 : memref<1x128x64xf32, #tpu.memory_space<vmem>> -> memref<128x64xf32, #tpu.memory_space<vmem>>
        %dma_start3A_776 = arith.constant 0 : i32
        %dma_start3A_777 = tpu.memref_slice %arg8[%run_scoped3A_710, %run_scoped3A_711, %dma_start3A_776] : memref<8x2x128xi32, #tpu.memory_space<vmem>> -> memref<1x1x128xi32, #tpu.memory_space<vmem>>
        %dma_start3A_778 = tpu.memref_squeeze %dma_start3A_777 : memref<1x1x128xi32, #tpu.memory_space<vmem>> -> memref<128xi32, #tpu.memory_space<vmem>>
        %dma_start3A_779 = arith.constant 0 : i32
        %dma_start3A_780 = arith.constant 0 : i32
        %dma_start3A_781 = tpu.memref_slice %arg11[%dma_start3A_779, %dma_start3A_780] : memref<10240x64xf32, #tpu.memory_space<vmem_shared>> -> memref<10240x64xf32, #tpu.memory_space<vmem_shared>>
        tpu.enqueue_indirect_dma source(%dma_start3A_775 : memref<128x64xf32, #tpu.memory_space<vmem>>) target(%dma_start3A_781 : memref<10240x64xf32, #tpu.memory_space<vmem_shared>>) offsets(%dma_start3A_778 : memref<128xi32, #tpu.memory_space<vmem>>) semaphore(%run_scoped3A_771 : memref<!tpu.dma_semaphore, #tpu.memory_space<semaphore_mem>>) {add = true}
        %dma_wait3A_782 = arith.constant 0 : i32
        %dma_wait3A_783 = arith.constant 0 : i32
        %dma_wait3A_784 = tpu.memref_slice %arg10[%run_scoped3A_709, %dma_wait3A_782, %dma_wait3A_783] : memref<8x128x64xf32, #tpu.memory_space<vmem>> -> memref<1x128x64xf32, #tpu.memory_space<vmem>>
        %dma_wait3A_785 = tpu.memref_squeeze %dma_wait3A_784 : memref<1x128x64xf32, #tpu.memory_space<vmem>> -> memref<128x64xf32, #tpu.memory_space<vmem>>
        %dma_wait3A_786 = arith.constant 0 : i32
        %dma_wait3A_787 = tpu.memref_slice %arg8[%run_scoped3A_710, %run_scoped3A_711, %dma_wait3A_786] : memref<8x2x128xi32, #tpu.memory_space<vmem>> -> memref<1x1x128xi32, #tpu.memory_space<vmem>>
        %dma_wait3A_788 = tpu.memref_squeeze %dma_wait3A_787 : memref<1x1x128xi32, #tpu.memory_space<vmem>> -> memref<128xi32, #tpu.memory_space<vmem>>
        %dma_wait3A_789 = arith.constant 0 : i32
        %dma_wait3A_790 = arith.constant 0 : i32
        %dma_wait3A_791 = tpu.memref_slice %arg11[%dma_wait3A_789, %dma_wait3A_790] : memref<10240x64xf32, #tpu.memory_space<vmem_shared>> -> memref<10240x64xf32, #tpu.memory_space<vmem_shared>>
        tpu.wait_indirect_dma semaphore(%run_scoped3A_771 : memref<!tpu.dma_semaphore, #tpu.memory_space<semaphore_mem>>) src(%dma_wait3A_785 : memref<128x64xf32, #tpu.memory_space<vmem>>) dst(%dma_wait3A_791 : memref<10240x64xf32, #tpu.memory_space<vmem_shared>>)
        tpu.yield
      }) : () -> ()
      %eq3A_712 = arith.constant 0 : i32
      %eq3A_713 = arith.cmpi eq, %arg0, %eq3A_712 : i32
      %convert_element_type3A_714 = arith.extui %eq3A_713 : i1 to i32
      %cond3A_715 = arith.constant 0 : i32
      %cond3A_716 = arith.cmpi ne, %convert_element_type3A_714, %cond3A_715 : i32
      scf.if %cond3A_716 {
        %dma_wait3A_771 = arith.constant 6 : i32
        %dma_wait3A_772 = arith.constant 0 : i32
        %dma_wait3A_773 = tpu.memref_slice %arg9[%dma_wait3A_771, %dma_wait3A_772] : memref<8x128xf32, #tpu.memory_space<vmem>> -> memref<1x128xf32, #tpu.memory_space<vmem>>
        %dma_wait3A_774 = tpu.memref_squeeze %dma_wait3A_773 : memref<1x128xf32, #tpu.memory_space<vmem>> -> memref<128xf32, #tpu.memory_space<vmem>>
        %dma_wait3A_775 = arith.constant 0 : i32
        %dma_wait3A_776 = tpu.memref_slice %arg5[%dma_wait3A_775] : memref<10240xf32, #tpu.memory_space<hbm>> -> memref<128xf32, #tpu.memory_space<hbm>>
        %dma_wait3A_777 = arith.constant 0 : i32
        %dma_wait3A_778 = tpu.memref_slice %arg9[%dma_wait3A_771, %dma_wait3A_777] : memref<8x128xf32, #tpu.memory_space<vmem>> -> memref<1x128xf32, #tpu.memory_space<vmem>>
        %dma_wait3A_779 = tpu.memref_squeeze %dma_wait3A_778 : memref<1x128xf32, #tpu.memory_space<vmem>> -> memref<128xf32, #tpu.memory_space<vmem>>
        %dma_wait3A_780 = arith.constant 0 : i32
        %dma_wait3A_781 = tpu.memref_slice %arg5[%dma_wait3A_780] : memref<10240xf32, #tpu.memory_space<hbm>> -> memref<128xf32, #tpu.memory_space<hbm>>
        tpu.wait_dma2 semaphore(%arg35 : memref<!tpu.dma_semaphore, #tpu.memory_space<semaphore_mem>>) src(%dma_wait3A_781 : memref<128xf32, #tpu.memory_space<hbm>>) dst(%dma_wait3A_779 : memref<128xf32, #tpu.memory_space<vmem>>)
        %run_scoped3A_782 = arith.constant 6 : i32
        %run_scoped3A_783 = arith.constant 6 : i32
        %run_scoped3A_784 = arith.constant 0 : i32
        "tpu.region"() ({
          %run_scoped3A_785 = tpu.sem_alloc : memref<!tpu.dma_semaphore, #tpu.memory_space<semaphore_mem>>
          %dma_start3A_786 = arith.constant 0 : i32
          %dma_start3A_787 = tpu.memref_slice %arg9[%run_scoped3A_782, %dma_start3A_786] : memref<8x128xf32, #tpu.memory_space<vmem>> -> memref<1x128xf32, #tpu.memory_space<vmem>>
          %dma_start3A_788 = tpu.memref_squeeze %dma_start3A_787 : memref<1x128xf32, #tpu.memory_space<vmem>> -> memref<128xf32, #tpu.memory_space<vmem>>
          %dma_start3A_789 = arith.constant 0 : i32
          %dma_start3A_790 = tpu.memref_slice %arg8[%run_scoped3A_783, %run_scoped3A_784, %dma_start3A_789] : memref<8x2x128xi32, #tpu.memory_space<vmem>> -> memref<1x1x128xi32, #tpu.memory_space<vmem>>
          %dma_start3A_791 = tpu.memref_squeeze %dma_start3A_790 : memref<1x1x128xi32, #tpu.memory_space<vmem>> -> memref<128xi32, #tpu.memory_space<vmem>>
          %dma_start3A_792 = arith.constant 0 : i32
          %dma_start3A_793 = tpu.memref_slice %arg12[%dma_start3A_792] : memref<10240xf32, #tpu.memory_space<vmem_shared>> -> memref<10240xf32, #tpu.memory_space<vmem_shared>>
          tpu.enqueue_indirect_dma source(%dma_start3A_788 : memref<128xf32, #tpu.memory_space<vmem>>) target(%dma_start3A_793 : memref<10240xf32, #tpu.memory_space<vmem_shared>>) offsets(%dma_start3A_791 : memref<128xi32, #tpu.memory_space<vmem>>) semaphore(%run_scoped3A_785 : memref<!tpu.dma_semaphore, #tpu.memory_space<semaphore_mem>>) {add = true}
          %dma_wait3A_794 = arith.constant 0 : i32
          %dma_wait3A_795 = tpu.memref_slice %arg9[%run_scoped3A_782, %dma_wait3A_794] : memref<8x128xf32, #tpu.memory_space<vmem>> -> memref<1x128xf32, #tpu.memory_space<vmem>>
          %dma_wait3A_796 = tpu.memref_squeeze %dma_wait3A_795 : memref<1x128xf32, #tpu.memory_space<vmem>> -> memref<128xf32, #tpu.memory_space<vmem>>
          %dma_wait3A_797 = arith.constant 0 : i32
          %dma_wait3A_798 = tpu.memref_slice %arg8[%run_scoped3A_783, %run_scoped3A_784, %dma_wait3A_797] : memref<8x2x128xi32, #tpu.memory_space<vmem>> -> memref<1x1x128xi32, #tpu.memory_space<vmem>>
          %dma_wait3A_799 = tpu.memref_squeeze %dma_wait3A_798 : memref<1x1x128xi32, #tpu.memory_space<vmem>> -> memref<128xi32, #tpu.memory_space<vmem>>
          %dma_wait3A_800 = arith.constant 0 : i32
          %dma_wait3A_801 = tpu.memref_slice %arg12[%dma_wait3A_800] : memref<10240xf32, #tpu.memory_space<vmem_shared>> -> memref<10240xf32, #tpu.memory_space<vmem_shared>>
          tpu.wait_indirect_dma semaphore(%run_scoped3A_785 : memref<!tpu.dma_semaphore, #tpu.memory_space<semaphore_mem>>) src(%dma_wait3A_796 : memref<128xf32, #tpu.memory_space<vmem>>) dst(%dma_wait3A_801 : memref<10240xf32, #tpu.memory_space<vmem_shared>>)
          tpu.yield
        }) : () -> ()
      } else {
      }
      %add3A_717 = arith.constant 8 : i32
      %add3A_718 = arith.addi %add3A_693, %add3A_717 : i32
      %lt3A_719 = arith.constant 160 : i32
      %lt3A_720 = arith.cmpi slt, %add3A_718, %lt3A_719 : i32
      %convert_element_type3A_721 = arith.extui %lt3A_720 : i1 to i32
      %cond3A_722 = arith.constant 0 : i32
      %cond3A_723 = arith.cmpi ne, %convert_element_type3A_721, %cond3A_722 : i32
      scf.if %cond3A_723 {
        %add3A_771 = arith.constant 8 : i32
        %add3A_772 = arith.addi %add3A_693, %add3A_771 : i32
        %dma_start3A_773 = arith.constant 6 : i32
        %dma_start3A_774 = arith.constant 0 : i32
        %dma_start3A_775 = arith.constant 0 : i32
        %dma_start3A_776 = tpu.memref_slice %arg8[%dma_start3A_773, %dma_start3A_774, %dma_start3A_775] : memref<8x2x128xi32, #tpu.memory_space<vmem>> -> memref<1x2x128xi32, #tpu.memory_space<vmem>>
        %dma_start3A_777 = tpu.memref_squeeze %dma_start3A_776 : memref<1x2x128xi32, #tpu.memory_space<vmem>> -> memref<2x128xi32, #tpu.memory_space<vmem>>
        %dma_start3A_778 = arith.constant 0 : i32
        %dma_start3A_779 = arith.constant 0 : i32
        %dma_start3A_780 = tpu.memref_slice %arg2[%arg1, %add3A_772, %dma_start3A_778, %dma_start3A_779] : memref<16x160x2x128xi32, #tpu.memory_space<hbm>> -> memref<1x1x2x128xi32, #tpu.memory_space<hbm>>
        %dma_start3A_781 = tpu.memref_squeeze %dma_start3A_780 : memref<1x1x2x128xi32, #tpu.memory_space<hbm>> -> memref<2x128xi32, #tpu.memory_space<hbm>>
        %dma_start3A_782 = arith.constant 0 : i32
        %dma_start3A_783 = arith.constant 0 : i32
        %dma_start3A_784 = tpu.memref_slice %arg8[%dma_start3A_773, %dma_start3A_782, %dma_start3A_783] : memref<8x2x128xi32, #tpu.memory_space<vmem>> -> memref<1x2x128xi32, #tpu.memory_space<vmem>>
        %dma_start3A_785 = tpu.memref_squeeze %dma_start3A_784 : memref<1x2x128xi32, #tpu.memory_space<vmem>> -> memref<2x128xi32, #tpu.memory_space<vmem>>
        %dma_start3A_786 = arith.constant 0 : i32
        %dma_start3A_787 = arith.constant 0 : i32
        %dma_start3A_788 = tpu.memref_slice %arg2[%arg1, %add3A_772, %dma_start3A_786, %dma_start3A_787] : memref<16x160x2x128xi32, #tpu.memory_space<hbm>> -> memref<1x1x2x128xi32, #tpu.memory_space<hbm>>
        %dma_start3A_789 = tpu.memref_squeeze %dma_start3A_788 : memref<1x1x2x128xi32, #tpu.memory_space<hbm>> -> memref<2x128xi32, #tpu.memory_space<hbm>>
        tpu.enqueue_dma source(%dma_start3A_789 : memref<2x128xi32, #tpu.memory_space<hbm>>) target(%dma_start3A_785 : memref<2x128xi32, #tpu.memory_space<vmem>>) target_semaphore(%arg27 : memref<!tpu.dma_semaphore, #tpu.memory_space<semaphore_mem>>)
      } else {
      }
      %add3A_724 = arith.constant 6 : i32
      %add3A_725 = arith.addi %add3A_693, %add3A_724 : i32
      %lt3A_726 = arith.constant 160 : i32
      %lt3A_727 = arith.cmpi slt, %add3A_725, %lt3A_726 : i32
      %convert_element_type3A_728 = arith.extui %lt3A_727 : i1 to i32
      %cond3A_729 = arith.constant 0 : i32
      %cond3A_730 = arith.cmpi ne, %convert_element_type3A_728, %cond3A_729 : i32
      scf.if %cond3A_730 {
        %dma_wait3A_771 = arith.constant 0 : i32
        %dma_wait3A_772 = arith.constant 0 : i32
        %dma_wait3A_773 = arith.constant 4 : i32
        %dma_wait3A_774 = arith.constant 0 : i32
        %dma_wait3A_775 = arith.constant 0 : i32
        %dma_wait3A_776 = tpu.memref_slice %arg8[%dma_wait3A_773, %dma_wait3A_774, %dma_wait3A_775] : memref<8x2x128xi32, #tpu.memory_space<vmem>> -> memref<1x2x128xi32, #tpu.memory_space<vmem>>
        %dma_wait3A_777 = tpu.memref_squeeze %dma_wait3A_776 : memref<1x2x128xi32, #tpu.memory_space<vmem>> -> memref<2x128xi32, #tpu.memory_space<vmem>>
        %dma_wait3A_778 = arith.constant 0 : i32
        %dma_wait3A_779 = arith.constant 0 : i32
        %dma_wait3A_780 = tpu.memref_slice %arg2[%dma_wait3A_771, %dma_wait3A_772, %dma_wait3A_778, %dma_wait3A_779] : memref<16x160x2x128xi32, #tpu.memory_space<hbm>> -> memref<1x1x2x128xi32, #tpu.memory_space<hbm>>
        %dma_wait3A_781 = tpu.memref_squeeze %dma_wait3A_780 : memref<1x1x2x128xi32, #tpu.memory_space<hbm>> -> memref<2x128xi32, #tpu.memory_space<hbm>>
        %dma_wait3A_782 = arith.constant 0 : i32
        %dma_wait3A_783 = arith.constant 0 : i32
        %dma_wait3A_784 = tpu.memref_slice %arg8[%dma_wait3A_773, %dma_wait3A_782, %dma_wait3A_783] : memref<8x2x128xi32, #tpu.memory_space<vmem>> -> memref<1x2x128xi32, #tpu.memory_space<vmem>>
        %dma_wait3A_785 = tpu.memref_squeeze %dma_wait3A_784 : memref<1x2x128xi32, #tpu.memory_space<vmem>> -> memref<2x128xi32, #tpu.memory_space<vmem>>
        %dma_wait3A_786 = arith.constant 0 : i32
        %dma_wait3A_787 = arith.constant 0 : i32
        %dma_wait3A_788 = tpu.memref_slice %arg2[%dma_wait3A_771, %dma_wait3A_772, %dma_wait3A_786, %dma_wait3A_787] : memref<16x160x2x128xi32, #tpu.memory_space<hbm>> -> memref<1x1x2x128xi32, #tpu.memory_space<hbm>>
        %dma_wait3A_789 = tpu.memref_squeeze %dma_wait3A_788 : memref<1x1x2x128xi32, #tpu.memory_space<hbm>> -> memref<2x128xi32, #tpu.memory_space<hbm>>
        tpu.wait_dma2 semaphore(%arg25 : memref<!tpu.dma_semaphore, #tpu.memory_space<semaphore_mem>>) src(%dma_wait3A_789 : memref<2x128xi32, #tpu.memory_space<hbm>>) dst(%dma_wait3A_785 : memref<2x128xi32, #tpu.memory_space<vmem>>)
        %add3A_790 = arith.constant 6 : i32
        %add3A_791 = arith.addi %add3A_693, %add3A_790 : i32
        %eq3A_792 = arith.constant 0 : i32
        %eq3A_793 = arith.cmpi eq, %arg0, %eq3A_792 : i32
        %convert_element_type3A_794 = arith.extui %eq3A_793 : i1 to i32
        %cond3A_795 = arith.constant 0 : i32
        %cond3A_796 = arith.cmpi ne, %convert_element_type3A_794, %cond3A_795 : i32
        scf.if %cond3A_796 {
          %dma_start3A_819 = arith.constant 4 : i32
          %dma_start3A_820 = arith.constant 0 : i32
          %dma_start3A_821 = arith.constant 4 : i32
          %dma_start3A_822 = arith.constant 0 : i32
          %dma_start3A_823 = arith.constant 0 : i32
          %dma_start3A_824 = tpu.memref_slice %arg10[%dma_start3A_821, %dma_start3A_822, %dma_start3A_823] : memref<8x128x64xf32, #tpu.memory_space<vmem>> -> memref<1x128x64xf32, #tpu.memory_space<vmem>>
          %dma_start3A_825 = tpu.memref_squeeze %dma_start3A_824 : memref<1x128x64xf32, #tpu.memory_space<vmem>> -> memref<128x64xf32, #tpu.memory_space<vmem>>
          %dma_start3A_826 = arith.constant 0 : i32
          %dma_start3A_827 = tpu.memref_slice %arg8[%dma_start3A_819, %dma_start3A_820, %dma_start3A_826] : memref<8x2x128xi32, #tpu.memory_space<vmem>> -> memref<1x1x128xi32, #tpu.memory_space<vmem>>
          %dma_start3A_828 = tpu.memref_squeeze %dma_start3A_827 : memref<1x1x128xi32, #tpu.memory_space<vmem>> -> memref<128xi32, #tpu.memory_space<vmem>>
          %dma_start3A_829 = arith.constant 0 : i32
          %dma_start3A_830 = arith.constant 0 : i32
          %dma_start3A_831 = tpu.memref_slice %arg3[%dma_start3A_829, %dma_start3A_830] : memref<10240x64xf32, #tpu.memory_space<hbm>> -> memref<10240x64xf32, #tpu.memory_space<hbm>>
          tpu.enqueue_indirect_dma source(%dma_start3A_831 : memref<10240x64xf32, #tpu.memory_space<hbm>>) target(%dma_start3A_825 : memref<128x64xf32, #tpu.memory_space<vmem>>) offsets(%dma_start3A_828 : memref<128xi32, #tpu.memory_space<vmem>>) semaphore(%arg17 : memref<!tpu.dma_semaphore, #tpu.memory_space<semaphore_mem>>)
        } else {
        }
        %eq3A_797 = arith.constant 1 : i32
        %eq3A_798 = arith.cmpi eq, %arg0, %eq3A_797 : i32
        %convert_element_type3A_799 = arith.extui %eq3A_798 : i1 to i32
        %cond3A_800 = arith.constant 0 : i32
        %cond3A_801 = arith.cmpi ne, %convert_element_type3A_799, %cond3A_800 : i32
        scf.if %cond3A_801 {
          %dma_start3A_819 = arith.constant 4 : i32
          %dma_start3A_820 = arith.constant 0 : i32
          %dma_start3A_821 = arith.constant 4 : i32
          %dma_start3A_822 = arith.constant 0 : i32
          %dma_start3A_823 = arith.constant 0 : i32
          %dma_start3A_824 = tpu.memref_slice %arg10[%dma_start3A_821, %dma_start3A_822, %dma_start3A_823] : memref<8x128x64xf32, #tpu.memory_space<vmem>> -> memref<1x128x64xf32, #tpu.memory_space<vmem>>
          %dma_start3A_825 = tpu.memref_squeeze %dma_start3A_824 : memref<1x128x64xf32, #tpu.memory_space<vmem>> -> memref<128x64xf32, #tpu.memory_space<vmem>>
          %dma_start3A_826 = arith.constant 0 : i32
          %dma_start3A_827 = tpu.memref_slice %arg8[%dma_start3A_819, %dma_start3A_820, %dma_start3A_826] : memref<8x2x128xi32, #tpu.memory_space<vmem>> -> memref<1x1x128xi32, #tpu.memory_space<vmem>>
          %dma_start3A_828 = tpu.memref_squeeze %dma_start3A_827 : memref<1x1x128xi32, #tpu.memory_space<vmem>> -> memref<128xi32, #tpu.memory_space<vmem>>
          %dma_start3A_829 = arith.constant 0 : i32
          %dma_start3A_830 = arith.constant 0 : i32
          %dma_start3A_831 = tpu.memref_slice %arg4[%dma_start3A_829, %dma_start3A_830] : memref<10240x64xf32, #tpu.memory_space<hbm>> -> memref<10240x64xf32, #tpu.memory_space<hbm>>
          tpu.enqueue_indirect_dma source(%dma_start3A_831 : memref<10240x64xf32, #tpu.memory_space<hbm>>) target(%dma_start3A_825 : memref<128x64xf32, #tpu.memory_space<vmem>>) offsets(%dma_start3A_828 : memref<128xi32, #tpu.memory_space<vmem>>) semaphore(%arg17 : memref<!tpu.dma_semaphore, #tpu.memory_space<semaphore_mem>>)
        } else {
        }
        %add3A_802 = arith.constant 6 : i32
        %add3A_803 = arith.addi %add3A_693, %add3A_802 : i32
        %jit3A = arith.constant 2 : i32
        %eq3A_804 = arith.constant 0 : i32
        %eq3A_805 = arith.cmpi eq, %jit3A, %eq3A_804 : i32
        %jit3A_806 = arith.constant 1 : i32
        %select_n3A = arith.select %eq3A_805, %jit3A_806, %jit3A : i32
        %rem3A = arith.remsi %add3A_803, %select_n3A : i32
        %ne3A = arith.constant 0 : i32
        %ne3A_807 = arith.cmpi ne, %rem3A, %ne3A : i32
        %lt3A_808 = arith.constant 0 : i32
        %lt3A_809 = arith.cmpi slt, %rem3A, %lt3A_808 : i32
        %lt3A_810 = arith.constant 0 : i32
        %lt3A_811 = arith.cmpi slt, %select_n3A, %lt3A_810 : i32
        %ne3A_812 = arith.xori %lt3A_809, %lt3A_811 : i1
        %and3A = arith.andi %ne3A_812, %ne3A_807 : i1
        %add3A_813 = arith.addi %rem3A, %select_n3A : i32
        %select_n3A_814 = arith.select %and3A, %add3A_813, %rem3A : i32
        %eq3A_815 = arith.cmpi eq, %arg0, %select_n3A_814 : i32
        %convert_element_type3A_816 = arith.extui %eq3A_815 : i1 to i32
        %cond3A_817 = arith.constant 0 : i32
        %cond3A_818 = arith.cmpi ne, %convert_element_type3A_816, %cond3A_817 : i32
        scf.if %cond3A_818 {
          %dma_start3A_819 = arith.constant 4 : i32
          %dma_start3A_820 = arith.constant 1 : i32
          %dma_start3A_821 = arith.constant 4 : i32
          %dma_start3A_822 = arith.constant 0 : i32
          %dma_start3A_823 = tpu.memref_slice %arg9[%dma_start3A_821, %dma_start3A_822] : memref<8x128xf32, #tpu.memory_space<vmem>> -> memref<1x128xf32, #tpu.memory_space<vmem>>
          %dma_start3A_824 = tpu.memref_squeeze %dma_start3A_823 : memref<1x128xf32, #tpu.memory_space<vmem>> -> memref<128xf32, #tpu.memory_space<vmem>>
          %dma_start3A_825 = arith.constant 0 : i32
          %dma_start3A_826 = tpu.memref_slice %arg8[%dma_start3A_819, %dma_start3A_820, %dma_start3A_825] : memref<8x2x128xi32, #tpu.memory_space<vmem>> -> memref<1x1x128xi32, #tpu.memory_space<vmem>>
          %dma_start3A_827 = tpu.memref_squeeze %dma_start3A_826 : memref<1x1x128xi32, #tpu.memory_space<vmem>> -> memref<128xi32, #tpu.memory_space<vmem>>
          %dma_start3A_828 = arith.constant 0 : i32
          %dma_start3A_829 = tpu.memref_slice %arg5[%dma_start3A_828] : memref<10240xf32, #tpu.memory_space<hbm>> -> memref<10240xf32, #tpu.memory_space<hbm>>
          tpu.enqueue_indirect_dma source(%dma_start3A_829 : memref<10240xf32, #tpu.memory_space<hbm>>) target(%dma_start3A_824 : memref<128xf32, #tpu.memory_space<vmem>>) offsets(%dma_start3A_827 : memref<128xi32, #tpu.memory_space<vmem>>) semaphore(%arg33 : memref<!tpu.dma_semaphore, #tpu.memory_space<semaphore_mem>>)
        } else {
        }
      } else {
      }
      %add3A_731 = arith.constant 7 : i32
      %add3A_732 = arith.addi %mul3A_458, %add3A_731 : i32
      %dma_wait3A_733 = arith.constant 7 : i32
      %dma_wait3A_734 = arith.constant 0 : i32
      %dma_wait3A_735 = arith.constant 0 : i32
      %dma_wait3A_736 = tpu.memref_slice %arg10[%dma_wait3A_733, %dma_wait3A_734, %dma_wait3A_735] : memref<8x128x64xf32, #tpu.memory_space<vmem>> -> memref<1x128x64xf32, #tpu.memory_space<vmem>>
      %dma_wait3A_737 = tpu.memref_squeeze %dma_wait3A_736 : memref<1x128x64xf32, #tpu.memory_space<vmem>> -> memref<128x64xf32, #tpu.memory_space<vmem>>
      %dma_wait3A_738 = arith.constant 0 : i32
      %dma_wait3A_739 = arith.constant 0 : i32
      %dma_wait3A_740 = tpu.memref_slice %arg3[%dma_wait3A_738, %dma_wait3A_739] : memref<10240x64xf32, #tpu.memory_space<hbm>> -> memref<128x64xf32, #tpu.memory_space<hbm>>
      %dma_wait3A_741 = arith.constant 0 : i32
      %dma_wait3A_742 = arith.constant 0 : i32
      %dma_wait3A_743 = tpu.memref_slice %arg10[%dma_wait3A_733, %dma_wait3A_741, %dma_wait3A_742] : memref<8x128x64xf32, #tpu.memory_space<vmem>> -> memref<1x128x64xf32, #tpu.memory_space<vmem>>
      %dma_wait3A_744 = tpu.memref_squeeze %dma_wait3A_743 : memref<1x128x64xf32, #tpu.memory_space<vmem>> -> memref<128x64xf32, #tpu.memory_space<vmem>>
      %dma_wait3A_745 = arith.constant 0 : i32
      %dma_wait3A_746 = arith.constant 0 : i32
      %dma_wait3A_747 = tpu.memref_slice %arg3[%dma_wait3A_745, %dma_wait3A_746] : memref<10240x64xf32, #tpu.memory_space<hbm>> -> memref<128x64xf32, #tpu.memory_space<hbm>>
      tpu.wait_dma2 semaphore(%arg20 : memref<!tpu.dma_semaphore, #tpu.memory_space<semaphore_mem>>) src(%dma_wait3A_747 : memref<128x64xf32, #tpu.memory_space<hbm>>) dst(%dma_wait3A_744 : memref<128x64xf32, #tpu.memory_space<vmem>>)
      %run_scoped3A_748 = arith.constant 7 : i32
      %run_scoped3A_749 = arith.constant 7 : i32
      %run_scoped3A_750 = arith.constant 1 : i32
      "tpu.region"() ({
        %run_scoped3A_771 = tpu.sem_alloc : memref<!tpu.dma_semaphore, #tpu.memory_space<semaphore_mem>>
        %dma_start3A_772 = arith.constant 0 : i32
        %dma_start3A_773 = arith.constant 0 : i32
        %dma_start3A_774 = tpu.memref_slice %arg10[%run_scoped3A_748, %dma_start3A_772, %dma_start3A_773] : memref<8x128x64xf32, #tpu.memory_space<vmem>> -> memref<1x128x64xf32, #tpu.memory_space<vmem>>
        %dma_start3A_775 = tpu.memref_squeeze %dma_start3A_774 : memref<1x128x64xf32, #tpu.memory_space<vmem>> -> memref<128x64xf32, #tpu.memory_space<vmem>>
        %dma_start3A_776 = arith.constant 0 : i32
        %dma_start3A_777 = tpu.memref_slice %arg8[%run_scoped3A_749, %run_scoped3A_750, %dma_start3A_776] : memref<8x2x128xi32, #tpu.memory_space<vmem>> -> memref<1x1x128xi32, #tpu.memory_space<vmem>>
        %dma_start3A_778 = tpu.memref_squeeze %dma_start3A_777 : memref<1x1x128xi32, #tpu.memory_space<vmem>> -> memref<128xi32, #tpu.memory_space<vmem>>
        %dma_start3A_779 = arith.constant 0 : i32
        %dma_start3A_780 = arith.constant 0 : i32
        %dma_start3A_781 = tpu.memref_slice %arg11[%dma_start3A_779, %dma_start3A_780] : memref<10240x64xf32, #tpu.memory_space<vmem_shared>> -> memref<10240x64xf32, #tpu.memory_space<vmem_shared>>
        tpu.enqueue_indirect_dma source(%dma_start3A_775 : memref<128x64xf32, #tpu.memory_space<vmem>>) target(%dma_start3A_781 : memref<10240x64xf32, #tpu.memory_space<vmem_shared>>) offsets(%dma_start3A_778 : memref<128xi32, #tpu.memory_space<vmem>>) semaphore(%run_scoped3A_771 : memref<!tpu.dma_semaphore, #tpu.memory_space<semaphore_mem>>) {add = true}
        %dma_wait3A_782 = arith.constant 0 : i32
        %dma_wait3A_783 = arith.constant 0 : i32
        %dma_wait3A_784 = tpu.memref_slice %arg10[%run_scoped3A_748, %dma_wait3A_782, %dma_wait3A_783] : memref<8x128x64xf32, #tpu.memory_space<vmem>> -> memref<1x128x64xf32, #tpu.memory_space<vmem>>
        %dma_wait3A_785 = tpu.memref_squeeze %dma_wait3A_784 : memref<1x128x64xf32, #tpu.memory_space<vmem>> -> memref<128x64xf32, #tpu.memory_space<vmem>>
        %dma_wait3A_786 = arith.constant 0 : i32
        %dma_wait3A_787 = tpu.memref_slice %arg8[%run_scoped3A_749, %run_scoped3A_750, %dma_wait3A_786] : memref<8x2x128xi32, #tpu.memory_space<vmem>> -> memref<1x1x128xi32, #tpu.memory_space<vmem>>
        %dma_wait3A_788 = tpu.memref_squeeze %dma_wait3A_787 : memref<1x1x128xi32, #tpu.memory_space<vmem>> -> memref<128xi32, #tpu.memory_space<vmem>>
        %dma_wait3A_789 = arith.constant 0 : i32
        %dma_wait3A_790 = arith.constant 0 : i32
        %dma_wait3A_791 = tpu.memref_slice %arg11[%dma_wait3A_789, %dma_wait3A_790] : memref<10240x64xf32, #tpu.memory_space<vmem_shared>> -> memref<10240x64xf32, #tpu.memory_space<vmem_shared>>
        tpu.wait_indirect_dma semaphore(%run_scoped3A_771 : memref<!tpu.dma_semaphore, #tpu.memory_space<semaphore_mem>>) src(%dma_wait3A_785 : memref<128x64xf32, #tpu.memory_space<vmem>>) dst(%dma_wait3A_791 : memref<10240x64xf32, #tpu.memory_space<vmem_shared>>)
        tpu.yield
      }) : () -> ()
      %eq3A_751 = arith.constant 1 : i32
      %eq3A_752 = arith.cmpi eq, %arg0, %eq3A_751 : i32
      %convert_element_type3A_753 = arith.extui %eq3A_752 : i1 to i32
      %cond3A_754 = arith.constant 0 : i32
      %cond3A_755 = arith.cmpi ne, %convert_element_type3A_753, %cond3A_754 : i32
      scf.if %cond3A_755 {
        %dma_wait3A_771 = arith.constant 7 : i32
        %dma_wait3A_772 = arith.constant 0 : i32
        %dma_wait3A_773 = tpu.memref_slice %arg9[%dma_wait3A_771, %dma_wait3A_772] : memref<8x128xf32, #tpu.memory_space<vmem>> -> memref<1x128xf32, #tpu.memory_space<vmem>>
        %dma_wait3A_774 = tpu.memref_squeeze %dma_wait3A_773 : memref<1x128xf32, #tpu.memory_space<vmem>> -> memref<128xf32, #tpu.memory_space<vmem>>
        %dma_wait3A_775 = arith.constant 0 : i32
        %dma_wait3A_776 = tpu.memref_slice %arg5[%dma_wait3A_775] : memref<10240xf32, #tpu.memory_space<hbm>> -> memref<128xf32, #tpu.memory_space<hbm>>
        %dma_wait3A_777 = arith.constant 0 : i32
        %dma_wait3A_778 = tpu.memref_slice %arg9[%dma_wait3A_771, %dma_wait3A_777] : memref<8x128xf32, #tpu.memory_space<vmem>> -> memref<1x128xf32, #tpu.memory_space<vmem>>
        %dma_wait3A_779 = tpu.memref_squeeze %dma_wait3A_778 : memref<1x128xf32, #tpu.memory_space<vmem>> -> memref<128xf32, #tpu.memory_space<vmem>>
        %dma_wait3A_780 = arith.constant 0 : i32
        %dma_wait3A_781 = tpu.memref_slice %arg5[%dma_wait3A_780] : memref<10240xf32, #tpu.memory_space<hbm>> -> memref<128xf32, #tpu.memory_space<hbm>>
        tpu.wait_dma2 semaphore(%arg36 : memref<!tpu.dma_semaphore, #tpu.memory_space<semaphore_mem>>) src(%dma_wait3A_781 : memref<128xf32, #tpu.memory_space<hbm>>) dst(%dma_wait3A_779 : memref<128xf32, #tpu.memory_space<vmem>>)
        %run_scoped3A_782 = arith.constant 7 : i32
        %run_scoped3A_783 = arith.constant 7 : i32
        %run_scoped3A_784 = arith.constant 0 : i32
        "tpu.region"() ({
          %run_scoped3A_785 = tpu.sem_alloc : memref<!tpu.dma_semaphore, #tpu.memory_space<semaphore_mem>>
          %dma_start3A_786 = arith.constant 0 : i32
          %dma_start3A_787 = tpu.memref_slice %arg9[%run_scoped3A_782, %dma_start3A_786] : memref<8x128xf32, #tpu.memory_space<vmem>> -> memref<1x128xf32, #tpu.memory_space<vmem>>
          %dma_start3A_788 = tpu.memref_squeeze %dma_start3A_787 : memref<1x128xf32, #tpu.memory_space<vmem>> -> memref<128xf32, #tpu.memory_space<vmem>>
          %dma_start3A_789 = arith.constant 0 : i32
          %dma_start3A_790 = tpu.memref_slice %arg8[%run_scoped3A_783, %run_scoped3A_784, %dma_start3A_789] : memref<8x2x128xi32, #tpu.memory_space<vmem>> -> memref<1x1x128xi32, #tpu.memory_space<vmem>>
          %dma_start3A_791 = tpu.memref_squeeze %dma_start3A_790 : memref<1x1x128xi32, #tpu.memory_space<vmem>> -> memref<128xi32, #tpu.memory_space<vmem>>
          %dma_start3A_792 = arith.constant 0 : i32
          %dma_start3A_793 = tpu.memref_slice %arg12[%dma_start3A_792] : memref<10240xf32, #tpu.memory_space<vmem_shared>> -> memref<10240xf32, #tpu.memory_space<vmem_shared>>
          tpu.enqueue_indirect_dma source(%dma_start3A_788 : memref<128xf32, #tpu.memory_space<vmem>>) target(%dma_start3A_793 : memref<10240xf32, #tpu.memory_space<vmem_shared>>) offsets(%dma_start3A_791 : memref<128xi32, #tpu.memory_space<vmem>>) semaphore(%run_scoped3A_785 : memref<!tpu.dma_semaphore, #tpu.memory_space<semaphore_mem>>) {add = true}
          %dma_wait3A_794 = arith.constant 0 : i32
          %dma_wait3A_795 = tpu.memref_slice %arg9[%run_scoped3A_782, %dma_wait3A_794] : memref<8x128xf32, #tpu.memory_space<vmem>> -> memref<1x128xf32, #tpu.memory_space<vmem>>
          %dma_wait3A_796 = tpu.memref_squeeze %dma_wait3A_795 : memref<1x128xf32, #tpu.memory_space<vmem>> -> memref<128xf32, #tpu.memory_space<vmem>>
          %dma_wait3A_797 = arith.constant 0 : i32
          %dma_wait3A_798 = tpu.memref_slice %arg8[%run_scoped3A_783, %run_scoped3A_784, %dma_wait3A_797] : memref<8x2x128xi32, #tpu.memory_space<vmem>> -> memref<1x1x128xi32, #tpu.memory_space<vmem>>
          %dma_wait3A_799 = tpu.memref_squeeze %dma_wait3A_798 : memref<1x1x128xi32, #tpu.memory_space<vmem>> -> memref<128xi32, #tpu.memory_space<vmem>>
          %dma_wait3A_800 = arith.constant 0 : i32
          %dma_wait3A_801 = tpu.memref_slice %arg12[%dma_wait3A_800] : memref<10240xf32, #tpu.memory_space<vmem_shared>> -> memref<10240xf32, #tpu.memory_space<vmem_shared>>
          tpu.wait_indirect_dma semaphore(%run_scoped3A_785 : memref<!tpu.dma_semaphore, #tpu.memory_space<semaphore_mem>>) src(%dma_wait3A_796 : memref<128xf32, #tpu.memory_space<vmem>>) dst(%dma_wait3A_801 : memref<10240xf32, #tpu.memory_space<vmem_shared>>)
          tpu.yield
        }) : () -> ()
      } else {
      }
      %add3A_756 = arith.constant 8 : i32
      %add3A_757 = arith.addi %add3A_732, %add3A_756 : i32
      %lt3A_758 = arith.constant 160 : i32
      %lt3A_759 = arith.cmpi slt, %add3A_757, %lt3A_758 : i32
      %convert_element_type3A_760 = arith.extui %lt3A_759 : i1 to i32
      %cond3A_761 = arith.constant 0 : i32
      %cond3A_762 = arith.cmpi ne, %convert_element_type3A_760, %cond3A_761 : i32
      scf.if %cond3A_762 {
        %add3A_771 = arith.constant 8 : i32
        %add3A_772 = arith.addi %add3A_732, %add3A_771 : i32
        %dma_start3A_773 = arith.constant 7 : i32
        %dma_start3A_774 = arith.constant 0 : i32
        %dma_start3A_775 = arith.constant 0 : i32
        %dma_start3A_776 = tpu.memref_slice %arg8[%dma_start3A_773, %dma_start3A_774, %dma_start3A_775] : memref<8x2x128xi32, #tpu.memory_space<vmem>> -> memref<1x2x128xi32, #tpu.memory_space<vmem>>
        %dma_start3A_777 = tpu.memref_squeeze %dma_start3A_776 : memref<1x2x128xi32, #tpu.memory_space<vmem>> -> memref<2x128xi32, #tpu.memory_space<vmem>>
        %dma_start3A_778 = arith.constant 0 : i32
        %dma_start3A_779 = arith.constant 0 : i32
        %dma_start3A_780 = tpu.memref_slice %arg2[%arg1, %add3A_772, %dma_start3A_778, %dma_start3A_779] : memref<16x160x2x128xi32, #tpu.memory_space<hbm>> -> memref<1x1x2x128xi32, #tpu.memory_space<hbm>>
        %dma_start3A_781 = tpu.memref_squeeze %dma_start3A_780 : memref<1x1x2x128xi32, #tpu.memory_space<hbm>> -> memref<2x128xi32, #tpu.memory_space<hbm>>
        %dma_start3A_782 = arith.constant 0 : i32
        %dma_start3A_783 = arith.constant 0 : i32
        %dma_start3A_784 = tpu.memref_slice %arg8[%dma_start3A_773, %dma_start3A_782, %dma_start3A_783] : memref<8x2x128xi32, #tpu.memory_space<vmem>> -> memref<1x2x128xi32, #tpu.memory_space<vmem>>
        %dma_start3A_785 = tpu.memref_squeeze %dma_start3A_784 : memref<1x2x128xi32, #tpu.memory_space<vmem>> -> memref<2x128xi32, #tpu.memory_space<vmem>>
        %dma_start3A_786 = arith.constant 0 : i32
        %dma_start3A_787 = arith.constant 0 : i32
        %dma_start3A_788 = tpu.memref_slice %arg2[%arg1, %add3A_772, %dma_start3A_786, %dma_start3A_787] : memref<16x160x2x128xi32, #tpu.memory_space<hbm>> -> memref<1x1x2x128xi32, #tpu.memory_space<hbm>>
        %dma_start3A_789 = tpu.memref_squeeze %dma_start3A_788 : memref<1x1x2x128xi32, #tpu.memory_space<hbm>> -> memref<2x128xi32, #tpu.memory_space<hbm>>
        tpu.enqueue_dma source(%dma_start3A_789 : memref<2x128xi32, #tpu.memory_space<hbm>>) target(%dma_start3A_785 : memref<2x128xi32, #tpu.memory_space<vmem>>) target_semaphore(%arg28 : memref<!tpu.dma_semaphore, #tpu.memory_space<semaphore_mem>>)
      } else {
      }
      %add3A_763 = arith.constant 6 : i32
      %add3A_764 = arith.addi %add3A_732, %add3A_763 : i32
      %lt3A_765 = arith.constant 160 : i32
      %lt3A_766 = arith.cmpi slt, %add3A_764, %lt3A_765 : i32
      %convert_element_type3A_767 = arith.extui %lt3A_766 : i1 to i32
      %cond3A_768 = arith.constant 0 : i32
      %cond3A_769 = arith.cmpi ne, %convert_element_type3A_767, %cond3A_768 : i32
      scf.if %cond3A_769 {
        %dma_wait3A_771 = arith.constant 0 : i32
        %dma_wait3A_772 = arith.constant 0 : i32
        %dma_wait3A_773 = arith.constant 5 : i32
        %dma_wait3A_774 = arith.constant 0 : i32
        %dma_wait3A_775 = arith.constant 0 : i32
        %dma_wait3A_776 = tpu.memref_slice %arg8[%dma_wait3A_773, %dma_wait3A_774, %dma_wait3A_775] : memref<8x2x128xi32, #tpu.memory_space<vmem>> -> memref<1x2x128xi32, #tpu.memory_space<vmem>>
        %dma_wait3A_777 = tpu.memref_squeeze %dma_wait3A_776 : memref<1x2x128xi32, #tpu.memory_space<vmem>> -> memref<2x128xi32, #tpu.memory_space<vmem>>
        %dma_wait3A_778 = arith.constant 0 : i32
        %dma_wait3A_779 = arith.constant 0 : i32
        %dma_wait3A_780 = tpu.memref_slice %arg2[%dma_wait3A_771, %dma_wait3A_772, %dma_wait3A_778, %dma_wait3A_779] : memref<16x160x2x128xi32, #tpu.memory_space<hbm>> -> memref<1x1x2x128xi32, #tpu.memory_space<hbm>>
        %dma_wait3A_781 = tpu.memref_squeeze %dma_wait3A_780 : memref<1x1x2x128xi32, #tpu.memory_space<hbm>> -> memref<2x128xi32, #tpu.memory_space<hbm>>
        %dma_wait3A_782 = arith.constant 0 : i32
        %dma_wait3A_783 = arith.constant 0 : i32
        %dma_wait3A_784 = tpu.memref_slice %arg8[%dma_wait3A_773, %dma_wait3A_782, %dma_wait3A_783] : memref<8x2x128xi32, #tpu.memory_space<vmem>> -> memref<1x2x128xi32, #tpu.memory_space<vmem>>
        %dma_wait3A_785 = tpu.memref_squeeze %dma_wait3A_784 : memref<1x2x128xi32, #tpu.memory_space<vmem>> -> memref<2x128xi32, #tpu.memory_space<vmem>>
        %dma_wait3A_786 = arith.constant 0 : i32
        %dma_wait3A_787 = arith.constant 0 : i32
        %dma_wait3A_788 = tpu.memref_slice %arg2[%dma_wait3A_771, %dma_wait3A_772, %dma_wait3A_786, %dma_wait3A_787] : memref<16x160x2x128xi32, #tpu.memory_space<hbm>> -> memref<1x1x2x128xi32, #tpu.memory_space<hbm>>
        %dma_wait3A_789 = tpu.memref_squeeze %dma_wait3A_788 : memref<1x1x2x128xi32, #tpu.memory_space<hbm>> -> memref<2x128xi32, #tpu.memory_space<hbm>>
        tpu.wait_dma2 semaphore(%arg26 : memref<!tpu.dma_semaphore, #tpu.memory_space<semaphore_mem>>) src(%dma_wait3A_789 : memref<2x128xi32, #tpu.memory_space<hbm>>) dst(%dma_wait3A_785 : memref<2x128xi32, #tpu.memory_space<vmem>>)
        %add3A_790 = arith.constant 6 : i32
        %add3A_791 = arith.addi %add3A_732, %add3A_790 : i32
        %eq3A_792 = arith.constant 0 : i32
        %eq3A_793 = arith.cmpi eq, %arg0, %eq3A_792 : i32
        %convert_element_type3A_794 = arith.extui %eq3A_793 : i1 to i32
        %cond3A_795 = arith.constant 0 : i32
        %cond3A_796 = arith.cmpi ne, %convert_element_type3A_794, %cond3A_795 : i32
        scf.if %cond3A_796 {
          %dma_start3A_819 = arith.constant 5 : i32
          %dma_start3A_820 = arith.constant 0 : i32
          %dma_start3A_821 = arith.constant 5 : i32
          %dma_start3A_822 = arith.constant 0 : i32
          %dma_start3A_823 = arith.constant 0 : i32
          %dma_start3A_824 = tpu.memref_slice %arg10[%dma_start3A_821, %dma_start3A_822, %dma_start3A_823] : memref<8x128x64xf32, #tpu.memory_space<vmem>> -> memref<1x128x64xf32, #tpu.memory_space<vmem>>
          %dma_start3A_825 = tpu.memref_squeeze %dma_start3A_824 : memref<1x128x64xf32, #tpu.memory_space<vmem>> -> memref<128x64xf32, #tpu.memory_space<vmem>>
          %dma_start3A_826 = arith.constant 0 : i32
          %dma_start3A_827 = tpu.memref_slice %arg8[%dma_start3A_819, %dma_start3A_820, %dma_start3A_826] : memref<8x2x128xi32, #tpu.memory_space<vmem>> -> memref<1x1x128xi32, #tpu.memory_space<vmem>>
          %dma_start3A_828 = tpu.memref_squeeze %dma_start3A_827 : memref<1x1x128xi32, #tpu.memory_space<vmem>> -> memref<128xi32, #tpu.memory_space<vmem>>
          %dma_start3A_829 = arith.constant 0 : i32
          %dma_start3A_830 = arith.constant 0 : i32
          %dma_start3A_831 = tpu.memref_slice %arg3[%dma_start3A_829, %dma_start3A_830] : memref<10240x64xf32, #tpu.memory_space<hbm>> -> memref<10240x64xf32, #tpu.memory_space<hbm>>
          tpu.enqueue_indirect_dma source(%dma_start3A_831 : memref<10240x64xf32, #tpu.memory_space<hbm>>) target(%dma_start3A_825 : memref<128x64xf32, #tpu.memory_space<vmem>>) offsets(%dma_start3A_828 : memref<128xi32, #tpu.memory_space<vmem>>) semaphore(%arg18 : memref<!tpu.dma_semaphore, #tpu.memory_space<semaphore_mem>>)
        } else {
        }
        %eq3A_797 = arith.constant 1 : i32
        %eq3A_798 = arith.cmpi eq, %arg0, %eq3A_797 : i32
        %convert_element_type3A_799 = arith.extui %eq3A_798 : i1 to i32
        %cond3A_800 = arith.constant 0 : i32
        %cond3A_801 = arith.cmpi ne, %convert_element_type3A_799, %cond3A_800 : i32
        scf.if %cond3A_801 {
          %dma_start3A_819 = arith.constant 5 : i32
          %dma_start3A_820 = arith.constant 0 : i32
          %dma_start3A_821 = arith.constant 5 : i32
          %dma_start3A_822 = arith.constant 0 : i32
          %dma_start3A_823 = arith.constant 0 : i32
          %dma_start3A_824 = tpu.memref_slice %arg10[%dma_start3A_821, %dma_start3A_822, %dma_start3A_823] : memref<8x128x64xf32, #tpu.memory_space<vmem>> -> memref<1x128x64xf32, #tpu.memory_space<vmem>>
          %dma_start3A_825 = tpu.memref_squeeze %dma_start3A_824 : memref<1x128x64xf32, #tpu.memory_space<vmem>> -> memref<128x64xf32, #tpu.memory_space<vmem>>
          %dma_start3A_826 = arith.constant 0 : i32
          %dma_start3A_827 = tpu.memref_slice %arg8[%dma_start3A_819, %dma_start3A_820, %dma_start3A_826] : memref<8x2x128xi32, #tpu.memory_space<vmem>> -> memref<1x1x128xi32, #tpu.memory_space<vmem>>
          %dma_start3A_828 = tpu.memref_squeeze %dma_start3A_827 : memref<1x1x128xi32, #tpu.memory_space<vmem>> -> memref<128xi32, #tpu.memory_space<vmem>>
          %dma_start3A_829 = arith.constant 0 : i32
          %dma_start3A_830 = arith.constant 0 : i32
          %dma_start3A_831 = tpu.memref_slice %arg4[%dma_start3A_829, %dma_start3A_830] : memref<10240x64xf32, #tpu.memory_space<hbm>> -> memref<10240x64xf32, #tpu.memory_space<hbm>>
          tpu.enqueue_indirect_dma source(%dma_start3A_831 : memref<10240x64xf32, #tpu.memory_space<hbm>>) target(%dma_start3A_825 : memref<128x64xf32, #tpu.memory_space<vmem>>) offsets(%dma_start3A_828 : memref<128xi32, #tpu.memory_space<vmem>>) semaphore(%arg18 : memref<!tpu.dma_semaphore, #tpu.memory_space<semaphore_mem>>)
        } else {
        }
        %add3A_802 = arith.constant 6 : i32
        %add3A_803 = arith.addi %add3A_732, %add3A_802 : i32
        %jit3A = arith.constant 2 : i32
        %eq3A_804 = arith.constant 0 : i32
        %eq3A_805 = arith.cmpi eq, %jit3A, %eq3A_804 : i32
        %jit3A_806 = arith.constant 1 : i32
        %select_n3A = arith.select %eq3A_805, %jit3A_806, %jit3A : i32
        %rem3A = arith.remsi %add3A_803, %select_n3A : i32
        %ne3A = arith.constant 0 : i32
        %ne3A_807 = arith.cmpi ne, %rem3A, %ne3A : i32
        %lt3A_808 = arith.constant 0 : i32
        %lt3A_809 = arith.cmpi slt, %rem3A, %lt3A_808 : i32
        %lt3A_810 = arith.constant 0 : i32
        %lt3A_811 = arith.cmpi slt, %select_n3A, %lt3A_810 : i32
        %ne3A_812 = arith.xori %lt3A_809, %lt3A_811 : i1
        %and3A = arith.andi %ne3A_812, %ne3A_807 : i1
        %add3A_813 = arith.addi %rem3A, %select_n3A : i32
        %select_n3A_814 = arith.select %and3A, %add3A_813, %rem3A : i32
        %eq3A_815 = arith.cmpi eq, %arg0, %select_n3A_814 : i32
        %convert_element_type3A_816 = arith.extui %eq3A_815 : i1 to i32
        %cond3A_817 = arith.constant 0 : i32
        %cond3A_818 = arith.cmpi ne, %convert_element_type3A_816, %cond3A_817 : i32
        scf.if %cond3A_818 {
          %dma_start3A_819 = arith.constant 5 : i32
          %dma_start3A_820 = arith.constant 1 : i32
          %dma_start3A_821 = arith.constant 5 : i32
          %dma_start3A_822 = arith.constant 0 : i32
          %dma_start3A_823 = tpu.memref_slice %arg9[%dma_start3A_821, %dma_start3A_822] : memref<8x128xf32, #tpu.memory_space<vmem>> -> memref<1x128xf32, #tpu.memory_space<vmem>>
          %dma_start3A_824 = tpu.memref_squeeze %dma_start3A_823 : memref<1x128xf32, #tpu.memory_space<vmem>> -> memref<128xf32, #tpu.memory_space<vmem>>
          %dma_start3A_825 = arith.constant 0 : i32
          %dma_start3A_826 = tpu.memref_slice %arg8[%dma_start3A_819, %dma_start3A_820, %dma_start3A_825] : memref<8x2x128xi32, #tpu.memory_space<vmem>> -> memref<1x1x128xi32, #tpu.memory_space<vmem>>
          %dma_start3A_827 = tpu.memref_squeeze %dma_start3A_826 : memref<1x1x128xi32, #tpu.memory_space<vmem>> -> memref<128xi32, #tpu.memory_space<vmem>>
          %dma_start3A_828 = arith.constant 0 : i32
          %dma_start3A_829 = tpu.memref_slice %arg5[%dma_start3A_828] : memref<10240xf32, #tpu.memory_space<hbm>> -> memref<10240xf32, #tpu.memory_space<hbm>>
          tpu.enqueue_indirect_dma source(%dma_start3A_829 : memref<10240xf32, #tpu.memory_space<hbm>>) target(%dma_start3A_824 : memref<128xf32, #tpu.memory_space<vmem>>) offsets(%dma_start3A_827 : memref<128xi32, #tpu.memory_space<vmem>>) semaphore(%arg34 : memref<!tpu.dma_semaphore, #tpu.memory_space<semaphore_mem>>)
        } else {
        }
      } else {
      }
      %scan3A_770 = arith.constant 0 : i32
      scf.yield %scan3A_770 : i32
    }
    %scan3A_413 = arith.constant 20 : i32
    %barrier3A_414 = arith.constant 0 : index
    tpu.barrier barrier_id(%barrier3A_414)
    %mul3A_415 = arith.constant 640 : i32
    %mul3A_416 = arith.muli %arg1, %mul3A_415 : i32
    %add3A_417 = arith.constant 0 : i32
    %add3A_418 = arith.addi %mul3A_416, %add3A_417 : i32
    %run_scoped3A_419 = arith.constant 0 : i32
    "tpu.region"() ({
      %run_scoped3A_455 = tpu.sem_alloc : memref<!tpu.dma_semaphore, #tpu.memory_space<semaphore_mem>>
      %dma_start3A_456 = arith.constant 0 : i32
      %dma_start3A_457 = arith.constant 0 : i32
      %dma_start3A_458 = tpu.memref_slice %arg10[%run_scoped3A_419, %dma_start3A_456, %dma_start3A_457] : memref<8x128x64xf32, #tpu.memory_space<vmem>> -> memref<1x128x64xf32, #tpu.memory_space<vmem>>
      %dma_start3A_459 = tpu.memref_squeeze %dma_start3A_458 : memref<1x128x64xf32, #tpu.memory_space<vmem>> -> memref<128x64xf32, #tpu.memory_space<vmem>>
      %dma_start3A_460 = arith.constant 0 : i32
      %dma_start3A_461 = tpu.memref_slice %arg11[%add3A_418, %dma_start3A_460] : memref<10240x64xf32, #tpu.memory_space<vmem_shared>> -> memref<128x64xf32, #tpu.memory_space<vmem_shared>>
      %dma_start3A_462 = arith.constant 0 : i32
      %dma_start3A_463 = arith.constant 0 : i32
      %dma_start3A_464 = tpu.memref_slice %arg10[%run_scoped3A_419, %dma_start3A_462, %dma_start3A_463] : memref<8x128x64xf32, #tpu.memory_space<vmem>> -> memref<1x128x64xf32, #tpu.memory_space<vmem>>
      %dma_start3A_465 = tpu.memref_squeeze %dma_start3A_464 : memref<1x128x64xf32, #tpu.memory_space<vmem>> -> memref<128x64xf32, #tpu.memory_space<vmem>>
      %dma_start3A_466 = arith.constant 0 : i32
      %dma_start3A_467 = tpu.memref_slice %arg11[%add3A_418, %dma_start3A_466] : memref<10240x64xf32, #tpu.memory_space<vmem_shared>> -> memref<128x64xf32, #tpu.memory_space<vmem_shared>>
      tpu.enqueue_dma source(%dma_start3A_467 : memref<128x64xf32, #tpu.memory_space<vmem_shared>>) target(%dma_start3A_465 : memref<128x64xf32, #tpu.memory_space<vmem>>) target_semaphore(%run_scoped3A_455 : memref<!tpu.dma_semaphore, #tpu.memory_space<semaphore_mem>>)
      %dma_wait3A_468 = arith.constant 0 : i32
      %dma_wait3A_469 = arith.constant 0 : i32
      %dma_wait3A_470 = tpu.memref_slice %arg10[%run_scoped3A_419, %dma_wait3A_468, %dma_wait3A_469] : memref<8x128x64xf32, #tpu.memory_space<vmem>> -> memref<1x128x64xf32, #tpu.memory_space<vmem>>
      %dma_wait3A_471 = tpu.memref_squeeze %dma_wait3A_470 : memref<1x128x64xf32, #tpu.memory_space<vmem>> -> memref<128x64xf32, #tpu.memory_space<vmem>>
      %dma_wait3A_472 = arith.constant 0 : i32
      %dma_wait3A_473 = tpu.memref_slice %arg11[%add3A_418, %dma_wait3A_472] : memref<10240x64xf32, #tpu.memory_space<vmem_shared>> -> memref<128x64xf32, #tpu.memory_space<vmem_shared>>
      %dma_wait3A_474 = arith.constant 0 : i32
      %dma_wait3A_475 = arith.constant 0 : i32
      %dma_wait3A_476 = tpu.memref_slice %arg10[%run_scoped3A_419, %dma_wait3A_474, %dma_wait3A_475] : memref<8x128x64xf32, #tpu.memory_space<vmem>> -> memref<1x128x64xf32, #tpu.memory_space<vmem>>
      %dma_wait3A_477 = tpu.memref_squeeze %dma_wait3A_476 : memref<1x128x64xf32, #tpu.memory_space<vmem>> -> memref<128x64xf32, #tpu.memory_space<vmem>>
      %dma_wait3A_478 = arith.constant 0 : i32
      %dma_wait3A_479 = tpu.memref_slice %arg11[%add3A_418, %dma_wait3A_478] : memref<10240x64xf32, #tpu.memory_space<vmem_shared>> -> memref<128x64xf32, #tpu.memory_space<vmem_shared>>
      tpu.wait_dma2 semaphore(%run_scoped3A_455 : memref<!tpu.dma_semaphore, #tpu.memory_space<semaphore_mem>>) src(%dma_wait3A_479 : memref<128x64xf32, #tpu.memory_space<vmem_shared>>) dst(%dma_wait3A_477 : memref<128x64xf32, #tpu.memory_space<vmem>>)
      tpu.yield
    }) : () -> ()
    %run_scoped3A_420 = arith.constant 0 : i32
    "tpu.region"() ({
      %run_scoped3A_455 = tpu.sem_alloc : memref<!tpu.dma_semaphore, #tpu.memory_space<semaphore_mem>>
      %dma_start3A_456 = arith.constant 0 : i32
      %dma_start3A_457 = arith.constant 0 : i32
      %dma_start3A_458 = tpu.memref_slice %arg10[%run_scoped3A_420, %dma_start3A_456, %dma_start3A_457] : memref<8x128x64xf32, #tpu.memory_space<vmem>> -> memref<1x128x64xf32, #tpu.memory_space<vmem>>
      %dma_start3A_459 = tpu.memref_squeeze %dma_start3A_458 : memref<1x128x64xf32, #tpu.memory_space<vmem>> -> memref<128x64xf32, #tpu.memory_space<vmem>>
      %dma_start3A_460 = arith.constant 0 : i32
      %dma_start3A_461 = tpu.memref_slice %arg6[%arg0, %add3A_418, %dma_start3A_460] : memref<2x10240x64xf32, #tpu.memory_space<hbm>> -> memref<1x128x64xf32, #tpu.memory_space<hbm>>
      %dma_start3A_462 = tpu.memref_squeeze %dma_start3A_461 : memref<1x128x64xf32, #tpu.memory_space<hbm>> -> memref<128x64xf32, #tpu.memory_space<hbm>>
      %dma_start3A_463 = arith.constant 0 : i32
      %dma_start3A_464 = tpu.memref_slice %arg6[%arg0, %add3A_418, %dma_start3A_463] : memref<2x10240x64xf32, #tpu.memory_space<hbm>> -> memref<1x128x64xf32, #tpu.memory_space<hbm>>
      %dma_start3A_465 = tpu.memref_squeeze %dma_start3A_464 : memref<1x128x64xf32, #tpu.memory_space<hbm>> -> memref<128x64xf32, #tpu.memory_space<hbm>>
      %dma_start3A_466 = arith.constant 0 : i32
      %dma_start3A_467 = arith.constant 0 : i32
      %dma_start3A_468 = tpu.memref_slice %arg10[%run_scoped3A_420, %dma_start3A_466, %dma_start3A_467] : memref<8x128x64xf32, #tpu.memory_space<vmem>> -> memref<1x128x64xf32, #tpu.memory_space<vmem>>
      %dma_start3A_469 = tpu.memref_squeeze %dma_start3A_468 : memref<1x128x64xf32, #tpu.memory_space<vmem>> -> memref<128x64xf32, #tpu.memory_space<vmem>>
      tpu.enqueue_dma source(%dma_start3A_469 : memref<128x64xf32, #tpu.memory_space<vmem>>) target(%dma_start3A_465 : memref<128x64xf32, #tpu.memory_space<hbm>>) target_semaphore(%run_scoped3A_455 : memref<!tpu.dma_semaphore, #tpu.memory_space<semaphore_mem>>)
      %dma_wait3A_470 = arith.constant 0 : i32
      %dma_wait3A_471 = arith.constant 0 : i32
      %dma_wait3A_472 = tpu.memref_slice %arg10[%run_scoped3A_420, %dma_wait3A_470, %dma_wait3A_471] : memref<8x128x64xf32, #tpu.memory_space<vmem>> -> memref<1x128x64xf32, #tpu.memory_space<vmem>>
      %dma_wait3A_473 = tpu.memref_squeeze %dma_wait3A_472 : memref<1x128x64xf32, #tpu.memory_space<vmem>> -> memref<128x64xf32, #tpu.memory_space<vmem>>
      %dma_wait3A_474 = arith.constant 0 : i32
      %dma_wait3A_475 = tpu.memref_slice %arg6[%arg0, %add3A_418, %dma_wait3A_474] : memref<2x10240x64xf32, #tpu.memory_space<hbm>> -> memref<1x128x64xf32, #tpu.memory_space<hbm>>
      %dma_wait3A_476 = tpu.memref_squeeze %dma_wait3A_475 : memref<1x128x64xf32, #tpu.memory_space<hbm>> -> memref<128x64xf32, #tpu.memory_space<hbm>>
      %dma_wait3A_477 = arith.constant 0 : i32
      %dma_wait3A_478 = tpu.memref_slice %arg6[%arg0, %add3A_418, %dma_wait3A_477] : memref<2x10240x64xf32, #tpu.memory_space<hbm>> -> memref<1x128x64xf32, #tpu.memory_space<hbm>>
      %dma_wait3A_479 = tpu.memref_squeeze %dma_wait3A_478 : memref<1x128x64xf32, #tpu.memory_space<hbm>> -> memref<128x64xf32, #tpu.memory_space<hbm>>
      %dma_wait3A_480 = arith.constant 0 : i32
      %dma_wait3A_481 = arith.constant 0 : i32
      %dma_wait3A_482 = tpu.memref_slice %arg10[%run_scoped3A_420, %dma_wait3A_480, %dma_wait3A_481] : memref<8x128x64xf32, #tpu.memory_space<vmem>> -> memref<1x128x64xf32, #tpu.memory_space<vmem>>
      %dma_wait3A_483 = tpu.memref_squeeze %dma_wait3A_482 : memref<1x128x64xf32, #tpu.memory_space<vmem>> -> memref<128x64xf32, #tpu.memory_space<vmem>>
      tpu.wait_dma2 semaphore(%run_scoped3A_455 : memref<!tpu.dma_semaphore, #tpu.memory_space<semaphore_mem>>) src(%dma_wait3A_483 : memref<128x64xf32, #tpu.memory_space<vmem>>) dst(%dma_wait3A_479 : memref<128x64xf32, #tpu.memory_space<hbm>>)
      tpu.yield
    }) : () -> ()
    %run_scoped3A_421 = arith.constant 0 : i32
    "tpu.region"() ({
      %run_scoped3A_455 = tpu.sem_alloc : memref<!tpu.dma_semaphore, #tpu.memory_space<semaphore_mem>>
      %dma_start3A_456 = arith.constant 0 : i32
      %dma_start3A_457 = tpu.memref_slice %arg9[%run_scoped3A_421, %dma_start3A_456] : memref<8x128xf32, #tpu.memory_space<vmem>> -> memref<1x128xf32, #tpu.memory_space<vmem>>
      %dma_start3A_458 = tpu.memref_squeeze %dma_start3A_457 : memref<1x128xf32, #tpu.memory_space<vmem>> -> memref<128xf32, #tpu.memory_space<vmem>>
      %dma_start3A_459 = tpu.memref_slice %arg12[%add3A_418] : memref<10240xf32, #tpu.memory_space<vmem_shared>> -> memref<128xf32, #tpu.memory_space<vmem_shared>>
      %dma_start3A_460 = arith.constant 0 : i32
      %dma_start3A_461 = tpu.memref_slice %arg9[%run_scoped3A_421, %dma_start3A_460] : memref<8x128xf32, #tpu.memory_space<vmem>> -> memref<1x128xf32, #tpu.memory_space<vmem>>
      %dma_start3A_462 = tpu.memref_squeeze %dma_start3A_461 : memref<1x128xf32, #tpu.memory_space<vmem>> -> memref<128xf32, #tpu.memory_space<vmem>>
      %dma_start3A_463 = tpu.memref_slice %arg12[%add3A_418] : memref<10240xf32, #tpu.memory_space<vmem_shared>> -> memref<128xf32, #tpu.memory_space<vmem_shared>>
      tpu.enqueue_dma source(%dma_start3A_463 : memref<128xf32, #tpu.memory_space<vmem_shared>>) target(%dma_start3A_462 : memref<128xf32, #tpu.memory_space<vmem>>) target_semaphore(%run_scoped3A_455 : memref<!tpu.dma_semaphore, #tpu.memory_space<semaphore_mem>>)
      %dma_wait3A_464 = arith.constant 0 : i32
      %dma_wait3A_465 = tpu.memref_slice %arg9[%run_scoped3A_421, %dma_wait3A_464] : memref<8x128xf32, #tpu.memory_space<vmem>> -> memref<1x128xf32, #tpu.memory_space<vmem>>
      %dma_wait3A_466 = tpu.memref_squeeze %dma_wait3A_465 : memref<1x128xf32, #tpu.memory_space<vmem>> -> memref<128xf32, #tpu.memory_space<vmem>>
      %dma_wait3A_467 = tpu.memref_slice %arg12[%add3A_418] : memref<10240xf32, #tpu.memory_space<vmem_shared>> -> memref<128xf32, #tpu.memory_space<vmem_shared>>
      %dma_wait3A_468 = arith.constant 0 : i32
      %dma_wait3A_469 = tpu.memref_slice %arg9[%run_scoped3A_421, %dma_wait3A_468] : memref<8x128xf32, #tpu.memory_space<vmem>> -> memref<1x128xf32, #tpu.memory_space<vmem>>
      %dma_wait3A_470 = tpu.memref_squeeze %dma_wait3A_469 : memref<1x128xf32, #tpu.memory_space<vmem>> -> memref<128xf32, #tpu.memory_space<vmem>>
      %dma_wait3A_471 = tpu.memref_slice %arg12[%add3A_418] : memref<10240xf32, #tpu.memory_space<vmem_shared>> -> memref<128xf32, #tpu.memory_space<vmem_shared>>
      tpu.wait_dma2 semaphore(%run_scoped3A_455 : memref<!tpu.dma_semaphore, #tpu.memory_space<semaphore_mem>>) src(%dma_wait3A_471 : memref<128xf32, #tpu.memory_space<vmem_shared>>) dst(%dma_wait3A_470 : memref<128xf32, #tpu.memory_space<vmem>>)
      tpu.yield
    }) : () -> ()
    %run_scoped3A_422 = arith.constant 0 : i32
    "tpu.region"() ({
      %run_scoped3A_455 = tpu.sem_alloc : memref<!tpu.dma_semaphore, #tpu.memory_space<semaphore_mem>>
      %dma_start3A_456 = arith.constant 0 : i32
      %dma_start3A_457 = tpu.memref_slice %arg9[%run_scoped3A_422, %dma_start3A_456] : memref<8x128xf32, #tpu.memory_space<vmem>> -> memref<1x128xf32, #tpu.memory_space<vmem>>
      %dma_start3A_458 = tpu.memref_squeeze %dma_start3A_457 : memref<1x128xf32, #tpu.memory_space<vmem>> -> memref<128xf32, #tpu.memory_space<vmem>>
      %dma_start3A_459 = tpu.memref_slice %arg7[%arg0, %add3A_418] : memref<2x10240xf32, #tpu.memory_space<hbm>> -> memref<1x128xf32, #tpu.memory_space<hbm>>
      %dma_start3A_460 = tpu.memref_squeeze %dma_start3A_459 : memref<1x128xf32, #tpu.memory_space<hbm>> -> memref<128xf32, #tpu.memory_space<hbm>>
      %dma_start3A_461 = tpu.memref_slice %arg7[%arg0, %add3A_418] : memref<2x10240xf32, #tpu.memory_space<hbm>> -> memref<1x128xf32, #tpu.memory_space<hbm>>
      %dma_start3A_462 = tpu.memref_squeeze %dma_start3A_461 : memref<1x128xf32, #tpu.memory_space<hbm>> -> memref<128xf32, #tpu.memory_space<hbm>>
      %dma_start3A_463 = arith.constant 0 : i32
      %dma_start3A_464 = tpu.memref_slice %arg9[%run_scoped3A_422, %dma_start3A_463] : memref<8x128xf32, #tpu.memory_space<vmem>> -> memref<1x128xf32, #tpu.memory_space<vmem>>
      %dma_start3A_465 = tpu.memref_squeeze %dma_start3A_464 : memref<1x128xf32, #tpu.memory_space<vmem>> -> memref<128xf32, #tpu.memory_space<vmem>>
      tpu.enqueue_dma source(%dma_start3A_465 : memref<128xf32, #tpu.memory_space<vmem>>) target(%dma_start3A_462 : memref<128xf32, #tpu.memory_space<hbm>>) target_semaphore(%run_scoped3A_455 : memref<!tpu.dma_semaphore, #tpu.memory_space<semaphore_mem>>)
      %dma_wait3A_466 = arith.constant 0 : i32
      %dma_wait3A_467 = tpu.memref_slice %arg9[%run_scoped3A_422, %dma_wait3A_466] : memref<8x128xf32, #tpu.memory_space<vmem>> -> memref<1x128xf32, #tpu.memory_space<vmem>>
      %dma_wait3A_468 = tpu.memref_squeeze %dma_wait3A_467 : memref<1x128xf32, #tpu.memory_space<vmem>> -> memref<128xf32, #tpu.memory_space<vmem>>
      %dma_wait3A_469 = tpu.memref_slice %arg7[%arg0, %add3A_418] : memref<2x10240xf32, #tpu.memory_space<hbm>> -> memref<1x128xf32, #tpu.memory_space<hbm>>
      %dma_wait3A_470 = tpu.memref_squeeze %dma_wait3A_469 : memref<1x128xf32, #tpu.memory_space<hbm>> -> memref<128xf32, #tpu.memory_space<hbm>>
      %dma_wait3A_471 = tpu.memref_slice %arg7[%arg0, %add3A_418] : memref<2x10240xf32, #tpu.memory_space<hbm>> -> memref<1x128xf32, #tpu.memory_space<hbm>>
      %dma_wait3A_472 = tpu.memref_squeeze %dma_wait3A_471 : memref<1x128xf32, #tpu.memory_space<hbm>> -> memref<128xf32, #tpu.memory_space<hbm>>
      %dma_wait3A_473 = arith.constant 0 : i32
      %dma_wait3A_474 = tpu.memref_slice %arg9[%run_scoped3A_422, %dma_wait3A_473] : memref<8x128xf32, #tpu.memory_space<vmem>> -> memref<1x128xf32, #tpu.memory_space<vmem>>
      %dma_wait3A_475 = tpu.memref_squeeze %dma_wait3A_474 : memref<1x128xf32, #tpu.memory_space<vmem>> -> memref<128xf32, #tpu.memory_space<vmem>>
      tpu.wait_dma2 semaphore(%run_scoped3A_455 : memref<!tpu.dma_semaphore, #tpu.memory_space<semaphore_mem>>) src(%dma_wait3A_475 : memref<128xf32, #tpu.memory_space<vmem>>) dst(%dma_wait3A_472 : memref<128xf32, #tpu.memory_space<hbm>>)
      tpu.yield
    }) : () -> ()
    %mul3A_423 = arith.constant 640 : i32
    %mul3A_424 = arith.muli %arg1, %mul3A_423 : i32
    %add3A_425 = arith.constant 128 : i32
    %add3A_426 = arith.addi %mul3A_424, %add3A_425 : i32
    %run_scoped3A_427 = arith.constant 0 : i32
    "tpu.region"() ({
      %run_scoped3A_455 = tpu.sem_alloc : memref<!tpu.dma_semaphore, #tpu.memory_space<semaphore_mem>>
      %dma_start3A_456 = arith.constant 0 : i32
      %dma_start3A_457 = arith.constant 0 : i32
      %dma_start3A_458 = tpu.memref_slice %arg10[%run_scoped3A_427, %dma_start3A_456, %dma_start3A_457] : memref<8x128x64xf32, #tpu.memory_space<vmem>> -> memref<1x128x64xf32, #tpu.memory_space<vmem>>
      %dma_start3A_459 = tpu.memref_squeeze %dma_start3A_458 : memref<1x128x64xf32, #tpu.memory_space<vmem>> -> memref<128x64xf32, #tpu.memory_space<vmem>>
      %dma_start3A_460 = arith.constant 0 : i32
      %dma_start3A_461 = tpu.memref_slice %arg11[%add3A_426, %dma_start3A_460] : memref<10240x64xf32, #tpu.memory_space<vmem_shared>> -> memref<128x64xf32, #tpu.memory_space<vmem_shared>>
      %dma_start3A_462 = arith.constant 0 : i32
      %dma_start3A_463 = arith.constant 0 : i32
      %dma_start3A_464 = tpu.memref_slice %arg10[%run_scoped3A_427, %dma_start3A_462, %dma_start3A_463] : memref<8x128x64xf32, #tpu.memory_space<vmem>> -> memref<1x128x64xf32, #tpu.memory_space<vmem>>
      %dma_start3A_465 = tpu.memref_squeeze %dma_start3A_464 : memref<1x128x64xf32, #tpu.memory_space<vmem>> -> memref<128x64xf32, #tpu.memory_space<vmem>>
      %dma_start3A_466 = arith.constant 0 : i32
      %dma_start3A_467 = tpu.memref_slice %arg11[%add3A_426, %dma_start3A_466] : memref<10240x64xf32, #tpu.memory_space<vmem_shared>> -> memref<128x64xf32, #tpu.memory_space<vmem_shared>>
      tpu.enqueue_dma source(%dma_start3A_467 : memref<128x64xf32, #tpu.memory_space<vmem_shared>>) target(%dma_start3A_465 : memref<128x64xf32, #tpu.memory_space<vmem>>) target_semaphore(%run_scoped3A_455 : memref<!tpu.dma_semaphore, #tpu.memory_space<semaphore_mem>>)
      %dma_wait3A_468 = arith.constant 0 : i32
      %dma_wait3A_469 = arith.constant 0 : i32
      %dma_wait3A_470 = tpu.memref_slice %arg10[%run_scoped3A_427, %dma_wait3A_468, %dma_wait3A_469] : memref<8x128x64xf32, #tpu.memory_space<vmem>> -> memref<1x128x64xf32, #tpu.memory_space<vmem>>
      %dma_wait3A_471 = tpu.memref_squeeze %dma_wait3A_470 : memref<1x128x64xf32, #tpu.memory_space<vmem>> -> memref<128x64xf32, #tpu.memory_space<vmem>>
      %dma_wait3A_472 = arith.constant 0 : i32
      %dma_wait3A_473 = tpu.memref_slice %arg11[%add3A_426, %dma_wait3A_472] : memref<10240x64xf32, #tpu.memory_space<vmem_shared>> -> memref<128x64xf32, #tpu.memory_space<vmem_shared>>
      %dma_wait3A_474 = arith.constant 0 : i32
      %dma_wait3A_475 = arith.constant 0 : i32
      %dma_wait3A_476 = tpu.memref_slice %arg10[%run_scoped3A_427, %dma_wait3A_474, %dma_wait3A_475] : memref<8x128x64xf32, #tpu.memory_space<vmem>> -> memref<1x128x64xf32, #tpu.memory_space<vmem>>
      %dma_wait3A_477 = tpu.memref_squeeze %dma_wait3A_476 : memref<1x128x64xf32, #tpu.memory_space<vmem>> -> memref<128x64xf32, #tpu.memory_space<vmem>>
      %dma_wait3A_478 = arith.constant 0 : i32
      %dma_wait3A_479 = tpu.memref_slice %arg11[%add3A_426, %dma_wait3A_478] : memref<10240x64xf32, #tpu.memory_space<vmem_shared>> -> memref<128x64xf32, #tpu.memory_space<vmem_shared>>
      tpu.wait_dma2 semaphore(%run_scoped3A_455 : memref<!tpu.dma_semaphore, #tpu.memory_space<semaphore_mem>>) src(%dma_wait3A_479 : memref<128x64xf32, #tpu.memory_space<vmem_shared>>) dst(%dma_wait3A_477 : memref<128x64xf32, #tpu.memory_space<vmem>>)
      tpu.yield
    }) : () -> ()
    %run_scoped3A_428 = arith.constant 0 : i32
    "tpu.region"() ({
      %run_scoped3A_455 = tpu.sem_alloc : memref<!tpu.dma_semaphore, #tpu.memory_space<semaphore_mem>>
      %dma_start3A_456 = arith.constant 0 : i32
      %dma_start3A_457 = arith.constant 0 : i32
      %dma_start3A_458 = tpu.memref_slice %arg10[%run_scoped3A_428, %dma_start3A_456, %dma_start3A_457] : memref<8x128x64xf32, #tpu.memory_space<vmem>> -> memref<1x128x64xf32, #tpu.memory_space<vmem>>
      %dma_start3A_459 = tpu.memref_squeeze %dma_start3A_458 : memref<1x128x64xf32, #tpu.memory_space<vmem>> -> memref<128x64xf32, #tpu.memory_space<vmem>>
      %dma_start3A_460 = arith.constant 0 : i32
      %dma_start3A_461 = tpu.memref_slice %arg6[%arg0, %add3A_426, %dma_start3A_460] : memref<2x10240x64xf32, #tpu.memory_space<hbm>> -> memref<1x128x64xf32, #tpu.memory_space<hbm>>
      %dma_start3A_462 = tpu.memref_squeeze %dma_start3A_461 : memref<1x128x64xf32, #tpu.memory_space<hbm>> -> memref<128x64xf32, #tpu.memory_space<hbm>>
      %dma_start3A_463 = arith.constant 0 : i32
      %dma_start3A_464 = tpu.memref_slice %arg6[%arg0, %add3A_426, %dma_start3A_463] : memref<2x10240x64xf32, #tpu.memory_space<hbm>> -> memref<1x128x64xf32, #tpu.memory_space<hbm>>
      %dma_start3A_465 = tpu.memref_squeeze %dma_start3A_464 : memref<1x128x64xf32, #tpu.memory_space<hbm>> -> memref<128x64xf32, #tpu.memory_space<hbm>>
      %dma_start3A_466 = arith.constant 0 : i32
      %dma_start3A_467 = arith.constant 0 : i32
      %dma_start3A_468 = tpu.memref_slice %arg10[%run_scoped3A_428, %dma_start3A_466, %dma_start3A_467] : memref<8x128x64xf32, #tpu.memory_space<vmem>> -> memref<1x128x64xf32, #tpu.memory_space<vmem>>
      %dma_start3A_469 = tpu.memref_squeeze %dma_start3A_468 : memref<1x128x64xf32, #tpu.memory_space<vmem>> -> memref<128x64xf32, #tpu.memory_space<vmem>>
      tpu.enqueue_dma source(%dma_start3A_469 : memref<128x64xf32, #tpu.memory_space<vmem>>) target(%dma_start3A_465 : memref<128x64xf32, #tpu.memory_space<hbm>>) target_semaphore(%run_scoped3A_455 : memref<!tpu.dma_semaphore, #tpu.memory_space<semaphore_mem>>)
      %dma_wait3A_470 = arith.constant 0 : i32
      %dma_wait3A_471 = arith.constant 0 : i32
      %dma_wait3A_472 = tpu.memref_slice %arg10[%run_scoped3A_428, %dma_wait3A_470, %dma_wait3A_471] : memref<8x128x64xf32, #tpu.memory_space<vmem>> -> memref<1x128x64xf32, #tpu.memory_space<vmem>>
      %dma_wait3A_473 = tpu.memref_squeeze %dma_wait3A_472 : memref<1x128x64xf32, #tpu.memory_space<vmem>> -> memref<128x64xf32, #tpu.memory_space<vmem>>
      %dma_wait3A_474 = arith.constant 0 : i32
      %dma_wait3A_475 = tpu.memref_slice %arg6[%arg0, %add3A_426, %dma_wait3A_474] : memref<2x10240x64xf32, #tpu.memory_space<hbm>> -> memref<1x128x64xf32, #tpu.memory_space<hbm>>
      %dma_wait3A_476 = tpu.memref_squeeze %dma_wait3A_475 : memref<1x128x64xf32, #tpu.memory_space<hbm>> -> memref<128x64xf32, #tpu.memory_space<hbm>>
      %dma_wait3A_477 = arith.constant 0 : i32
      %dma_wait3A_478 = tpu.memref_slice %arg6[%arg0, %add3A_426, %dma_wait3A_477] : memref<2x10240x64xf32, #tpu.memory_space<hbm>> -> memref<1x128x64xf32, #tpu.memory_space<hbm>>
      %dma_wait3A_479 = tpu.memref_squeeze %dma_wait3A_478 : memref<1x128x64xf32, #tpu.memory_space<hbm>> -> memref<128x64xf32, #tpu.memory_space<hbm>>
      %dma_wait3A_480 = arith.constant 0 : i32
      %dma_wait3A_481 = arith.constant 0 : i32
      %dma_wait3A_482 = tpu.memref_slice %arg10[%run_scoped3A_428, %dma_wait3A_480, %dma_wait3A_481] : memref<8x128x64xf32, #tpu.memory_space<vmem>> -> memref<1x128x64xf32, #tpu.memory_space<vmem>>
      %dma_wait3A_483 = tpu.memref_squeeze %dma_wait3A_482 : memref<1x128x64xf32, #tpu.memory_space<vmem>> -> memref<128x64xf32, #tpu.memory_space<vmem>>
      tpu.wait_dma2 semaphore(%run_scoped3A_455 : memref<!tpu.dma_semaphore, #tpu.memory_space<semaphore_mem>>) src(%dma_wait3A_483 : memref<128x64xf32, #tpu.memory_space<vmem>>) dst(%dma_wait3A_479 : memref<128x64xf32, #tpu.memory_space<hbm>>)
      tpu.yield
    }) : () -> ()
    %run_scoped3A_429 = arith.constant 0 : i32
    "tpu.region"() ({
      %run_scoped3A_455 = tpu.sem_alloc : memref<!tpu.dma_semaphore, #tpu.memory_space<semaphore_mem>>
      %dma_start3A_456 = arith.constant 0 : i32
      %dma_start3A_457 = tpu.memref_slice %arg9[%run_scoped3A_429, %dma_start3A_456] : memref<8x128xf32, #tpu.memory_space<vmem>> -> memref<1x128xf32, #tpu.memory_space<vmem>>
      %dma_start3A_458 = tpu.memref_squeeze %dma_start3A_457 : memref<1x128xf32, #tpu.memory_space<vmem>> -> memref<128xf32, #tpu.memory_space<vmem>>
      %dma_start3A_459 = tpu.memref_slice %arg12[%add3A_426] : memref<10240xf32, #tpu.memory_space<vmem_shared>> -> memref<128xf32, #tpu.memory_space<vmem_shared>>
      %dma_start3A_460 = arith.constant 0 : i32
      %dma_start3A_461 = tpu.memref_slice %arg9[%run_scoped3A_429, %dma_start3A_460] : memref<8x128xf32, #tpu.memory_space<vmem>> -> memref<1x128xf32, #tpu.memory_space<vmem>>
      %dma_start3A_462 = tpu.memref_squeeze %dma_start3A_461 : memref<1x128xf32, #tpu.memory_space<vmem>> -> memref<128xf32, #tpu.memory_space<vmem>>
      %dma_start3A_463 = tpu.memref_slice %arg12[%add3A_426] : memref<10240xf32, #tpu.memory_space<vmem_shared>> -> memref<128xf32, #tpu.memory_space<vmem_shared>>
      tpu.enqueue_dma source(%dma_start3A_463 : memref<128xf32, #tpu.memory_space<vmem_shared>>) target(%dma_start3A_462 : memref<128xf32, #tpu.memory_space<vmem>>) target_semaphore(%run_scoped3A_455 : memref<!tpu.dma_semaphore, #tpu.memory_space<semaphore_mem>>)
      %dma_wait3A_464 = arith.constant 0 : i32
      %dma_wait3A_465 = tpu.memref_slice %arg9[%run_scoped3A_429, %dma_wait3A_464] : memref<8x128xf32, #tpu.memory_space<vmem>> -> memref<1x128xf32, #tpu.memory_space<vmem>>
      %dma_wait3A_466 = tpu.memref_squeeze %dma_wait3A_465 : memref<1x128xf32, #tpu.memory_space<vmem>> -> memref<128xf32, #tpu.memory_space<vmem>>
      %dma_wait3A_467 = tpu.memref_slice %arg12[%add3A_426] : memref<10240xf32, #tpu.memory_space<vmem_shared>> -> memref<128xf32, #tpu.memory_space<vmem_shared>>
      %dma_wait3A_468 = arith.constant 0 : i32
      %dma_wait3A_469 = tpu.memref_slice %arg9[%run_scoped3A_429, %dma_wait3A_468] : memref<8x128xf32, #tpu.memory_space<vmem>> -> memref<1x128xf32, #tpu.memory_space<vmem>>
      %dma_wait3A_470 = tpu.memref_squeeze %dma_wait3A_469 : memref<1x128xf32, #tpu.memory_space<vmem>> -> memref<128xf32, #tpu.memory_space<vmem>>
      %dma_wait3A_471 = tpu.memref_slice %arg12[%add3A_426] : memref<10240xf32, #tpu.memory_space<vmem_shared>> -> memref<128xf32, #tpu.memory_space<vmem_shared>>
      tpu.wait_dma2 semaphore(%run_scoped3A_455 : memref<!tpu.dma_semaphore, #tpu.memory_space<semaphore_mem>>) src(%dma_wait3A_471 : memref<128xf32, #tpu.memory_space<vmem_shared>>) dst(%dma_wait3A_470 : memref<128xf32, #tpu.memory_space<vmem>>)
      tpu.yield
    }) : () -> ()
    %run_scoped3A_430 = arith.constant 0 : i32
    "tpu.region"() ({
      %run_scoped3A_455 = tpu.sem_alloc : memref<!tpu.dma_semaphore, #tpu.memory_space<semaphore_mem>>
      %dma_start3A_456 = arith.constant 0 : i32
      %dma_start3A_457 = tpu.memref_slice %arg9[%run_scoped3A_430, %dma_start3A_456] : memref<8x128xf32, #tpu.memory_space<vmem>> -> memref<1x128xf32, #tpu.memory_space<vmem>>
      %dma_start3A_458 = tpu.memref_squeeze %dma_start3A_457 : memref<1x128xf32, #tpu.memory_space<vmem>> -> memref<128xf32, #tpu.memory_space<vmem>>
      %dma_start3A_459 = tpu.memref_slice %arg7[%arg0, %add3A_426] : memref<2x10240xf32, #tpu.memory_space<hbm>> -> memref<1x128xf32, #tpu.memory_space<hbm>>
      %dma_start3A_460 = tpu.memref_squeeze %dma_start3A_459 : memref<1x128xf32, #tpu.memory_space<hbm>> -> memref<128xf32, #tpu.memory_space<hbm>>
      %dma_start3A_461 = tpu.memref_slice %arg7[%arg0, %add3A_426] : memref<2x10240xf32, #tpu.memory_space<hbm>> -> memref<1x128xf32, #tpu.memory_space<hbm>>
      %dma_start3A_462 = tpu.memref_squeeze %dma_start3A_461 : memref<1x128xf32, #tpu.memory_space<hbm>> -> memref<128xf32, #tpu.memory_space<hbm>>
      %dma_start3A_463 = arith.constant 0 : i32
      %dma_start3A_464 = tpu.memref_slice %arg9[%run_scoped3A_430, %dma_start3A_463] : memref<8x128xf32, #tpu.memory_space<vmem>> -> memref<1x128xf32, #tpu.memory_space<vmem>>
      %dma_start3A_465 = tpu.memref_squeeze %dma_start3A_464 : memref<1x128xf32, #tpu.memory_space<vmem>> -> memref<128xf32, #tpu.memory_space<vmem>>
      tpu.enqueue_dma source(%dma_start3A_465 : memref<128xf32, #tpu.memory_space<vmem>>) target(%dma_start3A_462 : memref<128xf32, #tpu.memory_space<hbm>>) target_semaphore(%run_scoped3A_455 : memref<!tpu.dma_semaphore, #tpu.memory_space<semaphore_mem>>)
      %dma_wait3A_466 = arith.constant 0 : i32
      %dma_wait3A_467 = tpu.memref_slice %arg9[%run_scoped3A_430, %dma_wait3A_466] : memref<8x128xf32, #tpu.memory_space<vmem>> -> memref<1x128xf32, #tpu.memory_space<vmem>>
      %dma_wait3A_468 = tpu.memref_squeeze %dma_wait3A_467 : memref<1x128xf32, #tpu.memory_space<vmem>> -> memref<128xf32, #tpu.memory_space<vmem>>
      %dma_wait3A_469 = tpu.memref_slice %arg7[%arg0, %add3A_426] : memref<2x10240xf32, #tpu.memory_space<hbm>> -> memref<1x128xf32, #tpu.memory_space<hbm>>
      %dma_wait3A_470 = tpu.memref_squeeze %dma_wait3A_469 : memref<1x128xf32, #tpu.memory_space<hbm>> -> memref<128xf32, #tpu.memory_space<hbm>>
      %dma_wait3A_471 = tpu.memref_slice %arg7[%arg0, %add3A_426] : memref<2x10240xf32, #tpu.memory_space<hbm>> -> memref<1x128xf32, #tpu.memory_space<hbm>>
      %dma_wait3A_472 = tpu.memref_squeeze %dma_wait3A_471 : memref<1x128xf32, #tpu.memory_space<hbm>> -> memref<128xf32, #tpu.memory_space<hbm>>
      %dma_wait3A_473 = arith.constant 0 : i32
      %dma_wait3A_474 = tpu.memref_slice %arg9[%run_scoped3A_430, %dma_wait3A_473] : memref<8x128xf32, #tpu.memory_space<vmem>> -> memref<1x128xf32, #tpu.memory_space<vmem>>
      %dma_wait3A_475 = tpu.memref_squeeze %dma_wait3A_474 : memref<1x128xf32, #tpu.memory_space<vmem>> -> memref<128xf32, #tpu.memory_space<vmem>>
      tpu.wait_dma2 semaphore(%run_scoped3A_455 : memref<!tpu.dma_semaphore, #tpu.memory_space<semaphore_mem>>) src(%dma_wait3A_475 : memref<128xf32, #tpu.memory_space<vmem>>) dst(%dma_wait3A_472 : memref<128xf32, #tpu.memory_space<hbm>>)
      tpu.yield
    }) : () -> ()
    %mul3A_431 = arith.constant 640 : i32
    %mul3A_432 = arith.muli %arg1, %mul3A_431 : i32
    %add3A_433 = arith.constant 256 : i32
    %add3A_434 = arith.addi %mul3A_432, %add3A_433 : i32
    %run_scoped3A_435 = arith.constant 0 : i32
    "tpu.region"() ({
      %run_scoped3A_455 = tpu.sem_alloc : memref<!tpu.dma_semaphore, #tpu.memory_space<semaphore_mem>>
      %dma_start3A_456 = arith.constant 0 : i32
      %dma_start3A_457 = arith.constant 0 : i32
      %dma_start3A_458 = tpu.memref_slice %arg10[%run_scoped3A_435, %dma_start3A_456, %dma_start3A_457] : memref<8x128x64xf32, #tpu.memory_space<vmem>> -> memref<1x128x64xf32, #tpu.memory_space<vmem>>
      %dma_start3A_459 = tpu.memref_squeeze %dma_start3A_458 : memref<1x128x64xf32, #tpu.memory_space<vmem>> -> memref<128x64xf32, #tpu.memory_space<vmem>>
      %dma_start3A_460 = arith.constant 0 : i32
      %dma_start3A_461 = tpu.memref_slice %arg11[%add3A_434, %dma_start3A_460] : memref<10240x64xf32, #tpu.memory_space<vmem_shared>> -> memref<128x64xf32, #tpu.memory_space<vmem_shared>>
      %dma_start3A_462 = arith.constant 0 : i32
      %dma_start3A_463 = arith.constant 0 : i32
      %dma_start3A_464 = tpu.memref_slice %arg10[%run_scoped3A_435, %dma_start3A_462, %dma_start3A_463] : memref<8x128x64xf32, #tpu.memory_space<vmem>> -> memref<1x128x64xf32, #tpu.memory_space<vmem>>
      %dma_start3A_465 = tpu.memref_squeeze %dma_start3A_464 : memref<1x128x64xf32, #tpu.memory_space<vmem>> -> memref<128x64xf32, #tpu.memory_space<vmem>>
      %dma_start3A_466 = arith.constant 0 : i32
      %dma_start3A_467 = tpu.memref_slice %arg11[%add3A_434, %dma_start3A_466] : memref<10240x64xf32, #tpu.memory_space<vmem_shared>> -> memref<128x64xf32, #tpu.memory_space<vmem_shared>>
      tpu.enqueue_dma source(%dma_start3A_467 : memref<128x64xf32, #tpu.memory_space<vmem_shared>>) target(%dma_start3A_465 : memref<128x64xf32, #tpu.memory_space<vmem>>) target_semaphore(%run_scoped3A_455 : memref<!tpu.dma_semaphore, #tpu.memory_space<semaphore_mem>>)
      %dma_wait3A_468 = arith.constant 0 : i32
      %dma_wait3A_469 = arith.constant 0 : i32
      %dma_wait3A_470 = tpu.memref_slice %arg10[%run_scoped3A_435, %dma_wait3A_468, %dma_wait3A_469] : memref<8x128x64xf32, #tpu.memory_space<vmem>> -> memref<1x128x64xf32, #tpu.memory_space<vmem>>
      %dma_wait3A_471 = tpu.memref_squeeze %dma_wait3A_470 : memref<1x128x64xf32, #tpu.memory_space<vmem>> -> memref<128x64xf32, #tpu.memory_space<vmem>>
      %dma_wait3A_472 = arith.constant 0 : i32
      %dma_wait3A_473 = tpu.memref_slice %arg11[%add3A_434, %dma_wait3A_472] : memref<10240x64xf32, #tpu.memory_space<vmem_shared>> -> memref<128x64xf32, #tpu.memory_space<vmem_shared>>
      %dma_wait3A_474 = arith.constant 0 : i32
      %dma_wait3A_475 = arith.constant 0 : i32
      %dma_wait3A_476 = tpu.memref_slice %arg10[%run_scoped3A_435, %dma_wait3A_474, %dma_wait3A_475] : memref<8x128x64xf32, #tpu.memory_space<vmem>> -> memref<1x128x64xf32, #tpu.memory_space<vmem>>
      %dma_wait3A_477 = tpu.memref_squeeze %dma_wait3A_476 : memref<1x128x64xf32, #tpu.memory_space<vmem>> -> memref<128x64xf32, #tpu.memory_space<vmem>>
      %dma_wait3A_478 = arith.constant 0 : i32
      %dma_wait3A_479 = tpu.memref_slice %arg11[%add3A_434, %dma_wait3A_478] : memref<10240x64xf32, #tpu.memory_space<vmem_shared>> -> memref<128x64xf32, #tpu.memory_space<vmem_shared>>
      tpu.wait_dma2 semaphore(%run_scoped3A_455 : memref<!tpu.dma_semaphore, #tpu.memory_space<semaphore_mem>>) src(%dma_wait3A_479 : memref<128x64xf32, #tpu.memory_space<vmem_shared>>) dst(%dma_wait3A_477 : memref<128x64xf32, #tpu.memory_space<vmem>>)
      tpu.yield
    }) : () -> ()
    %run_scoped3A_436 = arith.constant 0 : i32
    "tpu.region"() ({
      %run_scoped3A_455 = tpu.sem_alloc : memref<!tpu.dma_semaphore, #tpu.memory_space<semaphore_mem>>
      %dma_start3A_456 = arith.constant 0 : i32
      %dma_start3A_457 = arith.constant 0 : i32
      %dma_start3A_458 = tpu.memref_slice %arg10[%run_scoped3A_436, %dma_start3A_456, %dma_start3A_457] : memref<8x128x64xf32, #tpu.memory_space<vmem>> -> memref<1x128x64xf32, #tpu.memory_space<vmem>>
      %dma_start3A_459 = tpu.memref_squeeze %dma_start3A_458 : memref<1x128x64xf32, #tpu.memory_space<vmem>> -> memref<128x64xf32, #tpu.memory_space<vmem>>
      %dma_start3A_460 = arith.constant 0 : i32
      %dma_start3A_461 = tpu.memref_slice %arg6[%arg0, %add3A_434, %dma_start3A_460] : memref<2x10240x64xf32, #tpu.memory_space<hbm>> -> memref<1x128x64xf32, #tpu.memory_space<hbm>>
      %dma_start3A_462 = tpu.memref_squeeze %dma_start3A_461 : memref<1x128x64xf32, #tpu.memory_space<hbm>> -> memref<128x64xf32, #tpu.memory_space<hbm>>
      %dma_start3A_463 = arith.constant 0 : i32
      %dma_start3A_464 = tpu.memref_slice %arg6[%arg0, %add3A_434, %dma_start3A_463] : memref<2x10240x64xf32, #tpu.memory_space<hbm>> -> memref<1x128x64xf32, #tpu.memory_space<hbm>>
      %dma_start3A_465 = tpu.memref_squeeze %dma_start3A_464 : memref<1x128x64xf32, #tpu.memory_space<hbm>> -> memref<128x64xf32, #tpu.memory_space<hbm>>
      %dma_start3A_466 = arith.constant 0 : i32
      %dma_start3A_467 = arith.constant 0 : i32
      %dma_start3A_468 = tpu.memref_slice %arg10[%run_scoped3A_436, %dma_start3A_466, %dma_start3A_467] : memref<8x128x64xf32, #tpu.memory_space<vmem>> -> memref<1x128x64xf32, #tpu.memory_space<vmem>>
      %dma_start3A_469 = tpu.memref_squeeze %dma_start3A_468 : memref<1x128x64xf32, #tpu.memory_space<vmem>> -> memref<128x64xf32, #tpu.memory_space<vmem>>
      tpu.enqueue_dma source(%dma_start3A_469 : memref<128x64xf32, #tpu.memory_space<vmem>>) target(%dma_start3A_465 : memref<128x64xf32, #tpu.memory_space<hbm>>) target_semaphore(%run_scoped3A_455 : memref<!tpu.dma_semaphore, #tpu.memory_space<semaphore_mem>>)
      %dma_wait3A_470 = arith.constant 0 : i32
      %dma_wait3A_471 = arith.constant 0 : i32
      %dma_wait3A_472 = tpu.memref_slice %arg10[%run_scoped3A_436, %dma_wait3A_470, %dma_wait3A_471] : memref<8x128x64xf32, #tpu.memory_space<vmem>> -> memref<1x128x64xf32, #tpu.memory_space<vmem>>
      %dma_wait3A_473 = tpu.memref_squeeze %dma_wait3A_472 : memref<1x128x64xf32, #tpu.memory_space<vmem>> -> memref<128x64xf32, #tpu.memory_space<vmem>>
      %dma_wait3A_474 = arith.constant 0 : i32
      %dma_wait3A_475 = tpu.memref_slice %arg6[%arg0, %add3A_434, %dma_wait3A_474] : memref<2x10240x64xf32, #tpu.memory_space<hbm>> -> memref<1x128x64xf32, #tpu.memory_space<hbm>>
      %dma_wait3A_476 = tpu.memref_squeeze %dma_wait3A_475 : memref<1x128x64xf32, #tpu.memory_space<hbm>> -> memref<128x64xf32, #tpu.memory_space<hbm>>
      %dma_wait3A_477 = arith.constant 0 : i32
      %dma_wait3A_478 = tpu.memref_slice %arg6[%arg0, %add3A_434, %dma_wait3A_477] : memref<2x10240x64xf32, #tpu.memory_space<hbm>> -> memref<1x128x64xf32, #tpu.memory_space<hbm>>
      %dma_wait3A_479 = tpu.memref_squeeze %dma_wait3A_478 : memref<1x128x64xf32, #tpu.memory_space<hbm>> -> memref<128x64xf32, #tpu.memory_space<hbm>>
      %dma_wait3A_480 = arith.constant 0 : i32
      %dma_wait3A_481 = arith.constant 0 : i32
      %dma_wait3A_482 = tpu.memref_slice %arg10[%run_scoped3A_436, %dma_wait3A_480, %dma_wait3A_481] : memref<8x128x64xf32, #tpu.memory_space<vmem>> -> memref<1x128x64xf32, #tpu.memory_space<vmem>>
      %dma_wait3A_483 = tpu.memref_squeeze %dma_wait3A_482 : memref<1x128x64xf32, #tpu.memory_space<vmem>> -> memref<128x64xf32, #tpu.memory_space<vmem>>
      tpu.wait_dma2 semaphore(%run_scoped3A_455 : memref<!tpu.dma_semaphore, #tpu.memory_space<semaphore_mem>>) src(%dma_wait3A_483 : memref<128x64xf32, #tpu.memory_space<vmem>>) dst(%dma_wait3A_479 : memref<128x64xf32, #tpu.memory_space<hbm>>)
      tpu.yield
    }) : () -> ()
    %run_scoped3A_437 = arith.constant 0 : i32
    "tpu.region"() ({
      %run_scoped3A_455 = tpu.sem_alloc : memref<!tpu.dma_semaphore, #tpu.memory_space<semaphore_mem>>
      %dma_start3A_456 = arith.constant 0 : i32
      %dma_start3A_457 = tpu.memref_slice %arg9[%run_scoped3A_437, %dma_start3A_456] : memref<8x128xf32, #tpu.memory_space<vmem>> -> memref<1x128xf32, #tpu.memory_space<vmem>>
      %dma_start3A_458 = tpu.memref_squeeze %dma_start3A_457 : memref<1x128xf32, #tpu.memory_space<vmem>> -> memref<128xf32, #tpu.memory_space<vmem>>
      %dma_start3A_459 = tpu.memref_slice %arg12[%add3A_434] : memref<10240xf32, #tpu.memory_space<vmem_shared>> -> memref<128xf32, #tpu.memory_space<vmem_shared>>
      %dma_start3A_460 = arith.constant 0 : i32
      %dma_start3A_461 = tpu.memref_slice %arg9[%run_scoped3A_437, %dma_start3A_460] : memref<8x128xf32, #tpu.memory_space<vmem>> -> memref<1x128xf32, #tpu.memory_space<vmem>>
      %dma_start3A_462 = tpu.memref_squeeze %dma_start3A_461 : memref<1x128xf32, #tpu.memory_space<vmem>> -> memref<128xf32, #tpu.memory_space<vmem>>
      %dma_start3A_463 = tpu.memref_slice %arg12[%add3A_434] : memref<10240xf32, #tpu.memory_space<vmem_shared>> -> memref<128xf32, #tpu.memory_space<vmem_shared>>
      tpu.enqueue_dma source(%dma_start3A_463 : memref<128xf32, #tpu.memory_space<vmem_shared>>) target(%dma_start3A_462 : memref<128xf32, #tpu.memory_space<vmem>>) target_semaphore(%run_scoped3A_455 : memref<!tpu.dma_semaphore, #tpu.memory_space<semaphore_mem>>)
      %dma_wait3A_464 = arith.constant 0 : i32
      %dma_wait3A_465 = tpu.memref_slice %arg9[%run_scoped3A_437, %dma_wait3A_464] : memref<8x128xf32, #tpu.memory_space<vmem>> -> memref<1x128xf32, #tpu.memory_space<vmem>>
      %dma_wait3A_466 = tpu.memref_squeeze %dma_wait3A_465 : memref<1x128xf32, #tpu.memory_space<vmem>> -> memref<128xf32, #tpu.memory_space<vmem>>
      %dma_wait3A_467 = tpu.memref_slice %arg12[%add3A_434] : memref<10240xf32, #tpu.memory_space<vmem_shared>> -> memref<128xf32, #tpu.memory_space<vmem_shared>>
      %dma_wait3A_468 = arith.constant 0 : i32
      %dma_wait3A_469 = tpu.memref_slice %arg9[%run_scoped3A_437, %dma_wait3A_468] : memref<8x128xf32, #tpu.memory_space<vmem>> -> memref<1x128xf32, #tpu.memory_space<vmem>>
      %dma_wait3A_470 = tpu.memref_squeeze %dma_wait3A_469 : memref<1x128xf32, #tpu.memory_space<vmem>> -> memref<128xf32, #tpu.memory_space<vmem>>
      %dma_wait3A_471 = tpu.memref_slice %arg12[%add3A_434] : memref<10240xf32, #tpu.memory_space<vmem_shared>> -> memref<128xf32, #tpu.memory_space<vmem_shared>>
      tpu.wait_dma2 semaphore(%run_scoped3A_455 : memref<!tpu.dma_semaphore, #tpu.memory_space<semaphore_mem>>) src(%dma_wait3A_471 : memref<128xf32, #tpu.memory_space<vmem_shared>>) dst(%dma_wait3A_470 : memref<128xf32, #tpu.memory_space<vmem>>)
      tpu.yield
    }) : () -> ()
    %run_scoped3A_438 = arith.constant 0 : i32
    "tpu.region"() ({
      %run_scoped3A_455 = tpu.sem_alloc : memref<!tpu.dma_semaphore, #tpu.memory_space<semaphore_mem>>
      %dma_start3A_456 = arith.constant 0 : i32
      %dma_start3A_457 = tpu.memref_slice %arg9[%run_scoped3A_438, %dma_start3A_456] : memref<8x128xf32, #tpu.memory_space<vmem>> -> memref<1x128xf32, #tpu.memory_space<vmem>>
      %dma_start3A_458 = tpu.memref_squeeze %dma_start3A_457 : memref<1x128xf32, #tpu.memory_space<vmem>> -> memref<128xf32, #tpu.memory_space<vmem>>
      %dma_start3A_459 = tpu.memref_slice %arg7[%arg0, %add3A_434] : memref<2x10240xf32, #tpu.memory_space<hbm>> -> memref<1x128xf32, #tpu.memory_space<hbm>>
      %dma_start3A_460 = tpu.memref_squeeze %dma_start3A_459 : memref<1x128xf32, #tpu.memory_space<hbm>> -> memref<128xf32, #tpu.memory_space<hbm>>
      %dma_start3A_461 = tpu.memref_slice %arg7[%arg0, %add3A_434] : memref<2x10240xf32, #tpu.memory_space<hbm>> -> memref<1x128xf32, #tpu.memory_space<hbm>>
      %dma_start3A_462 = tpu.memref_squeeze %dma_start3A_461 : memref<1x128xf32, #tpu.memory_space<hbm>> -> memref<128xf32, #tpu.memory_space<hbm>>
      %dma_start3A_463 = arith.constant 0 : i32
      %dma_start3A_464 = tpu.memref_slice %arg9[%run_scoped3A_438, %dma_start3A_463] : memref<8x128xf32, #tpu.memory_space<vmem>> -> memref<1x128xf32, #tpu.memory_space<vmem>>
      %dma_start3A_465 = tpu.memref_squeeze %dma_start3A_464 : memref<1x128xf32, #tpu.memory_space<vmem>> -> memref<128xf32, #tpu.memory_space<vmem>>
      tpu.enqueue_dma source(%dma_start3A_465 : memref<128xf32, #tpu.memory_space<vmem>>) target(%dma_start3A_462 : memref<128xf32, #tpu.memory_space<hbm>>) target_semaphore(%run_scoped3A_455 : memref<!tpu.dma_semaphore, #tpu.memory_space<semaphore_mem>>)
      %dma_wait3A_466 = arith.constant 0 : i32
      %dma_wait3A_467 = tpu.memref_slice %arg9[%run_scoped3A_438, %dma_wait3A_466] : memref<8x128xf32, #tpu.memory_space<vmem>> -> memref<1x128xf32, #tpu.memory_space<vmem>>
      %dma_wait3A_468 = tpu.memref_squeeze %dma_wait3A_467 : memref<1x128xf32, #tpu.memory_space<vmem>> -> memref<128xf32, #tpu.memory_space<vmem>>
      %dma_wait3A_469 = tpu.memref_slice %arg7[%arg0, %add3A_434] : memref<2x10240xf32, #tpu.memory_space<hbm>> -> memref<1x128xf32, #tpu.memory_space<hbm>>
      %dma_wait3A_470 = tpu.memref_squeeze %dma_wait3A_469 : memref<1x128xf32, #tpu.memory_space<hbm>> -> memref<128xf32, #tpu.memory_space<hbm>>
      %dma_wait3A_471 = tpu.memref_slice %arg7[%arg0, %add3A_434] : memref<2x10240xf32, #tpu.memory_space<hbm>> -> memref<1x128xf32, #tpu.memory_space<hbm>>
      %dma_wait3A_472 = tpu.memref_squeeze %dma_wait3A_471 : memref<1x128xf32, #tpu.memory_space<hbm>> -> memref<128xf32, #tpu.memory_space<hbm>>
      %dma_wait3A_473 = arith.constant 0 : i32
      %dma_wait3A_474 = tpu.memref_slice %arg9[%run_scoped3A_438, %dma_wait3A_473] : memref<8x128xf32, #tpu.memory_space<vmem>> -> memref<1x128xf32, #tpu.memory_space<vmem>>
      %dma_wait3A_475 = tpu.memref_squeeze %dma_wait3A_474 : memref<1x128xf32, #tpu.memory_space<vmem>> -> memref<128xf32, #tpu.memory_space<vmem>>
      tpu.wait_dma2 semaphore(%run_scoped3A_455 : memref<!tpu.dma_semaphore, #tpu.memory_space<semaphore_mem>>) src(%dma_wait3A_475 : memref<128xf32, #tpu.memory_space<vmem>>) dst(%dma_wait3A_472 : memref<128xf32, #tpu.memory_space<hbm>>)
      tpu.yield
    }) : () -> ()
    %mul3A_439 = arith.constant 640 : i32
    %mul3A_440 = arith.muli %arg1, %mul3A_439 : i32
    %add3A_441 = arith.constant 384 : i32
    %add3A_442 = arith.addi %mul3A_440, %add3A_441 : i32
    %run_scoped3A_443 = arith.constant 0 : i32
    "tpu.region"() ({
      %run_scoped3A_455 = tpu.sem_alloc : memref<!tpu.dma_semaphore, #tpu.memory_space<semaphore_mem>>
      %dma_start3A_456 = arith.constant 0 : i32
      %dma_start3A_457 = arith.constant 0 : i32
      %dma_start3A_458 = tpu.memref_slice %arg10[%run_scoped3A_443, %dma_start3A_456, %dma_start3A_457] : memref<8x128x64xf32, #tpu.memory_space<vmem>> -> memref<1x128x64xf32, #tpu.memory_space<vmem>>
      %dma_start3A_459 = tpu.memref_squeeze %dma_start3A_458 : memref<1x128x64xf32, #tpu.memory_space<vmem>> -> memref<128x64xf32, #tpu.memory_space<vmem>>
      %dma_start3A_460 = arith.constant 0 : i32
      %dma_start3A_461 = tpu.memref_slice %arg11[%add3A_442, %dma_start3A_460] : memref<10240x64xf32, #tpu.memory_space<vmem_shared>> -> memref<128x64xf32, #tpu.memory_space<vmem_shared>>
      %dma_start3A_462 = arith.constant 0 : i32
      %dma_start3A_463 = arith.constant 0 : i32
      %dma_start3A_464 = tpu.memref_slice %arg10[%run_scoped3A_443, %dma_start3A_462, %dma_start3A_463] : memref<8x128x64xf32, #tpu.memory_space<vmem>> -> memref<1x128x64xf32, #tpu.memory_space<vmem>>
      %dma_start3A_465 = tpu.memref_squeeze %dma_start3A_464 : memref<1x128x64xf32, #tpu.memory_space<vmem>> -> memref<128x64xf32, #tpu.memory_space<vmem>>
      %dma_start3A_466 = arith.constant 0 : i32
      %dma_start3A_467 = tpu.memref_slice %arg11[%add3A_442, %dma_start3A_466] : memref<10240x64xf32, #tpu.memory_space<vmem_shared>> -> memref<128x64xf32, #tpu.memory_space<vmem_shared>>
      tpu.enqueue_dma source(%dma_start3A_467 : memref<128x64xf32, #tpu.memory_space<vmem_shared>>) target(%dma_start3A_465 : memref<128x64xf32, #tpu.memory_space<vmem>>) target_semaphore(%run_scoped3A_455 : memref<!tpu.dma_semaphore, #tpu.memory_space<semaphore_mem>>)
      %dma_wait3A_468 = arith.constant 0 : i32
      %dma_wait3A_469 = arith.constant 0 : i32
      %dma_wait3A_470 = tpu.memref_slice %arg10[%run_scoped3A_443, %dma_wait3A_468, %dma_wait3A_469] : memref<8x128x64xf32, #tpu.memory_space<vmem>> -> memref<1x128x64xf32, #tpu.memory_space<vmem>>
      %dma_wait3A_471 = tpu.memref_squeeze %dma_wait3A_470 : memref<1x128x64xf32, #tpu.memory_space<vmem>> -> memref<128x64xf32, #tpu.memory_space<vmem>>
      %dma_wait3A_472 = arith.constant 0 : i32
      %dma_wait3A_473 = tpu.memref_slice %arg11[%add3A_442, %dma_wait3A_472] : memref<10240x64xf32, #tpu.memory_space<vmem_shared>> -> memref<128x64xf32, #tpu.memory_space<vmem_shared>>
      %dma_wait3A_474 = arith.constant 0 : i32
      %dma_wait3A_475 = arith.constant 0 : i32
      %dma_wait3A_476 = tpu.memref_slice %arg10[%run_scoped3A_443, %dma_wait3A_474, %dma_wait3A_475] : memref<8x128x64xf32, #tpu.memory_space<vmem>> -> memref<1x128x64xf32, #tpu.memory_space<vmem>>
      %dma_wait3A_477 = tpu.memref_squeeze %dma_wait3A_476 : memref<1x128x64xf32, #tpu.memory_space<vmem>> -> memref<128x64xf32, #tpu.memory_space<vmem>>
      %dma_wait3A_478 = arith.constant 0 : i32
      %dma_wait3A_479 = tpu.memref_slice %arg11[%add3A_442, %dma_wait3A_478] : memref<10240x64xf32, #tpu.memory_space<vmem_shared>> -> memref<128x64xf32, #tpu.memory_space<vmem_shared>>
      tpu.wait_dma2 semaphore(%run_scoped3A_455 : memref<!tpu.dma_semaphore, #tpu.memory_space<semaphore_mem>>) src(%dma_wait3A_479 : memref<128x64xf32, #tpu.memory_space<vmem_shared>>) dst(%dma_wait3A_477 : memref<128x64xf32, #tpu.memory_space<vmem>>)
      tpu.yield
    }) : () -> ()
    %run_scoped3A_444 = arith.constant 0 : i32
    "tpu.region"() ({
      %run_scoped3A_455 = tpu.sem_alloc : memref<!tpu.dma_semaphore, #tpu.memory_space<semaphore_mem>>
      %dma_start3A_456 = arith.constant 0 : i32
      %dma_start3A_457 = arith.constant 0 : i32
      %dma_start3A_458 = tpu.memref_slice %arg10[%run_scoped3A_444, %dma_start3A_456, %dma_start3A_457] : memref<8x128x64xf32, #tpu.memory_space<vmem>> -> memref<1x128x64xf32, #tpu.memory_space<vmem>>
      %dma_start3A_459 = tpu.memref_squeeze %dma_start3A_458 : memref<1x128x64xf32, #tpu.memory_space<vmem>> -> memref<128x64xf32, #tpu.memory_space<vmem>>
      %dma_start3A_460 = arith.constant 0 : i32
      %dma_start3A_461 = tpu.memref_slice %arg6[%arg0, %add3A_442, %dma_start3A_460] : memref<2x10240x64xf32, #tpu.memory_space<hbm>> -> memref<1x128x64xf32, #tpu.memory_space<hbm>>
      %dma_start3A_462 = tpu.memref_squeeze %dma_start3A_461 : memref<1x128x64xf32, #tpu.memory_space<hbm>> -> memref<128x64xf32, #tpu.memory_space<hbm>>
      %dma_start3A_463 = arith.constant 0 : i32
      %dma_start3A_464 = tpu.memref_slice %arg6[%arg0, %add3A_442, %dma_start3A_463] : memref<2x10240x64xf32, #tpu.memory_space<hbm>> -> memref<1x128x64xf32, #tpu.memory_space<hbm>>
      %dma_start3A_465 = tpu.memref_squeeze %dma_start3A_464 : memref<1x128x64xf32, #tpu.memory_space<hbm>> -> memref<128x64xf32, #tpu.memory_space<hbm>>
      %dma_start3A_466 = arith.constant 0 : i32
      %dma_start3A_467 = arith.constant 0 : i32
      %dma_start3A_468 = tpu.memref_slice %arg10[%run_scoped3A_444, %dma_start3A_466, %dma_start3A_467] : memref<8x128x64xf32, #tpu.memory_space<vmem>> -> memref<1x128x64xf32, #tpu.memory_space<vmem>>
      %dma_start3A_469 = tpu.memref_squeeze %dma_start3A_468 : memref<1x128x64xf32, #tpu.memory_space<vmem>> -> memref<128x64xf32, #tpu.memory_space<vmem>>
      tpu.enqueue_dma source(%dma_start3A_469 : memref<128x64xf32, #tpu.memory_space<vmem>>) target(%dma_start3A_465 : memref<128x64xf32, #tpu.memory_space<hbm>>) target_semaphore(%run_scoped3A_455 : memref<!tpu.dma_semaphore, #tpu.memory_space<semaphore_mem>>)
      %dma_wait3A_470 = arith.constant 0 : i32
      %dma_wait3A_471 = arith.constant 0 : i32
      %dma_wait3A_472 = tpu.memref_slice %arg10[%run_scoped3A_444, %dma_wait3A_470, %dma_wait3A_471] : memref<8x128x64xf32, #tpu.memory_space<vmem>> -> memref<1x128x64xf32, #tpu.memory_space<vmem>>
      %dma_wait3A_473 = tpu.memref_squeeze %dma_wait3A_472 : memref<1x128x64xf32, #tpu.memory_space<vmem>> -> memref<128x64xf32, #tpu.memory_space<vmem>>
      %dma_wait3A_474 = arith.constant 0 : i32
      %dma_wait3A_475 = tpu.memref_slice %arg6[%arg0, %add3A_442, %dma_wait3A_474] : memref<2x10240x64xf32, #tpu.memory_space<hbm>> -> memref<1x128x64xf32, #tpu.memory_space<hbm>>
      %dma_wait3A_476 = tpu.memref_squeeze %dma_wait3A_475 : memref<1x128x64xf32, #tpu.memory_space<hbm>> -> memref<128x64xf32, #tpu.memory_space<hbm>>
      %dma_wait3A_477 = arith.constant 0 : i32
      %dma_wait3A_478 = tpu.memref_slice %arg6[%arg0, %add3A_442, %dma_wait3A_477] : memref<2x10240x64xf32, #tpu.memory_space<hbm>> -> memref<1x128x64xf32, #tpu.memory_space<hbm>>
      %dma_wait3A_479 = tpu.memref_squeeze %dma_wait3A_478 : memref<1x128x64xf32, #tpu.memory_space<hbm>> -> memref<128x64xf32, #tpu.memory_space<hbm>>
      %dma_wait3A_480 = arith.constant 0 : i32
      %dma_wait3A_481 = arith.constant 0 : i32
      %dma_wait3A_482 = tpu.memref_slice %arg10[%run_scoped3A_444, %dma_wait3A_480, %dma_wait3A_481] : memref<8x128x64xf32, #tpu.memory_space<vmem>> -> memref<1x128x64xf32, #tpu.memory_space<vmem>>
      %dma_wait3A_483 = tpu.memref_squeeze %dma_wait3A_482 : memref<1x128x64xf32, #tpu.memory_space<vmem>> -> memref<128x64xf32, #tpu.memory_space<vmem>>
      tpu.wait_dma2 semaphore(%run_scoped3A_455 : memref<!tpu.dma_semaphore, #tpu.memory_space<semaphore_mem>>) src(%dma_wait3A_483 : memref<128x64xf32, #tpu.memory_space<vmem>>) dst(%dma_wait3A_479 : memref<128x64xf32, #tpu.memory_space<hbm>>)
      tpu.yield
    }) : () -> ()
    %run_scoped3A_445 = arith.constant 0 : i32
    "tpu.region"() ({
      %run_scoped3A_455 = tpu.sem_alloc : memref<!tpu.dma_semaphore, #tpu.memory_space<semaphore_mem>>
      %dma_start3A_456 = arith.constant 0 : i32
      %dma_start3A_457 = tpu.memref_slice %arg9[%run_scoped3A_445, %dma_start3A_456] : memref<8x128xf32, #tpu.memory_space<vmem>> -> memref<1x128xf32, #tpu.memory_space<vmem>>
      %dma_start3A_458 = tpu.memref_squeeze %dma_start3A_457 : memref<1x128xf32, #tpu.memory_space<vmem>> -> memref<128xf32, #tpu.memory_space<vmem>>
      %dma_start3A_459 = tpu.memref_slice %arg12[%add3A_442] : memref<10240xf32, #tpu.memory_space<vmem_shared>> -> memref<128xf32, #tpu.memory_space<vmem_shared>>
      %dma_start3A_460 = arith.constant 0 : i32
      %dma_start3A_461 = tpu.memref_slice %arg9[%run_scoped3A_445, %dma_start3A_460] : memref<8x128xf32, #tpu.memory_space<vmem>> -> memref<1x128xf32, #tpu.memory_space<vmem>>
      %dma_start3A_462 = tpu.memref_squeeze %dma_start3A_461 : memref<1x128xf32, #tpu.memory_space<vmem>> -> memref<128xf32, #tpu.memory_space<vmem>>
      %dma_start3A_463 = tpu.memref_slice %arg12[%add3A_442] : memref<10240xf32, #tpu.memory_space<vmem_shared>> -> memref<128xf32, #tpu.memory_space<vmem_shared>>
      tpu.enqueue_dma source(%dma_start3A_463 : memref<128xf32, #tpu.memory_space<vmem_shared>>) target(%dma_start3A_462 : memref<128xf32, #tpu.memory_space<vmem>>) target_semaphore(%run_scoped3A_455 : memref<!tpu.dma_semaphore, #tpu.memory_space<semaphore_mem>>)
      %dma_wait3A_464 = arith.constant 0 : i32
      %dma_wait3A_465 = tpu.memref_slice %arg9[%run_scoped3A_445, %dma_wait3A_464] : memref<8x128xf32, #tpu.memory_space<vmem>> -> memref<1x128xf32, #tpu.memory_space<vmem>>
      %dma_wait3A_466 = tpu.memref_squeeze %dma_wait3A_465 : memref<1x128xf32, #tpu.memory_space<vmem>> -> memref<128xf32, #tpu.memory_space<vmem>>
      %dma_wait3A_467 = tpu.memref_slice %arg12[%add3A_442] : memref<10240xf32, #tpu.memory_space<vmem_shared>> -> memref<128xf32, #tpu.memory_space<vmem_shared>>
      %dma_wait3A_468 = arith.constant 0 : i32
      %dma_wait3A_469 = tpu.memref_slice %arg9[%run_scoped3A_445, %dma_wait3A_468] : memref<8x128xf32, #tpu.memory_space<vmem>> -> memref<1x128xf32, #tpu.memory_space<vmem>>
      %dma_wait3A_470 = tpu.memref_squeeze %dma_wait3A_469 : memref<1x128xf32, #tpu.memory_space<vmem>> -> memref<128xf32, #tpu.memory_space<vmem>>
      %dma_wait3A_471 = tpu.memref_slice %arg12[%add3A_442] : memref<10240xf32, #tpu.memory_space<vmem_shared>> -> memref<128xf32, #tpu.memory_space<vmem_shared>>
      tpu.wait_dma2 semaphore(%run_scoped3A_455 : memref<!tpu.dma_semaphore, #tpu.memory_space<semaphore_mem>>) src(%dma_wait3A_471 : memref<128xf32, #tpu.memory_space<vmem_shared>>) dst(%dma_wait3A_470 : memref<128xf32, #tpu.memory_space<vmem>>)
      tpu.yield
    }) : () -> ()
    %run_scoped3A_446 = arith.constant 0 : i32
    "tpu.region"() ({
      %run_scoped3A_455 = tpu.sem_alloc : memref<!tpu.dma_semaphore, #tpu.memory_space<semaphore_mem>>
      %dma_start3A_456 = arith.constant 0 : i32
      %dma_start3A_457 = tpu.memref_slice %arg9[%run_scoped3A_446, %dma_start3A_456] : memref<8x128xf32, #tpu.memory_space<vmem>> -> memref<1x128xf32, #tpu.memory_space<vmem>>
      %dma_start3A_458 = tpu.memref_squeeze %dma_start3A_457 : memref<1x128xf32, #tpu.memory_space<vmem>> -> memref<128xf32, #tpu.memory_space<vmem>>
      %dma_start3A_459 = tpu.memref_slice %arg7[%arg0, %add3A_442] : memref<2x10240xf32, #tpu.memory_space<hbm>> -> memref<1x128xf32, #tpu.memory_space<hbm>>
      %dma_start3A_460 = tpu.memref_squeeze %dma_start3A_459 : memref<1x128xf32, #tpu.memory_space<hbm>> -> memref<128xf32, #tpu.memory_space<hbm>>
      %dma_start3A_461 = tpu.memref_slice %arg7[%arg0, %add3A_442] : memref<2x10240xf32, #tpu.memory_space<hbm>> -> memref<1x128xf32, #tpu.memory_space<hbm>>
      %dma_start3A_462 = tpu.memref_squeeze %dma_start3A_461 : memref<1x128xf32, #tpu.memory_space<hbm>> -> memref<128xf32, #tpu.memory_space<hbm>>
      %dma_start3A_463 = arith.constant 0 : i32
      %dma_start3A_464 = tpu.memref_slice %arg9[%run_scoped3A_446, %dma_start3A_463] : memref<8x128xf32, #tpu.memory_space<vmem>> -> memref<1x128xf32, #tpu.memory_space<vmem>>
      %dma_start3A_465 = tpu.memref_squeeze %dma_start3A_464 : memref<1x128xf32, #tpu.memory_space<vmem>> -> memref<128xf32, #tpu.memory_space<vmem>>
      tpu.enqueue_dma source(%dma_start3A_465 : memref<128xf32, #tpu.memory_space<vmem>>) target(%dma_start3A_462 : memref<128xf32, #tpu.memory_space<hbm>>) target_semaphore(%run_scoped3A_455 : memref<!tpu.dma_semaphore, #tpu.memory_space<semaphore_mem>>)
      %dma_wait3A_466 = arith.constant 0 : i32
      %dma_wait3A_467 = tpu.memref_slice %arg9[%run_scoped3A_446, %dma_wait3A_466] : memref<8x128xf32, #tpu.memory_space<vmem>> -> memref<1x128xf32, #tpu.memory_space<vmem>>
      %dma_wait3A_468 = tpu.memref_squeeze %dma_wait3A_467 : memref<1x128xf32, #tpu.memory_space<vmem>> -> memref<128xf32, #tpu.memory_space<vmem>>
      %dma_wait3A_469 = tpu.memref_slice %arg7[%arg0, %add3A_442] : memref<2x10240xf32, #tpu.memory_space<hbm>> -> memref<1x128xf32, #tpu.memory_space<hbm>>
      %dma_wait3A_470 = tpu.memref_squeeze %dma_wait3A_469 : memref<1x128xf32, #tpu.memory_space<hbm>> -> memref<128xf32, #tpu.memory_space<hbm>>
      %dma_wait3A_471 = tpu.memref_slice %arg7[%arg0, %add3A_442] : memref<2x10240xf32, #tpu.memory_space<hbm>> -> memref<1x128xf32, #tpu.memory_space<hbm>>
      %dma_wait3A_472 = tpu.memref_squeeze %dma_wait3A_471 : memref<1x128xf32, #tpu.memory_space<hbm>> -> memref<128xf32, #tpu.memory_space<hbm>>
      %dma_wait3A_473 = arith.constant 0 : i32
      %dma_wait3A_474 = tpu.memref_slice %arg9[%run_scoped3A_446, %dma_wait3A_473] : memref<8x128xf32, #tpu.memory_space<vmem>> -> memref<1x128xf32, #tpu.memory_space<vmem>>
      %dma_wait3A_475 = tpu.memref_squeeze %dma_wait3A_474 : memref<1x128xf32, #tpu.memory_space<vmem>> -> memref<128xf32, #tpu.memory_space<vmem>>
      tpu.wait_dma2 semaphore(%run_scoped3A_455 : memref<!tpu.dma_semaphore, #tpu.memory_space<semaphore_mem>>) src(%dma_wait3A_475 : memref<128xf32, #tpu.memory_space<vmem>>) dst(%dma_wait3A_472 : memref<128xf32, #tpu.memory_space<hbm>>)
      tpu.yield
    }) : () -> ()
    %mul3A_447 = arith.constant 640 : i32
    %mul3A_448 = arith.muli %arg1, %mul3A_447 : i32
    %add3A_449 = arith.constant 512 : i32
    %add3A_450 = arith.addi %mul3A_448, %add3A_449 : i32
    %run_scoped3A_451 = arith.constant 0 : i32
    "tpu.region"() ({
      %run_scoped3A_455 = tpu.sem_alloc : memref<!tpu.dma_semaphore, #tpu.memory_space<semaphore_mem>>
      %dma_start3A_456 = arith.constant 0 : i32
      %dma_start3A_457 = arith.constant 0 : i32
      %dma_start3A_458 = tpu.memref_slice %arg10[%run_scoped3A_451, %dma_start3A_456, %dma_start3A_457] : memref<8x128x64xf32, #tpu.memory_space<vmem>> -> memref<1x128x64xf32, #tpu.memory_space<vmem>>
      %dma_start3A_459 = tpu.memref_squeeze %dma_start3A_458 : memref<1x128x64xf32, #tpu.memory_space<vmem>> -> memref<128x64xf32, #tpu.memory_space<vmem>>
      %dma_start3A_460 = arith.constant 0 : i32
      %dma_start3A_461 = tpu.memref_slice %arg11[%add3A_450, %dma_start3A_460] : memref<10240x64xf32, #tpu.memory_space<vmem_shared>> -> memref<128x64xf32, #tpu.memory_space<vmem_shared>>
      %dma_start3A_462 = arith.constant 0 : i32
      %dma_start3A_463 = arith.constant 0 : i32
      %dma_start3A_464 = tpu.memref_slice %arg10[%run_scoped3A_451, %dma_start3A_462, %dma_start3A_463] : memref<8x128x64xf32, #tpu.memory_space<vmem>> -> memref<1x128x64xf32, #tpu.memory_space<vmem>>
      %dma_start3A_465 = tpu.memref_squeeze %dma_start3A_464 : memref<1x128x64xf32, #tpu.memory_space<vmem>> -> memref<128x64xf32, #tpu.memory_space<vmem>>
      %dma_start3A_466 = arith.constant 0 : i32
      %dma_start3A_467 = tpu.memref_slice %arg11[%add3A_450, %dma_start3A_466] : memref<10240x64xf32, #tpu.memory_space<vmem_shared>> -> memref<128x64xf32, #tpu.memory_space<vmem_shared>>
      tpu.enqueue_dma source(%dma_start3A_467 : memref<128x64xf32, #tpu.memory_space<vmem_shared>>) target(%dma_start3A_465 : memref<128x64xf32, #tpu.memory_space<vmem>>) target_semaphore(%run_scoped3A_455 : memref<!tpu.dma_semaphore, #tpu.memory_space<semaphore_mem>>)
      %dma_wait3A_468 = arith.constant 0 : i32
      %dma_wait3A_469 = arith.constant 0 : i32
      %dma_wait3A_470 = tpu.memref_slice %arg10[%run_scoped3A_451, %dma_wait3A_468, %dma_wait3A_469] : memref<8x128x64xf32, #tpu.memory_space<vmem>> -> memref<1x128x64xf32, #tpu.memory_space<vmem>>
      %dma_wait3A_471 = tpu.memref_squeeze %dma_wait3A_470 : memref<1x128x64xf32, #tpu.memory_space<vmem>> -> memref<128x64xf32, #tpu.memory_space<vmem>>
      %dma_wait3A_472 = arith.constant 0 : i32
      %dma_wait3A_473 = tpu.memref_slice %arg11[%add3A_450, %dma_wait3A_472] : memref<10240x64xf32, #tpu.memory_space<vmem_shared>> -> memref<128x64xf32, #tpu.memory_space<vmem_shared>>
      %dma_wait3A_474 = arith.constant 0 : i32
      %dma_wait3A_475 = arith.constant 0 : i32
      %dma_wait3A_476 = tpu.memref_slice %arg10[%run_scoped3A_451, %dma_wait3A_474, %dma_wait3A_475] : memref<8x128x64xf32, #tpu.memory_space<vmem>> -> memref<1x128x64xf32, #tpu.memory_space<vmem>>
      %dma_wait3A_477 = tpu.memref_squeeze %dma_wait3A_476 : memref<1x128x64xf32, #tpu.memory_space<vmem>> -> memref<128x64xf32, #tpu.memory_space<vmem>>
      %dma_wait3A_478 = arith.constant 0 : i32
      %dma_wait3A_479 = tpu.memref_slice %arg11[%add3A_450, %dma_wait3A_478] : memref<10240x64xf32, #tpu.memory_space<vmem_shared>> -> memref<128x64xf32, #tpu.memory_space<vmem_shared>>
      tpu.wait_dma2 semaphore(%run_scoped3A_455 : memref<!tpu.dma_semaphore, #tpu.memory_space<semaphore_mem>>) src(%dma_wait3A_479 : memref<128x64xf32, #tpu.memory_space<vmem_shared>>) dst(%dma_wait3A_477 : memref<128x64xf32, #tpu.memory_space<vmem>>)
      tpu.yield
    }) : () -> ()
    %run_scoped3A_452 = arith.constant 0 : i32
    "tpu.region"() ({
      %run_scoped3A_455 = tpu.sem_alloc : memref<!tpu.dma_semaphore, #tpu.memory_space<semaphore_mem>>
      %dma_start3A_456 = arith.constant 0 : i32
      %dma_start3A_457 = arith.constant 0 : i32
      %dma_start3A_458 = tpu.memref_slice %arg10[%run_scoped3A_452, %dma_start3A_456, %dma_start3A_457] : memref<8x128x64xf32, #tpu.memory_space<vmem>> -> memref<1x128x64xf32, #tpu.memory_space<vmem>>
      %dma_start3A_459 = tpu.memref_squeeze %dma_start3A_458 : memref<1x128x64xf32, #tpu.memory_space<vmem>> -> memref<128x64xf32, #tpu.memory_space<vmem>>
      %dma_start3A_460 = arith.constant 0 : i32
      %dma_start3A_461 = tpu.memref_slice %arg6[%arg0, %add3A_450, %dma_start3A_460] : memref<2x10240x64xf32, #tpu.memory_space<hbm>> -> memref<1x128x64xf32, #tpu.memory_space<hbm>>
      %dma_start3A_462 = tpu.memref_squeeze %dma_start3A_461 : memref<1x128x64xf32, #tpu.memory_space<hbm>> -> memref<128x64xf32, #tpu.memory_space<hbm>>
      %dma_start3A_463 = arith.constant 0 : i32
      %dma_start3A_464 = tpu.memref_slice %arg6[%arg0, %add3A_450, %dma_start3A_463] : memref<2x10240x64xf32, #tpu.memory_space<hbm>> -> memref<1x128x64xf32, #tpu.memory_space<hbm>>
      %dma_start3A_465 = tpu.memref_squeeze %dma_start3A_464 : memref<1x128x64xf32, #tpu.memory_space<hbm>> -> memref<128x64xf32, #tpu.memory_space<hbm>>
      %dma_start3A_466 = arith.constant 0 : i32
      %dma_start3A_467 = arith.constant 0 : i32
      %dma_start3A_468 = tpu.memref_slice %arg10[%run_scoped3A_452, %dma_start3A_466, %dma_start3A_467] : memref<8x128x64xf32, #tpu.memory_space<vmem>> -> memref<1x128x64xf32, #tpu.memory_space<vmem>>
      %dma_start3A_469 = tpu.memref_squeeze %dma_start3A_468 : memref<1x128x64xf32, #tpu.memory_space<vmem>> -> memref<128x64xf32, #tpu.memory_space<vmem>>
      tpu.enqueue_dma source(%dma_start3A_469 : memref<128x64xf32, #tpu.memory_space<vmem>>) target(%dma_start3A_465 : memref<128x64xf32, #tpu.memory_space<hbm>>) target_semaphore(%run_scoped3A_455 : memref<!tpu.dma_semaphore, #tpu.memory_space<semaphore_mem>>)
      %dma_wait3A_470 = arith.constant 0 : i32
      %dma_wait3A_471 = arith.constant 0 : i32
      %dma_wait3A_472 = tpu.memref_slice %arg10[%run_scoped3A_452, %dma_wait3A_470, %dma_wait3A_471] : memref<8x128x64xf32, #tpu.memory_space<vmem>> -> memref<1x128x64xf32, #tpu.memory_space<vmem>>
      %dma_wait3A_473 = tpu.memref_squeeze %dma_wait3A_472 : memref<1x128x64xf32, #tpu.memory_space<vmem>> -> memref<128x64xf32, #tpu.memory_space<vmem>>
      %dma_wait3A_474 = arith.constant 0 : i32
      %dma_wait3A_475 = tpu.memref_slice %arg6[%arg0, %add3A_450, %dma_wait3A_474] : memref<2x10240x64xf32, #tpu.memory_space<hbm>> -> memref<1x128x64xf32, #tpu.memory_space<hbm>>
      %dma_wait3A_476 = tpu.memref_squeeze %dma_wait3A_475 : memref<1x128x64xf32, #tpu.memory_space<hbm>> -> memref<128x64xf32, #tpu.memory_space<hbm>>
      %dma_wait3A_477 = arith.constant 0 : i32
      %dma_wait3A_478 = tpu.memref_slice %arg6[%arg0, %add3A_450, %dma_wait3A_477] : memref<2x10240x64xf32, #tpu.memory_space<hbm>> -> memref<1x128x64xf32, #tpu.memory_space<hbm>>
      %dma_wait3A_479 = tpu.memref_squeeze %dma_wait3A_478 : memref<1x128x64xf32, #tpu.memory_space<hbm>> -> memref<128x64xf32, #tpu.memory_space<hbm>>
      %dma_wait3A_480 = arith.constant 0 : i32
      %dma_wait3A_481 = arith.constant 0 : i32
      %dma_wait3A_482 = tpu.memref_slice %arg10[%run_scoped3A_452, %dma_wait3A_480, %dma_wait3A_481] : memref<8x128x64xf32, #tpu.memory_space<vmem>> -> memref<1x128x64xf32, #tpu.memory_space<vmem>>
      %dma_wait3A_483 = tpu.memref_squeeze %dma_wait3A_482 : memref<1x128x64xf32, #tpu.memory_space<vmem>> -> memref<128x64xf32, #tpu.memory_space<vmem>>
      tpu.wait_dma2 semaphore(%run_scoped3A_455 : memref<!tpu.dma_semaphore, #tpu.memory_space<semaphore_mem>>) src(%dma_wait3A_483 : memref<128x64xf32, #tpu.memory_space<vmem>>) dst(%dma_wait3A_479 : memref<128x64xf32, #tpu.memory_space<hbm>>)
      tpu.yield
    }) : () -> ()
    %run_scoped3A_453 = arith.constant 0 : i32
    "tpu.region"() ({
      %run_scoped3A_455 = tpu.sem_alloc : memref<!tpu.dma_semaphore, #tpu.memory_space<semaphore_mem>>
      %dma_start3A_456 = arith.constant 0 : i32
      %dma_start3A_457 = tpu.memref_slice %arg9[%run_scoped3A_453, %dma_start3A_456] : memref<8x128xf32, #tpu.memory_space<vmem>> -> memref<1x128xf32, #tpu.memory_space<vmem>>
      %dma_start3A_458 = tpu.memref_squeeze %dma_start3A_457 : memref<1x128xf32, #tpu.memory_space<vmem>> -> memref<128xf32, #tpu.memory_space<vmem>>
      %dma_start3A_459 = tpu.memref_slice %arg12[%add3A_450] : memref<10240xf32, #tpu.memory_space<vmem_shared>> -> memref<128xf32, #tpu.memory_space<vmem_shared>>
      %dma_start3A_460 = arith.constant 0 : i32
      %dma_start3A_461 = tpu.memref_slice %arg9[%run_scoped3A_453, %dma_start3A_460] : memref<8x128xf32, #tpu.memory_space<vmem>> -> memref<1x128xf32, #tpu.memory_space<vmem>>
      %dma_start3A_462 = tpu.memref_squeeze %dma_start3A_461 : memref<1x128xf32, #tpu.memory_space<vmem>> -> memref<128xf32, #tpu.memory_space<vmem>>
      %dma_start3A_463 = tpu.memref_slice %arg12[%add3A_450] : memref<10240xf32, #tpu.memory_space<vmem_shared>> -> memref<128xf32, #tpu.memory_space<vmem_shared>>
      tpu.enqueue_dma source(%dma_start3A_463 : memref<128xf32, #tpu.memory_space<vmem_shared>>) target(%dma_start3A_462 : memref<128xf32, #tpu.memory_space<vmem>>) target_semaphore(%run_scoped3A_455 : memref<!tpu.dma_semaphore, #tpu.memory_space<semaphore_mem>>)
      %dma_wait3A_464 = arith.constant 0 : i32
      %dma_wait3A_465 = tpu.memref_slice %arg9[%run_scoped3A_453, %dma_wait3A_464] : memref<8x128xf32, #tpu.memory_space<vmem>> -> memref<1x128xf32, #tpu.memory_space<vmem>>
      %dma_wait3A_466 = tpu.memref_squeeze %dma_wait3A_465 : memref<1x128xf32, #tpu.memory_space<vmem>> -> memref<128xf32, #tpu.memory_space<vmem>>
      %dma_wait3A_467 = tpu.memref_slice %arg12[%add3A_450] : memref<10240xf32, #tpu.memory_space<vmem_shared>> -> memref<128xf32, #tpu.memory_space<vmem_shared>>
      %dma_wait3A_468 = arith.constant 0 : i32
      %dma_wait3A_469 = tpu.memref_slice %arg9[%run_scoped3A_453, %dma_wait3A_468] : memref<8x128xf32, #tpu.memory_space<vmem>> -> memref<1x128xf32, #tpu.memory_space<vmem>>
      %dma_wait3A_470 = tpu.memref_squeeze %dma_wait3A_469 : memref<1x128xf32, #tpu.memory_space<vmem>> -> memref<128xf32, #tpu.memory_space<vmem>>
      %dma_wait3A_471 = tpu.memref_slice %arg12[%add3A_450] : memref<10240xf32, #tpu.memory_space<vmem_shared>> -> memref<128xf32, #tpu.memory_space<vmem_shared>>
      tpu.wait_dma2 semaphore(%run_scoped3A_455 : memref<!tpu.dma_semaphore, #tpu.memory_space<semaphore_mem>>) src(%dma_wait3A_471 : memref<128xf32, #tpu.memory_space<vmem_shared>>) dst(%dma_wait3A_470 : memref<128xf32, #tpu.memory_space<vmem>>)
      tpu.yield
    }) : () -> ()
    %run_scoped3A_454 = arith.constant 0 : i32
    "tpu.region"() ({
      %run_scoped3A_455 = tpu.sem_alloc : memref<!tpu.dma_semaphore, #tpu.memory_space<semaphore_mem>>
      %dma_start3A_456 = arith.constant 0 : i32
      %dma_start3A_457 = tpu.memref_slice %arg9[%run_scoped3A_454, %dma_start3A_456] : memref<8x128xf32, #tpu.memory_space<vmem>> -> memref<1x128xf32, #tpu.memory_space<vmem>>
      %dma_start3A_458 = tpu.memref_squeeze %dma_start3A_457 : memref<1x128xf32, #tpu.memory_space<vmem>> -> memref<128xf32, #tpu.memory_space<vmem>>
      %dma_start3A_459 = tpu.memref_slice %arg7[%arg0, %add3A_450] : memref<2x10240xf32, #tpu.memory_space<hbm>> -> memref<1x128xf32, #tpu.memory_space<hbm>>
      %dma_start3A_460 = tpu.memref_squeeze %dma_start3A_459 : memref<1x128xf32, #tpu.memory_space<hbm>> -> memref<128xf32, #tpu.memory_space<hbm>>
      %dma_start3A_461 = tpu.memref_slice %arg7[%arg0, %add3A_450] : memref<2x10240xf32, #tpu.memory_space<hbm>> -> memref<1x128xf32, #tpu.memory_space<hbm>>
      %dma_start3A_462 = tpu.memref_squeeze %dma_start3A_461 : memref<1x128xf32, #tpu.memory_space<hbm>> -> memref<128xf32, #tpu.memory_space<hbm>>
      %dma_start3A_463 = arith.constant 0 : i32
      %dma_start3A_464 = tpu.memref_slice %arg9[%run_scoped3A_454, %dma_start3A_463] : memref<8x128xf32, #tpu.memory_space<vmem>> -> memref<1x128xf32, #tpu.memory_space<vmem>>
      %dma_start3A_465 = tpu.memref_squeeze %dma_start3A_464 : memref<1x128xf32, #tpu.memory_space<vmem>> -> memref<128xf32, #tpu.memory_space<vmem>>
      tpu.enqueue_dma source(%dma_start3A_465 : memref<128xf32, #tpu.memory_space<vmem>>) target(%dma_start3A_462 : memref<128xf32, #tpu.memory_space<hbm>>) target_semaphore(%run_scoped3A_455 : memref<!tpu.dma_semaphore, #tpu.memory_space<semaphore_mem>>)
      %dma_wait3A_466 = arith.constant 0 : i32
      %dma_wait3A_467 = tpu.memref_slice %arg9[%run_scoped3A_454, %dma_wait3A_466] : memref<8x128xf32, #tpu.memory_space<vmem>> -> memref<1x128xf32, #tpu.memory_space<vmem>>
      %dma_wait3A_468 = tpu.memref_squeeze %dma_wait3A_467 : memref<1x128xf32, #tpu.memory_space<vmem>> -> memref<128xf32, #tpu.memory_space<vmem>>
      %dma_wait3A_469 = tpu.memref_slice %arg7[%arg0, %add3A_450] : memref<2x10240xf32, #tpu.memory_space<hbm>> -> memref<1x128xf32, #tpu.memory_space<hbm>>
      %dma_wait3A_470 = tpu.memref_squeeze %dma_wait3A_469 : memref<1x128xf32, #tpu.memory_space<hbm>> -> memref<128xf32, #tpu.memory_space<hbm>>
      %dma_wait3A_471 = tpu.memref_slice %arg7[%arg0, %add3A_450] : memref<2x10240xf32, #tpu.memory_space<hbm>> -> memref<1x128xf32, #tpu.memory_space<hbm>>
      %dma_wait3A_472 = tpu.memref_squeeze %dma_wait3A_471 : memref<1x128xf32, #tpu.memory_space<hbm>> -> memref<128xf32, #tpu.memory_space<hbm>>
      %dma_wait3A_473 = arith.constant 0 : i32
      %dma_wait3A_474 = tpu.memref_slice %arg9[%run_scoped3A_454, %dma_wait3A_473] : memref<8x128xf32, #tpu.memory_space<vmem>> -> memref<1x128xf32, #tpu.memory_space<vmem>>
      %dma_wait3A_475 = tpu.memref_squeeze %dma_wait3A_474 : memref<1x128xf32, #tpu.memory_space<vmem>> -> memref<128xf32, #tpu.memory_space<vmem>>
      tpu.wait_dma2 semaphore(%run_scoped3A_455 : memref<!tpu.dma_semaphore, #tpu.memory_space<semaphore_mem>>) src(%dma_wait3A_475 : memref<128xf32, #tpu.memory_space<vmem>>) dst(%dma_wait3A_472 : memref<128xf32, #tpu.memory_space<hbm>>)
      tpu.yield
    }) : () -> ()
    return
  }
}

#map = affine_map<(d0, d1) -> (0, 0, 0, 0)>
#map1 = affine_map<(d0, d1) -> (0, 0, 0)>
module attributes {stable_mosaic.version = 14 : i64} {
  func.func @k(%arg0: i32, %arg1: i32, %arg2: memref<16x160x2x128xi32, #tpu.memory_space<hbm>>, %arg3: memref<2x16x10240xf32, #tpu.memory_space<hbm>>, %arg4: memref<2x16x10240xf32, #tpu.memory_space<hbm>>, %arg5: memref<80x2x128xi32, #tpu.memory_space<vmem>>, %arg6: memref<10240xf32, #tpu.memory_space<vmem>>, %arg7: memref<10240xf32, #tpu.memory_space<vmem>>) attributes {dimension_semantics = [#tpu.dimension_semantics<core_parallel>, #tpu.dimension_semantics<subcore_parallel>], iteration_bounds = array<i64: 2, 16>, scalar_prefetch = 0 : i64, scratch_operands = 3 : i64, tpu.core_type = #tpu.core_type<sc_vector_subcore>, window_params = [{transform_indices = #map}, {transform_indices = #map1}, {transform_indices = #map1}]} {
    %mul3A = arith.constant 80 : i32
    %mul3A_0 = arith.muli %arg0, %mul3A : i32
    "tpu.region"() ({
      %run_scoped3A = tpu.sem_alloc : memref<!tpu.dma_semaphore, #tpu.memory_space<semaphore_mem>>
      %dma_start3A = arith.constant 0 : i32
      %dma_start3A_17 = arith.constant 0 : i32
      %dma_start3A_18 = tpu.memref_slice %arg2[%arg1, %mul3A_0, %dma_start3A, %dma_start3A_17] : memref<16x160x2x128xi32, #tpu.memory_space<hbm>> -> memref<1x80x2x128xi32, #tpu.memory_space<hbm>>
      %dma_start3A_19 = tpu.memref_squeeze %dma_start3A_18 : memref<1x80x2x128xi32, #tpu.memory_space<hbm>> -> memref<80x2x128xi32, #tpu.memory_space<hbm>>
      %dma_start3A_20 = arith.constant 0 : i32
      %dma_start3A_21 = arith.constant 0 : i32
      %dma_start3A_22 = tpu.memref_slice %arg2[%arg1, %mul3A_0, %dma_start3A_20, %dma_start3A_21] : memref<16x160x2x128xi32, #tpu.memory_space<hbm>> -> memref<1x80x2x128xi32, #tpu.memory_space<hbm>>
      %dma_start3A_23 = tpu.memref_squeeze %dma_start3A_22 : memref<1x80x2x128xi32, #tpu.memory_space<hbm>> -> memref<80x2x128xi32, #tpu.memory_space<hbm>>
      tpu.enqueue_dma source(%dma_start3A_23 : memref<80x2x128xi32, #tpu.memory_space<hbm>>) target(%arg5 : memref<80x2x128xi32, #tpu.memory_space<vmem>>) target_semaphore(%run_scoped3A : memref<!tpu.dma_semaphore, #tpu.memory_space<semaphore_mem>>)
      %dma_wait3A = arith.constant 0 : i32
      %dma_wait3A_24 = arith.constant 0 : i32
      %dma_wait3A_25 = tpu.memref_slice %arg2[%arg1, %mul3A_0, %dma_wait3A, %dma_wait3A_24] : memref<16x160x2x128xi32, #tpu.memory_space<hbm>> -> memref<1x80x2x128xi32, #tpu.memory_space<hbm>>
      %dma_wait3A_26 = tpu.memref_squeeze %dma_wait3A_25 : memref<1x80x2x128xi32, #tpu.memory_space<hbm>> -> memref<80x2x128xi32, #tpu.memory_space<hbm>>
      %dma_wait3A_27 = arith.constant 0 : i32
      %dma_wait3A_28 = arith.constant 0 : i32
      %dma_wait3A_29 = tpu.memref_slice %arg2[%arg1, %mul3A_0, %dma_wait3A_27, %dma_wait3A_28] : memref<16x160x2x128xi32, #tpu.memory_space<hbm>> -> memref<1x80x2x128xi32, #tpu.memory_space<hbm>>
      %dma_wait3A_30 = tpu.memref_squeeze %dma_wait3A_29 : memref<1x80x2x128xi32, #tpu.memory_space<hbm>> -> memref<80x2x128xi32, #tpu.memory_space<hbm>>
      tpu.wait_dma2 semaphore(%run_scoped3A : memref<!tpu.dma_semaphore, #tpu.memory_space<semaphore_mem>>) src(%dma_wait3A_30 : memref<80x2x128xi32, #tpu.memory_space<hbm>>) dst(%arg5 : memref<80x2x128xi32, #tpu.memory_space<vmem>>)
      tpu.yield
    }) : () -> ()
    %broadcast_in_dim3A = arith.constant 0.000000e+00 : f32
    %broadcast_in_dim3A_1 = vector.broadcast %broadcast_in_dim3A : f32 to vector<16xf32>
    %scan3A = arith.constant 0 : i32
    %scan3A_2 = arith.constant 0 : i32
    %scan3A_3 = arith.constant 640 : i32
    %scan3A_4 = arith.addi %scan3A_2, %scan3A_3 : i32
    %scan3A_5 = arith.constant 1 : i32
    %scan3A_6 = scf.for %scan3A_17 = %scan3A_2 to %scan3A_4 step %scan3A_5 iter_args(%scan3A_18 = %scan3A) -> (i32)  : i32 {
      %mul3A_19 = arith.constant 16 : i32
      %mul3A_20 = arith.muli %scan3A_17, %mul3A_19 : i32
      %swap3A = arith.index_cast %mul3A_20 : i32 to index
      %swap3A_21 = tpu.vector_load %arg6[%swap3A] {strides = array<i32>} : memref<10240xf32, #tpu.memory_space<vmem>>, vector<16xf32>,
      tpu.vector_store %arg6[%swap3A], %broadcast_in_dim3A_1 {strides = array<i32>} : memref<10240xf32, #tpu.memory_space<vmem>>, vector<16xf32>,
      %mul3A_22 = arith.constant 16 : i32
      %mul3A_23 = arith.muli %scan3A_17, %mul3A_22 : i32
      %swap3A_24 = arith.index_cast %mul3A_23 : i32 to index
      %swap3A_25 = tpu.vector_load %arg7[%swap3A_24] {strides = array<i32>} : memref<10240xf32, #tpu.memory_space<vmem>>, vector<16xf32>,
      tpu.vector_store %arg7[%swap3A_24], %broadcast_in_dim3A_1 {strides = array<i32>} : memref<10240xf32, #tpu.memory_space<vmem>>, vector<16xf32>,
      %scan3A_26 = arith.constant 0 : i32
      scf.yield %scan3A_26 : i32
    }
    %scan3A_7 = arith.constant 640 : i32
    %broadcast_in_dim3A_8 = arith.constant 1.000000e+00 : f32
    %broadcast_in_dim3A_9 = vector.broadcast %broadcast_in_dim3A_8 : f32 to vector<16xf32>
    %scan3A_10 = arith.constant 0 : i32
    %scan3A_11 = arith.constant 0 : i32
    %scan3A_12 = arith.constant 80 : i32
    %scan3A_13 = arith.addi %scan3A_11, %scan3A_12 : i32
    %scan3A_14 = arith.constant 1 : i32
    %scan3A_15 = scf.for %scan3A_17 = %scan3A_11 to %scan3A_13 step %scan3A_14 iter_args(%scan3A_18 = %scan3A_10) -> (i32)  : i32 {
      %get3A = arith.constant 0 : i32
      %get3A_19 = arith.index_cast %scan3A_17 : i32 to index
      %get3A_20 = arith.index_cast %get3A : i32 to index
      %get3A_21 = arith.constant 0 : index
      %get3A_22 = tpu.vector_load %arg5[%get3A_19, %get3A_20, %get3A_21] {strides = array<i32>} : memref<80x2x128xi32, #tpu.memory_space<vmem>>, vector<16xi32>,
      tpu.vector_store_idx %arg6[%get3A_22], %broadcast_in_dim3A_9 {add = true} : memref<10240xf32, #tpu.memory_space<vmem>>[vector<16xi32>], vector<16xf32>,
      %get3A_23 = arith.constant 1 : i32
      %get3A_24 = arith.index_cast %scan3A_17 : i32 to index
      %get3A_25 = arith.index_cast %get3A_23 : i32 to index
      %get3A_26 = arith.constant 0 : index
      %get3A_27 = tpu.vector_load %arg5[%get3A_24, %get3A_25, %get3A_26] {strides = array<i32>} : memref<80x2x128xi32, #tpu.memory_space<vmem>>, vector<16xi32>,
      tpu.vector_store_idx %arg7[%get3A_27], %broadcast_in_dim3A_9 {add = true} : memref<10240xf32, #tpu.memory_space<vmem>>[vector<16xi32>], vector<16xf32>,
      %get3A_28 = arith.constant 0 : i32
      %get3A_29 = arith.index_cast %scan3A_17 : i32 to index
      %get3A_30 = arith.index_cast %get3A_28 : i32 to index
      %get3A_31 = arith.constant 16 : index
      %get3A_32 = tpu.vector_load %arg5[%get3A_29, %get3A_30, %get3A_31] {strides = array<i32>} : memref<80x2x128xi32, #tpu.memory_space<vmem>>, vector<16xi32>,
      tpu.vector_store_idx %arg6[%get3A_32], %broadcast_in_dim3A_9 {add = true} : memref<10240xf32, #tpu.memory_space<vmem>>[vector<16xi32>], vector<16xf32>,
      %get3A_33 = arith.constant 1 : i32
      %get3A_34 = arith.index_cast %scan3A_17 : i32 to index
      %get3A_35 = arith.index_cast %get3A_33 : i32 to index
      %get3A_36 = arith.constant 16 : index
      %get3A_37 = tpu.vector_load %arg5[%get3A_34, %get3A_35, %get3A_36] {strides = array<i32>} : memref<80x2x128xi32, #tpu.memory_space<vmem>>, vector<16xi32>,
      tpu.vector_store_idx %arg7[%get3A_37], %broadcast_in_dim3A_9 {add = true} : memref<10240xf32, #tpu.memory_space<vmem>>[vector<16xi32>], vector<16xf32>,
      %get3A_38 = arith.constant 0 : i32
      %get3A_39 = arith.index_cast %scan3A_17 : i32 to index
      %get3A_40 = arith.index_cast %get3A_38 : i32 to index
      %get3A_41 = arith.constant 32 : index
      %get3A_42 = tpu.vector_load %arg5[%get3A_39, %get3A_40, %get3A_41] {strides = array<i32>} : memref<80x2x128xi32, #tpu.memory_space<vmem>>, vector<16xi32>,
      tpu.vector_store_idx %arg6[%get3A_42], %broadcast_in_dim3A_9 {add = true} : memref<10240xf32, #tpu.memory_space<vmem>>[vector<16xi32>], vector<16xf32>,
      %get3A_43 = arith.constant 1 : i32
      %get3A_44 = arith.index_cast %scan3A_17 : i32 to index
      %get3A_45 = arith.index_cast %get3A_43 : i32 to index
      %get3A_46 = arith.constant 32 : index
      %get3A_47 = tpu.vector_load %arg5[%get3A_44, %get3A_45, %get3A_46] {strides = array<i32>} : memref<80x2x128xi32, #tpu.memory_space<vmem>>, vector<16xi32>,
      tpu.vector_store_idx %arg7[%get3A_47], %broadcast_in_dim3A_9 {add = true} : memref<10240xf32, #tpu.memory_space<vmem>>[vector<16xi32>], vector<16xf32>,
      %get3A_48 = arith.constant 0 : i32
      %get3A_49 = arith.index_cast %scan3A_17 : i32 to index
      %get3A_50 = arith.index_cast %get3A_48 : i32 to index
      %get3A_51 = arith.constant 48 : index
      %get3A_52 = tpu.vector_load %arg5[%get3A_49, %get3A_50, %get3A_51] {strides = array<i32>} : memref<80x2x128xi32, #tpu.memory_space<vmem>>, vector<16xi32>,
      tpu.vector_store_idx %arg6[%get3A_52], %broadcast_in_dim3A_9 {add = true} : memref<10240xf32, #tpu.memory_space<vmem>>[vector<16xi32>], vector<16xf32>,
      %get3A_53 = arith.constant 1 : i32
      %get3A_54 = arith.index_cast %scan3A_17 : i32 to index
      %get3A_55 = arith.index_cast %get3A_53 : i32 to index
      %get3A_56 = arith.constant 48 : index
      %get3A_57 = tpu.vector_load %arg5[%get3A_54, %get3A_55, %get3A_56] {strides = array<i32>} : memref<80x2x128xi32, #tpu.memory_space<vmem>>, vector<16xi32>,
      tpu.vector_store_idx %arg7[%get3A_57], %broadcast_in_dim3A_9 {add = true} : memref<10240xf32, #tpu.memory_space<vmem>>[vector<16xi32>], vector<16xf32>,
      %get3A_58 = arith.constant 0 : i32
      %get3A_59 = arith.index_cast %scan3A_17 : i32 to index
      %get3A_60 = arith.index_cast %get3A_58 : i32 to index
      %get3A_61 = arith.constant 64 : index
      %get3A_62 = tpu.vector_load %arg5[%get3A_59, %get3A_60, %get3A_61] {strides = array<i32>} : memref<80x2x128xi32, #tpu.memory_space<vmem>>, vector<16xi32>,
      tpu.vector_store_idx %arg6[%get3A_62], %broadcast_in_dim3A_9 {add = true} : memref<10240xf32, #tpu.memory_space<vmem>>[vector<16xi32>], vector<16xf32>,
      %get3A_63 = arith.constant 1 : i32
      %get3A_64 = arith.index_cast %scan3A_17 : i32 to index
      %get3A_65 = arith.index_cast %get3A_63 : i32 to index
      %get3A_66 = arith.constant 64 : index
      %get3A_67 = tpu.vector_load %arg5[%get3A_64, %get3A_65, %get3A_66] {strides = array<i32>} : memref<80x2x128xi32, #tpu.memory_space<vmem>>, vector<16xi32>,
      tpu.vector_store_idx %arg7[%get3A_67], %broadcast_in_dim3A_9 {add = true} : memref<10240xf32, #tpu.memory_space<vmem>>[vector<16xi32>], vector<16xf32>,
      %get3A_68 = arith.constant 0 : i32
      %get3A_69 = arith.index_cast %scan3A_17 : i32 to index
      %get3A_70 = arith.index_cast %get3A_68 : i32 to index
      %get3A_71 = arith.constant 80 : index
      %get3A_72 = tpu.vector_load %arg5[%get3A_69, %get3A_70, %get3A_71] {strides = array<i32>} : memref<80x2x128xi32, #tpu.memory_space<vmem>>, vector<16xi32>,
      tpu.vector_store_idx %arg6[%get3A_72], %broadcast_in_dim3A_9 {add = true} : memref<10240xf32, #tpu.memory_space<vmem>>[vector<16xi32>], vector<16xf32>,
      %get3A_73 = arith.constant 1 : i32
      %get3A_74 = arith.index_cast %scan3A_17 : i32 to index
      %get3A_75 = arith.index_cast %get3A_73 : i32 to index
      %get3A_76 = arith.constant 80 : index
      %get3A_77 = tpu.vector_load %arg5[%get3A_74, %get3A_75, %get3A_76] {strides = array<i32>} : memref<80x2x128xi32, #tpu.memory_space<vmem>>, vector<16xi32>,
      tpu.vector_store_idx %arg7[%get3A_77], %broadcast_in_dim3A_9 {add = true} : memref<10240xf32, #tpu.memory_space<vmem>>[vector<16xi32>], vector<16xf32>,
      %get3A_78 = arith.constant 0 : i32
      %get3A_79 = arith.index_cast %scan3A_17 : i32 to index
      %get3A_80 = arith.index_cast %get3A_78 : i32 to index
      %get3A_81 = arith.constant 96 : index
      %get3A_82 = tpu.vector_load %arg5[%get3A_79, %get3A_80, %get3A_81] {strides = array<i32>} : memref<80x2x128xi32, #tpu.memory_space<vmem>>, vector<16xi32>,
      tpu.vector_store_idx %arg6[%get3A_82], %broadcast_in_dim3A_9 {add = true} : memref<10240xf32, #tpu.memory_space<vmem>>[vector<16xi32>], vector<16xf32>,
      %get3A_83 = arith.constant 1 : i32
      %get3A_84 = arith.index_cast %scan3A_17 : i32 to index
      %get3A_85 = arith.index_cast %get3A_83 : i32 to index
      %get3A_86 = arith.constant 96 : index
      %get3A_87 = tpu.vector_load %arg5[%get3A_84, %get3A_85, %get3A_86] {strides = array<i32>} : memref<80x2x128xi32, #tpu.memory_space<vmem>>, vector<16xi32>,
      tpu.vector_store_idx %arg7[%get3A_87], %broadcast_in_dim3A_9 {add = true} : memref<10240xf32, #tpu.memory_space<vmem>>[vector<16xi32>], vector<16xf32>,
      %get3A_88 = arith.constant 0 : i32
      %get3A_89 = arith.index_cast %scan3A_17 : i32 to index
      %get3A_90 = arith.index_cast %get3A_88 : i32 to index
      %get3A_91 = arith.constant 112 : index
      %get3A_92 = tpu.vector_load %arg5[%get3A_89, %get3A_90, %get3A_91] {strides = array<i32>} : memref<80x2x128xi32, #tpu.memory_space<vmem>>, vector<16xi32>,
      tpu.vector_store_idx %arg6[%get3A_92], %broadcast_in_dim3A_9 {add = true} : memref<10240xf32, #tpu.memory_space<vmem>>[vector<16xi32>], vector<16xf32>,
      %get3A_93 = arith.constant 1 : i32
      %get3A_94 = arith.index_cast %scan3A_17 : i32 to index
      %get3A_95 = arith.index_cast %get3A_93 : i32 to index
      %get3A_96 = arith.constant 112 : index
      %get3A_97 = tpu.vector_load %arg5[%get3A_94, %get3A_95, %get3A_96] {strides = array<i32>} : memref<80x2x128xi32, #tpu.memory_space<vmem>>, vector<16xi32>,
      tpu.vector_store_idx %arg7[%get3A_97], %broadcast_in_dim3A_9 {add = true} : memref<10240xf32, #tpu.memory_space<vmem>>[vector<16xi32>], vector<16xf32>,
      %scan3A_98 = arith.constant 0 : i32
      scf.yield %scan3A_98 : i32
    }
    %scan3A_16 = arith.constant 80 : i32
    "tpu.region"() ({
      %run_scoped3A = tpu.sem_alloc : memref<!tpu.dma_semaphore, #tpu.memory_space<semaphore_mem>>
      %dma_start3A = arith.constant 0 : i32
      %dma_start3A_17 = tpu.memref_slice %arg3[%arg0, %arg1, %dma_start3A] : memref<2x16x10240xf32, #tpu.memory_space<hbm>> -> memref<1x1x10240xf32, #tpu.memory_space<hbm>>
      %dma_start3A_18 = tpu.memref_squeeze %dma_start3A_17 : memref<1x1x10240xf32, #tpu.memory_space<hbm>> -> memref<10240xf32, #tpu.memory_space<hbm>>
      %dma_start3A_19 = arith.constant 0 : i32
      %dma_start3A_20 = tpu.memref_slice %arg3[%arg0, %arg1, %dma_start3A_19] : memref<2x16x10240xf32, #tpu.memory_space<hbm>> -> memref<1x1x10240xf32, #tpu.memory_space<hbm>>
      %dma_start3A_21 = tpu.memref_squeeze %dma_start3A_20 : memref<1x1x10240xf32, #tpu.memory_space<hbm>> -> memref<10240xf32, #tpu.memory_space<hbm>>
      tpu.enqueue_dma source(%arg6 : memref<10240xf32, #tpu.memory_space<vmem>>) target(%dma_start3A_21 : memref<10240xf32, #tpu.memory_space<hbm>>) target_semaphore(%run_scoped3A : memref<!tpu.dma_semaphore, #tpu.memory_space<semaphore_mem>>)
      %dma_wait3A = arith.constant 0 : i32
      %dma_wait3A_22 = tpu.memref_slice %arg3[%arg0, %arg1, %dma_wait3A] : memref<2x16x10240xf32, #tpu.memory_space<hbm>> -> memref<1x1x10240xf32, #tpu.memory_space<hbm>>
      %dma_wait3A_23 = tpu.memref_squeeze %dma_wait3A_22 : memref<1x1x10240xf32, #tpu.memory_space<hbm>> -> memref<10240xf32, #tpu.memory_space<hbm>>
      %dma_wait3A_24 = arith.constant 0 : i32
      %dma_wait3A_25 = tpu.memref_slice %arg3[%arg0, %arg1, %dma_wait3A_24] : memref<2x16x10240xf32, #tpu.memory_space<hbm>> -> memref<1x1x10240xf32, #tpu.memory_space<hbm>>
      %dma_wait3A_26 = tpu.memref_squeeze %dma_wait3A_25 : memref<1x1x10240xf32, #tpu.memory_space<hbm>> -> memref<10240xf32, #tpu.memory_space<hbm>>
      tpu.wait_dma2 semaphore(%run_scoped3A : memref<!tpu.dma_semaphore, #tpu.memory_space<semaphore_mem>>) src(%arg6 : memref<10240xf32, #tpu.memory_space<vmem>>) dst(%dma_wait3A_26 : memref<10240xf32, #tpu.memory_space<hbm>>)
      tpu.yield
    }) : () -> ()
    "tpu.region"() ({
      %run_scoped3A = tpu.sem_alloc : memref<!tpu.dma_semaphore, #tpu.memory_space<semaphore_mem>>
      %dma_start3A = arith.constant 0 : i32
      %dma_start3A_17 = tpu.memref_slice %arg4[%arg0, %arg1, %dma_start3A] : memref<2x16x10240xf32, #tpu.memory_space<hbm>> -> memref<1x1x10240xf32, #tpu.memory_space<hbm>>
      %dma_start3A_18 = tpu.memref_squeeze %dma_start3A_17 : memref<1x1x10240xf32, #tpu.memory_space<hbm>> -> memref<10240xf32, #tpu.memory_space<hbm>>
      %dma_start3A_19 = arith.constant 0 : i32
      %dma_start3A_20 = tpu.memref_slice %arg4[%arg0, %arg1, %dma_start3A_19] : memref<2x16x10240xf32, #tpu.memory_space<hbm>> -> memref<1x1x10240xf32, #tpu.memory_space<hbm>>
      %dma_start3A_21 = tpu.memref_squeeze %dma_start3A_20 : memref<1x1x10240xf32, #tpu.memory_space<hbm>> -> memref<10240xf32, #tpu.memory_space<hbm>>
      tpu.enqueue_dma source(%arg7 : memref<10240xf32, #tpu.memory_space<vmem>>) target(%dma_start3A_21 : memref<10240xf32, #tpu.memory_space<hbm>>) target_semaphore(%run_scoped3A : memref<!tpu.dma_semaphore, #tpu.memory_space<semaphore_mem>>)
      %dma_wait3A = arith.constant 0 : i32
      %dma_wait3A_22 = tpu.memref_slice %arg4[%arg0, %arg1, %dma_wait3A] : memref<2x16x10240xf32, #tpu.memory_space<hbm>> -> memref<1x1x10240xf32, #tpu.memory_space<hbm>>
      %dma_wait3A_23 = tpu.memref_squeeze %dma_wait3A_22 : memref<1x1x10240xf32, #tpu.memory_space<hbm>> -> memref<10240xf32, #tpu.memory_space<hbm>>
      %dma_wait3A_24 = arith.constant 0 : i32
      %dma_wait3A_25 = tpu.memref_slice %arg4[%arg0, %arg1, %dma_wait3A_24] : memref<2x16x10240xf32, #tpu.memory_space<hbm>> -> memref<1x1x10240xf32, #tpu.memory_space<hbm>>
      %dma_wait3A_26 = tpu.memref_squeeze %dma_wait3A_25 : memref<1x1x10240xf32, #tpu.memory_space<hbm>> -> memref<10240xf32, #tpu.memory_space<hbm>>
      tpu.wait_dma2 semaphore(%run_scoped3A : memref<!tpu.dma_semaphore, #tpu.memory_space<semaphore_mem>>) src(%arg7 : memref<10240xf32, #tpu.memory_space<vmem>>) dst(%dma_wait3A_26 : memref<10240xf32, #tpu.memory_space<hbm>>)
      tpu.yield
    }) : () -> ()
    return
  }
}

module attributes {stable_mosaic.version = 14 : i64} {
  func.func @body(%arg0: memref<10000x128xf32, #tpu.memory_space<vmem>>, %arg1: memref<128x128xf32, #tpu.memory_space<vmem>>, %arg2: memref<128xf32, #tpu.memory_space<vmem>>, %arg3: memref<128xf32, #tpu.memory_space<vmem>>, %arg4: memref<10000x128xf32, #tpu.memory_space<vmem>>) attributes {dimension_semantics = [], scalar_prefetch = 0 : i64, scratch_operands = 0 : i64, tpu.core_type = #tpu.core_type<tc>} {
    %get3A = arith.constant 0 : index
    %get3A_0 = arith.constant 0 : index
    %get3A_1 = vector.load %arg0[%get3A, %get3A_0] : memref<10000x128xf32, #tpu.memory_space<vmem>>, vector<10000x128xf32>
    %reduce_sum3A = arith.constant dense<0.000000e+00> : vector<128xf32>
    %reduce_sum3A_2 = vector.multi_reduction <add>, %get3A_1, %reduce_sum3A [0] : vector<10000x128xf32> to vector<128xf32>
    %broadcast_in_dim3A = vector.shape_cast %reduce_sum3A_2 : vector<128xf32> to vector<1x128xf32>
    %div3A = arith.constant 1.000000e+04 : f32
    %div3A_3 = vector.broadcast %div3A : f32 to vector<1x128xf32>
    %div3A_4 = arith.divf %broadcast_in_dim3A, %div3A_3 : vector<1x128xf32>
    %sub3A = vector.broadcast %div3A_4 : vector<1x128xf32> to vector<10000x128xf32>
    %sub3A_5 = arith.subf %get3A_1, %sub3A : vector<10000x128xf32>
    %integer_pow3A = arith.mulf %sub3A_5, %sub3A_5 : vector<10000x128xf32>
    %reduce_sum3A_6 = arith.constant dense<0.000000e+00> : vector<128xf32>
    %reduce_sum3A_7 = vector.multi_reduction <add>, %integer_pow3A, %reduce_sum3A_6 [0] : vector<10000x128xf32> to vector<128xf32>
    %broadcast_in_dim3A_8 = vector.shape_cast %reduce_sum3A_7 : vector<128xf32> to vector<1x128xf32>
    %div3A_9 = arith.constant 1.000000e+04 : f32
    %div3A_10 = vector.broadcast %div3A_9 : f32 to vector<1x128xf32>
    %div3A_11 = arith.divf %broadcast_in_dim3A_8, %div3A_10 : vector<1x128xf32>
    %sub3A_12 = vector.broadcast %div3A_4 : vector<1x128xf32> to vector<10000x128xf32>
    %sub3A_13 = arith.subf %get3A_1, %sub3A_12 : vector<10000x128xf32>
    %add3A = arith.constant 9.99999974E-6 : f32
    %add3A_14 = vector.broadcast %add3A : f32 to vector<1x128xf32>
    %add3A_15 = arith.addf %div3A_11, %add3A_14 : vector<1x128xf32>
    %rsqrt3A = math.rsqrt %add3A_15 : vector<1x128xf32>
    %mul3A = vector.broadcast %rsqrt3A : vector<1x128xf32> to vector<10000x128xf32>
    %mul3A_16 = arith.mulf %sub3A_13, %mul3A : vector<10000x128xf32>
    %get3A_17 = arith.constant 0 : index
    %get3A_18 = vector.load %arg2[%get3A_17] : memref<128xf32, #tpu.memory_space<vmem>>, vector<128xf32>
    %broadcast_in_dim3A_19 = vector.shape_cast %get3A_18 : vector<128xf32> to vector<1x128xf32>
    %mul3A_20 = vector.broadcast %broadcast_in_dim3A_19 : vector<1x128xf32> to vector<10000x128xf32>
    %mul3A_21 = arith.mulf %mul3A_16, %mul3A_20 : vector<10000x128xf32>
    %get3A_22 = arith.constant 0 : index
    %get3A_23 = vector.load %arg3[%get3A_22] : memref<128xf32, #tpu.memory_space<vmem>>, vector<128xf32>
    %broadcast_in_dim3A_24 = vector.shape_cast %get3A_23 : vector<128xf32> to vector<1x128xf32>
    %add3A_25 = vector.broadcast %broadcast_in_dim3A_24 : vector<1x128xf32> to vector<10000x128xf32>
    %add3A_26 = arith.addf %mul3A_21, %add3A_25 : vector<10000x128xf32>
    %get3A_27 = arith.constant 0 : index
    %get3A_28 = arith.constant 0 : index
    %get3A_29 = vector.load %arg1[%get3A_27, %get3A_28] : memref<128x128xf32, #tpu.memory_space<vmem>>, vector<128x128xf32>
    %dot_general3A = arith.constant dense<0.000000e+00> : vector<10000x128xf32>
    %dot_general3A_30 = tpu.matmul %add3A_26, %get3A_29, %dot_general3A {dimension_numbers = #tpu.dot_dimension_numbers<[1], [0], [0], [1], [0, 0, 1, 1], [], []>, transpose_lhs_hint = false} : vector<10000x128xf32>, vector<128x128xf32>, vector<10000x128xf32> -> vector<10000x128xf32>
    %swap3A = arith.constant 0 : index
    %swap3A_31 = arith.constant 0 : index
    %swap3A_32 = vector.load %arg4[%swap3A, %swap3A_31] : memref<10000x128xf32, #tpu.memory_space<vmem>>, vector<10000x128xf32>
    tpu.vector_store %arg4[%swap3A, %swap3A_31], %dot_general3A_30 {strides = array<i32>} : memref<10000x128xf32, #tpu.memory_space<vmem>>, vector<10000x128xf32>,
    return
  }
}

module attributes {stable_mosaic.version = 14 : i64} {
  func.func @body(%arg0: memref<10000x128xf32, #tpu.memory_space<vmem>>, %arg1: memref<2x16x10240xf32, #tpu.memory_space<vmem>>, %arg2: memref<2x16x10240xf32, #tpu.memory_space<vmem>>, %arg3: memref<2x10240x64xf32, #tpu.memory_space<vmem>>, %arg4: memref<2x10240xf32, #tpu.memory_space<vmem>>) attributes {dimension_semantics = [], scalar_prefetch = 0 : i64, scratch_operands = 0 : i64, tpu.core_type = #tpu.core_type<tc>} {
    %get3A = arith.constant 0 : index
    %get3A_0 = arith.constant 0 : index
    %get3A_1 = arith.constant 0 : index
    %get3A_2 = vector.load %arg1[%get3A, %get3A_0, %get3A_1] : memref<2x16x10240xf32, #tpu.memory_space<vmem>>, vector<2x16x10240xf32>
    %reduce_sum3A = arith.constant dense<0.000000e+00> : vector<10240xf32>
    %reduce_sum3A_3 = vector.multi_reduction <add>, %get3A_2, %reduce_sum3A [0, 1] : vector<2x16x10240xf32> to vector<10240xf32>
    %get3A_4 = arith.constant 0 : index
    %get3A_5 = arith.constant 0 : index
    %get3A_6 = arith.constant 0 : index
    %get3A_7 = vector.load %arg2[%get3A_4, %get3A_5, %get3A_6] : memref<2x16x10240xf32, #tpu.memory_space<vmem>>, vector<2x16x10240xf32>
    %reduce_sum3A_8 = arith.constant dense<0.000000e+00> : vector<10240xf32>
    %reduce_sum3A_9 = vector.multi_reduction <add>, %get3A_7, %reduce_sum3A_8 [0, 1] : vector<2x16x10240xf32> to vector<10240xf32>
    %gt3A = arith.constant 0.000000e+00 : f32
    %gt3A_10 = vector.broadcast %gt3A : f32 to vector<10240xf32>
    %gt3A_11 = arith.cmpf ogt, %reduce_sum3A_3, %gt3A_10 : vector<10240xf32>
    %jit3A = arith.constant 1.000000e+00 : f32
    %broadcast_in_dim3A = vector.broadcast %jit3A : f32 to vector<10240xf32>
    %select_n3A = arith.select %gt3A_11, %reduce_sum3A_3, %broadcast_in_dim3A : vector<10240xi1>, vector<10240xf32>
    %rsqrt3A = math.rsqrt %select_n3A : vector<10240xf32>
    %gt3A_12 = arith.constant 0.000000e+00 : f32
    %gt3A_13 = vector.broadcast %gt3A_12 : f32 to vector<10240xf32>
    %gt3A_14 = arith.cmpf ogt, %reduce_sum3A_9, %gt3A_13 : vector<10240xf32>
    %jit3A_15 = arith.constant 1.000000e+00 : f32
    %broadcast_in_dim3A_16 = vector.broadcast %jit3A_15 : f32 to vector<10240xf32>
    %select_n3A_17 = arith.select %gt3A_14, %reduce_sum3A_9, %broadcast_in_dim3A_16 : vector<10240xi1>, vector<10240xf32>
    %rsqrt3A_18 = math.rsqrt %select_n3A_17 : vector<10240xf32>
    %swap3A = arith.constant 0 : index
    %swap3A_19 = arith.constant 0 : index
    %swap3A_20 = vector.load %arg4[%swap3A, %swap3A_19] : memref<2x10240xf32, #tpu.memory_space<vmem>>, vector<1x10240xf32>
    %swap3A_21 = vector.shape_cast %swap3A_20 : vector<1x10240xf32> to vector<10240xf32>
    %swap3A_22 = vector.shape_cast %rsqrt3A : vector<10240xf32> to vector<1x10240xf32>
    tpu.vector_store %arg4[%swap3A, %swap3A_19], %swap3A_22 {strides = array<i32>} : memref<2x10240xf32, #tpu.memory_space<vmem>>, vector<1x10240xf32>,
    %swap3A_23 = arith.constant 1 : index
    %swap3A_24 = arith.constant 0 : index
    %swap3A_25 = vector.load %arg4[%swap3A_23, %swap3A_24] : memref<2x10240xf32, #tpu.memory_space<vmem>>, vector<1x10240xf32>
    %swap3A_26 = vector.shape_cast %swap3A_25 : vector<1x10240xf32> to vector<10240xf32>
    %swap3A_27 = vector.shape_cast %rsqrt3A_18 : vector<10240xf32> to vector<1x10240xf32>
    tpu.vector_store %arg4[%swap3A_23, %swap3A_24], %swap3A_27 {strides = array<i32>} : memref<2x10240xf32, #tpu.memory_space<vmem>>, vector<1x10240xf32>,
    %get3A_28 = arith.constant 0 : index
    %get3A_29 = arith.constant 0 : index
    %get3A_30 = vector.load %arg0[%get3A_28, %get3A_29] : memref<10000x128xf32, #tpu.memory_space<vmem>>, vector<10000x128xf32>
    %slice3A = vector.extract_strided_slice %rsqrt3A {offsets = [0], sizes = [10000], strides = [1]} : vector<10240xf32> to vector<10000xf32>
    %broadcast_in_dim3A_31 = vector.shape_cast %slice3A : vector<10000xf32> to vector<10000x1xf32>
    %mul3A = vector.broadcast %broadcast_in_dim3A_31 : vector<10000x1xf32> to vector<10000x128xf32>
    %mul3A_32 = arith.mulf %get3A_30, %mul3A : vector<10000x128xf32>
    %slice3A_33 = vector.extract_strided_slice %mul3A_32 {offsets = [0, 0], sizes = [10000, 64], strides = [1, 1]} : vector<10000x128xf32> to vector<10000x64xf32>
    %swap3A_34 = arith.constant 0 : index
    %swap3A_35 = arith.constant 0 : index
    %swap3A_36 = arith.constant 0 : index
    %swap3A_37 = vector.load %arg3[%swap3A_34, %swap3A_35, %swap3A_36] : memref<2x10240x64xf32, #tpu.memory_space<vmem>>, vector<1x10000x64xf32>
    %swap3A_38 = vector.shape_cast %swap3A_37 : vector<1x10000x64xf32> to vector<10000x64xf32>
    %swap3A_39 = vector.shape_cast %slice3A_33 : vector<10000x64xf32> to vector<1x10000x64xf32>
    tpu.vector_store %arg3[%swap3A_34, %swap3A_35, %swap3A_36], %swap3A_39 {strides = array<i32>} : memref<2x10240x64xf32, #tpu.memory_space<vmem>>, vector<1x10000x64xf32>,
    %broadcast_in_dim3A_40 = arith.constant 0.000000e+00 : f32
    %broadcast_in_dim3A_41 = vector.broadcast %broadcast_in_dim3A_40 : f32 to vector<240x64xf32>
    %swap3A_42 = arith.constant 0 : index
    %swap3A_43 = arith.constant 10000 : index
    %swap3A_44 = arith.constant 0 : index
    %swap3A_45 = vector.load %arg3[%swap3A_42, %swap3A_43, %swap3A_44] : memref<2x10240x64xf32, #tpu.memory_space<vmem>>, vector<1x240x64xf32>
    %swap3A_46 = vector.shape_cast %swap3A_45 : vector<1x240x64xf32> to vector<240x64xf32>
    %swap3A_47 = vector.shape_cast %broadcast_in_dim3A_41 : vector<240x64xf32> to vector<1x240x64xf32>
    tpu.vector_store %arg3[%swap3A_42, %swap3A_43, %swap3A_44], %swap3A_47 {strides = array<i32>} : memref<2x10240x64xf32, #tpu.memory_space<vmem>>, vector<1x240x64xf32>,
    %slice3A_48 = vector.extract_strided_slice %mul3A_32 {offsets = [0, 64], sizes = [10000, 64], strides = [1, 1]} : vector<10000x128xf32> to vector<10000x64xf32>
    %swap3A_49 = arith.constant 1 : index
    %swap3A_50 = arith.constant 0 : index
    %swap3A_51 = arith.constant 0 : index
    %swap3A_52 = vector.load %arg3[%swap3A_49, %swap3A_50, %swap3A_51] : memref<2x10240x64xf32, #tpu.memory_space<vmem>>, vector<1x10000x64xf32>
    %swap3A_53 = vector.shape_cast %swap3A_52 : vector<1x10000x64xf32> to vector<10000x64xf32>
    %swap3A_54 = vector.shape_cast %slice3A_48 : vector<10000x64xf32> to vector<1x10000x64xf32>
    tpu.vector_store %arg3[%swap3A_49, %swap3A_50, %swap3A_51], %swap3A_54 {strides = array<i32>} : memref<2x10240x64xf32, #tpu.memory_space<vmem>>, vector<1x10000x64xf32>,
    %broadcast_in_dim3A_55 = arith.constant 0.000000e+00 : f32
    %broadcast_in_dim3A_56 = vector.broadcast %broadcast_in_dim3A_55 : f32 to vector<240x64xf32>
    %swap3A_57 = arith.constant 1 : index
    %swap3A_58 = arith.constant 10000 : index
    %swap3A_59 = arith.constant 0 : index
    %swap3A_60 = vector.load %arg3[%swap3A_57, %swap3A_58, %swap3A_59] : memref<2x10240x64xf32, #tpu.memory_space<vmem>>, vector<1x240x64xf32>
    %swap3A_61 = vector.shape_cast %swap3A_60 : vector<1x240x64xf32> to vector<240x64xf32>
    %swap3A_62 = vector.shape_cast %broadcast_in_dim3A_56 : vector<240x64xf32> to vector<1x240x64xf32>
    tpu.vector_store %arg3[%swap3A_57, %swap3A_58, %swap3A_59], %swap3A_62 {strides = array<i32>} : memref<2x10240x64xf32, #tpu.memory_space<vmem>>, vector<1x240x64xf32>,
    return
  }
}

module attributes {stable_mosaic.version = 14 : i64} {
  func.func @body(%arg0: memref<2x10240x64xf32, #tpu.memory_space<vmem>>, %arg1: memref<2x10240xf32, #tpu.memory_space<vmem>>, %arg2: memref<2x10240xf32, #tpu.memory_space<vmem>>, %arg3: memref<128xf32, #tpu.memory_space<vmem>>, %arg4: memref<128x128xf32, #tpu.memory_space<vmem>>, %arg5: memref<128xf32, #tpu.memory_space<vmem>>, %arg6: memref<128x1xf32, #tpu.memory_space<vmem>>, %arg7: memref<1xf32, #tpu.memory_space<vmem>>, %arg8: memref<1x1xf32, #tpu.memory_space<vmem>>) attributes {dimension_semantics = [], scalar_prefetch = 0 : i64, scratch_operands = 0 : i64, tpu.core_type = #tpu.core_type<tc>} {
    %get3A = arith.constant 0 : index
    %get3A_0 = arith.constant 0 : index
    %get3A_1 = arith.constant 0 : index
    %get3A_2 = vector.load %arg0[%get3A, %get3A_0, %get3A_1] : memref<2x10240x64xf32, #tpu.memory_space<vmem>>, vector<1x10240x64xf32>
    %get3A_3 = vector.shape_cast %get3A_2 : vector<1x10240x64xf32> to vector<10240x64xf32>
    %get3A_4 = arith.constant 1 : index
    %get3A_5 = arith.constant 0 : index
    %get3A_6 = arith.constant 0 : index
    %get3A_7 = vector.load %arg0[%get3A_4, %get3A_5, %get3A_6] : memref<2x10240x64xf32, #tpu.memory_space<vmem>>, vector<1x10240x64xf32>
    %get3A_8 = vector.shape_cast %get3A_7 : vector<1x10240x64xf32> to vector<10240x64xf32>
    %concatenate3A = tpu.concatenate %get3A_3, %get3A_8 in 1 : vector<10240x64xf32>, vector<10240x64xf32> -> vector<10240x128xf32>
    %slice3A = vector.extract_strided_slice %concatenate3A {offsets = [0, 0], sizes = [10000, 128], strides = [1, 1]} : vector<10240x128xf32> to vector<10000x128xf32>
    %get3A_9 = arith.constant 1 : index
    %get3A_10 = arith.constant 0 : index
    %get3A_11 = vector.load %arg2[%get3A_9, %get3A_10] : memref<2x10240xf32, #tpu.memory_space<vmem>>, vector<1x10000xf32>
    %get3A_12 = vector.shape_cast %get3A_11 : vector<1x10000xf32> to vector<10000xf32>
    %broadcast_in_dim3A = vector.shape_cast %get3A_12 : vector<10000xf32> to vector<10000x1xf32>
    %mul3A = vector.broadcast %broadcast_in_dim3A : vector<10000x1xf32> to vector<10000x128xf32>
    %mul3A_13 = arith.mulf %slice3A, %mul3A : vector<10000x128xf32>
    %get3A_14 = arith.constant 0 : index
    %get3A_15 = vector.load %arg3[%get3A_14] : memref<128xf32, #tpu.memory_space<vmem>>, vector<128xf32>
    %broadcast_in_dim3A_16 = vector.shape_cast %get3A_15 : vector<128xf32> to vector<1x128xf32>
    %add3A = vector.broadcast %broadcast_in_dim3A_16 : vector<1x128xf32> to vector<10000x128xf32>
    %add3A_17 = arith.addf %mul3A_13, %add3A : vector<10000x128xf32>
    %max3A = arith.constant 0.000000e+00 : f32
    %max3A_18 = vector.broadcast %max3A : f32 to vector<10000x128xf32>
    %max3A_19 = arith.maximumf %add3A_17, %max3A_18 : vector<10000x128xf32>
    %get3A_20 = arith.constant 0 : index
    %get3A_21 = arith.constant 0 : index
    %get3A_22 = vector.load %arg1[%get3A_20, %get3A_21] : memref<2x10240xf32, #tpu.memory_space<vmem>>, vector<1x10240xf32>
    %get3A_23 = vector.shape_cast %get3A_22 : vector<1x10240xf32> to vector<10240xf32>
    %get3A_24 = arith.constant 1 : index
    %get3A_25 = arith.constant 0 : index
    %get3A_26 = vector.load %arg1[%get3A_24, %get3A_25] : memref<2x10240xf32, #tpu.memory_space<vmem>>, vector<1x10240xf32>
    %get3A_27 = vector.shape_cast %get3A_26 : vector<1x10240xf32> to vector<10240xf32>
    %add3A_28 = arith.addf %get3A_23, %get3A_27 : vector<10240xf32>
    %get3A_29 = arith.constant 0 : index
    %get3A_30 = arith.constant 0 : index
    %get3A_31 = vector.load %arg2[%get3A_29, %get3A_30] : memref<2x10240xf32, #tpu.memory_space<vmem>>, vector<1x10000xf32>
    %get3A_32 = vector.shape_cast %get3A_31 : vector<1x10000xf32> to vector<10000xf32>
    %slice3A_33 = vector.extract_strided_slice %add3A_28 {offsets = [0], sizes = [10000], strides = [1]} : vector<10240xf32> to vector<10000xf32>
    %mul3A_34 = arith.mulf %get3A_32, %slice3A_33 : vector<10000xf32>
    %broadcast_in_dim3A_35 = vector.shape_cast %mul3A_34 : vector<10000xf32> to vector<1x10000xf32>
    %dot_general3A = arith.constant dense<0.000000e+00> : vector<1x128xf32>
    %dot_general3A_36 = tpu.matmul %broadcast_in_dim3A_35, %max3A_19, %dot_general3A {dimension_numbers = #tpu.dot_dimension_numbers<[1], [0], [0], [1], [0, 0, 1, 1], [], []>, transpose_lhs_hint = false} : vector<1x10000xf32>, vector<10000x128xf32>, vector<1x128xf32> -> vector<1x128xf32>
    %get3A_37 = arith.constant 0 : index
    %get3A_38 = arith.constant 0 : index
    %get3A_39 = vector.load %arg4[%get3A_37, %get3A_38] : memref<128x128xf32, #tpu.memory_space<vmem>>, vector<128x128xf32>
    %get3A_40 = arith.constant 0 : index
    %get3A_41 = arith.constant 0 : index
    %get3A_42 = vector.load %arg6[%get3A_40, %get3A_41] : memref<128x1xf32, #tpu.memory_space<vmem>>, vector<128x1xf32>
    %dot_general3A_43 = arith.constant dense<0.000000e+00> : vector<128x1xf32>
    %dot_general3A_44 = tpu.matmul %get3A_39, %get3A_42, %dot_general3A_43 {dimension_numbers = #tpu.dot_dimension_numbers<[1], [0], [0], [1], [0, 0, 1, 1], [], []>, transpose_lhs_hint = false} : vector<128x128xf32>, vector<128x1xf32>, vector<128x1xf32> -> vector<128x1xf32>
    %get3A_45 = arith.constant 0 : index
    %get3A_46 = vector.load %arg5[%get3A_45] : memref<128xf32, #tpu.memory_space<vmem>>, vector<128xf32>
    %broadcast_in_dim3A_47 = vector.shape_cast %get3A_46 : vector<128xf32> to vector<1x128xf32>
    %get3A_48 = arith.constant 0 : index
    %get3A_49 = arith.constant 0 : index
    %get3A_50 = vector.load %arg6[%get3A_48, %get3A_49] : memref<128x1xf32, #tpu.memory_space<vmem>>, vector<128x1xf32>
    %dot_general3A_51 = arith.constant dense<0.000000e+00> : vector<1x1xf32>
    %dot_general3A_52 = tpu.matmul %broadcast_in_dim3A_47, %get3A_50, %dot_general3A_51 {dimension_numbers = #tpu.dot_dimension_numbers<[1], [0], [0], [1], [0, 0, 1, 1], [], []>, transpose_lhs_hint = false} : vector<1x128xf32>, vector<128x1xf32>, vector<1x1xf32> -> vector<1x1xf32>
    %dot_general3A_53 = arith.constant dense<0.000000e+00> : vector<1x1xf32>
    %dot_general3A_54 = tpu.matmul %dot_general3A_36, %dot_general3A_44, %dot_general3A_53 {dimension_numbers = #tpu.dot_dimension_numbers<[1], [0], [0], [1], [0, 0, 1, 1], [], []>, transpose_lhs_hint = false} : vector<1x128xf32>, vector<128x1xf32>, vector<1x1xf32> -> vector<1x1xf32>
    %mul3A_55 = arith.constant 9.99999974E-5 : f32
    %mul3A_56 = vector.broadcast %mul3A_55 : f32 to vector<1x1xf32>
    %mul3A_57 = arith.mulf %dot_general3A_54, %mul3A_56 : vector<1x1xf32>
    %add3A_58 = arith.addf %mul3A_57, %dot_general3A_52 : vector<1x1xf32>
    %get3A_59 = arith.constant 0 : index
    %get3A_60 = vector.load %arg7[%get3A_59] : memref<1xf32, #tpu.memory_space<vmem>>, vector<1xf32>
    %broadcast_in_dim3A_61 = vector.shape_cast %get3A_60 : vector<1xf32> to vector<1x1xf32>
    %add3A_62 = arith.addf %add3A_58, %broadcast_in_dim3A_61 : vector<1x1xf32>
    %swap3A = arith.constant 0 : index
    %swap3A_63 = arith.constant 0 : index
    %swap3A_64 = vector.load %arg8[%swap3A, %swap3A_63] : memref<1x1xf32, #tpu.memory_space<vmem>>, vector<1x1xf32>
    tpu.vector_store %arg8[%swap3A, %swap3A_63], %add3A_62 {strides = array<i32>} : memref<1x1xf32, #tpu.memory_space<vmem>>, vector<1x1xf32>,
    return
  }
}

</mosaic_0001>

<sc_bundles>
// kernel: kernel.10.cloned.1.call-start
scs
__scs_entry_jumppad:
0x0: {  	(pc) =	sbr.rel $0x88, $3  }
0x1: {  	(tag) =	ssettag $0x0;
	lr =	simm.s32 $0x1  }
0x2: {  	[smem:$0x3F97] =	sst lr;
	_ =	strace $0xD0000000  }
0x3: {  	_ = 	snop  }
0x4: {  	_ = 	snop  }
0x5: {  	_ = 	snop  }
0x6: {  	_ = 	snop  }
0x7: {  	_ = 	snop  }
__scs_overlays_trampoline_lowered:
0x8: {  	[smem:$0x3FA6] =	sst s0  }
0x9: {  	[smem:$0x3FA7] =	sst s1  }
0xa: {  	[smem:$0x3FA8] =	sst s2  }
0xb: {  	[smem:$0x3FA9] =	sst s3  }
0xc: {  	[smem:$0x3FAA] =	sst s4  }
0xd: {  	[smem:$0x3FAB] =	sst s5  }
0xe: {  	[smem:$0x3FAC] =	sst s6  }
0xf: {  	[smem:$0x3FAD] =	sst s7  }
0x10: {  	[smem:$0x3FAE] =	sst s8  }
0x11: {  	[smem:$0x3FAF] =	sst s9;
	s0 =	simm.s32 @!p0 $0x0  }
0x12: {  	s1 =	sld [smem:$0x3F95];
	s0 =	simm.s32 @p0 $0x1  }
0x13: {  	[smem:$0x3FB0] =	sst s0;
	s0 =	simm.s32 @!p1 $0x0  }
0x14: {  	s2 =	sld [smem:$0x3F94];
	s0 =	simm.s32 @p1 $0x1  }
0x15: {  	[smem:$0x3FB1] =	sst s0;
	s0 =	simm.s32 @!p2 $0x0  }
0x16: {  	s3 =	sld [smem:$0x3FDB];
	s0 =	simm.s32 @p2 $0x1  }
0x17: {  	s4 =	simm.s32 $0x1BF5;
	[smem:$0x3FB3] =	sst s0  }
0x18: {  	s0 =	sld [smem:$0x3F96];
	_ =	swait.ge [sflag:s4], $0x0  }
0x19: {  	s7 =	sld [smem:$0x3F97]  }
0x1a: {  	s8 =	sadd.s32 $0xFFFFE003, lr  }
0x1b: {  	s9 =	sadd.s32 $0xFFFFFEF7, lr;
	s5 =	simm.s32 $0xFFFFFFFF;
	p2 =	slt.u32 s8, $0xFFFFF086  }
0x1c: {  	p1 =	slt.u32 s9, $0xF7A;
	s5 =	simm.s32 @!p2 $0x0  }
0x1d: {  	s5 =	simm.s32 @p1 $0x1;
	p0 =	seq.s32 s7, s2  }
0x1e: {  	s7 =	smul.u32 @!p0 $0xF7A, s2;
	p2 =	seq.s32 @!p0 s5, $0x0  }
0x1f: {  	s9 =	smul.u32 $0xF7A, s1;
	s8 =	simm.s32 @!p0 $0x1BF5;
	p2 =	por !p2, p0  }
0x20: {  	[sflag:s8] =	ssyncset.s32 @!p0 $0xFFFFF086;
	s6 =	sadd.s32 @!p0 s3, s7;
	s7 =	simm.s32 @!p0 $0x108  }
0x21: {  	s3 =	sadd.s32 s3, s9;
	s6 =	sadd.s32 @!p0 $0x88, s6;
	s7 =	simm.s32 @p2 $0x1082  }
0x22: {  	[simem:s7], [sflag:s8] =	dma.local @!p0 [hbm:s6], $0xF7A  }
0x23: {  	s9 =	sor.u32 $0xD0000000, s2;
	s6 =	simm.s32 $0x108;
	_ =	swait.ge @!p0 [sflag:s8], $0x0  }
0x24: {  	s3 =	sadd.s32 $0x88, s3;
	s6 =	simm.s32 @!p1 $0x1082;
	[sflag:s4] =	ssyncset.s32 $0xFFFFF086  }
0x25: {  	[simem:s6], [sflag:s4] =	dma.local [hbm:s3], $0xF7A  }
0x26: {  	[smem:$0x3F97] =	sst s1;
	(tag) =	ssettag s2;
	_ =	strace s9  }
0x27: {  	s1 =	sld [smem:$0x3FA7]  }
0x28: {  	s2 =	sld [smem:$0x3FA8]  }
0x29: {  	s4 =	sld [smem:$0x3FAA]  }
0x2a: {  	p0 =	seq.s32 s5, $0x0;
	s5 =	sld [smem:$0x3FAB]  }
0x2b: {  	s6 =	sld [smem:$0x3FAC]  }
0x2c: {  	s7 =	sld [smem:$0x3FAD]  }
0x2d: {  	s3 =	simm.s32 $0x108;
	s8 =	sld [smem:$0x3FAE]  }
0x2e: {  	s3 =	simm.s32 @!p0 $0x1082;
	s9 =	sld [smem:$0x3FAF]  }
0x2f: {  	lr =	sadd.s32 s0, s3;
	s0 =	sld [smem:$0x3FA6]  }
0x30: {  	s3 =	sld [smem:$0x3FA9]  }
0x31: {  	[smem:$0x3FB2] =	sst s10  }
0x32: {  	s10 =	sld [smem:$0x3FB0];
	_ =	sdelay $0x3  }
0x33: {  	p0 =	seq.s32 s10, $0x1;
	s10 =	sld [smem:$0x3FB2];
	_ =	sdelay $0x3  }
0x34: {  	[smem:$0x3FB2] =	sst s10  }
0x35: {  	s10 =	sld [smem:$0x3FB1];
	_ =	sdelay $0x3  }
0x36: {  	p1 =	seq.s32 s10, $0x1;
	s10 =	sld [smem:$0x3FB2];
	_ =	sdelay $0x3  }
0x37: {  	[smem:$0x3FB2] =	sst s10  }
0x38: {  	s10 =	sld [smem:$0x3FB3]  }
0x39: {  	_ = 	snop;
	(pc) =	sbr.ind lr, $3  }
0x3a: {  	_ = 	snop  }
0x3b: {  	_ = 	snop  }
0x3c: {  	p2 =	seq.s32 s10, $0x1;
	s10 =	sld [smem:$0x3FB2]  }
0x3d: {  	_ =	shalt  }
0x3e: {  	_ =	shalt  }
0x3f: {  	_ =	shalt  }
0x40: {  	_ =	shalt  }
0x41: {  	_ =	shalt  }
0x42: {  	_ =	shalt  }
0x43: {  	_ =	shalt  }
0x44: {  	_ =	shalt  }
0x45: {  	_ =	shalt  }
0x46: {  	_ =	shalt  }
0x47: {  	_ =	shalt  }
0x48: {  	_ =	shalt  }
0x49: {  	_ =	shalt  }
0x4a: {  	_ =	shalt  }
0x4b: {  	_ =	shalt  }
0x4c: {  	_ =	shalt  }
0x4d: {  	_ =	shalt  }
0x4e: {  	_ =	shalt  }
0x4f: {  	_ =	shalt  }
0x50: {  	_ =	shalt  }
0x51: {  	_ =	shalt  }
0x52: {  	_ =	shalt  }
0x53: {  	_ =	shalt  }
0x54: {  	_ =	shalt  }
0x55: {  	_ =	shalt  }
0x56: {  	_ =	shalt  }
0x57: {  	_ =	shalt  }
0x58: {  	_ =	shalt  }
0x59: {  	_ =	shalt  }
0x5a: {  	_ =	shalt  }
0x5b: {  	_ =	shalt  }
0x5c: {  	_ =	shalt  }
0x5d: {  	_ =	shalt  }
0x5e: {  	_ =	shalt  }
0x5f: {  	_ =	shalt  }
0x60: {  	_ =	shalt  }
0x61: {  	_ =	shalt  }
0x62: {  	_ =	shalt  }
0x63: {  	_ =	shalt  }
0x64: {  	_ =	shalt  }
0x65: {  	_ =	shalt  }
0x66: {  	_ =	shalt  }
0x67: {  	_ =	shalt  }
0x68: {  	_ =	shalt  }
0x69: {  	_ =	shalt  }
0x6a: {  	_ =	shalt  }
0x6b: {  	_ =	shalt  }
0x6c: {  	_ =	shalt  }
0x6d: {  	_ =	shalt  }
0x6e: {  	_ =	shalt  }
0x6f: {  	_ =	shalt  }
0x70: {  	_ =	shalt  }
0x71: {  	_ =	shalt  }
0x72: {  	_ =	shalt  }
0x73: {  	_ =	shalt  }
0x74: {  	_ =	shalt  }
0x75: {  	_ =	shalt  }
0x76: {  	_ =	shalt  }
0x77: {  	_ =	shalt  }
0x78: {  	_ =	shalt  }
0x79: {  	_ =	shalt  }
0x7a: {  	_ =	shalt  }
0x7b: {  	_ =	shalt  }
0x7c: {  	_ =	shalt  }
0x7d: {  	_ =	shalt  }
0x7e: {  	_ =	shalt  }
0x7f: {  	_ =	shalt  }
0x80: {  	_ =	shalt  }
0x81: {  	_ =	shalt  }
0x82: {  	_ =	shalt  }
0x83: {  	_ =	shalt  }
0x84: {  	_ =	shalt  }
0x85: {  	_ =	shalt  }
0x86: {  	_ =	shalt  }
0x87: {  	_ =	shalt  }
.Lfunc_end0:
.L_simem_size_0:
called_computation.1_lowered:
.L_overlay_start_0:
0x88: {  	s2 =	sld [smem:$0x3FD9]  }
0x89: {  	s3 =	sld [smem:$0x3FFE];
	_ =	sdelay $0x1  }
0x8a: {  	s1 =	srdreg.scid  }
0x8b: {  	s0 =	sand.u32 $0x1, s1  }
0x8c: {  	s16 =	sshll.u32 s0, $0xA;
	s2 =	sadd.s32 s3, s2  }
0x8d: {  	s2 =	sadd.s32 s2, s16  }
0x8e: {  	[smem:$0x3FBE] =	sst s2  }
0x8f: {  	_ = 	snop  }
0x90: {  	(tm) =	ssettm $0x1  }
0x91: {  	s17 =	sld [smem:$0x3FFB];
	_ =	sdelay $0x3  }
0x92: {  	_ =	strace s17  }
0x93: {  	s2 =	sld [smem:$0x3FFC];
	_ =	sdelay $0x3  }
0x94: {  	_ =	strace s2  }
0x95: {  	s2 =	sld [smem:$0x3FFD];
	_ =	sdelay $0x3  }
0x96: {  	_ =	strace s2  }
0x97: {  	_ =	strace $0x8FFFFFFF  }
0x98: {  	s18 =	sld [smem:$0x3FDB];
	_ =	sdelay $0x1  }
0x99: {  	s19 =	simm.s32 $_scs_section_size  }
0x9a: {  	s4 =	simm.s32 $_size__tile_overlayer_lowered;
	s5 =	simm.s32 $_tile_overlayer_lowered  }
0x9b: {  	s22 =	simm.s32 $0x1BFF;
	s21 =	sshll.u32 s5, $0x1;
	s2 =	sadd.s32 s19, s18  }
0x9c: {  	s6 =	simm.s32 $0x0;
	s20 =	sshll.u32 s4, $0x1;
	s4 =	sadd.s32 s21, s2  }
0x9d: {  	[timem:s6], [sflag:s22] =	dma.local [hbm:s4], s20  }
0x9e: {  	_ =	swait.ge [sflag:s22], s20  }
0x9f: {  	s3 =	ssub.s32 $0x0, s20;
	[sflag:s22] =	ssyncset.done $0x0  }
0xa0: {  	[sflag:s22] =	ssyncadd.s32 s3;
	_ =	sdelay $0x1  }
0xa1: {  	s23 =	simm.s32 $0x1B8B  }
0xa2: {  	_ =	swait.ge [sflag:s23], $0x1  }
0xa3: {  	[sflag:s23] =	ssyncset.done $0x0  }
0xa4: {  	s25 =	simm.s32 $0x1B8E;
	s24 =	sld [smem:$0x3FFE];
	[sflag:s23] =	ssyncadd.s32 $0xFFFFFFFF  }
0xa5: {  	s26 =	simm.s32 $execute0_lowered;
	[smem:$0x3FD2] =	sst s25  }
0xa6: {  	s4 =	sshll.u32 s26, $0x1;
	_ =	strace $0x80000049;
	[dreg:$0x1] =	wrdreg $0xFFFFFFFF  }
0xa7: {  	s28 =	simm.s32 $_size_execute0_lowered;
	s2 =	sadd.s32 s2, s4;
	[dreg:$0x0] =	wrdreg $0x0  }
0xa8: {  	s4 =	sshll.u32 s28, $0x1;
	[dreg:$0x2] =	wrdreg s2  }
0xa9: {  	[dreg:$0x3] =	wrdreg s4  }
0xaa: {  	[dreg:$0x4] =	wrdreg $0xC0  }
0xab: {  	_ =	task [dreg:s6], $0x5FFFF  }
0xac: {  	[dreg:$0x1] =	wrdreg $0xFFFFFFFF  }
0xad: {  	[dreg:$0x0] =	wrdreg $0x60  }
0xae: {  	[dreg:$0x2] =	wrdreg s24  }
0xaf: {  	[dreg:$0x3] =	wrdreg $0x10C000  }
0xb0: {  	[dreg:$0x4] =	wrdreg $0x1AC000  }
0xb1: {  	[dreg:$0x5] =	wrdreg $0x9  }
0xb2: {  	_ =	task.clear_ibuf [dreg:s6], $0x6FFFF;
	_ =	strace $0x90000049  }
0xb3: {  	s29 =	simm.s32 $0x9;
	_ =	strace $0x8000004B  }
0xb4: {  	_ =	swait.ge [sflag:s29], $0x1  }
0xb5: {  	[sflag:s29] =	ssyncadd.s32 $0xFFFFFFFF  }
0xb6: {  	_ =	strace $0x9000004B  }
0xb7: {  	_ =	sfence  }
0xb8: {  	s30 =	sld [smem:$0x0];
	_ =	sdelay $0x2  }
0xb9: {  	s31 =	sshll.u32 s1, $0xD;
	s1 =	sshrl.u32 s1, $0x2  }
0xba: {  	s3 =	sand.u32 $0x4000, s31;
	s1 =	sadd.s32 s1, s30  }
0xbb: {  	s0 =	sor.u32 s3, s0;
	s1 =	sshll.u32 s1, $0x11  }
0xbc: {  	s0 =	sor.u32 s1, s0  }
0xbd: {  	s0 =	sadd.s32 $0x8F2B, s0  }
0xbe: {  	[sflag:s0] =	ssyncadd.remote.s32 $0x1  }
0xbf: {  	_ =	sfence.sel $0xFFFF  }
0xc0: {  	[dreg:$0x0] =	wrdreg $0xFFFFFFFF;
	(pc) =	sbr.abs _section_cstart, $3  }
0xc1: {  	[dreg:$0x1] =	wrdreg $0xFFFFFFFF  }
0xc2: {  	_ =	task.clear_ibuf [dreg:s6], $0x2FFFF;
	_ =	strace $0x9FFFFFFF  }
0xc3: {  	(tm) =	ssettm $0x7FFFFFFF  }
tec
execute0_lowered:
.L_overlay_start_1:
0x0: {  	(tag) =	ssettag $0x1  }
0x1: {  	s0 =	srdreg.scid  }
0x2: {  	s3 =	rddreg [dreg:$0x0];
	s19 =	stileid.u32  }
0x3: {  	s2 =	rddreg [dreg:$0x1];
	s4 =	smul.u32 $0x280, s19  }
0x4: {  	s1 =	sand.u32 $0x1, s0;
	s5 =	sadd.s32 $0x3EE00, s3;
	s7 =	smul.u32 $0xA000, s19  }
0x5: {  	s8 =	sadd.s32 $0x66E00, s3;
	s0 =	ssub.s32 $0x2, s1;
	s11 =	smul.u32 $0x2800, s1  }
0x6: {  	s6 =	sshrl.u32 s0, $0x1;
	s9 =	sadd.s32 $0x80, s4;
	s10 =	sadd.s32 $0x100, s4  }
0x7: {  	s14 =	sadd.s32 $0x180, s4;
	s21 =	sadd.s32 $0x200, s4;
	s0 =	ssub.s32 s0, s6  }
0x8: {  	s6 =	smul.u32 $0xA0000, s1;
	s12 =	sshll.u32 s9, $0x6;
	s13 =	sshll.u32 s10, $0x6  }
0x9: {  	s16 =	sshll.u32 s14, $0x6;
	s17 =	sadd.s32 s4, s11;
	s22 =	sshll.u32 s21, $0x6  }
0xa: {  	s26 =	sadd.s32 s11, s9;
	s23 =	sadd.s32 s11, s10;
	s17 =	sshrl.u32 s17, $0x3  }
0xb: {  	s0 =	smax.u32 s0, $0x1;
	s15 =	sadd.s32 s7, s6;
	s24 =	sadd.s32 s8, s17  }
0xc: {  	s25 =	sadd.s32 s6, s12;
	s18 =	sadd.s32 s6, s13;
	s17 =	sshrl.u32 s26, $0x3  }
0xd: {  	s15 =	sshrl.u32 s15, $0x3;
	[dreg:$0x5] =	wrdreg s24;
	s18 =	sshrl.u32 s18, $0x3  }
0xe: {  	s17 =	sadd.s32 s8, s17;
	s24 =	sadd.s32 s6, s16;
	s6 =	sadd.s32 s6, s22  }
0xf: {  	s15 =	sadd.s32 s5, s15;
	[dreg:$0x7] =	wrdreg s17;
	s20 =	sadd.s32 s5, s18  }
0x10: {  	s17 =	sshrl.u32 s24, $0x3;
	s6 =	sshrl.u32 s6, $0x3;
	s18 =	simm.s32 $0x0  }
0x11: {  	s24 =	sshrl.u32 s7, $0x3;
	[dreg:$0x4] =	wrdreg s15;
	s15 =	sshrl.u32 s25, $0x3  }
0x12: {  	[dreg:$0x8] =	wrdreg s20;
	s17 =	sadd.s32 s5, s17;
	s25 =	sadd.s32 s11, s14  }
0x13: {  	[smem:$0x7FF] =	sst s18;
	s20 =	smul.u32 $0x1400, s19;
	s18 =	sadd.s32 $0x2A800, s3  }
0x14: {  	s19 =	sadd.s32 $0x16800, s3;
	s15 =	sadd.s32 s5, s15;
	[dreg:$0x9] =	wrdreg s17  }
0x15: {  	s5 =	sadd.s32 s5, s6;
	[dreg:$0x6] =	wrdreg s15;
	s15 =	sshrl.u32 s23, $0x3  }
0x16: {  	[dreg:$0xa] =	wrdreg s5;
	s5 =	sshrl.u32 s25, $0x3;
	s26 =	sadd.s32 s8, s15  }
0x17: {  	s15 =	sadd.s32 s11, s21;
	s5 =	sadd.s32 s8, s5;
	[dreg:$0xb] =	wrdreg s26  }
0x18: {  	s23 =	sadd.s32 $0x2800, s3;
	[dreg:$0xc] =	wrdreg s5;
	s17 =	sshrl.u32 s15, $0x3  }
0x19: {  	s15 =	rddreg [dreg:$0x2];
	s5 =	sadd.s32 s8, s17;
	s8 =	sadd.s32 s23, s24  }
0x1a: {  	s17 =	sadd.s32 s20, s23;
	s24 =	sadd.s32 s4, s15;
	[dreg:$0xd] =	wrdreg s5  }
0x1b: {  	s25 =	sadd.s32 $0x40, s24;
	_ =	strace $0x8000004A;
	[dreg:$0x19] =	wrdreg s0  }
0x1c: {  	s20 =	sadd.s32 $0x3E800, s3;
	s3 =	sadd.s32 $0xC0, s24;
	[dreg:$0x1a] =	wrdreg s25  }
0x1d: {  	s4 =	sadd.s32 $0x140, s24;
	[dreg:$0x1b] =	wrdreg s3  }
0x1e: {  	s5 =	sadd.s32 $0x1C0, s24;
	[dreg:$0x1c] =	wrdreg s4  }
0x1f: {  	s6 =	sadd.s32 $0x240, s24;
	[dreg:$0x1d] =	wrdreg s5  }
0x20: {  	s28 =	sadd.s32 s10, s15;
	s10 =	sadd.s32 $0x20, s8;
	[dreg:$0x1e] =	wrdreg s6  }
0x21: {  	s11 =	sadd.s32 $0x40, s8;
	[dreg:$0x1f] =	wrdreg s10  }
0x22: {  	s26 =	sadd.s32 s13, s2;
	s13 =	sadd.s32 $0x60, s8;
	[smem:$0x7F8] =	sst s11  }
0x23: {  	s31 =	sadd.s32 s21, s15;
	s21 =	sadd.s32 $0x80, s8;
	[smem:$0x7F9] =	sst s13  }
0x24: {  	s30 =	sadd.s32 s22, s2;
	s22 =	sadd.s32 $0xA0, s8;
	[smem:$0x7FA] =	sst s21  }
0x25: {  	s23 =	sadd.s32 $0xC0, s8;
	[smem:$0x7FB] =	sst s22  }
0x26: {  	[smem:$0x7FC] =	sst s23  }
0x27: {  	s7 =	sadd.s32 s7, s2;
	[dreg:$0xe] =	wrdreg s8  }
0x28: {  	[dreg:$0xf] =	wrdreg s7  }
0x29: {  	s12 =	sadd.s32 s12, s2;
	[dreg:$0x10] =	wrdreg s24  }
0x2a: {  	s29 =	simm.s32 $0x6;
	s9 =	sadd.s32 s9, s15;
	[dreg:$0x11] =	wrdreg s12  }
0x2b: {  	p0 =	sne.s32 s1, $0x0;
	p1 =	seq.s32 s1, $0x0;
	[dreg:$0x12] =	wrdreg s9  }
0x2c: {  	s16 =	sadd.s32 s16, s2;
	s14 =	sadd.s32 s14, s15;
	[dreg:$0x13] =	wrdreg s26  }
0x2d: {  	s25 =	sadd.s32 $0xE0, s8;
	s3 =	simm.s32 $0x19;
	[dreg:$0x14] =	wrdreg s28  }
.Ltmp0:
0x2e: {  	s6 =	simm.s32 $0x80;
	[dreg:$0x15] =	wrdreg s16;
	(pc) =	sbr.rel .LBB2_1-.Ltmp0, $4  }
0x2f: {  	s11 =	simm.s32 $0x10;
	s13 =	simm.s32 $0x3;
	[dreg:$0x16] =	wrdreg s14  }
0x30: {  	s21 =	simm.s32 $0x4;
	s22 =	simm.s32 $0x7;
	[dreg:$0x17] =	wrdreg s30  }
0x31: {  	s10 =	simm.s32 $0x8;
	s23 =	simm.s32 $0xE;
	[dreg:$0x18] =	wrdreg s31  }
0x32: {  	v0 =	vimm.f32 $0.0e+00;
	s4 =	simm.s32 $0x0;
	[smem:$0x7FD] =	sst s25;
	s25 =	simm.s32 $0x5  }
.LBB2_6:
0x33: {  	[bflag:$0x0] =	sbarrier.arrive $0xFFFF  }
0x34: {  	s5 =	simm.s32 $0xC00;
	s7 =	rddreg [dreg:$0xf]  }
0x35: {  	[tilespmem:s5], [sflag:$0x19] =	stream.linear.gather [spmem:s7], $0x2000, $0x38;
	[tilespmem:$0x1AE80] =	vst v63  }
0x36: {  	_ =	swait.ge [sflag:s3], $0x2000  }
0x37: {  	[sflag:s3] =	ssyncset.done $0x0  }
0x38: {  	s4 =	simm.s32 $0x0;
	s0 =	rddreg [dreg:$0x4];
	[sflag:s3] =	ssyncadd.s32 $0xFFFFE000  }
0x39: {  	[hbm4b:s0+s4] =	stream.linear.scatter [tilespmem:s5], [sflag:$0x19], $0x2000, $0x38;
	[tilespmem:$0x1AE80] =	vst v63  }
0x3a: {  	_ =	swait.ge [sflag:s3], $0x2000  }
0x3b: {  	[sflag:s3] =	ssyncset.done $0x0  }
0x3c: {  	s8 =	simm.s32 $0x800;
	s24 =	rddreg [dreg:$0x10];
	[sflag:s3] =	ssyncadd.s32 $0xFFFFE000  }
0x3d: {  	[tilespmem:s8], [sflag:$0x19] =	stream.linear.gather [spmem:s24], $0x80, $0x38;
	[tilespmem:$0x1AE80] =	vst v63  }
0x3e: {  	_ =	swait.ge [sflag:s3], $0x80  }
0x3f: {  	[sflag:s3] =	ssyncset.done $0x0  }
0x40: {  	s14 =	rddreg [dreg:$0x5];
	[sflag:s3] =	ssyncadd.s32 $0xFFFFFF80  }
0x41: {  	[hbm4b:s14+s4] =	stream.linear.scatter [tilespmem:s8], [sflag:$0x19], $0x80, $0x38;
	[tilespmem:$0x1AE80] =	vst v63  }
0x42: {  	_ =	swait.ge [sflag:s3], $0x80  }
0x43: {  	[sflag:s3] =	ssyncset.done $0x0  }
0x44: {  	s12 =	rddreg [dreg:$0x11];
	[sflag:s3] =	ssyncadd.s32 $0xFFFFFF80  }
0x45: {  	[tilespmem:s5], [sflag:$0x19] =	stream.linear.gather [spmem:s12], $0x2000, $0x38;
	[tilespmem:$0x1AE80] =	vst v63  }
0x46: {  	_ =	swait.ge [sflag:s3], $0x2000  }
0x47: {  	[sflag:s3] =	ssyncset.done $0x0  }
0x48: {  	s16 =	rddreg [dreg:$0x6];
	[sflag:s3] =	ssyncadd.s32 $0xFFFFE000  }
0x49: {  	[hbm4b:s16+s4] =	stream.linear.scatter [tilespmem:s5], [sflag:$0x19], $0x2000, $0x38;
	[tilespmem:$0x1AE80] =	vst v63  }
0x4a: {  	_ =	swait.ge [sflag:s3], $0x2000  }
0x4b: {  	[sflag:s3] =	ssyncset.done $0x0  }
0x4c: {  	s9 =	rddreg [dreg:$0x12];
	[sflag:s3] =	ssyncadd.s32 $0xFFFFE000  }
0x4d: {  	[tilespmem:s8], [sflag:$0x19] =	stream.linear.gather [spmem:s9], $0x80, $0x38;
	[tilespmem:$0x1AE80] =	vst v63  }
0x4e: {  	_ =	swait.ge [sflag:s3], $0x80  }
0x4f: {  	[sflag:s3] =	ssyncset.done $0x0  }
0x50: {  	s26 =	rddreg [dreg:$0x7];
	[sflag:s3] =	ssyncadd.s32 $0xFFFFFF80  }
0x51: {  	[hbm4b:s26+s4] =	stream.linear.scatter [tilespmem:s8], [sflag:$0x19], $0x80, $0x38;
	[tilespmem:$0x1AE80] =	vst v63  }
0x52: {  	_ =	swait.ge [sflag:s3], $0x80  }
0x53: {  	[sflag:s3] =	ssyncset.done $0x0  }
0x54: {  	s26 =	rddreg [dreg:$0x13];
	[sflag:s3] =	ssyncadd.s32 $0xFFFFFF80  }
0x55: {  	[tilespmem:s5], [sflag:$0x19] =	stream.linear.gather [spmem:s26], $0x2000, $0x38;
	[tilespmem:$0x1AE80] =	vst v63  }
0x56: {  	_ =	swait.ge [sflag:s3], $0x2000  }
0x57: {  	[sflag:s3] =	ssyncset.done $0x0  }
0x58: {  	s14 =	rddreg [dreg:$0x8];
	[sflag:s3] =	ssyncadd.s32 $0xFFFFE000  }
0x59: {  	[hbm4b:s14+s4] =	stream.linear.scatter [tilespmem:s5], [sflag:$0x19], $0x2000, $0x38;
	[tilespmem:$0x1AE80] =	vst v63  }
0x5a: {  	_ =	swait.ge [sflag:s3], $0x2000  }
0x5b: {  	[sflag:s3] =	ssyncset.done $0x0  }
0x5c: {  	s28 =	rddreg [dreg:$0x14];
	[sflag:s3] =	ssyncadd.s32 $0xFFFFE000  }
0x5d: {  	[tilespmem:s8], [sflag:$0x19] =	stream.linear.gather [spmem:s28], $0x80, $0x38;
	[tilespmem:$0x1AE80] =	vst v63  }
0x5e: {  	_ =	swait.ge [sflag:s3], $0x80  }
0x5f: {  	[sflag:s3] =	ssyncset.done $0x0  }
0x60: {  	s16 =	rddreg [dreg:$0xb];
	[sflag:s3] =	ssyncadd.s32 $0xFFFFFF80  }
0x61: {  	[hbm4b:s16+s4] =	stream.linear.scatter [tilespmem:s8], [sflag:$0x19], $0x80, $0x38;
	[tilespmem:$0x1AE80] =	vst v63  }
0x62: {  	_ =	swait.ge [sflag:s3], $0x80  }
0x63: {  	[sflag:s3] =	ssyncset.done $0x0  }
0x64: {  	s16 =	rddreg [dreg:$0x15];
	[sflag:s3] =	ssyncadd.s32 $0xFFFFFF80  }
0x65: {  	[tilespmem:s5], [sflag:$0x19] =	stream.linear.gather [spmem:s16], $0x2000, $0x38;
	[tilespmem:$0x1AE80] =	vst v63  }
0x66: {  	_ =	swait.ge [sflag:s3], $0x2000  }
0x67: {  	[sflag:s3] =	ssyncset.done $0x0  }
0x68: {  	s14 =	rddreg [dreg:$0x9];
	[sflag:s3] =	ssyncadd.s32 $0xFFFFE000  }
0x69: {  	[hbm4b:s14+s4] =	stream.linear.scatter [tilespmem:s5], [sflag:$0x19], $0x2000, $0x38;
	[tilespmem:$0x1AE80] =	vst v63  }
0x6a: {  	_ =	swait.ge [sflag:s3], $0x2000  }
0x6b: {  	[sflag:s3] =	ssyncset.done $0x0  }
0x6c: {  	s14 =	rddreg [dreg:$0x16];
	[sflag:s3] =	ssyncadd.s32 $0xFFFFE000  }
0x6d: {  	[tilespmem:s8], [sflag:$0x19] =	stream.linear.gather [spmem:s14], $0x80, $0x38;
	[tilespmem:$0x1AE80] =	vst v63  }
0x6e: {  	_ =	swait.ge [sflag:s3], $0x80  }
0x6f: {  	[sflag:s3] =	ssyncset.done $0x0  }
0x70: {  	s0 =	rddreg [dreg:$0xc];
	[sflag:s3] =	ssyncadd.s32 $0xFFFFFF80  }
0x71: {  	[hbm4b:s0+s4] =	stream.linear.scatter [tilespmem:s8], [sflag:$0x19], $0x80, $0x38;
	[tilespmem:$0x1AE80] =	vst v63  }
0x72: {  	_ =	swait.ge [sflag:s3], $0x80  }
0x73: {  	[sflag:s3] =	ssyncset.done $0x0  }
0x74: {  	s30 =	rddreg [dreg:$0x17];
	[sflag:s3] =	ssyncadd.s32 $0xFFFFFF80  }
0x75: {  	[tilespmem:s5], [sflag:$0x19] =	stream.linear.gather [spmem:s30], $0x2000, $0x38;
	[tilespmem:$0x1AE80] =	vst v63  }
0x76: {  	_ =	swait.ge [sflag:s3], $0x2000  }
0x77: {  	[sflag:s3] =	ssyncset.done $0x0  }
0x78: {  	s0 =	rddreg [dreg:$0xa];
	[sflag:s3] =	ssyncadd.s32 $0xFFFFE000  }
0x79: {  	[hbm4b:s0+s4] =	stream.linear.scatter [tilespmem:s5], [sflag:$0x19], $0x2000, $0x38;
	[tilespmem:$0x1AE80] =	vst v63  }
0x7a: {  	_ =	swait.ge [sflag:s3], $0x2000  }
0x7b: {  	[sflag:s3] =	ssyncset.done $0x0  }
0x7c: {  	s31 =	rddreg [dreg:$0x18];
	[sflag:s3] =	ssyncadd.s32 $0xFFFFE000  }
0x7d: {  	[tilespmem:s8], [sflag:$0x19] =	stream.linear.gather [spmem:s31], $0x80, $0x38;
	[tilespmem:$0x1AE80] =	vst v63  }
0x7e: {  	_ =	swait.ge [sflag:s3], $0x80  }
0x7f: {  	[sflag:s3] =	ssyncset.done $0x0  }
0x80: {  	s5 =	rddreg [dreg:$0xd];
	[sflag:s3] =	ssyncadd.s32 $0xFFFFFF80  }
0x81: {  	[hbm4b:s5+s4] =	stream.linear.scatter [tilespmem:s8], [sflag:$0x19], $0x80, $0x38;
	[tilespmem:$0x1AE80] =	vst v63  }
0x82: {  	_ =	swait.ge [sflag:s3], $0x80  }
0x83: {  	s5 =	sld [smem:$0x7F7];
	_ =	sdelay $0x2  }
0x84: {  	s8 =	rddreg [dreg:$0x19];
	s4 =	sadd.s32 $0x1, s5  }
0x85: {  	p2 =	sne.s32 s4, s8  }
.Ltmp1:
0x86: {  	_ = 	snop;
	(pc) =	sbr.rel @!p2 .LBB2_7-.Ltmp1, $3  }
0x87: {  	_ =	sdelay $0x1  }
0x88: {  	[sflag:s3] =	ssyncset.done $0x0  }
0x89: {  	[sflag:s3] =	ssyncadd.s32 $0xFFFFFF80  }
.LBB2_1:
0x8a: {  	[smem:$0x7F7] =	sst s4;
	s4 =	simm.s32 $0x100;
	s0 =	simm.s32 $0x0  }
.LBB2_2:
0x8b: {  	p2 =	sne.s32 s4, $0x7F00;
	[tilespmem:s0+$0xC30] =	vst v0;
	s5 =	smov.u32 s4;
	s4 =	sadd.s32 $0x100, s4  }
.Ltmp2:
0x8c: {  	[tilespmem:s0+$0xC20] =	vst v0;
	(pc) =	sbr.rel @p2 .LBB2_2-.Ltmp2, $3  }
0x8d: {  	[tilespmem:s0+$0xC00] =	vst v0  }
0x8e: {  	[tilespmem:s0+$0xC10] =	vst v0;
	_ =	sdelay $0x1  }
0x8f: {  	s0 =	sshra.s32 s5, $0x2  }
0x90: {  	[tilespmem:s0+$0xC30] =	vst v0  }
0x91: {  	[tilespmem:s0+$0xC20] =	vst v0  }
0x92: {  	[tilespmem:s0+$0xC00] =	vst v0  }
0x93: {  	[tilespmem:s0+$0xC10] =	vst v0;
	s4 =	simm.s32 $0xC00  }
0x94: {  	[spmem:s7] =	stream.linear.scatter [tilespmem:s4], [sflag:$0x19], $0x2000, $0x38;
	[tilespmem:$0x1AE80] =	vst v63  }
0x95: {  	_ =	swait.ge [sflag:s3], $0x2000  }
0x96: {  	[sflag:s3] =	ssyncset.done $0x0  }
0x97: {  	[sflag:s3] =	ssyncadd.s32 $0xFFFFE000  }
0x98: {  	[spmem:s24] =	stream.linear.scatter [tilespmem:s4], [sflag:$0x19], $0x40, $0x38;
	[tilespmem:$0x1AE80] =	vst v63  }
0x99: {  	_ =	swait.ge [sflag:s3], $0x40  }
0x9a: {  	[sflag:s3] =	ssyncset.done $0x0  }
0x9b: {  	s8 =	rddreg [dreg:$0x1a];
	[sflag:s3] =	ssyncadd.s32 $0xFFFFFFC0  }
0x9c: {  	[spmem:s8] =	stream.linear.scatter [tilespmem:s4], [sflag:$0x19], $0x40, $0x38;
	[tilespmem:$0x1AE80] =	vst v63  }
0x9d: {  	_ =	swait.ge [sflag:s3], $0x40  }
0x9e: {  	[sflag:s3] =	ssyncset.done $0x0  }
0x9f: {  	[sflag:s3] =	ssyncadd.s32 $0xFFFFFFC0  }
0xa0: {  	[spmem:s12] =	stream.linear.scatter [tilespmem:s4], [sflag:$0x19], $0x2000, $0x38;
	[tilespmem:$0x1AE80] =	vst v63  }
0xa1: {  	_ =	swait.ge [sflag:s3], $0x2000  }
0xa2: {  	[sflag:s3] =	ssyncset.done $0x0  }
0xa3: {  	[sflag:s3] =	ssyncadd.s32 $0xFFFFE000  }
0xa4: {  	[spmem:s9] =	stream.linear.scatter [tilespmem:s4], [sflag:$0x19], $0x40, $0x38;
	[tilespmem:$0x1AE80] =	vst v63  }
0xa5: {  	_ =	swait.ge [sflag:s3], $0x40  }
0xa6: {  	[sflag:s3] =	ssyncset.done $0x0  }
0xa7: {  	s12 =	rddreg [dreg:$0x1b];
	[sflag:s3] =	ssyncadd.s32 $0xFFFFFFC0  }
0xa8: {  	[spmem:s12] =	stream.linear.scatter [tilespmem:s4], [sflag:$0x19], $0x40, $0x38;
	[tilespmem:$0x1AE80] =	vst v63  }
0xa9: {  	_ =	swait.ge [sflag:s3], $0x40  }
0xaa: {  	[sflag:s3] =	ssyncset.done $0x0  }
0xab: {  	[sflag:s3] =	ssyncadd.s32 $0xFFFFFFC0  }
0xac: {  	[spmem:s26] =	stream.linear.scatter [tilespmem:s4], [sflag:$0x19], $0x2000, $0x38;
	[tilespmem:$0x1AE80] =	vst v63  }
0xad: {  	_ =	swait.ge [sflag:s3], $0x2000  }
0xae: {  	[sflag:s3] =	ssyncset.done $0x0  }
0xaf: {  	[sflag:s3] =	ssyncadd.s32 $0xFFFFE000  }
0xb0: {  	[spmem:s28] =	stream.linear.scatter [tilespmem:s4], [sflag:$0x19], $0x40, $0x38;
	[tilespmem:$0x1AE80] =	vst v63  }
0xb1: {  	_ =	swait.ge [sflag:s3], $0x40  }
0xb2: {  	[sflag:s3] =	ssyncset.done $0x0  }
0xb3: {  	s24 =	rddreg [dreg:$0x1c];
	[sflag:s3] =	ssyncadd.s32 $0xFFFFFFC0  }
0xb4: {  	[spmem:s24] =	stream.linear.scatter [tilespmem:s4], [sflag:$0x19], $0x40, $0x38;
	[tilespmem:$0x1AE80] =	vst v63  }
0xb5: {  	_ =	swait.ge [sflag:s3], $0x40  }
0xb6: {  	[sflag:s3] =	ssyncset.done $0x0  }
0xb7: {  	[sflag:s3] =	ssyncadd.s32 $0xFFFFFFC0  }
0xb8: {  	[spmem:s16] =	stream.linear.scatter [tilespmem:s4], [sflag:$0x19], $0x2000, $0x38;
	[tilespmem:$0x1AE80] =	vst v63  }
0xb9: {  	_ =	swait.ge [sflag:s3], $0x2000  }
0xba: {  	[sflag:s3] =	ssyncset.done $0x0  }
0xbb: {  	[sflag:s3] =	ssyncadd.s32 $0xFFFFE000  }
0xbc: {  	[spmem:s14] =	stream.linear.scatter [tilespmem:s4], [sflag:$0x19], $0x40, $0x38;
	[tilespmem:$0x1AE80] =	vst v63  }
0xbd: {  	_ =	swait.ge [sflag:s3], $0x40  }
0xbe: {  	[sflag:s3] =	ssyncset.done $0x0  }
0xbf: {  	s26 =	rddreg [dreg:$0x1d];
	[sflag:s3] =	ssyncadd.s32 $0xFFFFFFC0  }
0xc0: {  	[spmem:s26] =	stream.linear.scatter [tilespmem:s4], [sflag:$0x19], $0x40, $0x38;
	[tilespmem:$0x1AE80] =	vst v63  }
0xc1: {  	_ =	swait.ge [sflag:s3], $0x40  }
0xc2: {  	[sflag:s3] =	ssyncset.done $0x0  }
0xc3: {  	[sflag:s3] =	ssyncadd.s32 $0xFFFFFFC0  }
0xc4: {  	[spmem:s30] =	stream.linear.scatter [tilespmem:s4], [sflag:$0x19], $0x2000, $0x38;
	[tilespmem:$0x1AE80] =	vst v63  }
0xc5: {  	_ =	swait.ge [sflag:s3], $0x2000  }
0xc6: {  	[sflag:s3] =	ssyncset.done $0x0  }
0xc7: {  	[sflag:s3] =	ssyncadd.s32 $0xFFFFE000  }
0xc8: {  	[spmem:s31] =	stream.linear.scatter [tilespmem:s4], [sflag:$0x19], $0x40, $0x38;
	[tilespmem:$0x1AE80] =	vst v63  }
0xc9: {  	_ =	swait.ge [sflag:s3], $0x40  }
0xca: {  	[sflag:s3] =	ssyncset.done $0x0  }
0xcb: {  	s28 =	rddreg [dreg:$0x1e];
	[sflag:s3] =	ssyncadd.s32 $0xFFFFFFC0  }
0xcc: {  	[spmem:s28] =	stream.linear.scatter [tilespmem:s4], [sflag:$0x19], $0x40, $0x38;
	[tilespmem:$0x1AE80] =	vst v63  }
0xcd: {  	_ =	swait.ge [sflag:s3], $0x40  }
0xce: {  	[sflag:s3] =	ssyncset.done $0x0  }
0xcf: {  	s0 =	simm.s32 $0x0;
	s30 =	rddreg [dreg:$0xe];
	[sflag:s3] =	ssyncadd.s32 $0xFFFFFFC0  }
0xd0: {  	[tilespmem:s0], [sflag:$0x19] =	stream.linear.gather [hbm4b:s30+s0], $0x100, $0x38;
	[tilespmem:$0x1AE80] =	vst v63  }
0xd1: {  	_ =	swait.ge [sflag:s3], $0x100  }
0xd2: {  	[sflag:s3] =	ssyncset.done $0x0  }
0xd3: {  	s5 =	simm.s32 $0x100;
	s31 =	rddreg [dreg:$0x1f];
	[sflag:s3] =	ssyncadd.s32 $0xFFFFFF00  }
0xd4: {  	[tilespmem:s5], [sflag:$0xA] =	stream.linear.gather [hbm4b:s31+s0], $0x100, $0x38;
	[tilespmem:$0x1AE80] =	vst v63  }
0xd5: {  	s5 =	sld [smem:$0x7F8];
	_ =	sdelay $0x1  }
0xd6: {  	s7 =	simm.s32 $0x200;
	s8 =	sld [smem:$0x7F9]  }
0xd7: {  	[tilespmem:s7], [sflag:$0xB] =	stream.linear.gather [hbm4b:s5+s0], $0x100, $0x38;
	[tilespmem:$0x1AE80] =	vst v63  }
0xd8: {  	s9 =	simm.s32 $0x300;
	s12 =	sld [smem:$0x7FA]  }
0xd9: {  	[tilespmem:s9], [sflag:$0xC] =	stream.linear.gather [hbm4b:s8+s0], $0x100, $0x38;
	[tilespmem:$0x1AE80] =	vst v63  }
0xda: {  	s14 =	simm.s32 $0x400;
	s16 =	sld [smem:$0x7FB]  }
0xdb: {  	[tilespmem:s14], [sflag:$0xD] =	stream.linear.gather [hbm4b:s12+s0], $0x100, $0x38;
	[tilespmem:$0x1AE80] =	vst v63  }
0xdc: {  	s24 =	simm.s32 $0x500;
	s26 =	sld [smem:$0x7FC]  }
0xdd: {  	[tilespmem:s24], [sflag:$0xE] =	stream.linear.gather [hbm4b:s16+s0], $0x100, $0x38;
	[tilespmem:$0x1AE80] =	vst v63  }
0xde: {  	s28 =	simm.s32 $0x600;
	s30 =	sld [smem:$0x7FD]  }
0xdf: {  	[tilespmem:s28], [sflag:$0xF] =	stream.linear.gather [hbm4b:s26+s0], $0x100, $0x38;
	[tilespmem:$0x1AE80] =	vst v63  }
0xe0: {  	s31 =	simm.s32 $0x700  }
0xe1: {  	[tilespmem:s31], [sflag:$0x10] =	stream.linear.gather [hbm4b:s30+s0], $0x100, $0x38;
	[tilespmem:$0x1AE80] =	vst v63  }
0xe2: {  	s4 =	simm.s32 @p0 $0xC00;
	s24 =	simm.s32 @p0 $0x80;
	s0 =	simm.s32 @p0 $0x0  }
0xe3: {  	[tilespmem:s4], [sflag:$0x1] =	stream.indirect.gather @p0 [hbm4b:s19+s24], $0x40, s0, s24, $0xb8;
	[tilespmem:$0x1AE80] =	vst v63  }
0xe4: {  	s0 =	simm.s32 @p0 $0xA  }
0xe5: {  	_ =	swait.ge @p0 [sflag:s0], $0x100  }
0xe6: {  	[sflag:s0] =	ssyncset.done @p0 $0x0  }
0xe7: {  	s4 =	simm.s32 @p0 $0x2C00;
	[sflag:s0] =	ssyncadd.s32 @p0 $0xFFFFFF00;
	s0 =	simm.s32 @p0 $0x100  }
0xe8: {  	[tilespmem:s4], [sflag:$0x2] =	stream.indirect.gather @p0 [hbm4b:s19+s24], $0x40, s0, s24, $0xb8;
	[tilespmem:$0x1AE80] =	vst v63  }
0xe9: {  	s0 =	simm.s32 @p0 $0x180;
	s4 =	simm.s32 @p0 $0x880  }
0xea: {  	[tilespmem:s4], [sflag:$0x12] =	stream.indirect.gather @p0 [hbm4b:s20+s24], $0x1, s0, s24, $0xb8;
	[tilespmem:$0x1AE80] =	vst v63  }
0xeb: {  	s0 =	simm.s32 @p0 $0xB  }
0xec: {  	_ =	swait.ge @p0 [sflag:s0], $0x100  }
0xed: {  	[sflag:s0] =	ssyncset.done @p0 $0x0  }
0xee: {  	s4 =	simm.s32 @p0 $0x4C00;
	[sflag:s0] =	ssyncadd.s32 @p0 $0xFFFFFF00;
	s0 =	simm.s32 @p0 $0x200  }
0xef: {  	[tilespmem:s4], [sflag:$0x3] =	stream.indirect.gather @p0 [hbm4b:s19+s24], $0x40, s0, s24, $0xb8;
	[tilespmem:$0x1AE80] =	vst v63  }
0xf0: {  	s0 =	simm.s32 @p0 $0xC  }
0xf1: {  	_ =	swait.ge @p0 [sflag:s0], $0x100  }
0xf2: {  	[sflag:s0] =	ssyncset.done @p0 $0x0  }
0xf3: {  	s4 =	simm.s32 @p0 $0x6C00;
	[sflag:s0] =	ssyncadd.s32 @p0 $0xFFFFFF00;
	s0 =	simm.s32 @p0 $0x300  }
0xf4: {  	[tilespmem:s4], [sflag:$0x4] =	stream.indirect.gather @p0 [hbm4b:s19+s24], $0x40, s0, s24, $0xb8;
	[tilespmem:$0x1AE80] =	vst v63  }
0xf5: {  	s0 =	simm.s32 @p0 $0x380;
	s4 =	simm.s32 @p0 $0x980  }
0xf6: {  	[tilespmem:s4], [sflag:$0x14] =	stream.indirect.gather @p0 [hbm4b:s20+s24], $0x1, s0, s24, $0xb8;
	[tilespmem:$0x1AE80] =	vst v63  }
0xf7: {  	s0 =	simm.s32 @p0 $0xD  }
0xf8: {  	_ =	swait.ge @p0 [sflag:s0], $0x100  }
0xf9: {  	[sflag:s0] =	ssyncset.done @p0 $0x0  }
0xfa: {  	s4 =	simm.s32 @p0 $0x8C00;
	[sflag:s0] =	ssyncadd.s32 @p0 $0xFFFFFF00;
	s0 =	simm.s32 @p0 $0x400  }
0xfb: {  	[tilespmem:s4], [sflag:$0x5] =	stream.indirect.gather @p0 [hbm4b:s19+s24], $0x40, s0, s24, $0xb8;
	[tilespmem:$0x1AE80] =	vst v63  }
0xfc: {  	s0 =	simm.s32 @p0 $0xE  }
0xfd: {  	_ =	swait.ge @p0 [sflag:s0], $0x100  }
0xfe: {  	[sflag:s0] =	ssyncset.done @p0 $0x0  }
0xff: {  	s4 =	simm.s32 @p0 $0xAC00;
	[sflag:s0] =	ssyncadd.s32 @p0 $0xFFFFFF00;
	s0 =	simm.s32 @p0 $0x500  }
0x100: {  	[tilespmem:s4], [sflag:$0x6] =	stream.indirect.gather @p0 [hbm4b:s19+s24], $0x40, s0, s24, $0xb8;
	[tilespmem:$0x1AE80] =	vst v63  }
0x101: {  	s0 =	simm.s32 @p0 $0x580;
	s4 =	simm.s32 @p0 $0xA80  }
0x102: {  	[tilespmem:s4], [sflag:$0x16] =	stream.indirect.gather @p0 [hbm4b:s20+s24], $0x1, s0, s24, $0xb8;
	[tilespmem:$0x1AE80] =	vst v63  }
0x103: {  	s26 =	simm.s32 @!p0 $0x80;
	s4 =	simm.s32 @!p0 $0x0;
	s0 =	simm.s32 @!p0 $0xC00  }
0x104: {  	[tilespmem:s0], [sflag:$0x1] =	stream.indirect.gather @!p0 [hbm4b:s18+s26], $0x40, s4, s26, $0xb8;
	[tilespmem:$0x1AE80] =	vst v63  }
0x105: {  	s0 =	simm.s32 @!p0 $0x800  }
0x106: {  	[tilespmem:s0], [sflag:$0x11] =	stream.indirect.gather @!p0 [hbm4b:s20+s26], $0x1, s26, s26, $0xb8;
	[tilespmem:$0x1AE80] =	vst v63  }
0x107: {  	s0 =	simm.s32 @!p0 $0xA  }
0x108: {  	_ =	swait.ge @!p0 [sflag:s0], $0x100  }
0x109: {  	[sflag:s0] =	ssyncset.done @!p0 $0x0  }
0x10a: {  	s4 =	simm.s32 @!p0 $0x2C00;
	[sflag:s0] =	ssyncadd.s32 @!p0 $0xFFFFFF00;
	s0 =	simm.s32 @!p0 $0x100  }
0x10b: {  	[tilespmem:s4], [sflag:$0x2] =	stream.indirect.gather @!p0 [hbm4b:s18+s26], $0x40, s0, s26, $0xb8;
	[tilespmem:$0x1AE80] =	vst v63  }
0x10c: {  	s0 =	simm.s32 @!p0 $0xB  }
0x10d: {  	_ =	swait.ge @!p0 [sflag:s0], $0x100  }
0x10e: {  	[sflag:s0] =	ssyncset.done @!p0 $0x0  }
0x10f: {  	s4 =	simm.s32 @!p0 $0x200;
	[sflag:s0] =	ssyncadd.s32 @!p0 $0xFFFFFF00;
	s0 =	simm.s32 @!p0 $0x4C00  }
0x110: {  	[tilespmem:s0], [sflag:$0x3] =	stream.indirect.gather @!p0 [hbm4b:s18+s26], $0x40, s4, s26, $0xb8;
	[tilespmem:$0x1AE80] =	vst v63  }
0x111: {  	s0 =	simm.s32 @!p0 $0x280;
	s4 =	simm.s32 @!p0 $0x900  }
0x112: {  	[tilespmem:s4], [sflag:$0x13] =	stream.indirect.gather @!p0 [hbm4b:s20+s26], $0x1, s0, s26, $0xb8;
	[tilespmem:$0x1AE80] =	vst v63  }
0x113: {  	s0 =	simm.s32 @!p0 $0xC  }
0x114: {  	_ =	swait.ge @!p0 [sflag:s0], $0x100  }
0x115: {  	[sflag:s0] =	ssyncset.done @!p0 $0x0  }
0x116: {  	s4 =	simm.s32 @!p0 $0x6C00;
	[sflag:s0] =	ssyncadd.s32 @!p0 $0xFFFFFF00;
	s0 =	simm.s32 @!p0 $0x300  }
0x117: {  	[tilespmem:s4], [sflag:$0x4] =	stream.indirect.gather @!p0 [hbm4b:s18+s26], $0x40, s0, s26, $0xb8;
	[tilespmem:$0x1AE80] =	vst v63  }
0x118: {  	s0 =	simm.s32 @!p0 $0xD  }
0x119: {  	_ =	swait.ge @!p0 [sflag:s0], $0x100  }
0x11a: {  	[sflag:s0] =	ssyncset.done @!p0 $0x0  }
0x11b: {  	s4 =	simm.s32 @!p0 $0x400;
	[sflag:s0] =	ssyncadd.s32 @!p0 $0xFFFFFF00;
	s0 =	simm.s32 @!p0 $0x8C00  }
0x11c: {  	[tilespmem:s0], [sflag:$0x5] =	stream.indirect.gather @!p0 [hbm4b:s18+s26], $0x40, s4, s26, $0xb8;
	[tilespmem:$0x1AE80] =	vst v63  }
0x11d: {  	s0 =	simm.s32 @!p0 $0x480;
	s4 =	simm.s32 @!p0 $0xA00  }
0x11e: {  	[tilespmem:s4], [sflag:$0x15] =	stream.indirect.gather @!p0 [hbm4b:s20+s26], $0x1, s0, s26, $0xb8;
	[tilespmem:$0x1AE80] =	vst v63  }
0x11f: {  	s0 =	simm.s32 @!p0 $0xE  }
0x120: {  	_ =	swait.ge @!p0 [sflag:s0], $0x100  }
0x121: {  	[sflag:s0] =	ssyncset.done @!p0 $0x0  }
0x122: {  	s4 =	simm.s32 @!p0 $0xAC00;
	[sflag:s0] =	ssyncadd.s32 @!p0 $0xFFFFFF00;
	s0 =	simm.s32 @!p0 $0x500  }
0x123: {  	[tilespmem:s4], [sflag:$0x6] =	stream.indirect.gather @!p0 [hbm4b:s18+s26], $0x40, s0, s26, $0xb8;
	[tilespmem:$0x1AE80] =	vst v63  }
0x124: {  	s16 =	simm.s32 $0x0;
	[bflag:$0x0] =	sbarrier.arrive $0xFFFF  }
.LBB2_4:
0x125: {  	s0 =	simm.s32 $0x1  }
0x126: {  	_ =	swait.ge [sflag:s0], $0x2000  }
0x127: {  	[sflag:s0] =	ssyncset.done $0x0  }
0x128: {  	s12 =	simm.s32 $0xC00;
	[sflag:s0] =	ssyncadd.s32 $0xFFFFE000  }
0x129: {  	[spmem:s2] =	stream.indirect.scatter.add.f32 [tilespmem:s12], [sflag:$0x19], $0x40, s6, s6, $0xb8;
	[tilespmem:$0x1AE80] =	vst v63  }
0x12a: {  	_ =	swait.ge [sflag:s3], $0x2000  }
0x12b: {  	[sflag:s3] =	ssyncset.done $0x0  }
0x12c: {  	s0 =	simm.s32 @!p0 $0x11;
	[sflag:s3] =	ssyncadd.s32 $0xFFFFE000  }
0x12d: {  	_ =	swait.ge @!p0 [sflag:s0], $0x80  }
0x12e: {  	[sflag:s0] =	ssyncset.done @!p0 $0x0  }
0x12f: {  	s4 =	simm.s32 @!p0 $0x800;
	[sflag:s0] =	ssyncadd.s32 @!p0 $0xFFFFFF80;
	s0 =	simm.s32 @!p0 $0x0  }
0x130: {  	[spmem:s15] =	stream.indirect.scatter.add.f32 @!p0 [tilespmem:s4], [sflag:$0x19], $0x1, s0, s26, $0xb8;
	[tilespmem:$0x1AE80] =	vst v63  }
0x131: {  	s0 =	simm.s32 @!p0 $0x19  }
0x132: {  	p2 =	seq.s32 s16, $0x1300;
	_ =	swait.ge @!p0 [sflag:s0], $0x80  }
0x133: {  	s14 =	simm.s32 $0xF;
	s28 =	sadd.s32 @!p2 s16, s17;
	[sflag:s0] =	ssyncset.done @!p0 $0x0  }
0x134: {  	s30 =	simm.s32 @!p2 $0x0;
	s4 =	sadd.s32 @!p2 $0x100, s28;
	[sflag:s0] =	ssyncadd.s32 @!p0 $0xFFFFFF80  }
0x135: {  	[tilespmem:s30], [sflag:$0x9] =	stream.linear.gather @!p2 [hbm4b:s4+s30], $0x100, $0x38;
	[tilespmem:$0x1AE80] =	vst v63  }
0x136: {  	_ =	swait.ge [sflag:s14], $0x100  }
0x137: {  	s5 =	simm.s32 @p1 $0x600;
	[sflag:s14] =	ssyncset.done $0x0  }
0x138: {  	s9 =	simm.s32 @p1 $0xCC00;
	s4 =	simm.s32 @p1 $0x80;
	[sflag:s14] =	ssyncadd.s32 $0xFFFFFF00  }
0x139: {  	[tilespmem:s9], [sflag:$0x7] =	stream.indirect.gather @p1 [hbm4b:s18+s4], $0x40, s5, s4, $0xb8;
	[tilespmem:$0x1AE80] =	vst v63  }
0x13a: {  	s31 =	simm.s32 $0x2;
	s5 =	simm.s32 @p1 $0x680;
	s9 =	simm.s32 @p1 $0xB00  }
0x13b: {  	[tilespmem:s9], [sflag:$0x17] =	stream.indirect.gather @p1 [hbm4b:s20+s4], $0x1, s5, s4, $0xb8;
	[tilespmem:$0x1AE80] =	vst v63  }
0x13c: {  	s12 =	simm.s32 @!p1 $0x80;
	s4 =	simm.s32 @!p1 $0x600;
	s5 =	simm.s32 @!p1 $0xCC00  }
0x13d: {  	[tilespmem:s5], [sflag:$0x7] =	stream.indirect.gather @!p1 [hbm4b:s19+s12], $0x40, s4, s12, $0xb8;
	[tilespmem:$0x1AE80] =	vst v63  }
0x13e: {  	_ =	swait.ge [sflag:s31], $0x2000  }
0x13f: {  	[sflag:s31] =	ssyncset.done $0x0  }
0x140: {  	s7 =	simm.s32 $0x2C00;
	s5 =	simm.s32 $0x180;
	[sflag:s31] =	ssyncadd.s32 $0xFFFFE000  }
0x141: {  	[spmem:s2] =	stream.indirect.scatter.add.f32 [tilespmem:s7], [sflag:$0x19], $0x40, s5, s6, $0xb8;
	[tilespmem:$0x1AE80] =	vst v63  }
0x142: {  	_ =	swait.ge [sflag:s3], $0x2000  }
0x143: {  	[sflag:s3] =	ssyncset.done $0x0  }
0x144: {  	s4 =	simm.s32 @!p1 $0x12;
	[sflag:s3] =	ssyncadd.s32 $0xFFFFE000  }
0x145: {  	_ =	swait.ge @!p1 [sflag:s4], $0x80  }
0x146: {  	s31 =	simm.s32 @!p1 $0x19;
	[sflag:s4] =	ssyncset.done @!p1 $0x0  }
0x147: {  	s5 =	simm.s32 @!p1 $0x880;
	[sflag:s4] =	ssyncadd.s32 @!p1 $0xFFFFFF80;
	s4 =	simm.s32 @!p1 $0x100  }
0x148: {  	[spmem:s15] =	stream.indirect.scatter.add.f32 @!p1 [tilespmem:s5], [sflag:$0x19], $0x1, s4, s12, $0xb8;
	[tilespmem:$0x1AE80] =	vst v63  }
0x149: {  	_ =	swait.ge @!p1 [sflag:s31], $0x80  }
0x14a: {  	[sflag:s31] =	ssyncset.done @!p1 $0x0  }
0x14b: {  	s4 =	sadd.s32 @!p2 $0x120, s28;
	s5 =	simm.s32 @!p2 $0x100;
	[sflag:s31] =	ssyncadd.s32 @!p1 $0xFFFFFF80  }
0x14c: {  	[tilespmem:s5], [sflag:$0xA] =	stream.linear.gather @!p2 [hbm4b:s4+s30], $0x100, $0x38;
	[tilespmem:$0x1AE80] =	vst v63  }
0x14d: {  	_ =	swait.ge [sflag:s11], $0x100  }
0x14e: {  	[sflag:s11] =	ssyncset.done $0x0  }
0x14f: {  	s4 =	simm.s32 @p0 $0x700;
	s5 =	simm.s32 @p0 $0xEC00;
	[sflag:s11] =	ssyncadd.s32 $0xFFFFFF00  }
0x150: {  	[tilespmem:s5], [sflag:$0x8] =	stream.indirect.gather @p0 [hbm4b:s19+s24], $0x40, s4, s24, $0xb8;
	[tilespmem:$0x1AE80] =	vst v63  }
0x151: {  	s4 =	simm.s32 @p0 $0x780;
	s5 =	simm.s32 @p0 $0xB80  }
0x152: {  	[tilespmem:s5], [sflag:$0x18] =	stream.indirect.gather @p0 [hbm4b:s20+s24], $0x1, s4, s24, $0xb8;
	[tilespmem:$0x1AE80] =	vst v63  }
0x153: {  	s4 =	simm.s32 @!p0 $0x700;
	s5 =	simm.s32 @!p0 $0xEC00  }
0x154: {  	[tilespmem:s5], [sflag:$0x8] =	stream.indirect.gather @!p0 [hbm4b:s18+s26], $0x40, s4, s26, $0xb8;
	[tilespmem:$0x1AE80] =	vst v63  }
0x155: {  	_ =	swait.ge [sflag:s13], $0x2000  }
0x156: {  	[sflag:s13] =	ssyncset.done $0x0  }
0x157: {  	s8 =	simm.s32 $0x280;
	s9 =	simm.s32 $0x4C00;
	[sflag:s13] =	ssyncadd.s32 $0xFFFFE000  }
0x158: {  	[spmem:s2] =	stream.indirect.scatter.add.f32 [tilespmem:s9], [sflag:$0x19], $0x40, s8, s6, $0xb8;
	[tilespmem:$0x1AE80] =	vst v63  }
0x159: {  	_ =	swait.ge [sflag:s3], $0x2000  }
0x15a: {  	[sflag:s3] =	ssyncset.done $0x0  }
0x15b: {  	s4 =	simm.s32 @!p0 $0x13;
	[sflag:s3] =	ssyncadd.s32 $0xFFFFE000  }
0x15c: {  	_ =	swait.ge @!p0 [sflag:s4], $0x80  }
0x15d: {  	[sflag:s4] =	ssyncset.done @!p0 $0x0  }
0x15e: {  	s5 =	simm.s32 @!p0 $0x900;
	[sflag:s4] =	ssyncadd.s32 @!p0 $0xFFFFFF80;
	s4 =	simm.s32 @!p0 $0x200  }
0x15f: {  	[spmem:s15] =	stream.indirect.scatter.add.f32 @!p0 [tilespmem:s5], [sflag:$0x19], $0x1, s4, s26, $0xb8;
	[tilespmem:$0x1AE80] =	vst v63  }
0x160: {  	_ =	swait.ge @!p0 [sflag:s0], $0x80  }
0x161: {  	[sflag:s0] =	ssyncset.done @!p0 $0x0  }
0x162: {  	s4 =	sadd.s32 @!p2 $0x140, s28;
	s5 =	simm.s32 @!p2 $0x200;
	[sflag:s0] =	ssyncadd.s32 @!p0 $0xFFFFFF80  }
0x163: {  	[tilespmem:s5], [sflag:$0xB] =	stream.linear.gather @!p2 [hbm4b:s4+s30], $0x100, $0x38;
	[tilespmem:$0x1AE80] =	vst v63  }
0x164: {  	p4 =	seq.s32 @!p2 s1, $0x0;
	s4 =	simm.s32 @!p2 $0x9  }
0x165: {  	p3 =	por !p4, p2;
	_ =	swait.ge @!p2 [sflag:s4], $0x100  }
0x166: {  	s9 =	simm.s32 @!p3 $0xC00;
	[sflag:s4] =	ssyncset.done @!p2 $0x0  }
0x167: {  	s5 =	simm.s32 @!p3 $0x0;
	[sflag:s4] =	ssyncadd.s32 @!p2 $0xFFFFFF00;
	s4 =	simm.s32 @!p3 $0x80  }
0x168: {  	[tilespmem:s9], [sflag:$0x1] =	stream.indirect.gather @!p3 [hbm4b:s18+s4], $0x40, s5, s4, $0xb8;
	[tilespmem:$0x1AE80] =	vst v63  }
0x169: {  	p4 =	por p4, p2;
	s5 =	simm.s32 @!p3 $0x800  }
0x16a: {  	[tilespmem:s5], [sflag:$0x11] =	stream.indirect.gather @!p3 [hbm4b:s20+s4], $0x1, s4, s4, $0xb8;
	[tilespmem:$0x1AE80] =	vst v63  }
0x16b: {  	s14 =	simm.s32 @!p4 $0xC00;
	s9 =	simm.s32 @!p4 $0x80;
	s5 =	simm.s32 @!p4 $0x0  }
0x16c: {  	[tilespmem:s14], [sflag:$0x1] =	stream.indirect.gather @!p4 [hbm4b:s19+s9], $0x40, s5, s9, $0xb8;
	[tilespmem:$0x1AE80] =	vst v63  }
0x16d: {  	_ =	swait.ge [sflag:s21], $0x2000  }
0x16e: {  	[sflag:s21] =	ssyncset.done $0x0  }
0x16f: {  	s7 =	simm.s32 $0x6C00;
	s14 =	simm.s32 $0x380;
	[sflag:s21] =	ssyncadd.s32 $0xFFFFE000  }
0x170: {  	[spmem:s2] =	stream.indirect.scatter.add.f32 [tilespmem:s7], [sflag:$0x19], $0x40, s14, s6, $0xb8;
	[tilespmem:$0x1AE80] =	vst v63  }
0x171: {  	_ =	swait.ge [sflag:s3], $0x2000  }
0x172: {  	[sflag:s3] =	ssyncset.done $0x0  }
0x173: {  	s5 =	simm.s32 @!p1 $0x14;
	[sflag:s3] =	ssyncadd.s32 $0xFFFFE000  }
0x174: {  	_ =	swait.ge @!p1 [sflag:s5], $0x80  }
0x175: {  	[sflag:s5] =	ssyncset.done @!p1 $0x0  }
0x176: {  	s14 =	simm.s32 @!p1 $0x980;
	[sflag:s5] =	ssyncadd.s32 @!p1 $0xFFFFFF80;
	s5 =	simm.s32 @!p1 $0x300  }
0x177: {  	[spmem:s15] =	stream.indirect.scatter.add.f32 @!p1 [tilespmem:s14], [sflag:$0x19], $0x1, s5, s12, $0xb8;
	[tilespmem:$0x1AE80] =	vst v63  }
0x178: {  	_ =	swait.ge @!p1 [sflag:s31], $0x80  }
0x179: {  	[sflag:s31] =	ssyncset.done @!p1 $0x0  }
0x17a: {  	s5 =	sadd.s32 @!p2 $0x160, s28;
	s14 =	simm.s32 @!p2 $0x300;
	[sflag:s31] =	ssyncadd.s32 @!p1 $0xFFFFFF80  }
0x17b: {  	[tilespmem:s14], [sflag:$0xC] =	stream.linear.gather @!p2 [hbm4b:s5+s30], $0x100, $0x38;
	[tilespmem:$0x1AE80] =	vst v63  }
0x17c: {  	p6 =	sne.s32 @!p2 s1, $0x0;
	s5 =	simm.s32 @!p2 $0xA  }
0x17d: {  	p5 =	por !p6, p2;
	_ =	swait.ge @!p2 [sflag:s5], $0x100  }
0x17e: {  	s7 =	simm.s32 @!p5 $0x2C00;
	[sflag:s5] =	ssyncset.done @!p2 $0x0  }
0x17f: {  	s14 =	simm.s32 @!p5 $0x80;
	[sflag:s5] =	ssyncadd.s32 @!p2 $0xFFFFFF00;
	s5 =	simm.s32 @!p5 $0x100  }
0x180: {  	[tilespmem:s7], [sflag:$0x2] =	stream.indirect.gather @!p5 [hbm4b:s19+s14], $0x40, s5, s14, $0xb8;
	[tilespmem:$0x1AE80] =	vst v63  }
0x181: {  	p6 =	por p6, p2;
	s5 =	simm.s32 @!p5 $0x180;
	s7 =	simm.s32 @!p5 $0x880  }
0x182: {  	[tilespmem:s7], [sflag:$0x12] =	stream.indirect.gather @!p5 [hbm4b:s20+s14], $0x1, s5, s14, $0xb8;
	[tilespmem:$0x1AE80] =	vst v63  }
0x183: {  	s8 =	simm.s32 @!p6 $0x2C00;
	s5 =	simm.s32 @!p6 $0x80;
	s7 =	simm.s32 @!p6 $0x100  }
0x184: {  	[tilespmem:s8], [sflag:$0x2] =	stream.indirect.gather @!p6 [hbm4b:s18+s5], $0x40, s7, s5, $0xb8;
	[tilespmem:$0x1AE80] =	vst v63  }
0x185: {  	_ =	swait.ge [sflag:s25], $0x2000  }
0x186: {  	[sflag:s25] =	ssyncset.done $0x0  }
0x187: {  	s7 =	simm.s32 $0x480;
	s8 =	simm.s32 $0x8C00;
	[sflag:s25] =	ssyncadd.s32 $0xFFFFE000  }
0x188: {  	[spmem:s2] =	stream.indirect.scatter.add.f32 [tilespmem:s8], [sflag:$0x19], $0x40, s7, s6, $0xb8;
	[tilespmem:$0x1AE80] =	vst v63  }
0x189: {  	_ =	swait.ge [sflag:s3], $0x2000  }
0x18a: {  	[sflag:s3] =	ssyncset.done $0x0  }
0x18b: {  	s7 =	simm.s32 @!p0 $0x15;
	[sflag:s3] =	ssyncadd.s32 $0xFFFFE000  }
0x18c: {  	_ =	swait.ge @!p0 [sflag:s7], $0x80  }
0x18d: {  	[sflag:s7] =	ssyncset.done @!p0 $0x0  }
0x18e: {  	s8 =	simm.s32 @!p0 $0xA00;
	[sflag:s7] =	ssyncadd.s32 @!p0 $0xFFFFFF80;
	s7 =	simm.s32 @!p0 $0x400  }
0x18f: {  	[spmem:s15] =	stream.indirect.scatter.add.f32 @!p0 [tilespmem:s8], [sflag:$0x19], $0x1, s7, s26, $0xb8;
	[tilespmem:$0x1AE80] =	vst v63  }
0x190: {  	_ =	swait.ge @!p0 [sflag:s0], $0x80  }
0x191: {  	[sflag:s0] =	ssyncset.done @!p0 $0x0  }
0x192: {  	s7 =	sadd.s32 @!p2 $0x180, s28;
	s8 =	simm.s32 @!p2 $0x400;
	[sflag:s0] =	ssyncadd.s32 @!p0 $0xFFFFFF80  }
0x193: {  	[tilespmem:s8], [sflag:$0xD] =	stream.linear.gather @!p2 [hbm4b:s7+s30], $0x100, $0x38;
	[tilespmem:$0x1AE80] =	vst v63  }
0x194: {  	s7 =	simm.s32 @!p2 $0xB  }
0x195: {  	_ =	swait.ge @!p2 [sflag:s7], $0x100  }
0x196: {  	[sflag:s7] =	ssyncset.done @!p2 $0x0  }
0x197: {  	s8 =	simm.s32 @!p3 $0x4C00;
	[sflag:s7] =	ssyncadd.s32 @!p2 $0xFFFFFF00;
	s7 =	simm.s32 @!p3 $0x200  }
0x198: {  	[tilespmem:s8], [sflag:$0x3] =	stream.indirect.gather @!p3 [hbm4b:s18+s4], $0x40, s7, s4, $0xb8;
	[tilespmem:$0x1AE80] =	vst v63  }
0x199: {  	s7 =	simm.s32 @!p3 $0x280;
	s8 =	simm.s32 @!p3 $0x900  }
0x19a: {  	[tilespmem:s8], [sflag:$0x13] =	stream.indirect.gather @!p3 [hbm4b:s20+s4], $0x1, s7, s4, $0xb8;
	[tilespmem:$0x1AE80] =	vst v63  }
0x19b: {  	s7 =	simm.s32 @!p4 $0x200;
	s8 =	simm.s32 @!p4 $0x4C00  }
0x19c: {  	[tilespmem:s8], [sflag:$0x3] =	stream.indirect.gather @!p4 [hbm4b:s19+s9], $0x40, s7, s9, $0xb8;
	[tilespmem:$0x1AE80] =	vst v63  }
0x19d: {  	_ =	swait.ge [sflag:s29], $0x2000  }
0x19e: {  	[sflag:s29] =	ssyncset.done $0x0  }
0x19f: {  	s7 =	simm.s32 $0x580;
	s8 =	simm.s32 $0xAC00;
	[sflag:s29] =	ssyncadd.s32 $0xFFFFE000  }
0x1a0: {  	[spmem:s2] =	stream.indirect.scatter.add.f32 [tilespmem:s8], [sflag:$0x19], $0x40, s7, s6, $0xb8;
	[tilespmem:$0x1AE80] =	vst v63  }
0x1a1: {  	_ =	swait.ge [sflag:s3], $0x2000  }
0x1a2: {  	[sflag:s3] =	ssyncset.done $0x0  }
0x1a3: {  	s7 =	simm.s32 @!p1 $0x16;
	[sflag:s3] =	ssyncadd.s32 $0xFFFFE000  }
0x1a4: {  	_ =	swait.ge @!p1 [sflag:s7], $0x80  }
0x1a5: {  	[sflag:s7] =	ssyncset.done @!p1 $0x0  }
0x1a6: {  	s8 =	simm.s32 @!p1 $0xA80;
	[sflag:s7] =	ssyncadd.s32 @!p1 $0xFFFFFF80;
	s7 =	simm.s32 @!p1 $0x500  }
0x1a7: {  	[spmem:s15] =	stream.indirect.scatter.add.f32 @!p1 [tilespmem:s8], [sflag:$0x19], $0x1, s7, s12, $0xb8;
	[tilespmem:$0x1AE80] =	vst v63  }
0x1a8: {  	_ =	swait.ge @!p1 [sflag:s31], $0x80  }
0x1a9: {  	[sflag:s31] =	ssyncset.done @!p1 $0x0  }
0x1aa: {  	s7 =	sadd.s32 @!p2 $0x1A0, s28;
	s8 =	simm.s32 @!p2 $0x500;
	[sflag:s31] =	ssyncadd.s32 @!p1 $0xFFFFFF80  }
0x1ab: {  	[tilespmem:s8], [sflag:$0xE] =	stream.linear.gather @!p2 [hbm4b:s7+s30], $0x100, $0x38;
	[tilespmem:$0x1AE80] =	vst v63  }
0x1ac: {  	s7 =	simm.s32 @!p2 $0xC  }
0x1ad: {  	_ =	swait.ge @!p2 [sflag:s7], $0x100  }
0x1ae: {  	[sflag:s7] =	ssyncset.done @!p2 $0x0  }
0x1af: {  	s8 =	simm.s32 @!p5 $0x6C00;
	[sflag:s7] =	ssyncadd.s32 @!p2 $0xFFFFFF00;
	s7 =	simm.s32 @!p5 $0x300  }
0x1b0: {  	[tilespmem:s8], [sflag:$0x4] =	stream.indirect.gather @!p5 [hbm4b:s19+s14], $0x40, s7, s14, $0xb8;
	[tilespmem:$0x1AE80] =	vst v63  }
0x1b1: {  	s7 =	simm.s32 @!p5 $0x380;
	s8 =	simm.s32 @!p5 $0x980  }
0x1b2: {  	[tilespmem:s8], [sflag:$0x14] =	stream.indirect.gather @!p5 [hbm4b:s20+s14], $0x1, s7, s14, $0xb8;
	[tilespmem:$0x1AE80] =	vst v63  }
0x1b3: {  	s7 =	simm.s32 @!p6 $0x300;
	s8 =	simm.s32 @!p6 $0x6C00  }
0x1b4: {  	[tilespmem:s8], [sflag:$0x4] =	stream.indirect.gather @!p6 [hbm4b:s18+s5], $0x40, s7, s5, $0xb8;
	[tilespmem:$0x1AE80] =	vst v63  }
0x1b5: {  	_ =	swait.ge [sflag:s22], $0x2000  }
0x1b6: {  	[sflag:s22] =	ssyncset.done $0x0  }
0x1b7: {  	s14 =	simm.s32 $0xCC00;
	s8 =	simm.s32 $0x680;
	[sflag:s22] =	ssyncadd.s32 $0xFFFFE000  }
0x1b8: {  	[spmem:s2] =	stream.indirect.scatter.add.f32 [tilespmem:s14], [sflag:$0x19], $0x40, s8, s6, $0xb8;
	[tilespmem:$0x1AE80] =	vst v63  }
0x1b9: {  	_ =	swait.ge [sflag:s3], $0x2000  }
0x1ba: {  	[sflag:s3] =	ssyncset.done $0x0  }
0x1bb: {  	s5 =	simm.s32 @!p0 $0x17;
	[sflag:s3] =	ssyncadd.s32 $0xFFFFE000  }
0x1bc: {  	_ =	swait.ge @!p0 [sflag:s5], $0x80  }
0x1bd: {  	[sflag:s5] =	ssyncset.done @!p0 $0x0  }
0x1be: {  	s7 =	simm.s32 @!p0 $0xB00;
	[sflag:s5] =	ssyncadd.s32 @!p0 $0xFFFFFF80;
	s5 =	simm.s32 @!p0 $0x600  }
0x1bf: {  	[spmem:s15] =	stream.indirect.scatter.add.f32 @!p0 [tilespmem:s7], [sflag:$0x19], $0x1, s5, s26, $0xb8;
	[tilespmem:$0x1AE80] =	vst v63  }
0x1c0: {  	_ =	swait.ge @!p0 [sflag:s0], $0x80  }
0x1c1: {  	[sflag:s0] =	ssyncset.done @!p0 $0x0  }
0x1c2: {  	s5 =	simm.s32 @!p2 $0x600;
	[sflag:s0] =	ssyncadd.s32 @!p0 $0xFFFFFF80;
	s0 =	sadd.s32 @!p2 $0x1C0, s28  }
0x1c3: {  	[tilespmem:s5], [sflag:$0xF] =	stream.linear.gather @!p2 [hbm4b:s0+s30], $0x100, $0x38;
	[tilespmem:$0x1AE80] =	vst v63  }
0x1c4: {  	s0 =	simm.s32 @!p2 $0xD  }
0x1c5: {  	_ =	swait.ge @!p2 [sflag:s0], $0x100  }
0x1c6: {  	[sflag:s0] =	ssyncset.done @!p2 $0x0  }
0x1c7: {  	s5 =	simm.s32 @!p3 $0x8C00;
	[sflag:s0] =	ssyncadd.s32 @!p2 $0xFFFFFF00;
	s0 =	simm.s32 @!p3 $0x400  }
0x1c8: {  	[tilespmem:s5], [sflag:$0x5] =	stream.indirect.gather @!p3 [hbm4b:s18+s4], $0x40, s0, s4, $0xb8;
	[tilespmem:$0x1AE80] =	vst v63  }
0x1c9: {  	s0 =	simm.s32 @!p3 $0x480;
	s5 =	simm.s32 @!p3 $0xA00  }
0x1ca: {  	[tilespmem:s5], [sflag:$0x15] =	stream.indirect.gather @!p3 [hbm4b:s20+s4], $0x1, s0, s4, $0xb8;
	[tilespmem:$0x1AE80] =	vst v63  }
0x1cb: {  	s0 =	simm.s32 @!p4 $0x400;
	s4 =	simm.s32 @!p4 $0x8C00  }
0x1cc: {  	[tilespmem:s4], [sflag:$0x5] =	stream.indirect.gather @!p4 [hbm4b:s19+s9], $0x40, s0, s9, $0xb8;
	[tilespmem:$0x1AE80] =	vst v63  }
0x1cd: {  	_ =	swait.ge [sflag:s10], $0x2000  }
0x1ce: {  	[sflag:s10] =	ssyncset.done $0x0  }
0x1cf: {  	s28 =	simm.s32 $0x780;
	s30 =	simm.s32 $0xEC00;
	[sflag:s10] =	ssyncadd.s32 $0xFFFFE000  }
0x1d0: {  	[spmem:s2] =	stream.indirect.scatter.add.f32 [tilespmem:s30], [sflag:$0x19], $0x40, s28, s6, $0xb8;
	[tilespmem:$0x1AE80] =	vst v63  }
0x1d1: {  	_ =	swait.ge [sflag:s3], $0x2000  }
0x1d2: {  	[sflag:s3] =	ssyncset.done $0x0  }
0x1d3: {  	s0 =	simm.s32 @!p1 $0x18;
	[sflag:s3] =	ssyncadd.s32 $0xFFFFE000  }
0x1d4: {  	_ =	swait.ge @!p1 [sflag:s0], $0x80  }
0x1d5: {  	s4 =	simm.s32 @!p1 $0xB80;
	[sflag:s0] =	ssyncset.done @!p1 $0x0  }
.Ltmp3:
0x1d6: {  	[sflag:s0] =	ssyncadd.s32 @!p1 $0xFFFFFF80;
	s0 =	simm.s32 @!p1 $0x700;
	(pc) =	sbr.rel @p2 .LBB2_6-.Ltmp3, $4  }
0x1d7: {  	[spmem:s15] =	stream.indirect.scatter.add.f32 @!p1 [tilespmem:s4], [sflag:$0x19], $0x1, s0, s12, $0xb8;
	[tilespmem:$0x1AE80] =	vst v63  }
0x1d8: {  	_ =	swait.ge @!p1 [sflag:s31], $0x80  }
0x1d9: {  	[sflag:s31] =	ssyncset.done @!p1 $0x0  }
0x1da: {  	[sflag:s31] =	ssyncadd.s32 @!p1 $0xFFFFFF80  }
0x1db: {  	s0 =	sadd.s32 s16, s17  }
0x1dc: {  	s4 =	simm.s32 $0x0;
	s5 =	simm.s32 $0x700;
	s0 =	sadd.s32 $0x1E0, s0  }
0x1dd: {  	[tilespmem:s5], [sflag:$0x10] =	stream.linear.gather [hbm4b:s0+s4], $0x100, $0x38;
	[tilespmem:$0x1AE80] =	vst v63  }
0x1de: {  	_ =	swait.ge [sflag:s23], $0x100  }
0x1df: {  	s0 =	simm.s32 @p0 $0x80;
	[sflag:s23] =	ssyncset.done $0x0  }
0x1e0: {  	s4 =	simm.s32 @p0 $0x500;
	s5 =	simm.s32 @p0 $0xAC00;
	[sflag:s23] =	ssyncadd.s32 $0xFFFFFF00  }
0x1e1: {  	[tilespmem:s5], [sflag:$0x6] =	stream.indirect.gather @p0 [hbm4b:s19+s0], $0x40, s4, s0, $0xb8;
	[tilespmem:$0x1AE80] =	vst v63  }
.Ltmp4:
0x1e2: {  	s4 =	simm.s32 @p0 $0x580;
	s5 =	simm.s32 @p0 $0xA80;
	(pc) =	sbr.rel .LBB2_4-.Ltmp4, $4  }
0x1e3: {  	[tilespmem:s5], [sflag:$0x16] =	stream.indirect.gather @p0 [hbm4b:s20+s0], $0x1, s4, s0, $0xb8;
	[tilespmem:$0x1AE80] =	vst v63  }
0x1e4: {  	s7 =	simm.s32 @!p0 $0xAC00;
	s0 =	sadd.s32 @p0 $0x100, s16;
	s16 =	sadd.s32 @!p0 $0x100, s16  }
0x1e5: {  	s4 =	simm.s32 @!p0 $0x80;
	s5 =	simm.s32 @!p0 $0x500;
	s16 =	smov.u32 @p0 s0  }
0x1e6: {  	[tilespmem:s7], [sflag:$0x6] =	stream.indirect.gather @!p0 [hbm4b:s18+s4], $0x40, s5, s4, $0xb8;
	[tilespmem:$0x1AE80] =	vst v63  }
.LBB2_7:
0x1e7: {  	_ =	sfence.sel $0x180000  }
0x1e8: {  	[bflag:$0x0] =	sbarrier.arrive $0xFFFF  }
0x1e9: {  	_ =	strace $0x9000004A  }
0x1ea: {  	s0 =	stileid.u32;
	[bflag:$0x2] =	sbarrier.arrive $0xFFFF  }
0x1eb: {  	p0 =	sne.s32 s0, $0x0;
	s0 =	rddreg [dreg:$0x3]  }
0x1ec: {  	s0 =	sadd.s32 @!p0 $0x100000, s0  }
0x1ed: {  	[sflag:s0] =	ssyncadd.tile.s32 @!p0 $0x1;
	_ =	shalt  }
.Lfunc_end2:
_tile_overlayer_lowered:
.L_overlay_start_2:
0x1ee: {  	(tag) =	ssettag $0x2  }
0x1ef: {  	s0 =	rddreg [dreg:$0x0];
	s2 =	stileid.u32  }
0x1f0: {  	s1 =	rddreg [dreg:$0x1];
	p0 =	sne.s32 s2, $0x0  }
0x1f1: {  	s3 =	rddreg [dreg:$0x2];
	[bflag:$0x3] =	sbarrier.arrive $0xFFFF;
	s2 =	simm.s32 @!p0 $0x1C19  }
0x1f2: {  	[timem:s3], [sflag:s2] =	dma.local @!p0 [hbm:s0], s1  }
0x1f3: {  	s0 =	simm.s32 @!p0 $0x19  }
0x1f4: {  	_ =	swait.ge @!p0 [sflag:s0], s1  }
0x1f5: {  	s1 =	ssub.s32 @!p0 $0x0, s1;
	[sflag:s0] =	ssyncset.done @!p0 $0x0  }
0x1f6: {  	[sflag:s0] =	ssyncadd.s32 @!p0 s1  }
0x1f7: {  	[bflag:$0x3] =	sbarrier.arrive $0xFFFF  }
0x1f8: {  	_ =	shalt  }

// kernel: kernel.7.cloned.1.call-start
scs
__scs_entry_jumppad:
0x0: {  	(pc) =	sbr.rel $0x88, $3  }
0x1: {  	(tag) =	ssettag $0x0;
	lr =	simm.s32 $0x1  }
0x2: {  	[smem:$0x3F97] =	sst lr;
	_ =	strace $0xD0000000  }
0x3: {  	_ = 	snop  }
0x4: {  	_ = 	snop  }
0x5: {  	_ = 	snop  }
0x6: {  	_ = 	snop  }
0x7: {  	_ = 	snop  }
__scs_overlays_trampoline_lowered:
0x8: {  	[smem:$0x3FA6] =	sst s0  }
0x9: {  	[smem:$0x3FA7] =	sst s1  }
0xa: {  	[smem:$0x3FA8] =	sst s2  }
0xb: {  	[smem:$0x3FA9] =	sst s3  }
0xc: {  	[smem:$0x3FAA] =	sst s4  }
0xd: {  	[smem:$0x3FAB] =	sst s5  }
0xe: {  	[smem:$0x3FAC] =	sst s6  }
0xf: {  	[smem:$0x3FAD] =	sst s7  }
0x10: {  	[smem:$0x3FAE] =	sst s8  }
0x11: {  	[smem:$0x3FAF] =	sst s9;
	s0 =	simm.s32 @!p0 $0x0  }
0x12: {  	s1 =	sld [smem:$0x3F95];
	s0 =	simm.s32 @p0 $0x1  }
0x13: {  	[smem:$0x3FB0] =	sst s0;
	s0 =	simm.s32 @!p1 $0x0  }
0x14: {  	s2 =	sld [smem:$0x3F94];
	s0 =	simm.s32 @p1 $0x1  }
0x15: {  	[smem:$0x3FB1] =	sst s0;
	s0 =	simm.s32 @!p2 $0x0  }
0x16: {  	s3 =	sld [smem:$0x3FDB];
	s0 =	simm.s32 @p2 $0x1  }
0x17: {  	s4 =	simm.s32 $0x1BF5;
	[smem:$0x3FB3] =	sst s0  }
0x18: {  	s0 =	sld [smem:$0x3F96];
	_ =	swait.ge [sflag:s4], $0x0  }
0x19: {  	s7 =	sld [smem:$0x3F97]  }
0x1a: {  	s8 =	sadd.s32 $0xFFFFE003, lr  }
0x1b: {  	s9 =	sadd.s32 $0xFFFFFEF7, lr;
	s5 =	simm.s32 $0xFFFFFFFF;
	p2 =	slt.u32 s8, $0xFFFFF086  }
0x1c: {  	p1 =	slt.u32 s9, $0xF7A;
	s5 =	simm.s32 @!p2 $0x0  }
0x1d: {  	s5 =	simm.s32 @p1 $0x1;
	p0 =	seq.s32 s7, s2  }
0x1e: {  	s7 =	smul.u32 @!p0 $0xF7A, s2;
	p2 =	seq.s32 @!p0 s5, $0x0  }
0x1f: {  	s9 =	smul.u32 $0xF7A, s1;
	s8 =	simm.s32 @!p0 $0x1BF5;
	p2 =	por !p2, p0  }
0x20: {  	[sflag:s8] =	ssyncset.s32 @!p0 $0xFFFFF086;
	s6 =	sadd.s32 @!p0 s3, s7;
	s7 =	simm.s32 @!p0 $0x108  }
0x21: {  	s3 =	sadd.s32 s3, s9;
	s6 =	sadd.s32 @!p0 $0x88, s6;
	s7 =	simm.s32 @p2 $0x1082  }
0x22: {  	[simem:s7], [sflag:s8] =	dma.local @!p0 [hbm:s6], $0xF7A  }
0x23: {  	s9 =	sor.u32 $0xD0000000, s2;
	s6 =	simm.s32 $0x108;
	_ =	swait.ge @!p0 [sflag:s8], $0x0  }
0x24: {  	s3 =	sadd.s32 $0x88, s3;
	s6 =	simm.s32 @!p1 $0x1082;
	[sflag:s4] =	ssyncset.s32 $0xFFFFF086  }
0x25: {  	[simem:s6], [sflag:s4] =	dma.local [hbm:s3], $0xF7A  }
0x26: {  	[smem:$0x3F97] =	sst s1;
	(tag) =	ssettag s2;
	_ =	strace s9  }
0x27: {  	s1 =	sld [smem:$0x3FA7]  }
0x28: {  	s2 =	sld [smem:$0x3FA8]  }
0x29: {  	s4 =	sld [smem:$0x3FAA]  }
0x2a: {  	p0 =	seq.s32 s5, $0x0;
	s5 =	sld [smem:$0x3FAB]  }
0x2b: {  	s6 =	sld [smem:$0x3FAC]  }
0x2c: {  	s7 =	sld [smem:$0x3FAD]  }
0x2d: {  	s3 =	simm.s32 $0x108;
	s8 =	sld [smem:$0x3FAE]  }
0x2e: {  	s3 =	simm.s32 @!p0 $0x1082;
	s9 =	sld [smem:$0x3FAF]  }
0x2f: {  	lr =	sadd.s32 s0, s3;
	s0 =	sld [smem:$0x3FA6]  }
0x30: {  	s3 =	sld [smem:$0x3FA9]  }
0x31: {  	[smem:$0x3FB2] =	sst s10  }
0x32: {  	s10 =	sld [smem:$0x3FB0];
	_ =	sdelay $0x3  }
0x33: {  	p0 =	seq.s32 s10, $0x1;
	s10 =	sld [smem:$0x3FB2];
	_ =	sdelay $0x3  }
0x34: {  	[smem:$0x3FB2] =	sst s10  }
0x35: {  	s10 =	sld [smem:$0x3FB1];
	_ =	sdelay $0x3  }
0x36: {  	p1 =	seq.s32 s10, $0x1;
	s10 =	sld [smem:$0x3FB2];
	_ =	sdelay $0x3  }
0x37: {  	[smem:$0x3FB2] =	sst s10  }
0x38: {  	s10 =	sld [smem:$0x3FB3]  }
0x39: {  	_ = 	snop;
	(pc) =	sbr.ind lr, $3  }
0x3a: {  	_ = 	snop  }
0x3b: {  	_ = 	snop  }
0x3c: {  	p2 =	seq.s32 s10, $0x1;
	s10 =	sld [smem:$0x3FB2]  }
0x3d: {  	_ =	shalt  }
0x3e: {  	_ =	shalt  }
0x3f: {  	_ =	shalt  }
0x40: {  	_ =	shalt  }
0x41: {  	_ =	shalt  }
0x42: {  	_ =	shalt  }
0x43: {  	_ =	shalt  }
0x44: {  	_ =	shalt  }
0x45: {  	_ =	shalt  }
0x46: {  	_ =	shalt  }
0x47: {  	_ =	shalt  }
0x48: {  	_ =	shalt  }
0x49: {  	_ =	shalt  }
0x4a: {  	_ =	shalt  }
0x4b: {  	_ =	shalt  }
0x4c: {  	_ =	shalt  }
0x4d: {  	_ =	shalt  }
0x4e: {  	_ =	shalt  }
0x4f: {  	_ =	shalt  }
0x50: {  	_ =	shalt  }
0x51: {  	_ =	shalt  }
0x52: {  	_ =	shalt  }
0x53: {  	_ =	shalt  }
0x54: {  	_ =	shalt  }
0x55: {  	_ =	shalt  }
0x56: {  	_ =	shalt  }
0x57: {  	_ =	shalt  }
0x58: {  	_ =	shalt  }
0x59: {  	_ =	shalt  }
0x5a: {  	_ =	shalt  }
0x5b: {  	_ =	shalt  }
0x5c: {  	_ =	shalt  }
0x5d: {  	_ =	shalt  }
0x5e: {  	_ =	shalt  }
0x5f: {  	_ =	shalt  }
0x60: {  	_ =	shalt  }
0x61: {  	_ =	shalt  }
0x62: {  	_ =	shalt  }
0x63: {  	_ =	shalt  }
0x64: {  	_ =	shalt  }
0x65: {  	_ =	shalt  }
0x66: {  	_ =	shalt  }
0x67: {  	_ =	shalt  }
0x68: {  	_ =	shalt  }
0x69: {  	_ =	shalt  }
0x6a: {  	_ =	shalt  }
0x6b: {  	_ =	shalt  }
0x6c: {  	_ =	shalt  }
0x6d: {  	_ =	shalt  }
0x6e: {  	_ =	shalt  }
0x6f: {  	_ =	shalt  }
0x70: {  	_ =	shalt  }
0x71: {  	_ =	shalt  }
0x72: {  	_ =	shalt  }
0x73: {  	_ =	shalt  }
0x74: {  	_ =	shalt  }
0x75: {  	_ =	shalt  }
0x76: {  	_ =	shalt  }
0x77: {  	_ =	shalt  }
0x78: {  	_ =	shalt  }
0x79: {  	_ =	shalt  }
0x7a: {  	_ =	shalt  }
0x7b: {  	_ =	shalt  }
0x7c: {  	_ =	shalt  }
0x7d: {  	_ =	shalt  }
0x7e: {  	_ =	shalt  }
0x7f: {  	_ =	shalt  }
0x80: {  	_ =	shalt  }
0x81: {  	_ =	shalt  }
0x82: {  	_ =	shalt  }
0x83: {  	_ =	shalt  }
0x84: {  	_ =	shalt  }
0x85: {  	_ =	shalt  }
0x86: {  	_ =	shalt  }
0x87: {  	_ =	shalt  }
.Lfunc_end0:
.L_simem_size_0:
called_computation_lowered:
.L_overlay_start_0:
0x88: {  	s2 =	sld [smem:$0x3FD9]  }
0x89: {  	s3 =	sld [smem:$0x3FFE];
	_ =	sdelay $0x1  }
0x8a: {  	s1 =	srdreg.scid  }
0x8b: {  	s0 =	sand.u32 $0x1, s1  }
0x8c: {  	s16 =	sshll.u32 s0, $0xA;
	s2 =	sadd.s32 s3, s2  }
0x8d: {  	s2 =	sadd.s32 s2, s16  }
0x8e: {  	[smem:$0x3FBE] =	sst s2  }
0x8f: {  	_ = 	snop  }
0x90: {  	(tm) =	ssettm $0x1  }
0x91: {  	s17 =	sld [smem:$0x3FFB];
	_ =	sdelay $0x3  }
0x92: {  	_ =	strace s17  }
0x93: {  	s2 =	sld [smem:$0x3FFC];
	_ =	sdelay $0x3  }
0x94: {  	_ =	strace s2  }
0x95: {  	s2 =	sld [smem:$0x3FFD];
	_ =	sdelay $0x3  }
0x96: {  	_ =	strace s2  }
0x97: {  	_ =	strace $0x8FFFFFFF  }
0x98: {  	s18 =	sld [smem:$0x3FDB];
	_ =	sdelay $0x1  }
0x99: {  	s19 =	simm.s32 $_scs_section_size  }
0x9a: {  	s4 =	simm.s32 $_size__tile_overlayer_lowered;
	s5 =	simm.s32 $_tile_overlayer_lowered  }
0x9b: {  	s22 =	simm.s32 $0x1BFF;
	s21 =	sshll.u32 s5, $0x1;
	s2 =	sadd.s32 s19, s18  }
0x9c: {  	s6 =	simm.s32 $0x0;
	s20 =	sshll.u32 s4, $0x1;
	s4 =	sadd.s32 s21, s2  }
0x9d: {  	[timem:s6], [sflag:s22] =	dma.local [hbm:s4], s20  }
0x9e: {  	_ =	swait.ge [sflag:s22], s20  }
0x9f: {  	s3 =	ssub.s32 $0x0, s20;
	[sflag:s22] =	ssyncset.done $0x0  }
0xa0: {  	[sflag:s22] =	ssyncadd.s32 s3;
	_ =	sdelay $0x1  }
0xa1: {  	s23 =	simm.s32 $0x1B8B  }
0xa2: {  	_ =	swait.ge [sflag:s23], $0x1  }
0xa3: {  	[sflag:s23] =	ssyncset.done $0x0  }
0xa4: {  	s25 =	simm.s32 $0x1B8E;
	s24 =	sld [smem:$0x3FFE];
	[sflag:s23] =	ssyncadd.s32 $0xFFFFFFFF  }
0xa5: {  	s26 =	simm.s32 $execute0_lowered;
	[smem:$0x3FD2] =	sst s25  }
0xa6: {  	s4 =	sshll.u32 s26, $0x1;
	_ =	strace $0x80000046;
	[dreg:$0x1] =	wrdreg $0xFFFFFFFF  }
0xa7: {  	s28 =	simm.s32 $_size_execute0_lowered;
	s2 =	sadd.s32 s2, s4;
	[dreg:$0x0] =	wrdreg $0x0  }
0xa8: {  	s4 =	sshll.u32 s28, $0x1;
	[dreg:$0x2] =	wrdreg s2  }
0xa9: {  	[dreg:$0x3] =	wrdreg s4  }
0xaa: {  	[dreg:$0x4] =	wrdreg $0xC0  }
0xab: {  	_ =	task [dreg:s6], $0x5FFFF  }
0xac: {  	[dreg:$0x1] =	wrdreg $0xFFFFFFFF  }
0xad: {  	[dreg:$0x0] =	wrdreg $0x60  }
0xae: {  	[dreg:$0x2] =	wrdreg s24  }
0xaf: {  	[dreg:$0x3] =	wrdreg $0x9  }
0xb0: {  	_ =	task.clear_ibuf [dreg:s6], $0x4FFFF;
	_ =	strace $0x90000046  }
0xb1: {  	s29 =	simm.s32 $0x9;
	_ =	strace $0x80000048  }
0xb2: {  	_ =	swait.ge [sflag:s29], $0x1  }
0xb3: {  	[sflag:s29] =	ssyncadd.s32 $0xFFFFFFFF  }
0xb4: {  	_ =	strace $0x90000048  }
0xb5: {  	_ =	sfence  }
0xb6: {  	s30 =	sld [smem:$0x0];
	_ =	sdelay $0x2  }
0xb7: {  	s31 =	sshll.u32 s1, $0xD;
	s1 =	sshrl.u32 s1, $0x2  }
0xb8: {  	s3 =	sand.u32 $0x4000, s31;
	s1 =	sadd.s32 s1, s30  }
0xb9: {  	s0 =	sor.u32 s3, s0;
	s1 =	sshll.u32 s1, $0x11  }
0xba: {  	s0 =	sor.u32 s1, s0  }
0xbb: {  	s0 =	sadd.s32 $0x8F2B, s0  }
0xbc: {  	[sflag:s0] =	ssyncadd.remote.s32 $0x1  }
0xbd: {  	_ =	sfence.sel $0xFFFF  }
0xbe: {  	[dreg:$0x0] =	wrdreg $0xFFFFFFFF;
	(pc) =	sbr.abs _section_cstart, $3  }
0xbf: {  	[dreg:$0x1] =	wrdreg $0xFFFFFFFF  }
0xc0: {  	_ =	task.clear_ibuf [dreg:s6], $0x2FFFF;
	_ =	strace $0x9FFFFFFF  }
0xc1: {  	(tm) =	ssettm $0x7FFFFFFF  }
tec
execute0_lowered:
.L_overlay_start_1:
0x0: {  	(tag) =	ssettag $0x1  }
0x1: {  	s1 =	srdreg.scid;
	s0 =	stileid.u32  }
0x2: {  	s3 =	rddreg [dreg:$0x0];
	s2 =	simm.s32 $0x0;
	s10 =	simm.s32 $0x80  }
0x3: {  	s11 =	simm.s32 $0x400;
	s4 =	sand.u32 $0x1, s1;
	s5 =	smul.u32 $0xA000, s0  }
0x4: {  	s1 =	rddreg [dreg:$0x1];
	s8 =	sshrl.u32 s0, $0x3;
	s7 =	smul.u32 $0x28000, s4  }
0x5: {  	s12 =	simm.s32 $0x0;
	[smem:$0x7FF] =	sst s2;
	s8 =	smul.u32 $0x14000, s8  }
0x6: {  	s9 =	sshll.u32 s0, $0x7;
	s6 =	smul.u32 $0x5000, s4;
	_ =	strace $0x80000047  }
0x7: {  	s30 =	sand.u32 $0x380, s9;
	s4 =	ssub.s32 $0x2, s4;
	s29 =	sadd.s32 s7, s8  }
0x8: {  	s9 =	simm.s32 $0x7800;
	s5 =	sadd.s32 s6, s5;
	s6 =	sor.u32 s30, s29  }
0x9: {  	s31 =	sshrl.u32 s4, $0x1;
	s5 =	sshrl.u32 s5, $0x3;
	s6 =	sshrl.u32 s6, $0x3  }
0xa: {  	s7 =	ssub.s32 s4, s31;
	s5 =	sadd.s32 s5, s3;
	s6 =	sadd.s32 s6, s3  }
0xb: {  	s8 =	simm.s32 $0x5000;
	s3 =	sadd.s32 $0x2800, s5;
	s4 =	sadd.s32 $0x16800, s6  }
0xc: {  	v0 =	vimm.f32 $0.0e+00;
	v1 =	vimm.f32 $1.000000000e+00;
	s5 =	sadd.s32 $0x20800, s6;
	s6 =	smax.u32 s7, $0x1;
	s7 =	simm.s32 $0x1  }
.LBB2_1:
0xd: {  	[tilespmem:s2], [sflag:$0x1] =	stream.linear.gather [hbm4b:s3+s2], $0x5000, $0x38;
	[tilespmem:$0xA000] =	vst v63  }
0xe: {  	_ =	swait.ge [sflag:s7], $0x5000  }
0xf: {  	[sflag:s7] =	ssyncset.done $0x0  }
0x10: {  	s13 =	simm.s32 $0x0;
	[sflag:s7] =	ssyncadd.s32 $0xFFFFB000  }
.LBB2_2:
0x11: {  	p0 =	sne.s32 s13, $0x9FC0  }
.Ltmp0:
0x12: {  	_ = 	snop;
	(pc) =	sbr.rel @p0 .LBB2_2-.Ltmp0, $4  }
0x13: {  	_ = 	snop  }
0x14: {  	s14 =	sshra.s32 s13, $0x2  }
0x15: {  	[tilespmem:s14+$0x5000] =	vst v0  }
0x16: {  	s13 =	sadd.s32 $0x40, s13;
	[tilespmem:s14+$0x7800] =	vst v0  }
0x17: {  	s13 =	simm.s32 $0x0  }
.LBB2_4:
0x18: {  	s14 =	sshra.s32 s13, $0x2  }
0x19: {  	v2 =	vld [tilespmem:s14+$0x0];
	_ =	sdelay $0x7  }
0x1a: {  	[tilespmem:v2+s8+$0x0] =	vst.idx.add.f32.msk $0xffff, v1  }
0x1b: {  	v2 =	vld [tilespmem:s14+$0x80];
	_ =	sdelay $0x7  }
0x1c: {  	[tilespmem:v2+s9+$0x0] =	vst.idx.add.f32.msk $0xffff, v1  }
0x1d: {  	v2 =	vld [tilespmem:s14+$0x10];
	_ =	sdelay $0x7  }
0x1e: {  	[tilespmem:v2+s8+$0x0] =	vst.idx.add.f32.msk $0xffff, v1  }
0x1f: {  	v2 =	vld [tilespmem:s14+$0x90];
	_ =	sdelay $0x7  }
0x20: {  	[tilespmem:v2+s9+$0x0] =	vst.idx.add.f32.msk $0xffff, v1  }
0x21: {  	v2 =	vld [tilespmem:s14+$0x20];
	_ =	sdelay $0x7  }
0x22: {  	[tilespmem:v2+s8+$0x0] =	vst.idx.add.f32.msk $0xffff, v1  }
0x23: {  	v2 =	vld [tilespmem:s14+$0xA0];
	_ =	sdelay $0x7  }
0x24: {  	[tilespmem:v2+s9+$0x0] =	vst.idx.add.f32.msk $0xffff, v1  }
0x25: {  	v2 =	vld [tilespmem:s14+$0x30];
	_ =	sdelay $0x7  }
0x26: {  	[tilespmem:v2+s8+$0x0] =	vst.idx.add.f32.msk $0xffff, v1  }
0x27: {  	v2 =	vld [tilespmem:s14+$0xB0];
	_ =	sdelay $0x7  }
0x28: {  	[tilespmem:v2+s9+$0x0] =	vst.idx.add.f32.msk $0xffff, v1  }
0x29: {  	v2 =	vld [tilespmem:s14+$0x40];
	_ =	sdelay $0x7  }
0x2a: {  	[tilespmem:v2+s8+$0x0] =	vst.idx.add.f32.msk $0xffff, v1  }
0x2b: {  	v2 =	vld [tilespmem:s14+$0xC0];
	_ =	sdelay $0x7  }
0x2c: {  	[tilespmem:v2+s9+$0x0] =	vst.idx.add.f32.msk $0xffff, v1  }
0x2d: {  	v2 =	vld [tilespmem:s14+$0x50];
	_ =	sdelay $0x7  }
0x2e: {  	[tilespmem:v2+s8+$0x0] =	vst.idx.add.f32.msk $0xffff, v1  }
0x2f: {  	v2 =	vld [tilespmem:s14+$0xD0];
	_ =	sdelay $0x7  }
0x30: {  	[tilespmem:v2+s9+$0x0] =	vst.idx.add.f32.msk $0xffff, v1  }
0x31: {  	v2 =	vld [tilespmem:s14+$0x60];
	_ =	sdelay $0x7  }
0x32: {  	[tilespmem:v2+s8+$0x0] =	vst.idx.add.f32.msk $0xffff, v1  }
0x33: {  	v2 =	vld [tilespmem:s14+$0xE0];
	_ =	sdelay $0x7  }
0x34: {  	[tilespmem:v2+s9+$0x0] =	vst.idx.add.f32.msk $0xffff, v1  }
0x35: {  	v2 =	vld [tilespmem:s14+$0x70];
	_ =	sdelay $0x7  }
0x36: {  	[tilespmem:v2+s8+$0x0] =	vst.idx.add.f32.msk $0xffff, v1  }
0x37: {  	v2 =	vld [tilespmem:s14+$0xF0];
	_ =	sdelay $0x2  }
0x38: {  	p0 =	sne.s32 s13, $0x13C00  }
.Ltmp1:
0x39: {  	_ = 	snop;
	(pc) =	sbr.rel @p0 .LBB2_4-.Ltmp1, $2  }
0x3a: {  	_ =	sdelay $0x2  }
0x3b: {  	s13 =	sadd.s32 $0x400, s13;
	[tilespmem:v2+s9+$0x0] =	vst.idx.add.f32.msk $0xffff, v1  }
0x3c: {  	[hbm4b:s4+s10] =	stream.strided.scatter [tilespmem:s8], [sflag:$0x1], $0x2800, s11, s10, $0x38;
	[tilespmem:$0xA000] =	vst v63  }
0x3d: {  	s12 =	sadd.s32 $0x1, s12;
	_ =	swait.ge [sflag:s7], $0x2800  }
0x3e: {  	p0 =	sne.s32 s12, s6;
	[sflag:s7] =	ssyncset.done $0x0  }
.Ltmp2:
0x3f: {  	[sflag:s7] =	ssyncadd.s32 $0xFFFFD800;
	(pc) =	sbr.rel @p0 .LBB2_1-.Ltmp2, $4  }
0x40: {  	[hbm4b:s5+s10] =	stream.strided.scatter [tilespmem:s9], [sflag:$0x1], $0x2800, s11, s10, $0x38;
	[tilespmem:$0xA000] =	vst v63  }
0x41: {  	_ =	swait.ge [sflag:s7], $0x2800  }
0x42: {  	[sflag:s7] =	ssyncset.done $0x0  }
0x43: {  	[sflag:s7] =	ssyncadd.s32 $0xFFFFD800  }
0x44: {  	_ =	sfence.sel $0x180000  }
0x45: {  	[bflag:$0x0] =	sbarrier.arrive $0xFFFF  }
0x46: {  	p0 =	sne.s32 s0, $0x0;
	_ =	strace $0x90000047  }
0x47: {  	s0 =	sadd.s32 @!p0 $0x100000, s1;
	[bflag:$0x2] =	sbarrier.arrive $0xFFFF  }
0x48: {  	[sflag:s0] =	ssyncadd.tile.s32 @!p0 $0x1;
	_ =	shalt  }
.Lfunc_end2:
_tile_overlayer_lowered:
.L_overlay_start_2:
0x49: {  	(tag) =	ssettag $0x2  }
0x4a: {  	s0 =	rddreg [dreg:$0x0];
	s2 =	stileid.u32  }
0x4b: {  	s1 =	rddreg [dreg:$0x1];
	p0 =	sne.s32 s2, $0x0  }
0x4c: {  	s3 =	rddreg [dreg:$0x2];
	[bflag:$0x3] =	sbarrier.arrive $0xFFFF;
	s2 =	simm.s32 @!p0 $0x1C01  }
0x4d: {  	[timem:s3], [sflag:s2] =	dma.local @!p0 [hbm:s0], s1  }
0x4e: {  	s0 =	simm.s32 @!p0 $0x1  }
0x4f: {  	_ =	swait.ge @!p0 [sflag:s0], s1  }
0x50: {  	s1 =	ssub.s32 @!p0 $0x0, s1;
	[sflag:s0] =	ssyncset.done @!p0 $0x0  }
0x51: {  	[sflag:s0] =	ssyncadd.s32 @!p0 s1  }
0x52: {  	[bflag:$0x3] =	sbarrier.arrive $0xFFFF  }
0x53: {  	_ =	shalt  }

</sc_bundles>
